<compile_context>
chip_gen: v7x
topology: tpu7x:2x2x1
jax: 0.10.2.dev20260603
libtpu: 0.0.44.dev20260713+nightly
codegen_flags: <defaults>
</compile_context>

<pallas_src>
import functools

import jax
import jax.numpy as jnp
import numpy as np
from jax.experimental import pallas as pl
from jax.experimental.pallas import tpu as pltpu
from jax.experimental.pallas import tpu_sc as plsc

B, NW, R, WS, E, LAYERS, NE, TOPK = 64, 17, 116, 10, 16, 5, 4, 2
D = NW * WS
N = R * WS
F = N // 2 + 1
FP = 640
NWP = 20
COLS = NWP * 32
HCOLS = NWP * 16
LAMBD = 0.01



def _dot_hi(a, b):
    return jax.lax.dot_general(a, b, (((a.ndim - 1,), (0,)), ((), ())),
                               precision=jax.lax.Precision.HIGHEST,
                               preferred_element_type=jnp.float32)


def _dot_bf(a, b):
    return jax.lax.dot_general(a, b, (((a.ndim - 1,), (0,)), ((), ())),
                               precision=jax.lax.Precision.DEFAULT,
                               preferred_element_type=jnp.float32)


def _np_dft_bases():
    n = np.arange(N)[:, None].astype(np.float64)
    f = np.arange(FP)[None, :].astype(np.float64)
    ang = 2.0 * np.pi * n * f / N
    scale = 1.0 / np.sqrt(N)
    valid = (f < F).astype(np.float64)
    c = np.cos(ang) * scale * valid
    s = -np.sin(ang) * scale * valid
    w = (np.where((f == 0) | (f == F - 1), 1.0, 2.0) * valid)
    cit = np.cos(ang) * scale * w
    sit = -np.sin(ang) * scale * w
    return (np.asarray(c, np.float32), np.asarray(s, np.float32),
            np.asarray(cit, np.float32), np.asarray(sit, np.float32))

_C_FWD, _S_FWD, _CIT, _SIT = _np_dft_bases()


def _np_sel():
    sela = np.zeros((NW, COLS), np.float32)
    selb = np.zeros((NW, COLS), np.float32)
    for w in range(NW):
        for j in range(E):
            sela[w, w * 32 + j] = 1.0
            selb[w, w * 32 + 16 + j] = 1.0
    return sela, selb

_SELA, _SELB = _np_sel()


def _p1_body(x_ref, c_ref, s_ref, fre_ref, fim_ref):
    x = x_ref[...]
    fre_ref[...] = _dot_hi(x, c_ref[...])
    fim_ref[...] = _dot_hi(x, s_ref[...])


def _p1(xw):
    tm = 136
    grid = (NW * B) // tm
    return pl.pallas_call(
        _p1_body,
        grid=(grid,),
        in_specs=[pl.BlockSpec((tm, N), lambda i: (i, 0)),
                  pl.BlockSpec((N, FP), lambda i: (0, 0)),
                  pl.BlockSpec((N, FP), lambda i: (0, 0))],
        out_specs=[pl.BlockSpec((tm, FP), lambda i: (i, 0)),
                   pl.BlockSpec((tm, FP), lambda i: (i, 0))],
        out_shape=[jax.ShapeDtypeStruct((NW * B, FP), jnp.float32),
                   jax.ShapeDtypeStruct((NW * B, FP), jnp.float32)],
    )(xw, _C_FWD, _S_FWD)


def _p2_body(fre_ref, fim_ref, sela_ref, selb_ref, embrow_ref, wbig_ref,
             bbig_ref, wlre_ref, wlim_ref, blre_ref, blim_ref,
             are_ref, aim_ref):
    fre = fre_ref[...]
    fim = fim_ref[...]
    sela = sela_ref[...]
    selb = selb_ref[...]
    embrow = embrow_ref[...]
    bbig = bbig_ref[...]
    for g in range(5):
        c0, c1 = 128 * g, 128 * (g + 1)
        a = (_dot_hi(fre, sela[:, c0:c1]) + _dot_hi(fim, selb[:, c0:c1]))
        a = a * embrow[:, c0:c1]
        for l in range(LAYERS - 1):
            a = jax.nn.relu(_dot_bf(a, wbig_ref[l, g])
                            + bbig[l:l + 1, c0:c1] - LAMBD)
        h0, h1 = 64 * g, 64 * (g + 1)
        are_ref[:, h0:h1] = jax.nn.relu(_dot_bf(a, wlre_ref[g])
                                        + blre_ref[:, h0:h1] - LAMBD)
        aim_ref[:, h0:h1] = jax.nn.relu(_dot_bf(a, wlim_ref[g])
                                        + blim_ref[:, h0:h1] - LAMBD)


def _p2(fre_t, fim_t, embrow, wbig, bbig, wlre, wlim, blre, blim):
    m = B * FP
    tm = 2048
    grid = m // tm
    return pl.pallas_call(
        _p2_body,
        grid=(grid,),
        in_specs=[pl.BlockSpec((tm, NW), lambda i: (i, 0)),
                  pl.BlockSpec((tm, NW), lambda i: (i, 0)),
                  pl.BlockSpec((NW, COLS), lambda i: (0, 0)),
                  pl.BlockSpec((NW, COLS), lambda i: (0, 0)),
                  pl.BlockSpec((1, COLS), lambda i: (0, 0)),
                  pl.BlockSpec((LAYERS - 1, 5, 128, 128),
                               lambda i: (0, 0, 0, 0)),
                  pl.BlockSpec((LAYERS - 1, COLS), lambda i: (0, 0)),
                  pl.BlockSpec((5, 128, 64), lambda i: (0, 0, 0)),
                  pl.BlockSpec((5, 128, 64), lambda i: (0, 0, 0)),
                  pl.BlockSpec((1, HCOLS), lambda i: (0, 0)),
                  pl.BlockSpec((1, HCOLS), lambda i: (0, 0))],
        out_specs=[pl.BlockSpec((tm, HCOLS), lambda i: (i, 0)),
                   pl.BlockSpec((tm, HCOLS), lambda i: (i, 0))],
        out_shape=[jax.ShapeDtypeStruct((m, HCOLS), jnp.float32),
                   jax.ShapeDtypeStruct((m, HCOLS), jnp.float32)],
    )(fre_t, fim_t, _SELA, _SELB, embrow, wbig, bbig, wlre, wlim, blre, blim)


NH = F
KP = 584


def _p3_body(are_ref, aim_ref, cut_ref, svt_ref, q_ref, top_ref, bot_ref):
    u = _dot_hi(cut_ref[...], are_ref[0][:KP, :])
    v = _dot_hi(svt_ref[...], aim_ref[0][:KP, :])
    q = q_ref[...]
    top_ref[0] = _dot_bf(u + v, q)
    bot_ref[0] = _dot_bf(u - v, q)


def _p3(are3, aim3, q):
    return pl.pallas_call(
        _p3_body,
        grid=(B,),
        in_specs=[pl.BlockSpec((1, FP, HCOLS), lambda b: (b, 0, 0)),
                  pl.BlockSpec((1, FP, HCOLS), lambda b: (b, 0, 0)),
                  pl.BlockSpec((NH, KP), lambda b: (0, 0)),
                  pl.BlockSpec((NH, KP), lambda b: (0, 0)),
                  pl.BlockSpec((HCOLS, 32), lambda b: (0, 0))],
        out_specs=[pl.BlockSpec((1, NH, 32), lambda b: (b, 0, 0)),
                   pl.BlockSpec((1, NH, 32), lambda b: (b, 0, 0))],
        out_shape=[jax.ShapeDtypeStruct((B, NH, 32), jnp.float32),
                   jax.ShapeDtypeStruct((B, NH, 32), jnp.float32)],
    )(are3, aim3, _CIT[:NH, :KP], _SIT[:NH, :KP], q)


def _p4a_body(tok_ref, v_ref, lng_ref, lnb_ref, rw_ref, rb_ref, lg_ref):
    tokb = tok_ref[...] * v_ref[...]
    mu = jnp.mean(tokb, axis=-1, keepdims=True)
    var = jnp.mean((tokb - mu) ** 2, axis=-1, keepdims=True)
    tn = (tokb - mu) / jnp.sqrt(var + 1e-5) * lng_ref[...] + lnb_ref[...]
    lg_ref[...] = _dot_bf(tn, rw_ref[...]) + rb_ref[...]


def _p4a(tok2, v170, lng, lnb, rw, rb):
    return pl.pallas_call(
        _p4a_body,
        grid=(1,),
        in_specs=[pl.BlockSpec((B * R, D), lambda i: (0, 0)),
                  pl.BlockSpec((1, D), lambda i: (0, 0)),
                  pl.BlockSpec((1, D), lambda i: (0, 0)),
                  pl.BlockSpec((1, D), lambda i: (0, 0)),
                  pl.BlockSpec((D, NE), lambda i: (0, 0)),
                  pl.BlockSpec((1, NE), lambda i: (0, 0))],
        out_specs=pl.BlockSpec((B * R, NE), lambda i: (0, 0)),
        out_shape=jax.ShapeDtypeStruct((B * R, NE), jnp.float32),
    )(tok2, v170, lng, lnb, rw, rb)


NTOKP = 7680
TPW = NTOKP // 32


def _sc_gate_body(lg_hbm, gw_hbm, l0, l1, l2, l3, g0, g1, g2, g3):
    wid = jax.lax.axis_index("s") * 2 + jax.lax.axis_index("c")
    base = wid * TPW
    lrefs = (l0, l1, l2, l3)
    grefs = (g0, g1, g2, g3)
    for e in range(NE):
        pltpu.sync_copy(lg_hbm.at[pl.ds(e * NTOKP + base, TPW)], lrefs[e])
    for ch in range(TPW // 16):
        l = [lrefs[e][pl.ds(ch * 16, 16)] for e in range(NE)]
        m = jnp.maximum(jnp.maximum(l[0], l[1]), jnp.maximum(l[2], l[3]))
        ge = []
        one = jnp.full((16,), 1.0, jnp.float32)
        zero = jnp.full((16,), 0.0, jnp.float32)
        for e in range(NE):
            rank = zero
            for j in range(NE):
                if j == e:
                    continue
                if j < e:
                    gt = l[j] >= l[e]
                else:
                    gt = l[j] > l[e]
                rank = rank + jnp.where(gt, one, zero)
            sel = jnp.where(rank < 2.0, one, zero)
            ge.append(sel * jnp.exp(l[e] - m))
        den = ge[0] + ge[1] + ge[2] + ge[3]
        for e in range(NE):
            grefs[e][pl.ds(ch * 16, 16)] = ge[e] / den
    for e in range(NE):
        pltpu.sync_copy(grefs[e], gw_hbm.at[pl.ds(e * NTOKP + base, TPW)])


def _sc_gate(lgt):
    run = functools.partial(
        pl.kernel,
        mesh=plsc.VectorSubcoreMesh(core_axis_name="c", subcore_axis_name="s"),
        out_type=jax.ShapeDtypeStruct((NE * NTOKP,), jnp.float32),
        scratch_types=[pltpu.VMEM((TPW,), jnp.float32) for _ in range(8)],
    )(_sc_gate_body)
    return run(lgt.reshape(NE * NTOKP)).reshape(NE, NTOKP)


def _p4b_body(tok_ref, adj_ref, v_ref, wall_ref, gw_ref, out_ref):
    tokb = tok_ref[0] * v_ref[...]
    gw = gw_ref[0]
    s_all = _dot_bf(tokb, wall_ref[...])
    z = jax.nn.relu(_dot_bf(adj_ref[0], s_all))
    moe = jnp.zeros_like(tokb)
    for e in range(NE):
        moe = moe + gw[:, e:e + 1] * z[:, e * D:(e + 1) * D]
    out_ref[0] = tokb + moe


def _p4b(tok_u, adjs, v170, wall, gwf):
    return pl.pallas_call(
        _p4b_body,
        grid=(B,),
        in_specs=[pl.BlockSpec((1, R, D), lambda b: (b, 0, 0)),
                  pl.BlockSpec((1, R, R), lambda b: (b, 0, 0)),
                  pl.BlockSpec((1, D), lambda b: (0, 0)),
                  pl.BlockSpec((D, NE * D), lambda b: (0, 0)),
                  pl.BlockSpec((1, R, NE), lambda b: (b, 0, 0))],
        out_specs=pl.BlockSpec((1, R, D), lambda b: (b, 0, 0)),
        out_shape=jax.ShapeDtypeStruct((B, R, D), jnp.float32),
    )(tok_u, adjs, v170, wall, gwf)


_INV_BN = np.float32(1.0) / np.sqrt(np.float32(1.0 + 1e-5))


def _p5_body(h_ref, w_ref, b_ref, o_ref):
    o_ref[...] = jax.nn.relu(_dot_bf(h_ref[...], w_ref[...])
                             + b_ref[...]) * _INV_BN


def _p5(h, l1_w, l1_b):
    tn = 128
    return pl.pallas_call(
        _p5_body,
        grid=(512 // tn,),
        in_specs=[pl.BlockSpec((B, R * D), lambda n: (0, 0)),
                  pl.BlockSpec((R * D, tn), lambda n: (0, n)),
                  pl.BlockSpec((1, tn), lambda n: (0, n))],
        out_specs=pl.BlockSpec((B, tn), lambda n: (0, n)),
        out_shape=jax.ShapeDtypeStruct((B, 512), jnp.float32),
    )(h, l1_w, l1_b)


def _p6_body(h_ref, w2_ref, b2_ref, w3_ref, b3_ref, w4_ref, b4_ref, o_ref):
    h = h_ref[...]
    h = jax.nn.relu(_dot_bf(h, w2_ref[...]) + b2_ref[...]) * _INV_BN
    h = jax.nn.relu(_dot_bf(h, w3_ref[...]) + b3_ref[...]) * _INV_BN
    o_ref[...] = _dot_bf(h, w4_ref[...]) + b4_ref[...]


def _p6(h1, l2_w, l2_b, l3_w, l3_b, l4_w, l4_b):
    return pl.pallas_call(
        _p6_body,
        grid=(1,),
        in_specs=[pl.BlockSpec((B, 512), lambda i: (0, 0)),
                  pl.BlockSpec((512, 256), lambda i: (0, 0)),
                  pl.BlockSpec((1, 256), lambda i: (0, 0)),
                  pl.BlockSpec((256, 128), lambda i: (0, 0)),
                  pl.BlockSpec((1, 128), lambda i: (0, 0)),
                  pl.BlockSpec((128, 2), lambda i: (0, 0)),
                  pl.BlockSpec((1, 2), lambda i: (0, 0))],
        out_specs=pl.BlockSpec((B, 2), lambda i: (0, 0)),
        out_shape=jax.ShapeDtypeStruct((B, 2), jnp.float32),
    )(h1, l2_w, l2_b, l3_w, l3_b, l4_w, l4_b)


def kernel(win_seq, win_pcc, global_adjs, patch_adjs, embeddings, fgc_w, fgc_b,
           w_t, w_c, ln_gamma, ln_beta, router_w, router_b, expert_w,
           l1_w, l1_b, l2_w, l2_b, l3_w, l3_b, l4_w, l4_b):
    emb = embeddings[0]

    embrow = jnp.tile(jnp.concatenate([emb, emb]), NWP).reshape(1, COLS)

    wr = fgc_w[:, :LAYERS - 1, 0]
    wi = fgc_w[:, :LAYERS - 1, 1]
    blk = jnp.concatenate(
        [jnp.concatenate([wr, wi], axis=3),
         jnp.concatenate([-wi, wr], axis=3)], axis=2)
    blk = jnp.pad(blk, ((0, NWP - NW), (0, 0), (0, 0), (0, 0)))
    blk = blk.transpose(1, 0, 2, 3).reshape(LAYERS - 1, 5, 4, 32, 32)
    eye4 = jnp.eye(4, dtype=jnp.float32)
    wbig = (eye4[None, None, :, None, :, None] *
            blk[:, :, :, :, None, :]).reshape(LAYERS - 1, 5, 128, 128)
    bbig = jnp.pad(
        fgc_b[:, :LAYERS - 1].transpose(1, 0, 2, 3).reshape(LAYERS - 1,
                                                            NW * 32),
        ((0, 0), (0, COLS - NW * 32)))

    wr5 = fgc_w[:, LAYERS - 1, 0]
    wi5 = fgc_w[:, LAYERS - 1, 1]
    blk_re = jnp.pad(jnp.concatenate([wr5, -wi5], axis=1),
                     ((0, NWP - NW), (0, 0), (0, 0)))
    blk_im = jnp.pad(jnp.concatenate([wi5, wr5], axis=1),
                     ((0, NWP - NW), (0, 0), (0, 0)))
    wlre = (eye4[None, :, None, :, None] *
            blk_re.reshape(5, 4, 32, 16)[:, :, :, None, :]).reshape(5, 128, 64)
    wlim = (eye4[None, :, None, :, None] *
            blk_im.reshape(5, 4, 32, 16)[:, :, :, None, :]).reshape(5, 128, 64)
    blre = jnp.pad(fgc_b[:, LAYERS - 1, 0].reshape(1, NW * E),
                   ((0, 0), (0, HCOLS - NW * E)))
    blim = jnp.pad(fgc_b[:, LAYERS - 1, 1].reshape(1, NW * E),
                   ((0, 0), (0, HCOLS - NW * E)))

    wcs = jax.nn.softmax(w_c, axis=-1)
    eye_w = jnp.eye(32, dtype=jnp.float32)[:NW]
    q = jnp.pad((wcs[:, :, None] * eye_w[:, None, :]).reshape(NW * E, 32),
                ((0, HCOLS - NW * E), (0, 0)))

    wts = jax.nn.softmax(w_t, axis=-1)
    v170 = wts.reshape(1, D)
    wall = expert_w.transpose(1, 0, 2).reshape(D, NE * D)

    xw = win_seq.transpose(1, 0, 2, 3).reshape(NW * B, N)
    fre, fim = _p1(xw)
    fre_t = fre.reshape(NW, B, FP).transpose(1, 2, 0).reshape(B * FP, NW)
    fim_t = fim.reshape(NW, B, FP).transpose(1, 2, 0).reshape(B * FP, NW)

    a5re, a5im = _p2(fre_t, fim_t, embrow, wbig, bbig, wlre, wlim, blre, blim)
    are3 = a5re.reshape(B, FP, HCOLS)
    aim3 = a5im.reshape(B, FP, HCOLS)

    top, bot = _p3(are3, aim3, q)
    tokpre = jnp.concatenate([top, bot[:, 579:0:-1, :]], axis=1)
    tok_u = tokpre[:, :, :NW].reshape(B, R, WS, NW).transpose(0, 1, 3, 2)
    tok_u = tok_u.reshape(B, R, D)

    lg = _p4a(tok_u.reshape(B * R, D), v170, ln_gamma.reshape(1, D),
              ln_beta.reshape(1, D), router_w, router_b.reshape(1, NE))
    lgt = jnp.pad(lg.T, ((0, 0), (0, NTOKP - B * R)))
    gw = _sc_gate(lgt)
    gwf = gw[:, :B * R].T.reshape(B, R, NE)
    h3 = _p4b(tok_u, global_adjs, v170, wall, gwf)
    h = h3.reshape(B, R * D)

    h1 = _p5(h, l1_w, l1_b.reshape(1, 512))
    return _p6(h1, l2_w, l2_b.reshape(1, 256), l3_w, l3_b.reshape(1, 128),
               l4_w, l4_b.reshape(1, 2))

# --- scband reference (transcript-rebuilt; emitter-appended) ---
"""Pipeline reference for scband-ftdsm-54331336295084 (READ-ONLY COPY).

The authoritative reference and input builder live on the scoring server;
editing this copy changes nothing except your own understanding.
"""

import jax, jax.numpy as jnp
import numpy as np

B, NW, R, WS, E, LAYERS, NE, TOPK = 64, 17, 116, 10, 16, 5, 4, 2
D = NW * WS  # 170 = expert_dim
LAMBD = 0.01


def softshrink(x, lambd):
    return jnp.where(x > lambd, x - lambd, jnp.where(x < -lambd, x + lambd, 0.0))


def setup_inputs(seed: int = 0):
    key = jax.random.key(seed)
    ks = jax.random.split(key, 20)
    inp = {}
    inp['win_seq'] = jax.random.normal(ks[0], (B, NW, R, WS), dtype=jnp.float32)
    inp['win_pcc'] = jax.random.normal(ks[1], (B, NW, R, R), dtype=jnp.float32)
    inp['global_adjs'] = jax.random.uniform(ks[2], (B, R, R), dtype=jnp.float32)
    inp['patch_adjs'] = jax.random.uniform(ks[3], (B, NW, R, R), dtype=jnp.float32)
    inp['embeddings'] = jax.random.normal(ks[4], (1, E), dtype=jnp.float32)
    inp['fgc_w'] = 0.02 * jax.random.normal(ks[5], (NW, LAYERS, 2, E, E), dtype=jnp.float32)
    inp['fgc_b'] = 0.02 * jax.random.normal(ks[6], (NW, LAYERS, 2, E), dtype=jnp.float32)
    inp['w_t'] = 0.01 * jax.random.normal(ks[7], (NW, WS), dtype=jnp.float32)
    inp['w_c'] = 0.01 * jax.random.normal(ks[8], (NW, E), dtype=jnp.float32)
    inp['ln_gamma'] = jnp.ones((D,), jnp.float32)
    inp['ln_beta'] = jnp.zeros((D,), jnp.float32)
    inp['router_w'] = 0.05 * jax.random.normal(ks[9], (D, NE), dtype=jnp.float32)
    inp['router_b'] = jnp.zeros((NE,), jnp.float32)
    sd = float(1.0 / np.sqrt(2.0 * D))
    inp['expert_w'] = sd * jax.random.normal(ks[10], (NE, D, D), dtype=jnp.float32)
    inp['l1_w'] = 0.01 * jax.random.normal(ks[11], (R * D, 512), dtype=jnp.float32)
    inp['l1_b'] = jnp.zeros((512,), jnp.float32)
    inp['l2_w'] = 0.04 * jax.random.normal(ks[12], (512, 256), dtype=jnp.float32)
    inp['l2_b'] = jnp.zeros((256,), jnp.float32)
    inp['l3_w'] = 0.06 * jax.random.normal(ks[13], (256, 128), dtype=jnp.float32)
    inp['l3_b'] = jnp.zeros((128,), jnp.float32)
    inp['l4_w'] = 0.09 * jax.random.normal(ks[14], (128, 2), dtype=jnp.float32)
    inp['l4_b'] = jnp.zeros((2,), jnp.float32)
    return inp


def reference(win_seq, win_pcc, global_adjs, patch_adjs, embeddings, fgc_w, fgc_b, w_t, w_c, ln_gamma, ln_beta, router_w, router_b, expert_w, l1_w, l1_b, l2_w, l2_b, l3_w, l3_b, l4_w, l4_b):
    L = R * WS  # 1160
    # tokenEmb
    x = win_seq.reshape(B, NW, L)
    x = x[..., None] * embeddings[0]  # (B, NW, L, E)
    # per-window fourierGC
    f_outs = []
    for i in range(NW):
        t = jnp.fft.rfft(x[:, i], axis=1, norm='ortho')  # (B, L//2+1, E) complex
        for l in range(LAYERS):
            wr, wi = fgc_w[i, l, 0], fgc_w[i, l, 1]
            br, bi = fgc_b[i, l, 0], fgc_b[i, l, 1]
            o_r = jax.nn.relu(jnp.real(t) @ wr - jnp.imag(t) @ wi + br)
            o_i = jax.nn.relu(jnp.imag(t) @ wr + jnp.real(t) @ wi + bi)
            o_r = softshrink(o_r, LAMBD)
            o_i = softshrink(o_i, LAMBD)
            t = o_r + 1j * o_i
        f_outs.append(jnp.fft.irfft(t, n=L, axis=1, norm='ortho'))
    x = jnp.stack(f_outs, axis=1).reshape(B, NW, R, WS, E)
    # per-window temporal/channel projection with softmaxed w_t / w_c
    pros = []
    for i in range(NW):
        wt = jax.nn.softmax(w_t[i])
        wc = jax.nn.softmax(w_c[i])
        pros.append(jnp.einsum('brwe,e->brw', x[:, i], wc) * wt)
    tok = jnp.concatenate(pros, axis=-1)  # (B, R, D=170) ROI tokens
    # MoE router: LayerNorm + linear, top-k softmax gating
    mu = tok.mean(-1, keepdims=True)
    var = tok.var(-1, keepdims=True)
    tn = (tok - mu) / jnp.sqrt(var + 1e-5) * ln_gamma + ln_beta
    logits = tn @ router_w + router_b  # (B, R, NE)
    topv, topi = jax.lax.top_k(logits, TOPK)
    gates = jax.nn.softmax(topv, axis=-1)  # (B, R, TOPK)
    # GCN experts: relu(adj @ (x @ W_e))
    eouts = []
    for e in range(NE):
        s = tok @ expert_w[e]
        eouts.append(jax.nn.relu(jnp.einsum('bij,bjd->bid', global_adjs, s)))
    eouts = jnp.stack(eouts, axis=2)  # (B, R, NE, D)
    sel = jnp.take_along_axis(eouts, topi[..., None], axis=2)  # (B, R, TOPK, D)
    moe = (sel * gates[..., None]).sum(axis=2)
    h = (tok + moe).reshape(B, R * D)  # (B, 19720)
    # classifier head (eval-mode: dropout identity, BN with init running stats)
    inv = 1.0 / jnp.sqrt(1.0 + 1e-5)
    h = jax.nn.relu(h @ l1_w + l1_b) * inv
    h = jax.nn.relu(h @ l2_w + l2_b) * inv
    h = jax.nn.relu(h @ l3_w + l3_b) * inv
    return h @ l4_w + l4_b  # (B, 2)

if __name__ == "__main__":
    import jax
    _d = setup_inputs()
    print(jax.jit(kernel)(*tuple(_d.values())))

</pallas_src>

<mosaic_0001>
#map = affine_map<(d0, d1) -> (0)>
module attributes {stable_mosaic.version = 14 : i64} {
  func.func @_sc_gate_body(%arg0: i32, %arg1: i32, %arg2: memref<30720xf32, #tpu.memory_space<hbm>>, %arg3: memref<30720xf32, #tpu.memory_space<hbm>>, %arg4: memref<240xf32, #tpu.memory_space<vmem>>, %arg5: memref<240xf32, #tpu.memory_space<vmem>>, %arg6: memref<240xf32, #tpu.memory_space<vmem>>, %arg7: memref<240xf32, #tpu.memory_space<vmem>>, %arg8: memref<240xf32, #tpu.memory_space<vmem>>, %arg9: memref<240xf32, #tpu.memory_space<vmem>>, %arg10: memref<240xf32, #tpu.memory_space<vmem>>, %arg11: memref<240xf32, #tpu.memory_space<vmem>>) attributes {dimension_semantics = [#tpu.dimension_semantics<core_parallel>, #tpu.dimension_semantics<subcore_parallel>], iteration_bounds = array<i64: 2, 16>, scalar_prefetch = 0 : i64, scratch_operands = 8 : i64, tpu.core_type = #tpu.core_type<sc_vector_subcore>, window_params = [{transform_indices = #map}, {transform_indices = #map}]} {
    %mul3A = arith.constant 2 : i32
    %mul3A_0 = arith.muli %arg1, %mul3A : i32
    %add3A = arith.addi %mul3A_0, %arg0 : i32
    %mul3A_1 = arith.constant 240 : i32
    %mul3A_2 = arith.muli %add3A, %mul3A_1 : i32
    %add3A_3 = arith.constant 0 : i32
    %add3A_4 = arith.addi %add3A_3, %mul3A_2 : i32
    "tpu.region"() ({
      %run_scoped3A = tpu.sem_alloc : memref<!tpu.dma_semaphore, #tpu.memory_space<semaphore_mem>>
      %dma_start3A = tpu.memref_slice %arg2[%add3A_4] : memref<30720xf32, #tpu.memory_space<hbm>> -> memref<240xf32, #tpu.memory_space<hbm>>
      %dma_start3A_1598 = tpu.memref_slice %arg2[%add3A_4] : memref<30720xf32, #tpu.memory_space<hbm>> -> memref<240xf32, #tpu.memory_space<hbm>>
      tpu.enqueue_dma source(%dma_start3A_1598 : memref<240xf32, #tpu.memory_space<hbm>>) target(%arg4 : memref<240xf32, #tpu.memory_space<vmem>>) target_semaphore(%run_scoped3A : memref<!tpu.dma_semaphore, #tpu.memory_space<semaphore_mem>>)
      %dma_wait3A = tpu.memref_slice %arg2[%add3A_4] : memref<30720xf32, #tpu.memory_space<hbm>> -> memref<240xf32, #tpu.memory_space<hbm>>
      %dma_wait3A_1599 = tpu.memref_slice %arg2[%add3A_4] : memref<30720xf32, #tpu.memory_space<hbm>> -> memref<240xf32, #tpu.memory_space<hbm>>
      tpu.wait_dma2 semaphore(%run_scoped3A : memref<!tpu.dma_semaphore, #tpu.memory_space<semaphore_mem>>) src(%dma_wait3A_1599 : memref<240xf32, #tpu.memory_space<hbm>>) dst(%arg4 : memref<240xf32, #tpu.memory_space<vmem>>)
      tpu.yield
    }) : () -> ()
    %add3A_5 = arith.constant 7680 : i32
    %add3A_6 = arith.addi %add3A_5, %mul3A_2 : i32
    "tpu.region"() ({
      %run_scoped3A = tpu.sem_alloc : memref<!tpu.dma_semaphore, #tpu.memory_space<semaphore_mem>>
      %dma_start3A = tpu.memref_slice %arg2[%add3A_6] : memref<30720xf32, #tpu.memory_space<hbm>> -> memref<240xf32, #tpu.memory_space<hbm>>
      %dma_start3A_1598 = tpu.memref_slice %arg2[%add3A_6] : memref<30720xf32, #tpu.memory_space<hbm>> -> memref<240xf32, #tpu.memory_space<hbm>>
      tpu.enqueue_dma source(%dma_start3A_1598 : memref<240xf32, #tpu.memory_space<hbm>>) target(%arg5 : memref<240xf32, #tpu.memory_space<vmem>>) target_semaphore(%run_scoped3A : memref<!tpu.dma_semaphore, #tpu.memory_space<semaphore_mem>>)
      %dma_wait3A = tpu.memref_slice %arg2[%add3A_6] : memref<30720xf32, #tpu.memory_space<hbm>> -> memref<240xf32, #tpu.memory_space<hbm>>
      %dma_wait3A_1599 = tpu.memref_slice %arg2[%add3A_6] : memref<30720xf32, #tpu.memory_space<hbm>> -> memref<240xf32, #tpu.memory_space<hbm>>
      tpu.wait_dma2 semaphore(%run_scoped3A : memref<!tpu.dma_semaphore, #tpu.memory_space<semaphore_mem>>) src(%dma_wait3A_1599 : memref<240xf32, #tpu.memory_space<hbm>>) dst(%arg5 : memref<240xf32, #tpu.memory_space<vmem>>)
      tpu.yield
    }) : () -> ()
    %add3A_7 = arith.constant 15360 : i32
    %add3A_8 = arith.addi %add3A_7, %mul3A_2 : i32
    "tpu.region"() ({
      %run_scoped3A = tpu.sem_alloc : memref<!tpu.dma_semaphore, #tpu.memory_space<semaphore_mem>>
      %dma_start3A = tpu.memref_slice %arg2[%add3A_8] : memref<30720xf32, #tpu.memory_space<hbm>> -> memref<240xf32, #tpu.memory_space<hbm>>
      %dma_start3A_1598 = tpu.memref_slice %arg2[%add3A_8] : memref<30720xf32, #tpu.memory_space<hbm>> -> memref<240xf32, #tpu.memory_space<hbm>>
      tpu.enqueue_dma source(%dma_start3A_1598 : memref<240xf32, #tpu.memory_space<hbm>>) target(%arg6 : memref<240xf32, #tpu.memory_space<vmem>>) target_semaphore(%run_scoped3A : memref<!tpu.dma_semaphore, #tpu.memory_space<semaphore_mem>>)
      %dma_wait3A = tpu.memref_slice %arg2[%add3A_8] : memref<30720xf32, #tpu.memory_space<hbm>> -> memref<240xf32, #tpu.memory_space<hbm>>
      %dma_wait3A_1599 = tpu.memref_slice %arg2[%add3A_8] : memref<30720xf32, #tpu.memory_space<hbm>> -> memref<240xf32, #tpu.memory_space<hbm>>
      tpu.wait_dma2 semaphore(%run_scoped3A : memref<!tpu.dma_semaphore, #tpu.memory_space<semaphore_mem>>) src(%dma_wait3A_1599 : memref<240xf32, #tpu.memory_space<hbm>>) dst(%arg6 : memref<240xf32, #tpu.memory_space<vmem>>)
      tpu.yield
    }) : () -> ()
    %add3A_9 = arith.constant 23040 : i32
    %add3A_10 = arith.addi %add3A_9, %mul3A_2 : i32
    "tpu.region"() ({
      %run_scoped3A = tpu.sem_alloc : memref<!tpu.dma_semaphore, #tpu.memory_space<semaphore_mem>>
      %dma_start3A = tpu.memref_slice %arg2[%add3A_10] : memref<30720xf32, #tpu.memory_space<hbm>> -> memref<240xf32, #tpu.memory_space<hbm>>
      %dma_start3A_1598 = tpu.memref_slice %arg2[%add3A_10] : memref<30720xf32, #tpu.memory_space<hbm>> -> memref<240xf32, #tpu.memory_space<hbm>>
      tpu.enqueue_dma source(%dma_start3A_1598 : memref<240xf32, #tpu.memory_space<hbm>>) target(%arg7 : memref<240xf32, #tpu.memory_space<vmem>>) target_semaphore(%run_scoped3A : memref<!tpu.dma_semaphore, #tpu.memory_space<semaphore_mem>>)
      %dma_wait3A = tpu.memref_slice %arg2[%add3A_10] : memref<30720xf32, #tpu.memory_space<hbm>> -> memref<240xf32, #tpu.memory_space<hbm>>
      %dma_wait3A_1599 = tpu.memref_slice %arg2[%add3A_10] : memref<30720xf32, #tpu.memory_space<hbm>> -> memref<240xf32, #tpu.memory_space<hbm>>
      tpu.wait_dma2 semaphore(%run_scoped3A : memref<!tpu.dma_semaphore, #tpu.memory_space<semaphore_mem>>) src(%dma_wait3A_1599 : memref<240xf32, #tpu.memory_space<hbm>>) dst(%arg7 : memref<240xf32, #tpu.memory_space<vmem>>)
      tpu.yield
    }) : () -> ()
    %get3A = arith.constant 0 : index
    %get3A_11 = tpu.vector_load %arg4[%get3A] {strides = array<i32>} : memref<240xf32, #tpu.memory_space<vmem>>, vector<16xf32>,
    %get3A_12 = vector.shape_cast %get3A_11 : vector<16xf32> to vector<16xf32>
    %get3A_13 = arith.constant 0 : index
    %get3A_14 = tpu.vector_load %arg5[%get3A_13] {strides = array<i32>} : memref<240xf32, #tpu.memory_space<vmem>>, vector<16xf32>,
    %get3A_15 = vector.shape_cast %get3A_14 : vector<16xf32> to vector<16xf32>
    %get3A_16 = arith.constant 0 : index
    %get3A_17 = tpu.vector_load %arg6[%get3A_16] {strides = array<i32>} : memref<240xf32, #tpu.memory_space<vmem>>, vector<16xf32>,
    %get3A_18 = vector.shape_cast %get3A_17 : vector<16xf32> to vector<16xf32>
    %get3A_19 = arith.constant 0 : index
    %get3A_20 = tpu.vector_load %arg7[%get3A_19] {strides = array<i32>} : memref<240xf32, #tpu.memory_space<vmem>>, vector<16xf32>,
    %get3A_21 = vector.shape_cast %get3A_20 : vector<16xf32> to vector<16xf32>
    %max3A = arith.maximumf %get3A_12, %get3A_15 : vector<16xf32>
    %max3A_22 = arith.maximumf %get3A_18, %get3A_21 : vector<16xf32>
    %max3A_23 = arith.maximumf %max3A, %max3A_22 : vector<16xf32>
    %broadcast_in_dim3A = arith.constant 1.000000e+00 : f32
    %broadcast_in_dim3A_24 = vector.broadcast %broadcast_in_dim3A : f32 to vector<16xf32>
    %broadcast_in_dim3A_25 = arith.constant 0.000000e+00 : f32
    %broadcast_in_dim3A_26 = vector.broadcast %broadcast_in_dim3A_25 : f32 to vector<16xf32>
    %gt3A = arith.cmpf ogt, %get3A_15, %get3A_12 : vector<16xf32>
    %select_n3A = arith.select %gt3A, %broadcast_in_dim3A_24, %broadcast_in_dim3A_26 : vector<16xi1>, vector<16xf32>
    %add3A_27 = arith.addf %broadcast_in_dim3A_26, %select_n3A : vector<16xf32>
    %gt3A_28 = arith.cmpf ogt, %get3A_18, %get3A_12 : vector<16xf32>
    %select_n3A_29 = arith.select %gt3A_28, %broadcast_in_dim3A_24, %broadcast_in_dim3A_26 : vector<16xi1>, vector<16xf32>
    %add3A_30 = arith.addf %add3A_27, %select_n3A_29 : vector<16xf32>
    %gt3A_31 = arith.cmpf ogt, %get3A_21, %get3A_12 : vector<16xf32>
    %select_n3A_32 = arith.select %gt3A_31, %broadcast_in_dim3A_24, %broadcast_in_dim3A_26 : vector<16xi1>, vector<16xf32>
    %add3A_33 = arith.addf %add3A_30, %select_n3A_32 : vector<16xf32>
    %lt3A = arith.constant 2.000000e+00 : f32
    %lt3A_34 = vector.broadcast %lt3A : f32 to vector<16xf32>
    %lt3A_35 = arith.cmpf olt, %add3A_33, %lt3A_34 : vector<16xf32>
    %select_n3A_36 = arith.select %lt3A_35, %broadcast_in_dim3A_24, %broadcast_in_dim3A_26 : vector<16xi1>, vector<16xf32>
    %sub3A = arith.subf %get3A_12, %max3A_23 : vector<16xf32>
    %exp3A = math.exp %sub3A : vector<16xf32>
    %mul3A_37 = arith.mulf %select_n3A_36, %exp3A : vector<16xf32>
    %ge3A = arith.cmpf oge, %get3A_12, %get3A_15 : vector<16xf32>
    %select_n3A_38 = arith.select %ge3A, %broadcast_in_dim3A_24, %broadcast_in_dim3A_26 : vector<16xi1>, vector<16xf32>
    %add3A_39 = arith.addf %broadcast_in_dim3A_26, %select_n3A_38 : vector<16xf32>
    %gt3A_40 = arith.cmpf ogt, %get3A_18, %get3A_15 : vector<16xf32>
    %select_n3A_41 = arith.select %gt3A_40, %broadcast_in_dim3A_24, %broadcast_in_dim3A_26 : vector<16xi1>, vector<16xf32>
    %add3A_42 = arith.addf %add3A_39, %select_n3A_41 : vector<16xf32>
    %gt3A_43 = arith.cmpf ogt, %get3A_21, %get3A_15 : vector<16xf32>
    %select_n3A_44 = arith.select %gt3A_43, %broadcast_in_dim3A_24, %broadcast_in_dim3A_26 : vector<16xi1>, vector<16xf32>
    %add3A_45 = arith.addf %add3A_42, %select_n3A_44 : vector<16xf32>
    %lt3A_46 = arith.constant 2.000000e+00 : f32
    %lt3A_47 = vector.broadcast %lt3A_46 : f32 to vector<16xf32>
    %lt3A_48 = arith.cmpf olt, %add3A_45, %lt3A_47 : vector<16xf32>
    %select_n3A_49 = arith.select %lt3A_48, %broadcast_in_dim3A_24, %broadcast_in_dim3A_26 : vector<16xi1>, vector<16xf32>
    %sub3A_50 = arith.subf %get3A_15, %max3A_23 : vector<16xf32>
    %exp3A_51 = math.exp %sub3A_50 : vector<16xf32>
    %mul3A_52 = arith.mulf %select_n3A_49, %exp3A_51 : vector<16xf32>
    %ge3A_53 = arith.cmpf oge, %get3A_12, %get3A_18 : vector<16xf32>
    %select_n3A_54 = arith.select %ge3A_53, %broadcast_in_dim3A_24, %broadcast_in_dim3A_26 : vector<16xi1>, vector<16xf32>
    %add3A_55 = arith.addf %broadcast_in_dim3A_26, %select_n3A_54 : vector<16xf32>
    %ge3A_56 = arith.cmpf oge, %get3A_15, %get3A_18 : vector<16xf32>
    %select_n3A_57 = arith.select %ge3A_56, %broadcast_in_dim3A_24, %broadcast_in_dim3A_26 : vector<16xi1>, vector<16xf32>
    %add3A_58 = arith.addf %add3A_55, %select_n3A_57 : vector<16xf32>
    %gt3A_59 = arith.cmpf ogt, %get3A_21, %get3A_18 : vector<16xf32>
    %select_n3A_60 = arith.select %gt3A_59, %broadcast_in_dim3A_24, %broadcast_in_dim3A_26 : vector<16xi1>, vector<16xf32>
    %add3A_61 = arith.addf %add3A_58, %select_n3A_60 : vector<16xf32>
    %lt3A_62 = arith.constant 2.000000e+00 : f32
    %lt3A_63 = vector.broadcast %lt3A_62 : f32 to vector<16xf32>
    %lt3A_64 = arith.cmpf olt, %add3A_61, %lt3A_63 : vector<16xf32>
    %select_n3A_65 = arith.select %lt3A_64, %broadcast_in_dim3A_24, %broadcast_in_dim3A_26 : vector<16xi1>, vector<16xf32>
    %sub3A_66 = arith.subf %get3A_18, %max3A_23 : vector<16xf32>
    %exp3A_67 = math.exp %sub3A_66 : vector<16xf32>
    %mul3A_68 = arith.mulf %select_n3A_65, %exp3A_67 : vector<16xf32>
    %ge3A_69 = arith.cmpf oge, %get3A_12, %get3A_21 : vector<16xf32>
    %select_n3A_70 = arith.select %ge3A_69, %broadcast_in_dim3A_24, %broadcast_in_dim3A_26 : vector<16xi1>, vector<16xf32>
    %add3A_71 = arith.addf %broadcast_in_dim3A_26, %select_n3A_70 : vector<16xf32>
    %ge3A_72 = arith.cmpf oge, %get3A_15, %get3A_21 : vector<16xf32>
    %select_n3A_73 = arith.select %ge3A_72, %broadcast_in_dim3A_24, %broadcast_in_dim3A_26 : vector<16xi1>, vector<16xf32>
    %add3A_74 = arith.addf %add3A_71, %select_n3A_73 : vector<16xf32>
    %ge3A_75 = arith.cmpf oge, %get3A_18, %get3A_21 : vector<16xf32>
    %select_n3A_76 = arith.select %ge3A_75, %broadcast_in_dim3A_24, %broadcast_in_dim3A_26 : vector<16xi1>, vector<16xf32>
    %add3A_77 = arith.addf %add3A_74, %select_n3A_76 : vector<16xf32>
    %lt3A_78 = arith.constant 2.000000e+00 : f32
    %lt3A_79 = vector.broadcast %lt3A_78 : f32 to vector<16xf32>
    %lt3A_80 = arith.cmpf olt, %add3A_77, %lt3A_79 : vector<16xf32>
    %select_n3A_81 = arith.select %lt3A_80, %broadcast_in_dim3A_24, %broadcast_in_dim3A_26 : vector<16xi1>, vector<16xf32>
    %sub3A_82 = arith.subf %get3A_21, %max3A_23 : vector<16xf32>
    %exp3A_83 = math.exp %sub3A_82 : vector<16xf32>
    %mul3A_84 = arith.mulf %select_n3A_81, %exp3A_83 : vector<16xf32>
    %add3A_85 = arith.addf %mul3A_37, %mul3A_52 : vector<16xf32>
    %add3A_86 = arith.addf %add3A_85, %mul3A_68 : vector<16xf32>
    %add3A_87 = arith.addf %add3A_86, %mul3A_84 : vector<16xf32>
    %div3A = arith.divf %mul3A_37, %add3A_87 : vector<16xf32>
    %swap3A = arith.constant 0 : index
    %swap3A_88 = tpu.vector_load %arg8[%swap3A] {strides = array<i32>} : memref<240xf32, #tpu.memory_space<vmem>>, vector<16xf32>,
    %swap3A_89 = vector.shape_cast %swap3A_88 : vector<16xf32> to vector<16xf32>
    %swap3A_90 = vector.shape_cast %div3A : vector<16xf32> to vector<16xf32>
    tpu.vector_store %arg8[%swap3A], %swap3A_90 {strides = array<i32>} : memref<240xf32, #tpu.memory_space<vmem>>, vector<16xf32>,
    %div3A_91 = arith.divf %mul3A_52, %add3A_87 : vector<16xf32>
    %swap3A_92 = arith.constant 0 : index
    %swap3A_93 = tpu.vector_load %arg9[%swap3A_92] {strides = array<i32>} : memref<240xf32, #tpu.memory_space<vmem>>, vector<16xf32>,
    %swap3A_94 = vector.shape_cast %swap3A_93 : vector<16xf32> to vector<16xf32>
    %swap3A_95 = vector.shape_cast %div3A_91 : vector<16xf32> to vector<16xf32>
    tpu.vector_store %arg9[%swap3A_92], %swap3A_95 {strides = array<i32>} : memref<240xf32, #tpu.memory_space<vmem>>, vector<16xf32>,
    %div3A_96 = arith.divf %mul3A_68, %add3A_87 : vector<16xf32>
    %swap3A_97 = arith.constant 0 : index
    %swap3A_98 = tpu.vector_load %arg10[%swap3A_97] {strides = array<i32>} : memref<240xf32, #tpu.memory_space<vmem>>, vector<16xf32>,
    %swap3A_99 = vector.shape_cast %swap3A_98 : vector<16xf32> to vector<16xf32>
    %swap3A_100 = vector.shape_cast %div3A_96 : vector<16xf32> to vector<16xf32>
    tpu.vector_store %arg10[%swap3A_97], %swap3A_100 {strides = array<i32>} : memref<240xf32, #tpu.memory_space<vmem>>, vector<16xf32>,
    %div3A_101 = arith.divf %mul3A_84, %add3A_87 : vector<16xf32>
    %swap3A_102 = arith.constant 0 : index
    %swap3A_103 = tpu.vector_load %arg11[%swap3A_102] {strides = array<i32>} : memref<240xf32, #tpu.memory_space<vmem>>, vector<16xf32>,
    %swap3A_104 = vector.shape_cast %swap3A_103 : vector<16xf32> to vector<16xf32>
    %swap3A_105 = vector.shape_cast %div3A_101 : vector<16xf32> to vector<16xf32>
    tpu.vector_store %arg11[%swap3A_102], %swap3A_105 {strides = array<i32>} : memref<240xf32, #tpu.memory_space<vmem>>, vector<16xf32>,
    %get3A_106 = arith.constant 16 : index
    %get3A_107 = tpu.vector_load %arg4[%get3A_106] {strides = array<i32>} : memref<240xf32, #tpu.memory_space<vmem>>, vector<16xf32>,
    %get3A_108 = vector.shape_cast %get3A_107 : vector<16xf32> to vector<16xf32>
    %get3A_109 = arith.constant 16 : index
    %get3A_110 = tpu.vector_load %arg5[%get3A_109] {strides = array<i32>} : memref<240xf32, #tpu.memory_space<vmem>>, vector<16xf32>,
    %get3A_111 = vector.shape_cast %get3A_110 : vector<16xf32> to vector<16xf32>
    %get3A_112 = arith.constant 16 : index
    %get3A_113 = tpu.vector_load %arg6[%get3A_112] {strides = array<i32>} : memref<240xf32, #tpu.memory_space<vmem>>, vector<16xf32>,
    %get3A_114 = vector.shape_cast %get3A_113 : vector<16xf32> to vector<16xf32>
    %get3A_115 = arith.constant 16 : index
    %get3A_116 = tpu.vector_load %arg7[%get3A_115] {strides = array<i32>} : memref<240xf32, #tpu.memory_space<vmem>>, vector<16xf32>,
    %get3A_117 = vector.shape_cast %get3A_116 : vector<16xf32> to vector<16xf32>
    %max3A_118 = arith.maximumf %get3A_108, %get3A_111 : vector<16xf32>
    %max3A_119 = arith.maximumf %get3A_114, %get3A_117 : vector<16xf32>
    %max3A_120 = arith.maximumf %max3A_118, %max3A_119 : vector<16xf32>
    %broadcast_in_dim3A_121 = arith.constant 1.000000e+00 : f32
    %broadcast_in_dim3A_122 = vector.broadcast %broadcast_in_dim3A_121 : f32 to vector<16xf32>
    %broadcast_in_dim3A_123 = arith.constant 0.000000e+00 : f32
    %broadcast_in_dim3A_124 = vector.broadcast %broadcast_in_dim3A_123 : f32 to vector<16xf32>
    %gt3A_125 = arith.cmpf ogt, %get3A_111, %get3A_108 : vector<16xf32>
    %select_n3A_126 = arith.select %gt3A_125, %broadcast_in_dim3A_122, %broadcast_in_dim3A_124 : vector<16xi1>, vector<16xf32>
    %add3A_127 = arith.addf %broadcast_in_dim3A_124, %select_n3A_126 : vector<16xf32>
    %gt3A_128 = arith.cmpf ogt, %get3A_114, %get3A_108 : vector<16xf32>
    %select_n3A_129 = arith.select %gt3A_128, %broadcast_in_dim3A_122, %broadcast_in_dim3A_124 : vector<16xi1>, vector<16xf32>
    %add3A_130 = arith.addf %add3A_127, %select_n3A_129 : vector<16xf32>
    %gt3A_131 = arith.cmpf ogt, %get3A_117, %get3A_108 : vector<16xf32>
    %select_n3A_132 = arith.select %gt3A_131, %broadcast_in_dim3A_122, %broadcast_in_dim3A_124 : vector<16xi1>, vector<16xf32>
    %add3A_133 = arith.addf %add3A_130, %select_n3A_132 : vector<16xf32>
    %lt3A_134 = arith.constant 2.000000e+00 : f32
    %lt3A_135 = vector.broadcast %lt3A_134 : f32 to vector<16xf32>
    %lt3A_136 = arith.cmpf olt, %add3A_133, %lt3A_135 : vector<16xf32>
    %select_n3A_137 = arith.select %lt3A_136, %broadcast_in_dim3A_122, %broadcast_in_dim3A_124 : vector<16xi1>, vector<16xf32>
    %sub3A_138 = arith.subf %get3A_108, %max3A_120 : vector<16xf32>
    %exp3A_139 = math.exp %sub3A_138 : vector<16xf32>
    %mul3A_140 = arith.mulf %select_n3A_137, %exp3A_139 : vector<16xf32>
    %ge3A_141 = arith.cmpf oge, %get3A_108, %get3A_111 : vector<16xf32>
    %select_n3A_142 = arith.select %ge3A_141, %broadcast_in_dim3A_122, %broadcast_in_dim3A_124 : vector<16xi1>, vector<16xf32>
    %add3A_143 = arith.addf %broadcast_in_dim3A_124, %select_n3A_142 : vector<16xf32>
    %gt3A_144 = arith.cmpf ogt, %get3A_114, %get3A_111 : vector<16xf32>
    %select_n3A_145 = arith.select %gt3A_144, %broadcast_in_dim3A_122, %broadcast_in_dim3A_124 : vector<16xi1>, vector<16xf32>
    %add3A_146 = arith.addf %add3A_143, %select_n3A_145 : vector<16xf32>
    %gt3A_147 = arith.cmpf ogt, %get3A_117, %get3A_111 : vector<16xf32>
    %select_n3A_148 = arith.select %gt3A_147, %broadcast_in_dim3A_122, %broadcast_in_dim3A_124 : vector<16xi1>, vector<16xf32>
    %add3A_149 = arith.addf %add3A_146, %select_n3A_148 : vector<16xf32>
    %lt3A_150 = arith.constant 2.000000e+00 : f32
    %lt3A_151 = vector.broadcast %lt3A_150 : f32 to vector<16xf32>
    %lt3A_152 = arith.cmpf olt, %add3A_149, %lt3A_151 : vector<16xf32>
    %select_n3A_153 = arith.select %lt3A_152, %broadcast_in_dim3A_122, %broadcast_in_dim3A_124 : vector<16xi1>, vector<16xf32>
    %sub3A_154 = arith.subf %get3A_111, %max3A_120 : vector<16xf32>
    %exp3A_155 = math.exp %sub3A_154 : vector<16xf32>
    %mul3A_156 = arith.mulf %select_n3A_153, %exp3A_155 : vector<16xf32>
    %ge3A_157 = arith.cmpf oge, %get3A_108, %get3A_114 : vector<16xf32>
    %select_n3A_158 = arith.select %ge3A_157, %broadcast_in_dim3A_122, %broadcast_in_dim3A_124 : vector<16xi1>, vector<16xf32>
    %add3A_159 = arith.addf %broadcast_in_dim3A_124, %select_n3A_158 : vector<16xf32>
    %ge3A_160 = arith.cmpf oge, %get3A_111, %get3A_114 : vector<16xf32>
    %select_n3A_161 = arith.select %ge3A_160, %broadcast_in_dim3A_122, %broadcast_in_dim3A_124 : vector<16xi1>, vector<16xf32>
    %add3A_162 = arith.addf %add3A_159, %select_n3A_161 : vector<16xf32>
    %gt3A_163 = arith.cmpf ogt, %get3A_117, %get3A_114 : vector<16xf32>
    %select_n3A_164 = arith.select %gt3A_163, %broadcast_in_dim3A_122, %broadcast_in_dim3A_124 : vector<16xi1>, vector<16xf32>
    %add3A_165 = arith.addf %add3A_162, %select_n3A_164 : vector<16xf32>
    %lt3A_166 = arith.constant 2.000000e+00 : f32
    %lt3A_167 = vector.broadcast %lt3A_166 : f32 to vector<16xf32>
    %lt3A_168 = arith.cmpf olt, %add3A_165, %lt3A_167 : vector<16xf32>
    %select_n3A_169 = arith.select %lt3A_168, %broadcast_in_dim3A_122, %broadcast_in_dim3A_124 : vector<16xi1>, vector<16xf32>
    %sub3A_170 = arith.subf %get3A_114, %max3A_120 : vector<16xf32>
    %exp3A_171 = math.exp %sub3A_170 : vector<16xf32>
    %mul3A_172 = arith.mulf %select_n3A_169, %exp3A_171 : vector<16xf32>
    %ge3A_173 = arith.cmpf oge, %get3A_108, %get3A_117 : vector<16xf32>
    %select_n3A_174 = arith.select %ge3A_173, %broadcast_in_dim3A_122, %broadcast_in_dim3A_124 : vector<16xi1>, vector<16xf32>
    %add3A_175 = arith.addf %broadcast_in_dim3A_124, %select_n3A_174 : vector<16xf32>
    %ge3A_176 = arith.cmpf oge, %get3A_111, %get3A_117 : vector<16xf32>
    %select_n3A_177 = arith.select %ge3A_176, %broadcast_in_dim3A_122, %broadcast_in_dim3A_124 : vector<16xi1>, vector<16xf32>
    %add3A_178 = arith.addf %add3A_175, %select_n3A_177 : vector<16xf32>
    %ge3A_179 = arith.cmpf oge, %get3A_114, %get3A_117 : vector<16xf32>
    %select_n3A_180 = arith.select %ge3A_179, %broadcast_in_dim3A_122, %broadcast_in_dim3A_124 : vector<16xi1>, vector<16xf32>
    %add3A_181 = arith.addf %add3A_178, %select_n3A_180 : vector<16xf32>
    %lt3A_182 = arith.constant 2.000000e+00 : f32
    %lt3A_183 = vector.broadcast %lt3A_182 : f32 to vector<16xf32>
    %lt3A_184 = arith.cmpf olt, %add3A_181, %lt3A_183 : vector<16xf32>
    %select_n3A_185 = arith.select %lt3A_184, %broadcast_in_dim3A_122, %broadcast_in_dim3A_124 : vector<16xi1>, vector<16xf32>
    %sub3A_186 = arith.subf %get3A_117, %max3A_120 : vector<16xf32>
    %exp3A_187 = math.exp %sub3A_186 : vector<16xf32>
    %mul3A_188 = arith.mulf %select_n3A_185, %exp3A_187 : vector<16xf32>
    %add3A_189 = arith.addf %mul3A_140, %mul3A_156 : vector<16xf32>
    %add3A_190 = arith.addf %add3A_189, %mul3A_172 : vector<16xf32>
    %add3A_191 = arith.addf %add3A_190, %mul3A_188 : vector<16xf32>
    %div3A_192 = arith.divf %mul3A_140, %add3A_191 : vector<16xf32>
    %swap3A_193 = arith.constant 16 : index
    %swap3A_194 = tpu.vector_load %arg8[%swap3A_193] {strides = array<i32>} : memref<240xf32, #tpu.memory_space<vmem>>, vector<16xf32>,
    %swap3A_195 = vector.shape_cast %swap3A_194 : vector<16xf32> to vector<16xf32>
    %swap3A_196 = vector.shape_cast %div3A_192 : vector<16xf32> to vector<16xf32>
    tpu.vector_store %arg8[%swap3A_193], %swap3A_196 {strides = array<i32>} : memref<240xf32, #tpu.memory_space<vmem>>, vector<16xf32>,
    %div3A_197 = arith.divf %mul3A_156, %add3A_191 : vector<16xf32>
    %swap3A_198 = arith.constant 16 : index
    %swap3A_199 = tpu.vector_load %arg9[%swap3A_198] {strides = array<i32>} : memref<240xf32, #tpu.memory_space<vmem>>, vector<16xf32>,
    %swap3A_200 = vector.shape_cast %swap3A_199 : vector<16xf32> to vector<16xf32>
    %swap3A_201 = vector.shape_cast %div3A_197 : vector<16xf32> to vector<16xf32>
    tpu.vector_store %arg9[%swap3A_198], %swap3A_201 {strides = array<i32>} : memref<240xf32, #tpu.memory_space<vmem>>, vector<16xf32>,
    %div3A_202 = arith.divf %mul3A_172, %add3A_191 : vector<16xf32>
    %swap3A_203 = arith.constant 16 : index
    %swap3A_204 = tpu.vector_load %arg10[%swap3A_203] {strides = array<i32>} : memref<240xf32, #tpu.memory_space<vmem>>, vector<16xf32>,
    %swap3A_205 = vector.shape_cast %swap3A_204 : vector<16xf32> to vector<16xf32>
    %swap3A_206 = vector.shape_cast %div3A_202 : vector<16xf32> to vector<16xf32>
    tpu.vector_store %arg10[%swap3A_203], %swap3A_206 {strides = array<i32>} : memref<240xf32, #tpu.memory_space<vmem>>, vector<16xf32>,
    %div3A_207 = arith.divf %mul3A_188, %add3A_191 : vector<16xf32>
    %swap3A_208 = arith.constant 16 : index
    %swap3A_209 = tpu.vector_load %arg11[%swap3A_208] {strides = array<i32>} : memref<240xf32, #tpu.memory_space<vmem>>, vector<16xf32>,
    %swap3A_210 = vector.shape_cast %swap3A_209 : vector<16xf32> to vector<16xf32>
    %swap3A_211 = vector.shape_cast %div3A_207 : vector<16xf32> to vector<16xf32>
    tpu.vector_store %arg11[%swap3A_208], %swap3A_211 {strides = array<i32>} : memref<240xf32, #tpu.memory_space<vmem>>, vector<16xf32>,
    %get3A_212 = arith.constant 32 : index
    %get3A_213 = tpu.vector_load %arg4[%get3A_212] {strides = array<i32>} : memref<240xf32, #tpu.memory_space<vmem>>, vector<16xf32>,
    %get3A_214 = vector.shape_cast %get3A_213 : vector<16xf32> to vector<16xf32>
    %get3A_215 = arith.constant 32 : index
    %get3A_216 = tpu.vector_load %arg5[%get3A_215] {strides = array<i32>} : memref<240xf32, #tpu.memory_space<vmem>>, vector<16xf32>,
    %get3A_217 = vector.shape_cast %get3A_216 : vector<16xf32> to vector<16xf32>
    %get3A_218 = arith.constant 32 : index
    %get3A_219 = tpu.vector_load %arg6[%get3A_218] {strides = array<i32>} : memref<240xf32, #tpu.memory_space<vmem>>, vector<16xf32>,
    %get3A_220 = vector.shape_cast %get3A_219 : vector<16xf32> to vector<16xf32>
    %get3A_221 = arith.constant 32 : index
    %get3A_222 = tpu.vector_load %arg7[%get3A_221] {strides = array<i32>} : memref<240xf32, #tpu.memory_space<vmem>>, vector<16xf32>,
    %get3A_223 = vector.shape_cast %get3A_222 : vector<16xf32> to vector<16xf32>
    %max3A_224 = arith.maximumf %get3A_214, %get3A_217 : vector<16xf32>
    %max3A_225 = arith.maximumf %get3A_220, %get3A_223 : vector<16xf32>
    %max3A_226 = arith.maximumf %max3A_224, %max3A_225 : vector<16xf32>
    %broadcast_in_dim3A_227 = arith.constant 1.000000e+00 : f32
    %broadcast_in_dim3A_228 = vector.broadcast %broadcast_in_dim3A_227 : f32 to vector<16xf32>
    %broadcast_in_dim3A_229 = arith.constant 0.000000e+00 : f32
    %broadcast_in_dim3A_230 = vector.broadcast %broadcast_in_dim3A_229 : f32 to vector<16xf32>
    %gt3A_231 = arith.cmpf ogt, %get3A_217, %get3A_214 : vector<16xf32>
    %select_n3A_232 = arith.select %gt3A_231, %broadcast_in_dim3A_228, %broadcast_in_dim3A_230 : vector<16xi1>, vector<16xf32>
    %add3A_233 = arith.addf %broadcast_in_dim3A_230, %select_n3A_232 : vector<16xf32>
    %gt3A_234 = arith.cmpf ogt, %get3A_220, %get3A_214 : vector<16xf32>
    %select_n3A_235 = arith.select %gt3A_234, %broadcast_in_dim3A_228, %broadcast_in_dim3A_230 : vector<16xi1>, vector<16xf32>
    %add3A_236 = arith.addf %add3A_233, %select_n3A_235 : vector<16xf32>
    %gt3A_237 = arith.cmpf ogt, %get3A_223, %get3A_214 : vector<16xf32>
    %select_n3A_238 = arith.select %gt3A_237, %broadcast_in_dim3A_228, %broadcast_in_dim3A_230 : vector<16xi1>, vector<16xf32>
    %add3A_239 = arith.addf %add3A_236, %select_n3A_238 : vector<16xf32>
    %lt3A_240 = arith.constant 2.000000e+00 : f32
    %lt3A_241 = vector.broadcast %lt3A_240 : f32 to vector<16xf32>
    %lt3A_242 = arith.cmpf olt, %add3A_239, %lt3A_241 : vector<16xf32>
    %select_n3A_243 = arith.select %lt3A_242, %broadcast_in_dim3A_228, %broadcast_in_dim3A_230 : vector<16xi1>, vector<16xf32>
    %sub3A_244 = arith.subf %get3A_214, %max3A_226 : vector<16xf32>
    %exp3A_245 = math.exp %sub3A_244 : vector<16xf32>
    %mul3A_246 = arith.mulf %select_n3A_243, %exp3A_245 : vector<16xf32>
    %ge3A_247 = arith.cmpf oge, %get3A_214, %get3A_217 : vector<16xf32>
    %select_n3A_248 = arith.select %ge3A_247, %broadcast_in_dim3A_228, %broadcast_in_dim3A_230 : vector<16xi1>, vector<16xf32>
    %add3A_249 = arith.addf %broadcast_in_dim3A_230, %select_n3A_248 : vector<16xf32>
    %gt3A_250 = arith.cmpf ogt, %get3A_220, %get3A_217 : vector<16xf32>
    %select_n3A_251 = arith.select %gt3A_250, %broadcast_in_dim3A_228, %broadcast_in_dim3A_230 : vector<16xi1>, vector<16xf32>
    %add3A_252 = arith.addf %add3A_249, %select_n3A_251 : vector<16xf32>
    %gt3A_253 = arith.cmpf ogt, %get3A_223, %get3A_217 : vector<16xf32>
    %select_n3A_254 = arith.select %gt3A_253, %broadcast_in_dim3A_228, %broadcast_in_dim3A_230 : vector<16xi1>, vector<16xf32>
    %add3A_255 = arith.addf %add3A_252, %select_n3A_254 : vector<16xf32>
    %lt3A_256 = arith.constant 2.000000e+00 : f32
    %lt3A_257 = vector.broadcast %lt3A_256 : f32 to vector<16xf32>
    %lt3A_258 = arith.cmpf olt, %add3A_255, %lt3A_257 : vector<16xf32>
    %select_n3A_259 = arith.select %lt3A_258, %broadcast_in_dim3A_228, %broadcast_in_dim3A_230 : vector<16xi1>, vector<16xf32>
    %sub3A_260 = arith.subf %get3A_217, %max3A_226 : vector<16xf32>
    %exp3A_261 = math.exp %sub3A_260 : vector<16xf32>
    %mul3A_262 = arith.mulf %select_n3A_259, %exp3A_261 : vector<16xf32>
    %ge3A_263 = arith.cmpf oge, %get3A_214, %get3A_220 : vector<16xf32>
    %select_n3A_264 = arith.select %ge3A_263, %broadcast_in_dim3A_228, %broadcast_in_dim3A_230 : vector<16xi1>, vector<16xf32>
    %add3A_265 = arith.addf %broadcast_in_dim3A_230, %select_n3A_264 : vector<16xf32>
    %ge3A_266 = arith.cmpf oge, %get3A_217, %get3A_220 : vector<16xf32>
    %select_n3A_267 = arith.select %ge3A_266, %broadcast_in_dim3A_228, %broadcast_in_dim3A_230 : vector<16xi1>, vector<16xf32>
    %add3A_268 = arith.addf %add3A_265, %select_n3A_267 : vector<16xf32>
    %gt3A_269 = arith.cmpf ogt, %get3A_223, %get3A_220 : vector<16xf32>
    %select_n3A_270 = arith.select %gt3A_269, %broadcast_in_dim3A_228, %broadcast_in_dim3A_230 : vector<16xi1>, vector<16xf32>
    %add3A_271 = arith.addf %add3A_268, %select_n3A_270 : vector<16xf32>
    %lt3A_272 = arith.constant 2.000000e+00 : f32
    %lt3A_273 = vector.broadcast %lt3A_272 : f32 to vector<16xf32>
    %lt3A_274 = arith.cmpf olt, %add3A_271, %lt3A_273 : vector<16xf32>
    %select_n3A_275 = arith.select %lt3A_274, %broadcast_in_dim3A_228, %broadcast_in_dim3A_230 : vector<16xi1>, vector<16xf32>
    %sub3A_276 = arith.subf %get3A_220, %max3A_226 : vector<16xf32>
    %exp3A_277 = math.exp %sub3A_276 : vector<16xf32>
    %mul3A_278 = arith.mulf %select_n3A_275, %exp3A_277 : vector<16xf32>
    %ge3A_279 = arith.cmpf oge, %get3A_214, %get3A_223 : vector<16xf32>
    %select_n3A_280 = arith.select %ge3A_279, %broadcast_in_dim3A_228, %broadcast_in_dim3A_230 : vector<16xi1>, vector<16xf32>
    %add3A_281 = arith.addf %broadcast_in_dim3A_230, %select_n3A_280 : vector<16xf32>
    %ge3A_282 = arith.cmpf oge, %get3A_217, %get3A_223 : vector<16xf32>
    %select_n3A_283 = arith.select %ge3A_282, %broadcast_in_dim3A_228, %broadcast_in_dim3A_230 : vector<16xi1>, vector<16xf32>
    %add3A_284 = arith.addf %add3A_281, %select_n3A_283 : vector<16xf32>
    %ge3A_285 = arith.cmpf oge, %get3A_220, %get3A_223 : vector<16xf32>
    %select_n3A_286 = arith.select %ge3A_285, %broadcast_in_dim3A_228, %broadcast_in_dim3A_230 : vector<16xi1>, vector<16xf32>
    %add3A_287 = arith.addf %add3A_284, %select_n3A_286 : vector<16xf32>
    %lt3A_288 = arith.constant 2.000000e+00 : f32
    %lt3A_289 = vector.broadcast %lt3A_288 : f32 to vector<16xf32>
    %lt3A_290 = arith.cmpf olt, %add3A_287, %lt3A_289 : vector<16xf32>
    %select_n3A_291 = arith.select %lt3A_290, %broadcast_in_dim3A_228, %broadcast_in_dim3A_230 : vector<16xi1>, vector<16xf32>
    %sub3A_292 = arith.subf %get3A_223, %max3A_226 : vector<16xf32>
    %exp3A_293 = math.exp %sub3A_292 : vector<16xf32>
    %mul3A_294 = arith.mulf %select_n3A_291, %exp3A_293 : vector<16xf32>
    %add3A_295 = arith.addf %mul3A_246, %mul3A_262 : vector<16xf32>
    %add3A_296 = arith.addf %add3A_295, %mul3A_278 : vector<16xf32>
    %add3A_297 = arith.addf %add3A_296, %mul3A_294 : vector<16xf32>
    %div3A_298 = arith.divf %mul3A_246, %add3A_297 : vector<16xf32>
    %swap3A_299 = arith.constant 32 : index
    %swap3A_300 = tpu.vector_load %arg8[%swap3A_299] {strides = array<i32>} : memref<240xf32, #tpu.memory_space<vmem>>, vector<16xf32>,
    %swap3A_301 = vector.shape_cast %swap3A_300 : vector<16xf32> to vector<16xf32>
    %swap3A_302 = vector.shape_cast %div3A_298 : vector<16xf32> to vector<16xf32>
    tpu.vector_store %arg8[%swap3A_299], %swap3A_302 {strides = array<i32>} : memref<240xf32, #tpu.memory_space<vmem>>, vector<16xf32>,
    %div3A_303 = arith.divf %mul3A_262, %add3A_297 : vector<16xf32>
    %swap3A_304 = arith.constant 32 : index
    %swap3A_305 = tpu.vector_load %arg9[%swap3A_304] {strides = array<i32>} : memref<240xf32, #tpu.memory_space<vmem>>, vector<16xf32>,
    %swap3A_306 = vector.shape_cast %swap3A_305 : vector<16xf32> to vector<16xf32>
    %swap3A_307 = vector.shape_cast %div3A_303 : vector<16xf32> to vector<16xf32>
    tpu.vector_store %arg9[%swap3A_304], %swap3A_307 {strides = array<i32>} : memref<240xf32, #tpu.memory_space<vmem>>, vector<16xf32>,
    %div3A_308 = arith.divf %mul3A_278, %add3A_297 : vector<16xf32>
    %swap3A_309 = arith.constant 32 : index
    %swap3A_310 = tpu.vector_load %arg10[%swap3A_309] {strides = array<i32>} : memref<240xf32, #tpu.memory_space<vmem>>, vector<16xf32>,
    %swap3A_311 = vector.shape_cast %swap3A_310 : vector<16xf32> to vector<16xf32>
    %swap3A_312 = vector.shape_cast %div3A_308 : vector<16xf32> to vector<16xf32>
    tpu.vector_store %arg10[%swap3A_309], %swap3A_312 {strides = array<i32>} : memref<240xf32, #tpu.memory_space<vmem>>, vector<16xf32>,
    %div3A_313 = arith.divf %mul3A_294, %add3A_297 : vector<16xf32>
    %swap3A_314 = arith.constant 32 : index
    %swap3A_315 = tpu.vector_load %arg11[%swap3A_314] {strides = array<i32>} : memref<240xf32, #tpu.memory_space<vmem>>, vector<16xf32>,
    %swap3A_316 = vector.shape_cast %swap3A_315 : vector<16xf32> to vector<16xf32>
    %swap3A_317 = vector.shape_cast %div3A_313 : vector<16xf32> to vector<16xf32>
    tpu.vector_store %arg11[%swap3A_314], %swap3A_317 {strides = array<i32>} : memref<240xf32, #tpu.memory_space<vmem>>, vector<16xf32>,
    %get3A_318 = arith.constant 48 : index
    %get3A_319 = tpu.vector_load %arg4[%get3A_318] {strides = array<i32>} : memref<240xf32, #tpu.memory_space<vmem>>, vector<16xf32>,
    %get3A_320 = vector.shape_cast %get3A_319 : vector<16xf32> to vector<16xf32>
    %get3A_321 = arith.constant 48 : index
    %get3A_322 = tpu.vector_load %arg5[%get3A_321] {strides = array<i32>} : memref<240xf32, #tpu.memory_space<vmem>>, vector<16xf32>,
    %get3A_323 = vector.shape_cast %get3A_322 : vector<16xf32> to vector<16xf32>
    %get3A_324 = arith.constant 48 : index
    %get3A_325 = tpu.vector_load %arg6[%get3A_324] {strides = array<i32>} : memref<240xf32, #tpu.memory_space<vmem>>, vector<16xf32>,
    %get3A_326 = vector.shape_cast %get3A_325 : vector<16xf32> to vector<16xf32>
    %get3A_327 = arith.constant 48 : index
    %get3A_328 = tpu.vector_load %arg7[%get3A_327] {strides = array<i32>} : memref<240xf32, #tpu.memory_space<vmem>>, vector<16xf32>,
    %get3A_329 = vector.shape_cast %get3A_328 : vector<16xf32> to vector<16xf32>
    %max3A_330 = arith.maximumf %get3A_320, %get3A_323 : vector<16xf32>
    %max3A_331 = arith.maximumf %get3A_326, %get3A_329 : vector<16xf32>
    %max3A_332 = arith.maximumf %max3A_330, %max3A_331 : vector<16xf32>
    %broadcast_in_dim3A_333 = arith.constant 1.000000e+00 : f32
    %broadcast_in_dim3A_334 = vector.broadcast %broadcast_in_dim3A_333 : f32 to vector<16xf32>
    %broadcast_in_dim3A_335 = arith.constant 0.000000e+00 : f32
    %broadcast_in_dim3A_336 = vector.broadcast %broadcast_in_dim3A_335 : f32 to vector<16xf32>
    %gt3A_337 = arith.cmpf ogt, %get3A_323, %get3A_320 : vector<16xf32>
    %select_n3A_338 = arith.select %gt3A_337, %broadcast_in_dim3A_334, %broadcast_in_dim3A_336 : vector<16xi1>, vector<16xf32>
    %add3A_339 = arith.addf %broadcast_in_dim3A_336, %select_n3A_338 : vector<16xf32>
    %gt3A_340 = arith.cmpf ogt, %get3A_326, %get3A_320 : vector<16xf32>
    %select_n3A_341 = arith.select %gt3A_340, %broadcast_in_dim3A_334, %broadcast_in_dim3A_336 : vector<16xi1>, vector<16xf32>
    %add3A_342 = arith.addf %add3A_339, %select_n3A_341 : vector<16xf32>
    %gt3A_343 = arith.cmpf ogt, %get3A_329, %get3A_320 : vector<16xf32>
    %select_n3A_344 = arith.select %gt3A_343, %broadcast_in_dim3A_334, %broadcast_in_dim3A_336 : vector<16xi1>, vector<16xf32>
    %add3A_345 = arith.addf %add3A_342, %select_n3A_344 : vector<16xf32>
    %lt3A_346 = arith.constant 2.000000e+00 : f32
    %lt3A_347 = vector.broadcast %lt3A_346 : f32 to vector<16xf32>
    %lt3A_348 = arith.cmpf olt, %add3A_345, %lt3A_347 : vector<16xf32>
    %select_n3A_349 = arith.select %lt3A_348, %broadcast_in_dim3A_334, %broadcast_in_dim3A_336 : vector<16xi1>, vector<16xf32>
    %sub3A_350 = arith.subf %get3A_320, %max3A_332 : vector<16xf32>
    %exp3A_351 = math.exp %sub3A_350 : vector<16xf32>
    %mul3A_352 = arith.mulf %select_n3A_349, %exp3A_351 : vector<16xf32>
    %ge3A_353 = arith.cmpf oge, %get3A_320, %get3A_323 : vector<16xf32>
    %select_n3A_354 = arith.select %ge3A_353, %broadcast_in_dim3A_334, %broadcast_in_dim3A_336 : vector<16xi1>, vector<16xf32>
    %add3A_355 = arith.addf %broadcast_in_dim3A_336, %select_n3A_354 : vector<16xf32>
    %gt3A_356 = arith.cmpf ogt, %get3A_326, %get3A_323 : vector<16xf32>
    %select_n3A_357 = arith.select %gt3A_356, %broadcast_in_dim3A_334, %broadcast_in_dim3A_336 : vector<16xi1>, vector<16xf32>
    %add3A_358 = arith.addf %add3A_355, %select_n3A_357 : vector<16xf32>
    %gt3A_359 = arith.cmpf ogt, %get3A_329, %get3A_323 : vector<16xf32>
    %select_n3A_360 = arith.select %gt3A_359, %broadcast_in_dim3A_334, %broadcast_in_dim3A_336 : vector<16xi1>, vector<16xf32>
    %add3A_361 = arith.addf %add3A_358, %select_n3A_360 : vector<16xf32>
    %lt3A_362 = arith.constant 2.000000e+00 : f32
    %lt3A_363 = vector.broadcast %lt3A_362 : f32 to vector<16xf32>
    %lt3A_364 = arith.cmpf olt, %add3A_361, %lt3A_363 : vector<16xf32>
    %select_n3A_365 = arith.select %lt3A_364, %broadcast_in_dim3A_334, %broadcast_in_dim3A_336 : vector<16xi1>, vector<16xf32>
    %sub3A_366 = arith.subf %get3A_323, %max3A_332 : vector<16xf32>
    %exp3A_367 = math.exp %sub3A_366 : vector<16xf32>
    %mul3A_368 = arith.mulf %select_n3A_365, %exp3A_367 : vector<16xf32>
    %ge3A_369 = arith.cmpf oge, %get3A_320, %get3A_326 : vector<16xf32>
    %select_n3A_370 = arith.select %ge3A_369, %broadcast_in_dim3A_334, %broadcast_in_dim3A_336 : vector<16xi1>, vector<16xf32>
    %add3A_371 = arith.addf %broadcast_in_dim3A_336, %select_n3A_370 : vector<16xf32>
    %ge3A_372 = arith.cmpf oge, %get3A_323, %get3A_326 : vector<16xf32>
    %select_n3A_373 = arith.select %ge3A_372, %broadcast_in_dim3A_334, %broadcast_in_dim3A_336 : vector<16xi1>, vector<16xf32>
    %add3A_374 = arith.addf %add3A_371, %select_n3A_373 : vector<16xf32>
    %gt3A_375 = arith.cmpf ogt, %get3A_329, %get3A_326 : vector<16xf32>
    %select_n3A_376 = arith.select %gt3A_375, %broadcast_in_dim3A_334, %broadcast_in_dim3A_336 : vector<16xi1>, vector<16xf32>
    %add3A_377 = arith.addf %add3A_374, %select_n3A_376 : vector<16xf32>
    %lt3A_378 = arith.constant 2.000000e+00 : f32
    %lt3A_379 = vector.broadcast %lt3A_378 : f32 to vector<16xf32>
    %lt3A_380 = arith.cmpf olt, %add3A_377, %lt3A_379 : vector<16xf32>
    %select_n3A_381 = arith.select %lt3A_380, %broadcast_in_dim3A_334, %broadcast_in_dim3A_336 : vector<16xi1>, vector<16xf32>
    %sub3A_382 = arith.subf %get3A_326, %max3A_332 : vector<16xf32>
    %exp3A_383 = math.exp %sub3A_382 : vector<16xf32>
    %mul3A_384 = arith.mulf %select_n3A_381, %exp3A_383 : vector<16xf32>
    %ge3A_385 = arith.cmpf oge, %get3A_320, %get3A_329 : vector<16xf32>
    %select_n3A_386 = arith.select %ge3A_385, %broadcast_in_dim3A_334, %broadcast_in_dim3A_336 : vector<16xi1>, vector<16xf32>
    %add3A_387 = arith.addf %broadcast_in_dim3A_336, %select_n3A_386 : vector<16xf32>
    %ge3A_388 = arith.cmpf oge, %get3A_323, %get3A_329 : vector<16xf32>
    %select_n3A_389 = arith.select %ge3A_388, %broadcast_in_dim3A_334, %broadcast_in_dim3A_336 : vector<16xi1>, vector<16xf32>
    %add3A_390 = arith.addf %add3A_387, %select_n3A_389 : vector<16xf32>
    %ge3A_391 = arith.cmpf oge, %get3A_326, %get3A_329 : vector<16xf32>
    %select_n3A_392 = arith.select %ge3A_391, %broadcast_in_dim3A_334, %broadcast_in_dim3A_336 : vector<16xi1>, vector<16xf32>
    %add3A_393 = arith.addf %add3A_390, %select_n3A_392 : vector<16xf32>
    %lt3A_394 = arith.constant 2.000000e+00 : f32
    %lt3A_395 = vector.broadcast %lt3A_394 : f32 to vector<16xf32>
    %lt3A_396 = arith.cmpf olt, %add3A_393, %lt3A_395 : vector<16xf32>
    %select_n3A_397 = arith.select %lt3A_396, %broadcast_in_dim3A_334, %broadcast_in_dim3A_336 : vector<16xi1>, vector<16xf32>
    %sub3A_398 = arith.subf %get3A_329, %max3A_332 : vector<16xf32>
    %exp3A_399 = math.exp %sub3A_398 : vector<16xf32>
    %mul3A_400 = arith.mulf %select_n3A_397, %exp3A_399 : vector<16xf32>
    %add3A_401 = arith.addf %mul3A_352, %mul3A_368 : vector<16xf32>
    %add3A_402 = arith.addf %add3A_401, %mul3A_384 : vector<16xf32>
    %add3A_403 = arith.addf %add3A_402, %mul3A_400 : vector<16xf32>
    %div3A_404 = arith.divf %mul3A_352, %add3A_403 : vector<16xf32>
    %swap3A_405 = arith.constant 48 : index
    %swap3A_406 = tpu.vector_load %arg8[%swap3A_405] {strides = array<i32>} : memref<240xf32, #tpu.memory_space<vmem>>, vector<16xf32>,
    %swap3A_407 = vector.shape_cast %swap3A_406 : vector<16xf32> to vector<16xf32>
    %swap3A_408 = vector.shape_cast %div3A_404 : vector<16xf32> to vector<16xf32>
    tpu.vector_store %arg8[%swap3A_405], %swap3A_408 {strides = array<i32>} : memref<240xf32, #tpu.memory_space<vmem>>, vector<16xf32>,
    %div3A_409 = arith.divf %mul3A_368, %add3A_403 : vector<16xf32>
    %swap3A_410 = arith.constant 48 : index
    %swap3A_411 = tpu.vector_load %arg9[%swap3A_410] {strides = array<i32>} : memref<240xf32, #tpu.memory_space<vmem>>, vector<16xf32>,
    %swap3A_412 = vector.shape_cast %swap3A_411 : vector<16xf32> to vector<16xf32>
    %swap3A_413 = vector.shape_cast %div3A_409 : vector<16xf32> to vector<16xf32>
    tpu.vector_store %arg9[%swap3A_410], %swap3A_413 {strides = array<i32>} : memref<240xf32, #tpu.memory_space<vmem>>, vector<16xf32>,
    %div3A_414 = arith.divf %mul3A_384, %add3A_403 : vector<16xf32>
    %swap3A_415 = arith.constant 48 : index
    %swap3A_416 = tpu.vector_load %arg10[%swap3A_415] {strides = array<i32>} : memref<240xf32, #tpu.memory_space<vmem>>, vector<16xf32>,
    %swap3A_417 = vector.shape_cast %swap3A_416 : vector<16xf32> to vector<16xf32>
    %swap3A_418 = vector.shape_cast %div3A_414 : vector<16xf32> to vector<16xf32>
    tpu.vector_store %arg10[%swap3A_415], %swap3A_418 {strides = array<i32>} : memref<240xf32, #tpu.memory_space<vmem>>, vector<16xf32>,
    %div3A_419 = arith.divf %mul3A_400, %add3A_403 : vector<16xf32>
    %swap3A_420 = arith.constant 48 : index
    %swap3A_421 = tpu.vector_load %arg11[%swap3A_420] {strides = array<i32>} : memref<240xf32, #tpu.memory_space<vmem>>, vector<16xf32>,
    %swap3A_422 = vector.shape_cast %swap3A_421 : vector<16xf32> to vector<16xf32>
    %swap3A_423 = vector.shape_cast %div3A_419 : vector<16xf32> to vector<16xf32>
    tpu.vector_store %arg11[%swap3A_420], %swap3A_423 {strides = array<i32>} : memref<240xf32, #tpu.memory_space<vmem>>, vector<16xf32>,
    %get3A_424 = arith.constant 64 : index
    %get3A_425 = tpu.vector_load %arg4[%get3A_424] {strides = array<i32>} : memref<240xf32, #tpu.memory_space<vmem>>, vector<16xf32>,
    %get3A_426 = vector.shape_cast %get3A_425 : vector<16xf32> to vector<16xf32>
    %get3A_427 = arith.constant 64 : index
    %get3A_428 = tpu.vector_load %arg5[%get3A_427] {strides = array<i32>} : memref<240xf32, #tpu.memory_space<vmem>>, vector<16xf32>,
    %get3A_429 = vector.shape_cast %get3A_428 : vector<16xf32> to vector<16xf32>
    %get3A_430 = arith.constant 64 : index
    %get3A_431 = tpu.vector_load %arg6[%get3A_430] {strides = array<i32>} : memref<240xf32, #tpu.memory_space<vmem>>, vector<16xf32>,
    %get3A_432 = vector.shape_cast %get3A_431 : vector<16xf32> to vector<16xf32>
    %get3A_433 = arith.constant 64 : index
    %get3A_434 = tpu.vector_load %arg7[%get3A_433] {strides = array<i32>} : memref<240xf32, #tpu.memory_space<vmem>>, vector<16xf32>,
    %get3A_435 = vector.shape_cast %get3A_434 : vector<16xf32> to vector<16xf32>
    %max3A_436 = arith.maximumf %get3A_426, %get3A_429 : vector<16xf32>
    %max3A_437 = arith.maximumf %get3A_432, %get3A_435 : vector<16xf32>
    %max3A_438 = arith.maximumf %max3A_436, %max3A_437 : vector<16xf32>
    %broadcast_in_dim3A_439 = arith.constant 1.000000e+00 : f32
    %broadcast_in_dim3A_440 = vector.broadcast %broadcast_in_dim3A_439 : f32 to vector<16xf32>
    %broadcast_in_dim3A_441 = arith.constant 0.000000e+00 : f32
    %broadcast_in_dim3A_442 = vector.broadcast %broadcast_in_dim3A_441 : f32 to vector<16xf32>
    %gt3A_443 = arith.cmpf ogt, %get3A_429, %get3A_426 : vector<16xf32>
    %select_n3A_444 = arith.select %gt3A_443, %broadcast_in_dim3A_440, %broadcast_in_dim3A_442 : vector<16xi1>, vector<16xf32>
    %add3A_445 = arith.addf %broadcast_in_dim3A_442, %select_n3A_444 : vector<16xf32>
    %gt3A_446 = arith.cmpf ogt, %get3A_432, %get3A_426 : vector<16xf32>
    %select_n3A_447 = arith.select %gt3A_446, %broadcast_in_dim3A_440, %broadcast_in_dim3A_442 : vector<16xi1>, vector<16xf32>
    %add3A_448 = arith.addf %add3A_445, %select_n3A_447 : vector<16xf32>
    %gt3A_449 = arith.cmpf ogt, %get3A_435, %get3A_426 : vector<16xf32>
    %select_n3A_450 = arith.select %gt3A_449, %broadcast_in_dim3A_440, %broadcast_in_dim3A_442 : vector<16xi1>, vector<16xf32>
    %add3A_451 = arith.addf %add3A_448, %select_n3A_450 : vector<16xf32>
    %lt3A_452 = arith.constant 2.000000e+00 : f32
    %lt3A_453 = vector.broadcast %lt3A_452 : f32 to vector<16xf32>
    %lt3A_454 = arith.cmpf olt, %add3A_451, %lt3A_453 : vector<16xf32>
    %select_n3A_455 = arith.select %lt3A_454, %broadcast_in_dim3A_440, %broadcast_in_dim3A_442 : vector<16xi1>, vector<16xf32>
    %sub3A_456 = arith.subf %get3A_426, %max3A_438 : vector<16xf32>
    %exp3A_457 = math.exp %sub3A_456 : vector<16xf32>
    %mul3A_458 = arith.mulf %select_n3A_455, %exp3A_457 : vector<16xf32>
    %ge3A_459 = arith.cmpf oge, %get3A_426, %get3A_429 : vector<16xf32>
    %select_n3A_460 = arith.select %ge3A_459, %broadcast_in_dim3A_440, %broadcast_in_dim3A_442 : vector<16xi1>, vector<16xf32>
    %add3A_461 = arith.addf %broadcast_in_dim3A_442, %select_n3A_460 : vector<16xf32>
    %gt3A_462 = arith.cmpf ogt, %get3A_432, %get3A_429 : vector<16xf32>
    %select_n3A_463 = arith.select %gt3A_462, %broadcast_in_dim3A_440, %broadcast_in_dim3A_442 : vector<16xi1>, vector<16xf32>
    %add3A_464 = arith.addf %add3A_461, %select_n3A_463 : vector<16xf32>
    %gt3A_465 = arith.cmpf ogt, %get3A_435, %get3A_429 : vector<16xf32>
    %select_n3A_466 = arith.select %gt3A_465, %broadcast_in_dim3A_440, %broadcast_in_dim3A_442 : vector<16xi1>, vector<16xf32>
    %add3A_467 = arith.addf %add3A_464, %select_n3A_466 : vector<16xf32>
    %lt3A_468 = arith.constant 2.000000e+00 : f32
    %lt3A_469 = vector.broadcast %lt3A_468 : f32 to vector<16xf32>
    %lt3A_470 = arith.cmpf olt, %add3A_467, %lt3A_469 : vector<16xf32>
    %select_n3A_471 = arith.select %lt3A_470, %broadcast_in_dim3A_440, %broadcast_in_dim3A_442 : vector<16xi1>, vector<16xf32>
    %sub3A_472 = arith.subf %get3A_429, %max3A_438 : vector<16xf32>
    %exp3A_473 = math.exp %sub3A_472 : vector<16xf32>
    %mul3A_474 = arith.mulf %select_n3A_471, %exp3A_473 : vector<16xf32>
    %ge3A_475 = arith.cmpf oge, %get3A_426, %get3A_432 : vector<16xf32>
    %select_n3A_476 = arith.select %ge3A_475, %broadcast_in_dim3A_440, %broadcast_in_dim3A_442 : vector<16xi1>, vector<16xf32>
    %add3A_477 = arith.addf %broadcast_in_dim3A_442, %select_n3A_476 : vector<16xf32>
    %ge3A_478 = arith.cmpf oge, %get3A_429, %get3A_432 : vector<16xf32>
    %select_n3A_479 = arith.select %ge3A_478, %broadcast_in_dim3A_440, %broadcast_in_dim3A_442 : vector<16xi1>, vector<16xf32>
    %add3A_480 = arith.addf %add3A_477, %select_n3A_479 : vector<16xf32>
    %gt3A_481 = arith.cmpf ogt, %get3A_435, %get3A_432 : vector<16xf32>
    %select_n3A_482 = arith.select %gt3A_481, %broadcast_in_dim3A_440, %broadcast_in_dim3A_442 : vector<16xi1>, vector<16xf32>
    %add3A_483 = arith.addf %add3A_480, %select_n3A_482 : vector<16xf32>
    %lt3A_484 = arith.constant 2.000000e+00 : f32
    %lt3A_485 = vector.broadcast %lt3A_484 : f32 to vector<16xf32>
    %lt3A_486 = arith.cmpf olt, %add3A_483, %lt3A_485 : vector<16xf32>
    %select_n3A_487 = arith.select %lt3A_486, %broadcast_in_dim3A_440, %broadcast_in_dim3A_442 : vector<16xi1>, vector<16xf32>
    %sub3A_488 = arith.subf %get3A_432, %max3A_438 : vector<16xf32>
    %exp3A_489 = math.exp %sub3A_488 : vector<16xf32>
    %mul3A_490 = arith.mulf %select_n3A_487, %exp3A_489 : vector<16xf32>
    %ge3A_491 = arith.cmpf oge, %get3A_426, %get3A_435 : vector<16xf32>
    %select_n3A_492 = arith.select %ge3A_491, %broadcast_in_dim3A_440, %broadcast_in_dim3A_442 : vector<16xi1>, vector<16xf32>
    %add3A_493 = arith.addf %broadcast_in_dim3A_442, %select_n3A_492 : vector<16xf32>
    %ge3A_494 = arith.cmpf oge, %get3A_429, %get3A_435 : vector<16xf32>
    %select_n3A_495 = arith.select %ge3A_494, %broadcast_in_dim3A_440, %broadcast_in_dim3A_442 : vector<16xi1>, vector<16xf32>
    %add3A_496 = arith.addf %add3A_493, %select_n3A_495 : vector<16xf32>
    %ge3A_497 = arith.cmpf oge, %get3A_432, %get3A_435 : vector<16xf32>
    %select_n3A_498 = arith.select %ge3A_497, %broadcast_in_dim3A_440, %broadcast_in_dim3A_442 : vector<16xi1>, vector<16xf32>
    %add3A_499 = arith.addf %add3A_496, %select_n3A_498 : vector<16xf32>
    %lt3A_500 = arith.constant 2.000000e+00 : f32
    %lt3A_501 = vector.broadcast %lt3A_500 : f32 to vector<16xf32>
    %lt3A_502 = arith.cmpf olt, %add3A_499, %lt3A_501 : vector<16xf32>
    %select_n3A_503 = arith.select %lt3A_502, %broadcast_in_dim3A_440, %broadcast_in_dim3A_442 : vector<16xi1>, vector<16xf32>
    %sub3A_504 = arith.subf %get3A_435, %max3A_438 : vector<16xf32>
    %exp3A_505 = math.exp %sub3A_504 : vector<16xf32>
    %mul3A_506 = arith.mulf %select_n3A_503, %exp3A_505 : vector<16xf32>
    %add3A_507 = arith.addf %mul3A_458, %mul3A_474 : vector<16xf32>
    %add3A_508 = arith.addf %add3A_507, %mul3A_490 : vector<16xf32>
    %add3A_509 = arith.addf %add3A_508, %mul3A_506 : vector<16xf32>
    %div3A_510 = arith.divf %mul3A_458, %add3A_509 : vector<16xf32>
    %swap3A_511 = arith.constant 64 : index
    %swap3A_512 = tpu.vector_load %arg8[%swap3A_511] {strides = array<i32>} : memref<240xf32, #tpu.memory_space<vmem>>, vector<16xf32>,
    %swap3A_513 = vector.shape_cast %swap3A_512 : vector<16xf32> to vector<16xf32>
    %swap3A_514 = vector.shape_cast %div3A_510 : vector<16xf32> to vector<16xf32>
    tpu.vector_store %arg8[%swap3A_511], %swap3A_514 {strides = array<i32>} : memref<240xf32, #tpu.memory_space<vmem>>, vector<16xf32>,
    %div3A_515 = arith.divf %mul3A_474, %add3A_509 : vector<16xf32>
    %swap3A_516 = arith.constant 64 : index
    %swap3A_517 = tpu.vector_load %arg9[%swap3A_516] {strides = array<i32>} : memref<240xf32, #tpu.memory_space<vmem>>, vector<16xf32>,
    %swap3A_518 = vector.shape_cast %swap3A_517 : vector<16xf32> to vector<16xf32>
    %swap3A_519 = vector.shape_cast %div3A_515 : vector<16xf32> to vector<16xf32>
    tpu.vector_store %arg9[%swap3A_516], %swap3A_519 {strides = array<i32>} : memref<240xf32, #tpu.memory_space<vmem>>, vector<16xf32>,
    %div3A_520 = arith.divf %mul3A_490, %add3A_509 : vector<16xf32>
    %swap3A_521 = arith.constant 64 : index
    %swap3A_522 = tpu.vector_load %arg10[%swap3A_521] {strides = array<i32>} : memref<240xf32, #tpu.memory_space<vmem>>, vector<16xf32>,
    %swap3A_523 = vector.shape_cast %swap3A_522 : vector<16xf32> to vector<16xf32>
    %swap3A_524 = vector.shape_cast %div3A_520 : vector<16xf32> to vector<16xf32>
    tpu.vector_store %arg10[%swap3A_521], %swap3A_524 {strides = array<i32>} : memref<240xf32, #tpu.memory_space<vmem>>, vector<16xf32>,
    %div3A_525 = arith.divf %mul3A_506, %add3A_509 : vector<16xf32>
    %swap3A_526 = arith.constant 64 : index
    %swap3A_527 = tpu.vector_load %arg11[%swap3A_526] {strides = array<i32>} : memref<240xf32, #tpu.memory_space<vmem>>, vector<16xf32>,
    %swap3A_528 = vector.shape_cast %swap3A_527 : vector<16xf32> to vector<16xf32>
    %swap3A_529 = vector.shape_cast %div3A_525 : vector<16xf32> to vector<16xf32>
    tpu.vector_store %arg11[%swap3A_526], %swap3A_529 {strides = array<i32>} : memref<240xf32, #tpu.memory_space<vmem>>, vector<16xf32>,
    %get3A_530 = arith.constant 80 : index
    %get3A_531 = tpu.vector_load %arg4[%get3A_530] {strides = array<i32>} : memref<240xf32, #tpu.memory_space<vmem>>, vector<16xf32>,
    %get3A_532 = vector.shape_cast %get3A_531 : vector<16xf32> to vector<16xf32>
    %get3A_533 = arith.constant 80 : index
    %get3A_534 = tpu.vector_load %arg5[%get3A_533] {strides = array<i32>} : memref<240xf32, #tpu.memory_space<vmem>>, vector<16xf32>,
    %get3A_535 = vector.shape_cast %get3A_534 : vector<16xf32> to vector<16xf32>
    %get3A_536 = arith.constant 80 : index
    %get3A_537 = tpu.vector_load %arg6[%get3A_536] {strides = array<i32>} : memref<240xf32, #tpu.memory_space<vmem>>, vector<16xf32>,
    %get3A_538 = vector.shape_cast %get3A_537 : vector<16xf32> to vector<16xf32>
    %get3A_539 = arith.constant 80 : index
    %get3A_540 = tpu.vector_load %arg7[%get3A_539] {strides = array<i32>} : memref<240xf32, #tpu.memory_space<vmem>>, vector<16xf32>,
    %get3A_541 = vector.shape_cast %get3A_540 : vector<16xf32> to vector<16xf32>
    %max3A_542 = arith.maximumf %get3A_532, %get3A_535 : vector<16xf32>
    %max3A_543 = arith.maximumf %get3A_538, %get3A_541 : vector<16xf32>
    %max3A_544 = arith.maximumf %max3A_542, %max3A_543 : vector<16xf32>
    %broadcast_in_dim3A_545 = arith.constant 1.000000e+00 : f32
    %broadcast_in_dim3A_546 = vector.broadcast %broadcast_in_dim3A_545 : f32 to vector<16xf32>
    %broadcast_in_dim3A_547 = arith.constant 0.000000e+00 : f32
    %broadcast_in_dim3A_548 = vector.broadcast %broadcast_in_dim3A_547 : f32 to vector<16xf32>
    %gt3A_549 = arith.cmpf ogt, %get3A_535, %get3A_532 : vector<16xf32>
    %select_n3A_550 = arith.select %gt3A_549, %broadcast_in_dim3A_546, %broadcast_in_dim3A_548 : vector<16xi1>, vector<16xf32>
    %add3A_551 = arith.addf %broadcast_in_dim3A_548, %select_n3A_550 : vector<16xf32>
    %gt3A_552 = arith.cmpf ogt, %get3A_538, %get3A_532 : vector<16xf32>
    %select_n3A_553 = arith.select %gt3A_552, %broadcast_in_dim3A_546, %broadcast_in_dim3A_548 : vector<16xi1>, vector<16xf32>
    %add3A_554 = arith.addf %add3A_551, %select_n3A_553 : vector<16xf32>
    %gt3A_555 = arith.cmpf ogt, %get3A_541, %get3A_532 : vector<16xf32>
    %select_n3A_556 = arith.select %gt3A_555, %broadcast_in_dim3A_546, %broadcast_in_dim3A_548 : vector<16xi1>, vector<16xf32>
    %add3A_557 = arith.addf %add3A_554, %select_n3A_556 : vector<16xf32>
    %lt3A_558 = arith.constant 2.000000e+00 : f32
    %lt3A_559 = vector.broadcast %lt3A_558 : f32 to vector<16xf32>
    %lt3A_560 = arith.cmpf olt, %add3A_557, %lt3A_559 : vector<16xf32>
    %select_n3A_561 = arith.select %lt3A_560, %broadcast_in_dim3A_546, %broadcast_in_dim3A_548 : vector<16xi1>, vector<16xf32>
    %sub3A_562 = arith.subf %get3A_532, %max3A_544 : vector<16xf32>
    %exp3A_563 = math.exp %sub3A_562 : vector<16xf32>
    %mul3A_564 = arith.mulf %select_n3A_561, %exp3A_563 : vector<16xf32>
    %ge3A_565 = arith.cmpf oge, %get3A_532, %get3A_535 : vector<16xf32>
    %select_n3A_566 = arith.select %ge3A_565, %broadcast_in_dim3A_546, %broadcast_in_dim3A_548 : vector<16xi1>, vector<16xf32>
    %add3A_567 = arith.addf %broadcast_in_dim3A_548, %select_n3A_566 : vector<16xf32>
    %gt3A_568 = arith.cmpf ogt, %get3A_538, %get3A_535 : vector<16xf32>
    %select_n3A_569 = arith.select %gt3A_568, %broadcast_in_dim3A_546, %broadcast_in_dim3A_548 : vector<16xi1>, vector<16xf32>
    %add3A_570 = arith.addf %add3A_567, %select_n3A_569 : vector<16xf32>
    %gt3A_571 = arith.cmpf ogt, %get3A_541, %get3A_535 : vector<16xf32>
    %select_n3A_572 = arith.select %gt3A_571, %broadcast_in_dim3A_546, %broadcast_in_dim3A_548 : vector<16xi1>, vector<16xf32>
    %add3A_573 = arith.addf %add3A_570, %select_n3A_572 : vector<16xf32>
    %lt3A_574 = arith.constant 2.000000e+00 : f32
    %lt3A_575 = vector.broadcast %lt3A_574 : f32 to vector<16xf32>
    %lt3A_576 = arith.cmpf olt, %add3A_573, %lt3A_575 : vector<16xf32>
    %select_n3A_577 = arith.select %lt3A_576, %broadcast_in_dim3A_546, %broadcast_in_dim3A_548 : vector<16xi1>, vector<16xf32>
    %sub3A_578 = arith.subf %get3A_535, %max3A_544 : vector<16xf32>
    %exp3A_579 = math.exp %sub3A_578 : vector<16xf32>
    %mul3A_580 = arith.mulf %select_n3A_577, %exp3A_579 : vector<16xf32>
    %ge3A_581 = arith.cmpf oge, %get3A_532, %get3A_538 : vector<16xf32>
    %select_n3A_582 = arith.select %ge3A_581, %broadcast_in_dim3A_546, %broadcast_in_dim3A_548 : vector<16xi1>, vector<16xf32>
    %add3A_583 = arith.addf %broadcast_in_dim3A_548, %select_n3A_582 : vector<16xf32>
    %ge3A_584 = arith.cmpf oge, %get3A_535, %get3A_538 : vector<16xf32>
    %select_n3A_585 = arith.select %ge3A_584, %broadcast_in_dim3A_546, %broadcast_in_dim3A_548 : vector<16xi1>, vector<16xf32>
    %add3A_586 = arith.addf %add3A_583, %select_n3A_585 : vector<16xf32>
    %gt3A_587 = arith.cmpf ogt, %get3A_541, %get3A_538 : vector<16xf32>
    %select_n3A_588 = arith.select %gt3A_587, %broadcast_in_dim3A_546, %broadcast_in_dim3A_548 : vector<16xi1>, vector<16xf32>
    %add3A_589 = arith.addf %add3A_586, %select_n3A_588 : vector<16xf32>
    %lt3A_590 = arith.constant 2.000000e+00 : f32
    %lt3A_591 = vector.broadcast %lt3A_590 : f32 to vector<16xf32>
    %lt3A_592 = arith.cmpf olt, %add3A_589, %lt3A_591 : vector<16xf32>
    %select_n3A_593 = arith.select %lt3A_592, %broadcast_in_dim3A_546, %broadcast_in_dim3A_548 : vector<16xi1>, vector<16xf32>
    %sub3A_594 = arith.subf %get3A_538, %max3A_544 : vector<16xf32>
    %exp3A_595 = math.exp %sub3A_594 : vector<16xf32>
    %mul3A_596 = arith.mulf %select_n3A_593, %exp3A_595 : vector<16xf32>
    %ge3A_597 = arith.cmpf oge, %get3A_532, %get3A_541 : vector<16xf32>
    %select_n3A_598 = arith.select %ge3A_597, %broadcast_in_dim3A_546, %broadcast_in_dim3A_548 : vector<16xi1>, vector<16xf32>
    %add3A_599 = arith.addf %broadcast_in_dim3A_548, %select_n3A_598 : vector<16xf32>
    %ge3A_600 = arith.cmpf oge, %get3A_535, %get3A_541 : vector<16xf32>
    %select_n3A_601 = arith.select %ge3A_600, %broadcast_in_dim3A_546, %broadcast_in_dim3A_548 : vector<16xi1>, vector<16xf32>
    %add3A_602 = arith.addf %add3A_599, %select_n3A_601 : vector<16xf32>
    %ge3A_603 = arith.cmpf oge, %get3A_538, %get3A_541 : vector<16xf32>
    %select_n3A_604 = arith.select %ge3A_603, %broadcast_in_dim3A_546, %broadcast_in_dim3A_548 : vector<16xi1>, vector<16xf32>
    %add3A_605 = arith.addf %add3A_602, %select_n3A_604 : vector<16xf32>
    %lt3A_606 = arith.constant 2.000000e+00 : f32
    %lt3A_607 = vector.broadcast %lt3A_606 : f32 to vector<16xf32>
    %lt3A_608 = arith.cmpf olt, %add3A_605, %lt3A_607 : vector<16xf32>
    %select_n3A_609 = arith.select %lt3A_608, %broadcast_in_dim3A_546, %broadcast_in_dim3A_548 : vector<16xi1>, vector<16xf32>
    %sub3A_610 = arith.subf %get3A_541, %max3A_544 : vector<16xf32>
    %exp3A_611 = math.exp %sub3A_610 : vector<16xf32>
    %mul3A_612 = arith.mulf %select_n3A_609, %exp3A_611 : vector<16xf32>
    %add3A_613 = arith.addf %mul3A_564, %mul3A_580 : vector<16xf32>
    %add3A_614 = arith.addf %add3A_613, %mul3A_596 : vector<16xf32>
    %add3A_615 = arith.addf %add3A_614, %mul3A_612 : vector<16xf32>
    %div3A_616 = arith.divf %mul3A_564, %add3A_615 : vector<16xf32>
    %swap3A_617 = arith.constant 80 : index
    %swap3A_618 = tpu.vector_load %arg8[%swap3A_617] {strides = array<i32>} : memref<240xf32, #tpu.memory_space<vmem>>, vector<16xf32>,
    %swap3A_619 = vector.shape_cast %swap3A_618 : vector<16xf32> to vector<16xf32>
    %swap3A_620 = vector.shape_cast %div3A_616 : vector<16xf32> to vector<16xf32>
    tpu.vector_store %arg8[%swap3A_617], %swap3A_620 {strides = array<i32>} : memref<240xf32, #tpu.memory_space<vmem>>, vector<16xf32>,
    %div3A_621 = arith.divf %mul3A_580, %add3A_615 : vector<16xf32>
    %swap3A_622 = arith.constant 80 : index
    %swap3A_623 = tpu.vector_load %arg9[%swap3A_622] {strides = array<i32>} : memref<240xf32, #tpu.memory_space<vmem>>, vector<16xf32>,
    %swap3A_624 = vector.shape_cast %swap3A_623 : vector<16xf32> to vector<16xf32>
    %swap3A_625 = vector.shape_cast %div3A_621 : vector<16xf32> to vector<16xf32>
    tpu.vector_store %arg9[%swap3A_622], %swap3A_625 {strides = array<i32>} : memref<240xf32, #tpu.memory_space<vmem>>, vector<16xf32>,
    %div3A_626 = arith.divf %mul3A_596, %add3A_615 : vector<16xf32>
    %swap3A_627 = arith.constant 80 : index
    %swap3A_628 = tpu.vector_load %arg10[%swap3A_627] {strides = array<i32>} : memref<240xf32, #tpu.memory_space<vmem>>, vector<16xf32>,
    %swap3A_629 = vector.shape_cast %swap3A_628 : vector<16xf32> to vector<16xf32>
    %swap3A_630 = vector.shape_cast %div3A_626 : vector<16xf32> to vector<16xf32>
    tpu.vector_store %arg10[%swap3A_627], %swap3A_630 {strides = array<i32>} : memref<240xf32, #tpu.memory_space<vmem>>, vector<16xf32>,
    %div3A_631 = arith.divf %mul3A_612, %add3A_615 : vector<16xf32>
    %swap3A_632 = arith.constant 80 : index
    %swap3A_633 = tpu.vector_load %arg11[%swap3A_632] {strides = array<i32>} : memref<240xf32, #tpu.memory_space<vmem>>, vector<16xf32>,
    %swap3A_634 = vector.shape_cast %swap3A_633 : vector<16xf32> to vector<16xf32>
    %swap3A_635 = vector.shape_cast %div3A_631 : vector<16xf32> to vector<16xf32>
    tpu.vector_store %arg11[%swap3A_632], %swap3A_635 {strides = array<i32>} : memref<240xf32, #tpu.memory_space<vmem>>, vector<16xf32>,
    %get3A_636 = arith.constant 96 : index
    %get3A_637 = tpu.vector_load %arg4[%get3A_636] {strides = array<i32>} : memref<240xf32, #tpu.memory_space<vmem>>, vector<16xf32>,
    %get3A_638 = vector.shape_cast %get3A_637 : vector<16xf32> to vector<16xf32>
    %get3A_639 = arith.constant 96 : index
    %get3A_640 = tpu.vector_load %arg5[%get3A_639] {strides = array<i32>} : memref<240xf32, #tpu.memory_space<vmem>>, vector<16xf32>,
    %get3A_641 = vector.shape_cast %get3A_640 : vector<16xf32> to vector<16xf32>
    %get3A_642 = arith.constant 96 : index
    %get3A_643 = tpu.vector_load %arg6[%get3A_642] {strides = array<i32>} : memref<240xf32, #tpu.memory_space<vmem>>, vector<16xf32>,
    %get3A_644 = vector.shape_cast %get3A_643 : vector<16xf32> to vector<16xf32>
    %get3A_645 = arith.constant 96 : index
    %get3A_646 = tpu.vector_load %arg7[%get3A_645] {strides = array<i32>} : memref<240xf32, #tpu.memory_space<vmem>>, vector<16xf32>,
    %get3A_647 = vector.shape_cast %get3A_646 : vector<16xf32> to vector<16xf32>
    %max3A_648 = arith.maximumf %get3A_638, %get3A_641 : vector<16xf32>
    %max3A_649 = arith.maximumf %get3A_644, %get3A_647 : vector<16xf32>
    %max3A_650 = arith.maximumf %max3A_648, %max3A_649 : vector<16xf32>
    %broadcast_in_dim3A_651 = arith.constant 1.000000e+00 : f32
    %broadcast_in_dim3A_652 = vector.broadcast %broadcast_in_dim3A_651 : f32 to vector<16xf32>
    %broadcast_in_dim3A_653 = arith.constant 0.000000e+00 : f32
    %broadcast_in_dim3A_654 = vector.broadcast %broadcast_in_dim3A_653 : f32 to vector<16xf32>
    %gt3A_655 = arith.cmpf ogt, %get3A_641, %get3A_638 : vector<16xf32>
    %select_n3A_656 = arith.select %gt3A_655, %broadcast_in_dim3A_652, %broadcast_in_dim3A_654 : vector<16xi1>, vector<16xf32>
    %add3A_657 = arith.addf %broadcast_in_dim3A_654, %select_n3A_656 : vector<16xf32>
    %gt3A_658 = arith.cmpf ogt, %get3A_644, %get3A_638 : vector<16xf32>
    %select_n3A_659 = arith.select %gt3A_658, %broadcast_in_dim3A_652, %broadcast_in_dim3A_654 : vector<16xi1>, vector<16xf32>
    %add3A_660 = arith.addf %add3A_657, %select_n3A_659 : vector<16xf32>
    %gt3A_661 = arith.cmpf ogt, %get3A_647, %get3A_638 : vector<16xf32>
    %select_n3A_662 = arith.select %gt3A_661, %broadcast_in_dim3A_652, %broadcast_in_dim3A_654 : vector<16xi1>, vector<16xf32>
    %add3A_663 = arith.addf %add3A_660, %select_n3A_662 : vector<16xf32>
    %lt3A_664 = arith.constant 2.000000e+00 : f32
    %lt3A_665 = vector.broadcast %lt3A_664 : f32 to vector<16xf32>
    %lt3A_666 = arith.cmpf olt, %add3A_663, %lt3A_665 : vector<16xf32>
    %select_n3A_667 = arith.select %lt3A_666, %broadcast_in_dim3A_652, %broadcast_in_dim3A_654 : vector<16xi1>, vector<16xf32>
    %sub3A_668 = arith.subf %get3A_638, %max3A_650 : vector<16xf32>
    %exp3A_669 = math.exp %sub3A_668 : vector<16xf32>
    %mul3A_670 = arith.mulf %select_n3A_667, %exp3A_669 : vector<16xf32>
    %ge3A_671 = arith.cmpf oge, %get3A_638, %get3A_641 : vector<16xf32>
    %select_n3A_672 = arith.select %ge3A_671, %broadcast_in_dim3A_652, %broadcast_in_dim3A_654 : vector<16xi1>, vector<16xf32>
    %add3A_673 = arith.addf %broadcast_in_dim3A_654, %select_n3A_672 : vector<16xf32>
    %gt3A_674 = arith.cmpf ogt, %get3A_644, %get3A_641 : vector<16xf32>
    %select_n3A_675 = arith.select %gt3A_674, %broadcast_in_dim3A_652, %broadcast_in_dim3A_654 : vector<16xi1>, vector<16xf32>
    %add3A_676 = arith.addf %add3A_673, %select_n3A_675 : vector<16xf32>
    %gt3A_677 = arith.cmpf ogt, %get3A_647, %get3A_641 : vector<16xf32>
    %select_n3A_678 = arith.select %gt3A_677, %broadcast_in_dim3A_652, %broadcast_in_dim3A_654 : vector<16xi1>, vector<16xf32>
    %add3A_679 = arith.addf %add3A_676, %select_n3A_678 : vector<16xf32>
    %lt3A_680 = arith.constant 2.000000e+00 : f32
    %lt3A_681 = vector.broadcast %lt3A_680 : f32 to vector<16xf32>
    %lt3A_682 = arith.cmpf olt, %add3A_679, %lt3A_681 : vector<16xf32>
    %select_n3A_683 = arith.select %lt3A_682, %broadcast_in_dim3A_652, %broadcast_in_dim3A_654 : vector<16xi1>, vector<16xf32>
    %sub3A_684 = arith.subf %get3A_641, %max3A_650 : vector<16xf32>
    %exp3A_685 = math.exp %sub3A_684 : vector<16xf32>
    %mul3A_686 = arith.mulf %select_n3A_683, %exp3A_685 : vector<16xf32>
    %ge3A_687 = arith.cmpf oge, %get3A_638, %get3A_644 : vector<16xf32>
    %select_n3A_688 = arith.select %ge3A_687, %broadcast_in_dim3A_652, %broadcast_in_dim3A_654 : vector<16xi1>, vector<16xf32>
    %add3A_689 = arith.addf %broadcast_in_dim3A_654, %select_n3A_688 : vector<16xf32>
    %ge3A_690 = arith.cmpf oge, %get3A_641, %get3A_644 : vector<16xf32>
    %select_n3A_691 = arith.select %ge3A_690, %broadcast_in_dim3A_652, %broadcast_in_dim3A_654 : vector<16xi1>, vector<16xf32>
    %add3A_692 = arith.addf %add3A_689, %select_n3A_691 : vector<16xf32>
    %gt3A_693 = arith.cmpf ogt, %get3A_647, %get3A_644 : vector<16xf32>
    %select_n3A_694 = arith.select %gt3A_693, %broadcast_in_dim3A_652, %broadcast_in_dim3A_654 : vector<16xi1>, vector<16xf32>
    %add3A_695 = arith.addf %add3A_692, %select_n3A_694 : vector<16xf32>
    %lt3A_696 = arith.constant 2.000000e+00 : f32
    %lt3A_697 = vector.broadcast %lt3A_696 : f32 to vector<16xf32>
    %lt3A_698 = arith.cmpf olt, %add3A_695, %lt3A_697 : vector<16xf32>
    %select_n3A_699 = arith.select %lt3A_698, %broadcast_in_dim3A_652, %broadcast_in_dim3A_654 : vector<16xi1>, vector<16xf32>
    %sub3A_700 = arith.subf %get3A_644, %max3A_650 : vector<16xf32>
    %exp3A_701 = math.exp %sub3A_700 : vector<16xf32>
    %mul3A_702 = arith.mulf %select_n3A_699, %exp3A_701 : vector<16xf32>
    %ge3A_703 = arith.cmpf oge, %get3A_638, %get3A_647 : vector<16xf32>
    %select_n3A_704 = arith.select %ge3A_703, %broadcast_in_dim3A_652, %broadcast_in_dim3A_654 : vector<16xi1>, vector<16xf32>
    %add3A_705 = arith.addf %broadcast_in_dim3A_654, %select_n3A_704 : vector<16xf32>
    %ge3A_706 = arith.cmpf oge, %get3A_641, %get3A_647 : vector<16xf32>
    %select_n3A_707 = arith.select %ge3A_706, %broadcast_in_dim3A_652, %broadcast_in_dim3A_654 : vector<16xi1>, vector<16xf32>
    %add3A_708 = arith.addf %add3A_705, %select_n3A_707 : vector<16xf32>
    %ge3A_709 = arith.cmpf oge, %get3A_644, %get3A_647 : vector<16xf32>
    %select_n3A_710 = arith.select %ge3A_709, %broadcast_in_dim3A_652, %broadcast_in_dim3A_654 : vector<16xi1>, vector<16xf32>
    %add3A_711 = arith.addf %add3A_708, %select_n3A_710 : vector<16xf32>
    %lt3A_712 = arith.constant 2.000000e+00 : f32
    %lt3A_713 = vector.broadcast %lt3A_712 : f32 to vector<16xf32>
    %lt3A_714 = arith.cmpf olt, %add3A_711, %lt3A_713 : vector<16xf32>
    %select_n3A_715 = arith.select %lt3A_714, %broadcast_in_dim3A_652, %broadcast_in_dim3A_654 : vector<16xi1>, vector<16xf32>
    %sub3A_716 = arith.subf %get3A_647, %max3A_650 : vector<16xf32>
    %exp3A_717 = math.exp %sub3A_716 : vector<16xf32>
    %mul3A_718 = arith.mulf %select_n3A_715, %exp3A_717 : vector<16xf32>
    %add3A_719 = arith.addf %mul3A_670, %mul3A_686 : vector<16xf32>
    %add3A_720 = arith.addf %add3A_719, %mul3A_702 : vector<16xf32>
    %add3A_721 = arith.addf %add3A_720, %mul3A_718 : vector<16xf32>
    %div3A_722 = arith.divf %mul3A_670, %add3A_721 : vector<16xf32>
    %swap3A_723 = arith.constant 96 : index
    %swap3A_724 = tpu.vector_load %arg8[%swap3A_723] {strides = array<i32>} : memref<240xf32, #tpu.memory_space<vmem>>, vector<16xf32>,
    %swap3A_725 = vector.shape_cast %swap3A_724 : vector<16xf32> to vector<16xf32>
    %swap3A_726 = vector.shape_cast %div3A_722 : vector<16xf32> to vector<16xf32>
    tpu.vector_store %arg8[%swap3A_723], %swap3A_726 {strides = array<i32>} : memref<240xf32, #tpu.memory_space<vmem>>, vector<16xf32>,
    %div3A_727 = arith.divf %mul3A_686, %add3A_721 : vector<16xf32>
    %swap3A_728 = arith.constant 96 : index
    %swap3A_729 = tpu.vector_load %arg9[%swap3A_728] {strides = array<i32>} : memref<240xf32, #tpu.memory_space<vmem>>, vector<16xf32>,
    %swap3A_730 = vector.shape_cast %swap3A_729 : vector<16xf32> to vector<16xf32>
    %swap3A_731 = vector.shape_cast %div3A_727 : vector<16xf32> to vector<16xf32>
    tpu.vector_store %arg9[%swap3A_728], %swap3A_731 {strides = array<i32>} : memref<240xf32, #tpu.memory_space<vmem>>, vector<16xf32>,
    %div3A_732 = arith.divf %mul3A_702, %add3A_721 : vector<16xf32>
    %swap3A_733 = arith.constant 96 : index
    %swap3A_734 = tpu.vector_load %arg10[%swap3A_733] {strides = array<i32>} : memref<240xf32, #tpu.memory_space<vmem>>, vector<16xf32>,
    %swap3A_735 = vector.shape_cast %swap3A_734 : vector<16xf32> to vector<16xf32>
    %swap3A_736 = vector.shape_cast %div3A_732 : vector<16xf32> to vector<16xf32>
    tpu.vector_store %arg10[%swap3A_733], %swap3A_736 {strides = array<i32>} : memref<240xf32, #tpu.memory_space<vmem>>, vector<16xf32>,
    %div3A_737 = arith.divf %mul3A_718, %add3A_721 : vector<16xf32>
    %swap3A_738 = arith.constant 96 : index
    %swap3A_739 = tpu.vector_load %arg11[%swap3A_738] {strides = array<i32>} : memref<240xf32, #tpu.memory_space<vmem>>, vector<16xf32>,
    %swap3A_740 = vector.shape_cast %swap3A_739 : vector<16xf32> to vector<16xf32>
    %swap3A_741 = vector.shape_cast %div3A_737 : vector<16xf32> to vector<16xf32>
    tpu.vector_store %arg11[%swap3A_738], %swap3A_741 {strides = array<i32>} : memref<240xf32, #tpu.memory_space<vmem>>, vector<16xf32>,
    %get3A_742 = arith.constant 112 : index
    %get3A_743 = tpu.vector_load %arg4[%get3A_742] {strides = array<i32>} : memref<240xf32, #tpu.memory_space<vmem>>, vector<16xf32>,
    %get3A_744 = vector.shape_cast %get3A_743 : vector<16xf32> to vector<16xf32>
    %get3A_745 = arith.constant 112 : index
    %get3A_746 = tpu.vector_load %arg5[%get3A_745] {strides = array<i32>} : memref<240xf32, #tpu.memory_space<vmem>>, vector<16xf32>,
    %get3A_747 = vector.shape_cast %get3A_746 : vector<16xf32> to vector<16xf32>
    %get3A_748 = arith.constant 112 : index
    %get3A_749 = tpu.vector_load %arg6[%get3A_748] {strides = array<i32>} : memref<240xf32, #tpu.memory_space<vmem>>, vector<16xf32>,
    %get3A_750 = vector.shape_cast %get3A_749 : vector<16xf32> to vector<16xf32>
    %get3A_751 = arith.constant 112 : index
    %get3A_752 = tpu.vector_load %arg7[%get3A_751] {strides = array<i32>} : memref<240xf32, #tpu.memory_space<vmem>>, vector<16xf32>,
    %get3A_753 = vector.shape_cast %get3A_752 : vector<16xf32> to vector<16xf32>
    %max3A_754 = arith.maximumf %get3A_744, %get3A_747 : vector<16xf32>
    %max3A_755 = arith.maximumf %get3A_750, %get3A_753 : vector<16xf32>
    %max3A_756 = arith.maximumf %max3A_754, %max3A_755 : vector<16xf32>
    %broadcast_in_dim3A_757 = arith.constant 1.000000e+00 : f32
    %broadcast_in_dim3A_758 = vector.broadcast %broadcast_in_dim3A_757 : f32 to vector<16xf32>
    %broadcast_in_dim3A_759 = arith.constant 0.000000e+00 : f32
    %broadcast_in_dim3A_760 = vector.broadcast %broadcast_in_dim3A_759 : f32 to vector<16xf32>
    %gt3A_761 = arith.cmpf ogt, %get3A_747, %get3A_744 : vector<16xf32>
    %select_n3A_762 = arith.select %gt3A_761, %broadcast_in_dim3A_758, %broadcast_in_dim3A_760 : vector<16xi1>, vector<16xf32>
    %add3A_763 = arith.addf %broadcast_in_dim3A_760, %select_n3A_762 : vector<16xf32>
    %gt3A_764 = arith.cmpf ogt, %get3A_750, %get3A_744 : vector<16xf32>
    %select_n3A_765 = arith.select %gt3A_764, %broadcast_in_dim3A_758, %broadcast_in_dim3A_760 : vector<16xi1>, vector<16xf32>
    %add3A_766 = arith.addf %add3A_763, %select_n3A_765 : vector<16xf32>
    %gt3A_767 = arith.cmpf ogt, %get3A_753, %get3A_744 : vector<16xf32>
    %select_n3A_768 = arith.select %gt3A_767, %broadcast_in_dim3A_758, %broadcast_in_dim3A_760 : vector<16xi1>, vector<16xf32>
    %add3A_769 = arith.addf %add3A_766, %select_n3A_768 : vector<16xf32>
    %lt3A_770 = arith.constant 2.000000e+00 : f32
    %lt3A_771 = vector.broadcast %lt3A_770 : f32 to vector<16xf32>
    %lt3A_772 = arith.cmpf olt, %add3A_769, %lt3A_771 : vector<16xf32>
    %select_n3A_773 = arith.select %lt3A_772, %broadcast_in_dim3A_758, %broadcast_in_dim3A_760 : vector<16xi1>, vector<16xf32>
    %sub3A_774 = arith.subf %get3A_744, %max3A_756 : vector<16xf32>
    %exp3A_775 = math.exp %sub3A_774 : vector<16xf32>
    %mul3A_776 = arith.mulf %select_n3A_773, %exp3A_775 : vector<16xf32>
    %ge3A_777 = arith.cmpf oge, %get3A_744, %get3A_747 : vector<16xf32>
    %select_n3A_778 = arith.select %ge3A_777, %broadcast_in_dim3A_758, %broadcast_in_dim3A_760 : vector<16xi1>, vector<16xf32>
    %add3A_779 = arith.addf %broadcast_in_dim3A_760, %select_n3A_778 : vector<16xf32>
    %gt3A_780 = arith.cmpf ogt, %get3A_750, %get3A_747 : vector<16xf32>
    %select_n3A_781 = arith.select %gt3A_780, %broadcast_in_dim3A_758, %broadcast_in_dim3A_760 : vector<16xi1>, vector<16xf32>
    %add3A_782 = arith.addf %add3A_779, %select_n3A_781 : vector<16xf32>
    %gt3A_783 = arith.cmpf ogt, %get3A_753, %get3A_747 : vector<16xf32>
    %select_n3A_784 = arith.select %gt3A_783, %broadcast_in_dim3A_758, %broadcast_in_dim3A_760 : vector<16xi1>, vector<16xf32>
    %add3A_785 = arith.addf %add3A_782, %select_n3A_784 : vector<16xf32>
    %lt3A_786 = arith.constant 2.000000e+00 : f32
    %lt3A_787 = vector.broadcast %lt3A_786 : f32 to vector<16xf32>
    %lt3A_788 = arith.cmpf olt, %add3A_785, %lt3A_787 : vector<16xf32>
    %select_n3A_789 = arith.select %lt3A_788, %broadcast_in_dim3A_758, %broadcast_in_dim3A_760 : vector<16xi1>, vector<16xf32>
    %sub3A_790 = arith.subf %get3A_747, %max3A_756 : vector<16xf32>
    %exp3A_791 = math.exp %sub3A_790 : vector<16xf32>
    %mul3A_792 = arith.mulf %select_n3A_789, %exp3A_791 : vector<16xf32>
    %ge3A_793 = arith.cmpf oge, %get3A_744, %get3A_750 : vector<16xf32>
    %select_n3A_794 = arith.select %ge3A_793, %broadcast_in_dim3A_758, %broadcast_in_dim3A_760 : vector<16xi1>, vector<16xf32>
    %add3A_795 = arith.addf %broadcast_in_dim3A_760, %select_n3A_794 : vector<16xf32>
    %ge3A_796 = arith.cmpf oge, %get3A_747, %get3A_750 : vector<16xf32>
    %select_n3A_797 = arith.select %ge3A_796, %broadcast_in_dim3A_758, %broadcast_in_dim3A_760 : vector<16xi1>, vector<16xf32>
    %add3A_798 = arith.addf %add3A_795, %select_n3A_797 : vector<16xf32>
    %gt3A_799 = arith.cmpf ogt, %get3A_753, %get3A_750 : vector<16xf32>
    %select_n3A_800 = arith.select %gt3A_799, %broadcast_in_dim3A_758, %broadcast_in_dim3A_760 : vector<16xi1>, vector<16xf32>
    %add3A_801 = arith.addf %add3A_798, %select_n3A_800 : vector<16xf32>
    %lt3A_802 = arith.constant 2.000000e+00 : f32
    %lt3A_803 = vector.broadcast %lt3A_802 : f32 to vector<16xf32>
    %lt3A_804 = arith.cmpf olt, %add3A_801, %lt3A_803 : vector<16xf32>
    %select_n3A_805 = arith.select %lt3A_804, %broadcast_in_dim3A_758, %broadcast_in_dim3A_760 : vector<16xi1>, vector<16xf32>
    %sub3A_806 = arith.subf %get3A_750, %max3A_756 : vector<16xf32>
    %exp3A_807 = math.exp %sub3A_806 : vector<16xf32>
    %mul3A_808 = arith.mulf %select_n3A_805, %exp3A_807 : vector<16xf32>
    %ge3A_809 = arith.cmpf oge, %get3A_744, %get3A_753 : vector<16xf32>
    %select_n3A_810 = arith.select %ge3A_809, %broadcast_in_dim3A_758, %broadcast_in_dim3A_760 : vector<16xi1>, vector<16xf32>
    %add3A_811 = arith.addf %broadcast_in_dim3A_760, %select_n3A_810 : vector<16xf32>
    %ge3A_812 = arith.cmpf oge, %get3A_747, %get3A_753 : vector<16xf32>
    %select_n3A_813 = arith.select %ge3A_812, %broadcast_in_dim3A_758, %broadcast_in_dim3A_760 : vector<16xi1>, vector<16xf32>
    %add3A_814 = arith.addf %add3A_811, %select_n3A_813 : vector<16xf32>
    %ge3A_815 = arith.cmpf oge, %get3A_750, %get3A_753 : vector<16xf32>
    %select_n3A_816 = arith.select %ge3A_815, %broadcast_in_dim3A_758, %broadcast_in_dim3A_760 : vector<16xi1>, vector<16xf32>
    %add3A_817 = arith.addf %add3A_814, %select_n3A_816 : vector<16xf32>
    %lt3A_818 = arith.constant 2.000000e+00 : f32
    %lt3A_819 = vector.broadcast %lt3A_818 : f32 to vector<16xf32>
    %lt3A_820 = arith.cmpf olt, %add3A_817, %lt3A_819 : vector<16xf32>
    %select_n3A_821 = arith.select %lt3A_820, %broadcast_in_dim3A_758, %broadcast_in_dim3A_760 : vector<16xi1>, vector<16xf32>
    %sub3A_822 = arith.subf %get3A_753, %max3A_756 : vector<16xf32>
    %exp3A_823 = math.exp %sub3A_822 : vector<16xf32>
    %mul3A_824 = arith.mulf %select_n3A_821, %exp3A_823 : vector<16xf32>
    %add3A_825 = arith.addf %mul3A_776, %mul3A_792 : vector<16xf32>
    %add3A_826 = arith.addf %add3A_825, %mul3A_808 : vector<16xf32>
    %add3A_827 = arith.addf %add3A_826, %mul3A_824 : vector<16xf32>
    %div3A_828 = arith.divf %mul3A_776, %add3A_827 : vector<16xf32>
    %swap3A_829 = arith.constant 112 : index
    %swap3A_830 = tpu.vector_load %arg8[%swap3A_829] {strides = array<i32>} : memref<240xf32, #tpu.memory_space<vmem>>, vector<16xf32>,
    %swap3A_831 = vector.shape_cast %swap3A_830 : vector<16xf32> to vector<16xf32>
    %swap3A_832 = vector.shape_cast %div3A_828 : vector<16xf32> to vector<16xf32>
    tpu.vector_store %arg8[%swap3A_829], %swap3A_832 {strides = array<i32>} : memref<240xf32, #tpu.memory_space<vmem>>, vector<16xf32>,
    %div3A_833 = arith.divf %mul3A_792, %add3A_827 : vector<16xf32>
    %swap3A_834 = arith.constant 112 : index
    %swap3A_835 = tpu.vector_load %arg9[%swap3A_834] {strides = array<i32>} : memref<240xf32, #tpu.memory_space<vmem>>, vector<16xf32>,
    %swap3A_836 = vector.shape_cast %swap3A_835 : vector<16xf32> to vector<16xf32>
    %swap3A_837 = vector.shape_cast %div3A_833 : vector<16xf32> to vector<16xf32>
    tpu.vector_store %arg9[%swap3A_834], %swap3A_837 {strides = array<i32>} : memref<240xf32, #tpu.memory_space<vmem>>, vector<16xf32>,
    %div3A_838 = arith.divf %mul3A_808, %add3A_827 : vector<16xf32>
    %swap3A_839 = arith.constant 112 : index
    %swap3A_840 = tpu.vector_load %arg10[%swap3A_839] {strides = array<i32>} : memref<240xf32, #tpu.memory_space<vmem>>, vector<16xf32>,
    %swap3A_841 = vector.shape_cast %swap3A_840 : vector<16xf32> to vector<16xf32>
    %swap3A_842 = vector.shape_cast %div3A_838 : vector<16xf32> to vector<16xf32>
    tpu.vector_store %arg10[%swap3A_839], %swap3A_842 {strides = array<i32>} : memref<240xf32, #tpu.memory_space<vmem>>, vector<16xf32>,
    %div3A_843 = arith.divf %mul3A_824, %add3A_827 : vector<16xf32>
    %swap3A_844 = arith.constant 112 : index
    %swap3A_845 = tpu.vector_load %arg11[%swap3A_844] {strides = array<i32>} : memref<240xf32, #tpu.memory_space<vmem>>, vector<16xf32>,
    %swap3A_846 = vector.shape_cast %swap3A_845 : vector<16xf32> to vector<16xf32>
    %swap3A_847 = vector.shape_cast %div3A_843 : vector<16xf32> to vector<16xf32>
    tpu.vector_store %arg11[%swap3A_844], %swap3A_847 {strides = array<i32>} : memref<240xf32, #tpu.memory_space<vmem>>, vector<16xf32>,
    %get3A_848 = arith.constant 128 : index
    %get3A_849 = tpu.vector_load %arg4[%get3A_848] {strides = array<i32>} : memref<240xf32, #tpu.memory_space<vmem>>, vector<16xf32>,
    %get3A_850 = vector.shape_cast %get3A_849 : vector<16xf32> to vector<16xf32>
    %get3A_851 = arith.constant 128 : index
    %get3A_852 = tpu.vector_load %arg5[%get3A_851] {strides = array<i32>} : memref<240xf32, #tpu.memory_space<vmem>>, vector<16xf32>,
    %get3A_853 = vector.shape_cast %get3A_852 : vector<16xf32> to vector<16xf32>
    %get3A_854 = arith.constant 128 : index
    %get3A_855 = tpu.vector_load %arg6[%get3A_854] {strides = array<i32>} : memref<240xf32, #tpu.memory_space<vmem>>, vector<16xf32>,
    %get3A_856 = vector.shape_cast %get3A_855 : vector<16xf32> to vector<16xf32>
    %get3A_857 = arith.constant 128 : index
    %get3A_858 = tpu.vector_load %arg7[%get3A_857] {strides = array<i32>} : memref<240xf32, #tpu.memory_space<vmem>>, vector<16xf32>,
    %get3A_859 = vector.shape_cast %get3A_858 : vector<16xf32> to vector<16xf32>
    %max3A_860 = arith.maximumf %get3A_850, %get3A_853 : vector<16xf32>
    %max3A_861 = arith.maximumf %get3A_856, %get3A_859 : vector<16xf32>
    %max3A_862 = arith.maximumf %max3A_860, %max3A_861 : vector<16xf32>
    %broadcast_in_dim3A_863 = arith.constant 1.000000e+00 : f32
    %broadcast_in_dim3A_864 = vector.broadcast %broadcast_in_dim3A_863 : f32 to vector<16xf32>
    %broadcast_in_dim3A_865 = arith.constant 0.000000e+00 : f32
    %broadcast_in_dim3A_866 = vector.broadcast %broadcast_in_dim3A_865 : f32 to vector<16xf32>
    %gt3A_867 = arith.cmpf ogt, %get3A_853, %get3A_850 : vector<16xf32>
    %select_n3A_868 = arith.select %gt3A_867, %broadcast_in_dim3A_864, %broadcast_in_dim3A_866 : vector<16xi1>, vector<16xf32>
    %add3A_869 = arith.addf %broadcast_in_dim3A_866, %select_n3A_868 : vector<16xf32>
    %gt3A_870 = arith.cmpf ogt, %get3A_856, %get3A_850 : vector<16xf32>
    %select_n3A_871 = arith.select %gt3A_870, %broadcast_in_dim3A_864, %broadcast_in_dim3A_866 : vector<16xi1>, vector<16xf32>
    %add3A_872 = arith.addf %add3A_869, %select_n3A_871 : vector<16xf32>
    %gt3A_873 = arith.cmpf ogt, %get3A_859, %get3A_850 : vector<16xf32>
    %select_n3A_874 = arith.select %gt3A_873, %broadcast_in_dim3A_864, %broadcast_in_dim3A_866 : vector<16xi1>, vector<16xf32>
    %add3A_875 = arith.addf %add3A_872, %select_n3A_874 : vector<16xf32>
    %lt3A_876 = arith.constant 2.000000e+00 : f32
    %lt3A_877 = vector.broadcast %lt3A_876 : f32 to vector<16xf32>
    %lt3A_878 = arith.cmpf olt, %add3A_875, %lt3A_877 : vector<16xf32>
    %select_n3A_879 = arith.select %lt3A_878, %broadcast_in_dim3A_864, %broadcast_in_dim3A_866 : vector<16xi1>, vector<16xf32>
    %sub3A_880 = arith.subf %get3A_850, %max3A_862 : vector<16xf32>
    %exp3A_881 = math.exp %sub3A_880 : vector<16xf32>
    %mul3A_882 = arith.mulf %select_n3A_879, %exp3A_881 : vector<16xf32>
    %ge3A_883 = arith.cmpf oge, %get3A_850, %get3A_853 : vector<16xf32>
    %select_n3A_884 = arith.select %ge3A_883, %broadcast_in_dim3A_864, %broadcast_in_dim3A_866 : vector<16xi1>, vector<16xf32>
    %add3A_885 = arith.addf %broadcast_in_dim3A_866, %select_n3A_884 : vector<16xf32>
    %gt3A_886 = arith.cmpf ogt, %get3A_856, %get3A_853 : vector<16xf32>
    %select_n3A_887 = arith.select %gt3A_886, %broadcast_in_dim3A_864, %broadcast_in_dim3A_866 : vector<16xi1>, vector<16xf32>
    %add3A_888 = arith.addf %add3A_885, %select_n3A_887 : vector<16xf32>
    %gt3A_889 = arith.cmpf ogt, %get3A_859, %get3A_853 : vector<16xf32>
    %select_n3A_890 = arith.select %gt3A_889, %broadcast_in_dim3A_864, %broadcast_in_dim3A_866 : vector<16xi1>, vector<16xf32>
    %add3A_891 = arith.addf %add3A_888, %select_n3A_890 : vector<16xf32>
    %lt3A_892 = arith.constant 2.000000e+00 : f32
    %lt3A_893 = vector.broadcast %lt3A_892 : f32 to vector<16xf32>
    %lt3A_894 = arith.cmpf olt, %add3A_891, %lt3A_893 : vector<16xf32>
    %select_n3A_895 = arith.select %lt3A_894, %broadcast_in_dim3A_864, %broadcast_in_dim3A_866 : vector<16xi1>, vector<16xf32>
    %sub3A_896 = arith.subf %get3A_853, %max3A_862 : vector<16xf32>
    %exp3A_897 = math.exp %sub3A_896 : vector<16xf32>
    %mul3A_898 = arith.mulf %select_n3A_895, %exp3A_897 : vector<16xf32>
    %ge3A_899 = arith.cmpf oge, %get3A_850, %get3A_856 : vector<16xf32>
    %select_n3A_900 = arith.select %ge3A_899, %broadcast_in_dim3A_864, %broadcast_in_dim3A_866 : vector<16xi1>, vector<16xf32>
    %add3A_901 = arith.addf %broadcast_in_dim3A_866, %select_n3A_900 : vector<16xf32>
    %ge3A_902 = arith.cmpf oge, %get3A_853, %get3A_856 : vector<16xf32>
    %select_n3A_903 = arith.select %ge3A_902, %broadcast_in_dim3A_864, %broadcast_in_dim3A_866 : vector<16xi1>, vector<16xf32>
    %add3A_904 = arith.addf %add3A_901, %select_n3A_903 : vector<16xf32>
    %gt3A_905 = arith.cmpf ogt, %get3A_859, %get3A_856 : vector<16xf32>
    %select_n3A_906 = arith.select %gt3A_905, %broadcast_in_dim3A_864, %broadcast_in_dim3A_866 : vector<16xi1>, vector<16xf32>
    %add3A_907 = arith.addf %add3A_904, %select_n3A_906 : vector<16xf32>
    %lt3A_908 = arith.constant 2.000000e+00 : f32
    %lt3A_909 = vector.broadcast %lt3A_908 : f32 to vector<16xf32>
    %lt3A_910 = arith.cmpf olt, %add3A_907, %lt3A_909 : vector<16xf32>
    %select_n3A_911 = arith.select %lt3A_910, %broadcast_in_dim3A_864, %broadcast_in_dim3A_866 : vector<16xi1>, vector<16xf32>
    %sub3A_912 = arith.subf %get3A_856, %max3A_862 : vector<16xf32>
    %exp3A_913 = math.exp %sub3A_912 : vector<16xf32>
    %mul3A_914 = arith.mulf %select_n3A_911, %exp3A_913 : vector<16xf32>
    %ge3A_915 = arith.cmpf oge, %get3A_850, %get3A_859 : vector<16xf32>
    %select_n3A_916 = arith.select %ge3A_915, %broadcast_in_dim3A_864, %broadcast_in_dim3A_866 : vector<16xi1>, vector<16xf32>
    %add3A_917 = arith.addf %broadcast_in_dim3A_866, %select_n3A_916 : vector<16xf32>
    %ge3A_918 = arith.cmpf oge, %get3A_853, %get3A_859 : vector<16xf32>
    %select_n3A_919 = arith.select %ge3A_918, %broadcast_in_dim3A_864, %broadcast_in_dim3A_866 : vector<16xi1>, vector<16xf32>
    %add3A_920 = arith.addf %add3A_917, %select_n3A_919 : vector<16xf32>
    %ge3A_921 = arith.cmpf oge, %get3A_856, %get3A_859 : vector<16xf32>
    %select_n3A_922 = arith.select %ge3A_921, %broadcast_in_dim3A_864, %broadcast_in_dim3A_866 : vector<16xi1>, vector<16xf32>
    %add3A_923 = arith.addf %add3A_920, %select_n3A_922 : vector<16xf32>
    %lt3A_924 = arith.constant 2.000000e+00 : f32
    %lt3A_925 = vector.broadcast %lt3A_924 : f32 to vector<16xf32>
    %lt3A_926 = arith.cmpf olt, %add3A_923, %lt3A_925 : vector<16xf32>
    %select_n3A_927 = arith.select %lt3A_926, %broadcast_in_dim3A_864, %broadcast_in_dim3A_866 : vector<16xi1>, vector<16xf32>
    %sub3A_928 = arith.subf %get3A_859, %max3A_862 : vector<16xf32>
    %exp3A_929 = math.exp %sub3A_928 : vector<16xf32>
    %mul3A_930 = arith.mulf %select_n3A_927, %exp3A_929 : vector<16xf32>
    %add3A_931 = arith.addf %mul3A_882, %mul3A_898 : vector<16xf32>
    %add3A_932 = arith.addf %add3A_931, %mul3A_914 : vector<16xf32>
    %add3A_933 = arith.addf %add3A_932, %mul3A_930 : vector<16xf32>
    %div3A_934 = arith.divf %mul3A_882, %add3A_933 : vector<16xf32>
    %swap3A_935 = arith.constant 128 : index
    %swap3A_936 = tpu.vector_load %arg8[%swap3A_935] {strides = array<i32>} : memref<240xf32, #tpu.memory_space<vmem>>, vector<16xf32>,
    %swap3A_937 = vector.shape_cast %swap3A_936 : vector<16xf32> to vector<16xf32>
    %swap3A_938 = vector.shape_cast %div3A_934 : vector<16xf32> to vector<16xf32>
    tpu.vector_store %arg8[%swap3A_935], %swap3A_938 {strides = array<i32>} : memref<240xf32, #tpu.memory_space<vmem>>, vector<16xf32>,
    %div3A_939 = arith.divf %mul3A_898, %add3A_933 : vector<16xf32>
    %swap3A_940 = arith.constant 128 : index
    %swap3A_941 = tpu.vector_load %arg9[%swap3A_940] {strides = array<i32>} : memref<240xf32, #tpu.memory_space<vmem>>, vector<16xf32>,
    %swap3A_942 = vector.shape_cast %swap3A_941 : vector<16xf32> to vector<16xf32>
    %swap3A_943 = vector.shape_cast %div3A_939 : vector<16xf32> to vector<16xf32>
    tpu.vector_store %arg9[%swap3A_940], %swap3A_943 {strides = array<i32>} : memref<240xf32, #tpu.memory_space<vmem>>, vector<16xf32>,
    %div3A_944 = arith.divf %mul3A_914, %add3A_933 : vector<16xf32>
    %swap3A_945 = arith.constant 128 : index
    %swap3A_946 = tpu.vector_load %arg10[%swap3A_945] {strides = array<i32>} : memref<240xf32, #tpu.memory_space<vmem>>, vector<16xf32>,
    %swap3A_947 = vector.shape_cast %swap3A_946 : vector<16xf32> to vector<16xf32>
    %swap3A_948 = vector.shape_cast %div3A_944 : vector<16xf32> to vector<16xf32>
    tpu.vector_store %arg10[%swap3A_945], %swap3A_948 {strides = array<i32>} : memref<240xf32, #tpu.memory_space<vmem>>, vector<16xf32>,
    %div3A_949 = arith.divf %mul3A_930, %add3A_933 : vector<16xf32>
    %swap3A_950 = arith.constant 128 : index
    %swap3A_951 = tpu.vector_load %arg11[%swap3A_950] {strides = array<i32>} : memref<240xf32, #tpu.memory_space<vmem>>, vector<16xf32>,
    %swap3A_952 = vector.shape_cast %swap3A_951 : vector<16xf32> to vector<16xf32>
    %swap3A_953 = vector.shape_cast %div3A_949 : vector<16xf32> to vector<16xf32>
    tpu.vector_store %arg11[%swap3A_950], %swap3A_953 {strides = array<i32>} : memref<240xf32, #tpu.memory_space<vmem>>, vector<16xf32>,
    %get3A_954 = arith.constant 144 : index
    %get3A_955 = tpu.vector_load %arg4[%get3A_954] {strides = array<i32>} : memref<240xf32, #tpu.memory_space<vmem>>, vector<16xf32>,
    %get3A_956 = vector.shape_cast %get3A_955 : vector<16xf32> to vector<16xf32>
    %get3A_957 = arith.constant 144 : index
    %get3A_958 = tpu.vector_load %arg5[%get3A_957] {strides = array<i32>} : memref<240xf32, #tpu.memory_space<vmem>>, vector<16xf32>,
    %get3A_959 = vector.shape_cast %get3A_958 : vector<16xf32> to vector<16xf32>
    %get3A_960 = arith.constant 144 : index
    %get3A_961 = tpu.vector_load %arg6[%get3A_960] {strides = array<i32>} : memref<240xf32, #tpu.memory_space<vmem>>, vector<16xf32>,
    %get3A_962 = vector.shape_cast %get3A_961 : vector<16xf32> to vector<16xf32>
    %get3A_963 = arith.constant 144 : index
    %get3A_964 = tpu.vector_load %arg7[%get3A_963] {strides = array<i32>} : memref<240xf32, #tpu.memory_space<vmem>>, vector<16xf32>,
    %get3A_965 = vector.shape_cast %get3A_964 : vector<16xf32> to vector<16xf32>
    %max3A_966 = arith.maximumf %get3A_956, %get3A_959 : vector<16xf32>
    %max3A_967 = arith.maximumf %get3A_962, %get3A_965 : vector<16xf32>
    %max3A_968 = arith.maximumf %max3A_966, %max3A_967 : vector<16xf32>
    %broadcast_in_dim3A_969 = arith.constant 1.000000e+00 : f32
    %broadcast_in_dim3A_970 = vector.broadcast %broadcast_in_dim3A_969 : f32 to vector<16xf32>
    %broadcast_in_dim3A_971 = arith.constant 0.000000e+00 : f32
    %broadcast_in_dim3A_972 = vector.broadcast %broadcast_in_dim3A_971 : f32 to vector<16xf32>
    %gt3A_973 = arith.cmpf ogt, %get3A_959, %get3A_956 : vector<16xf32>
    %select_n3A_974 = arith.select %gt3A_973, %broadcast_in_dim3A_970, %broadcast_in_dim3A_972 : vector<16xi1>, vector<16xf32>
    %add3A_975 = arith.addf %broadcast_in_dim3A_972, %select_n3A_974 : vector<16xf32>
    %gt3A_976 = arith.cmpf ogt, %get3A_962, %get3A_956 : vector<16xf32>
    %select_n3A_977 = arith.select %gt3A_976, %broadcast_in_dim3A_970, %broadcast_in_dim3A_972 : vector<16xi1>, vector<16xf32>
    %add3A_978 = arith.addf %add3A_975, %select_n3A_977 : vector<16xf32>
    %gt3A_979 = arith.cmpf ogt, %get3A_965, %get3A_956 : vector<16xf32>
    %select_n3A_980 = arith.select %gt3A_979, %broadcast_in_dim3A_970, %broadcast_in_dim3A_972 : vector<16xi1>, vector<16xf32>
    %add3A_981 = arith.addf %add3A_978, %select_n3A_980 : vector<16xf32>
    %lt3A_982 = arith.constant 2.000000e+00 : f32
    %lt3A_983 = vector.broadcast %lt3A_982 : f32 to vector<16xf32>
    %lt3A_984 = arith.cmpf olt, %add3A_981, %lt3A_983 : vector<16xf32>
    %select_n3A_985 = arith.select %lt3A_984, %broadcast_in_dim3A_970, %broadcast_in_dim3A_972 : vector<16xi1>, vector<16xf32>
    %sub3A_986 = arith.subf %get3A_956, %max3A_968 : vector<16xf32>
    %exp3A_987 = math.exp %sub3A_986 : vector<16xf32>
    %mul3A_988 = arith.mulf %select_n3A_985, %exp3A_987 : vector<16xf32>
    %ge3A_989 = arith.cmpf oge, %get3A_956, %get3A_959 : vector<16xf32>
    %select_n3A_990 = arith.select %ge3A_989, %broadcast_in_dim3A_970, %broadcast_in_dim3A_972 : vector<16xi1>, vector<16xf32>
    %add3A_991 = arith.addf %broadcast_in_dim3A_972, %select_n3A_990 : vector<16xf32>
    %gt3A_992 = arith.cmpf ogt, %get3A_962, %get3A_959 : vector<16xf32>
    %select_n3A_993 = arith.select %gt3A_992, %broadcast_in_dim3A_970, %broadcast_in_dim3A_972 : vector<16xi1>, vector<16xf32>
    %add3A_994 = arith.addf %add3A_991, %select_n3A_993 : vector<16xf32>
    %gt3A_995 = arith.cmpf ogt, %get3A_965, %get3A_959 : vector<16xf32>
    %select_n3A_996 = arith.select %gt3A_995, %broadcast_in_dim3A_970, %broadcast_in_dim3A_972 : vector<16xi1>, vector<16xf32>
    %add3A_997 = arith.addf %add3A_994, %select_n3A_996 : vector<16xf32>
    %lt3A_998 = arith.constant 2.000000e+00 : f32
    %lt3A_999 = vector.broadcast %lt3A_998 : f32 to vector<16xf32>
    %lt3A_1000 = arith.cmpf olt, %add3A_997, %lt3A_999 : vector<16xf32>
    %select_n3A_1001 = arith.select %lt3A_1000, %broadcast_in_dim3A_970, %broadcast_in_dim3A_972 : vector<16xi1>, vector<16xf32>
    %sub3A_1002 = arith.subf %get3A_959, %max3A_968 : vector<16xf32>
    %exp3A_1003 = math.exp %sub3A_1002 : vector<16xf32>
    %mul3A_1004 = arith.mulf %select_n3A_1001, %exp3A_1003 : vector<16xf32>
    %ge3A_1005 = arith.cmpf oge, %get3A_956, %get3A_962 : vector<16xf32>
    %select_n3A_1006 = arith.select %ge3A_1005, %broadcast_in_dim3A_970, %broadcast_in_dim3A_972 : vector<16xi1>, vector<16xf32>
    %add3A_1007 = arith.addf %broadcast_in_dim3A_972, %select_n3A_1006 : vector<16xf32>
    %ge3A_1008 = arith.cmpf oge, %get3A_959, %get3A_962 : vector<16xf32>
    %select_n3A_1009 = arith.select %ge3A_1008, %broadcast_in_dim3A_970, %broadcast_in_dim3A_972 : vector<16xi1>, vector<16xf32>
    %add3A_1010 = arith.addf %add3A_1007, %select_n3A_1009 : vector<16xf32>
    %gt3A_1011 = arith.cmpf ogt, %get3A_965, %get3A_962 : vector<16xf32>
    %select_n3A_1012 = arith.select %gt3A_1011, %broadcast_in_dim3A_970, %broadcast_in_dim3A_972 : vector<16xi1>, vector<16xf32>
    %add3A_1013 = arith.addf %add3A_1010, %select_n3A_1012 : vector<16xf32>
    %lt3A_1014 = arith.constant 2.000000e+00 : f32
    %lt3A_1015 = vector.broadcast %lt3A_1014 : f32 to vector<16xf32>
    %lt3A_1016 = arith.cmpf olt, %add3A_1013, %lt3A_1015 : vector<16xf32>
    %select_n3A_1017 = arith.select %lt3A_1016, %broadcast_in_dim3A_970, %broadcast_in_dim3A_972 : vector<16xi1>, vector<16xf32>
    %sub3A_1018 = arith.subf %get3A_962, %max3A_968 : vector<16xf32>
    %exp3A_1019 = math.exp %sub3A_1018 : vector<16xf32>
    %mul3A_1020 = arith.mulf %select_n3A_1017, %exp3A_1019 : vector<16xf32>
    %ge3A_1021 = arith.cmpf oge, %get3A_956, %get3A_965 : vector<16xf32>
    %select_n3A_1022 = arith.select %ge3A_1021, %broadcast_in_dim3A_970, %broadcast_in_dim3A_972 : vector<16xi1>, vector<16xf32>
    %add3A_1023 = arith.addf %broadcast_in_dim3A_972, %select_n3A_1022 : vector<16xf32>
    %ge3A_1024 = arith.cmpf oge, %get3A_959, %get3A_965 : vector<16xf32>
    %select_n3A_1025 = arith.select %ge3A_1024, %broadcast_in_dim3A_970, %broadcast_in_dim3A_972 : vector<16xi1>, vector<16xf32>
    %add3A_1026 = arith.addf %add3A_1023, %select_n3A_1025 : vector<16xf32>
    %ge3A_1027 = arith.cmpf oge, %get3A_962, %get3A_965 : vector<16xf32>
    %select_n3A_1028 = arith.select %ge3A_1027, %broadcast_in_dim3A_970, %broadcast_in_dim3A_972 : vector<16xi1>, vector<16xf32>
    %add3A_1029 = arith.addf %add3A_1026, %select_n3A_1028 : vector<16xf32>
    %lt3A_1030 = arith.constant 2.000000e+00 : f32
    %lt3A_1031 = vector.broadcast %lt3A_1030 : f32 to vector<16xf32>
    %lt3A_1032 = arith.cmpf olt, %add3A_1029, %lt3A_1031 : vector<16xf32>
    %select_n3A_1033 = arith.select %lt3A_1032, %broadcast_in_dim3A_970, %broadcast_in_dim3A_972 : vector<16xi1>, vector<16xf32>
    %sub3A_1034 = arith.subf %get3A_965, %max3A_968 : vector<16xf32>
    %exp3A_1035 = math.exp %sub3A_1034 : vector<16xf32>
    %mul3A_1036 = arith.mulf %select_n3A_1033, %exp3A_1035 : vector<16xf32>
    %add3A_1037 = arith.addf %mul3A_988, %mul3A_1004 : vector<16xf32>
    %add3A_1038 = arith.addf %add3A_1037, %mul3A_1020 : vector<16xf32>
    %add3A_1039 = arith.addf %add3A_1038, %mul3A_1036 : vector<16xf32>
    %div3A_1040 = arith.divf %mul3A_988, %add3A_1039 : vector<16xf32>
    %swap3A_1041 = arith.constant 144 : index
    %swap3A_1042 = tpu.vector_load %arg8[%swap3A_1041] {strides = array<i32>} : memref<240xf32, #tpu.memory_space<vmem>>, vector<16xf32>,
    %swap3A_1043 = vector.shape_cast %swap3A_1042 : vector<16xf32> to vector<16xf32>
    %swap3A_1044 = vector.shape_cast %div3A_1040 : vector<16xf32> to vector<16xf32>
    tpu.vector_store %arg8[%swap3A_1041], %swap3A_1044 {strides = array<i32>} : memref<240xf32, #tpu.memory_space<vmem>>, vector<16xf32>,
    %div3A_1045 = arith.divf %mul3A_1004, %add3A_1039 : vector<16xf32>
    %swap3A_1046 = arith.constant 144 : index
    %swap3A_1047 = tpu.vector_load %arg9[%swap3A_1046] {strides = array<i32>} : memref<240xf32, #tpu.memory_space<vmem>>, vector<16xf32>,
    %swap3A_1048 = vector.shape_cast %swap3A_1047 : vector<16xf32> to vector<16xf32>
    %swap3A_1049 = vector.shape_cast %div3A_1045 : vector<16xf32> to vector<16xf32>
    tpu.vector_store %arg9[%swap3A_1046], %swap3A_1049 {strides = array<i32>} : memref<240xf32, #tpu.memory_space<vmem>>, vector<16xf32>,
    %div3A_1050 = arith.divf %mul3A_1020, %add3A_1039 : vector<16xf32>
    %swap3A_1051 = arith.constant 144 : index
    %swap3A_1052 = tpu.vector_load %arg10[%swap3A_1051] {strides = array<i32>} : memref<240xf32, #tpu.memory_space<vmem>>, vector<16xf32>,
    %swap3A_1053 = vector.shape_cast %swap3A_1052 : vector<16xf32> to vector<16xf32>
    %swap3A_1054 = vector.shape_cast %div3A_1050 : vector<16xf32> to vector<16xf32>
    tpu.vector_store %arg10[%swap3A_1051], %swap3A_1054 {strides = array<i32>} : memref<240xf32, #tpu.memory_space<vmem>>, vector<16xf32>,
    %div3A_1055 = arith.divf %mul3A_1036, %add3A_1039 : vector<16xf32>
    %swap3A_1056 = arith.constant 144 : index
    %swap3A_1057 = tpu.vector_load %arg11[%swap3A_1056] {strides = array<i32>} : memref<240xf32, #tpu.memory_space<vmem>>, vector<16xf32>,
    %swap3A_1058 = vector.shape_cast %swap3A_1057 : vector<16xf32> to vector<16xf32>
    %swap3A_1059 = vector.shape_cast %div3A_1055 : vector<16xf32> to vector<16xf32>
    tpu.vector_store %arg11[%swap3A_1056], %swap3A_1059 {strides = array<i32>} : memref<240xf32, #tpu.memory_space<vmem>>, vector<16xf32>,
    %get3A_1060 = arith.constant 160 : index
    %get3A_1061 = tpu.vector_load %arg4[%get3A_1060] {strides = array<i32>} : memref<240xf32, #tpu.memory_space<vmem>>, vector<16xf32>,
    %get3A_1062 = vector.shape_cast %get3A_1061 : vector<16xf32> to vector<16xf32>
    %get3A_1063 = arith.constant 160 : index
    %get3A_1064 = tpu.vector_load %arg5[%get3A_1063] {strides = array<i32>} : memref<240xf32, #tpu.memory_space<vmem>>, vector<16xf32>,
    %get3A_1065 = vector.shape_cast %get3A_1064 : vector<16xf32> to vector<16xf32>
    %get3A_1066 = arith.constant 160 : index
    %get3A_1067 = tpu.vector_load %arg6[%get3A_1066] {strides = array<i32>} : memref<240xf32, #tpu.memory_space<vmem>>, vector<16xf32>,
    %get3A_1068 = vector.shape_cast %get3A_1067 : vector<16xf32> to vector<16xf32>
    %get3A_1069 = arith.constant 160 : index
    %get3A_1070 = tpu.vector_load %arg7[%get3A_1069] {strides = array<i32>} : memref<240xf32, #tpu.memory_space<vmem>>, vector<16xf32>,
    %get3A_1071 = vector.shape_cast %get3A_1070 : vector<16xf32> to vector<16xf32>
    %max3A_1072 = arith.maximumf %get3A_1062, %get3A_1065 : vector<16xf32>
    %max3A_1073 = arith.maximumf %get3A_1068, %get3A_1071 : vector<16xf32>
    %max3A_1074 = arith.maximumf %max3A_1072, %max3A_1073 : vector<16xf32>
    %broadcast_in_dim3A_1075 = arith.constant 1.000000e+00 : f32
    %broadcast_in_dim3A_1076 = vector.broadcast %broadcast_in_dim3A_1075 : f32 to vector<16xf32>
    %broadcast_in_dim3A_1077 = arith.constant 0.000000e+00 : f32
    %broadcast_in_dim3A_1078 = vector.broadcast %broadcast_in_dim3A_1077 : f32 to vector<16xf32>
    %gt3A_1079 = arith.cmpf ogt, %get3A_1065, %get3A_1062 : vector<16xf32>
    %select_n3A_1080 = arith.select %gt3A_1079, %broadcast_in_dim3A_1076, %broadcast_in_dim3A_1078 : vector<16xi1>, vector<16xf32>
    %add3A_1081 = arith.addf %broadcast_in_dim3A_1078, %select_n3A_1080 : vector<16xf32>
    %gt3A_1082 = arith.cmpf ogt, %get3A_1068, %get3A_1062 : vector<16xf32>
    %select_n3A_1083 = arith.select %gt3A_1082, %broadcast_in_dim3A_1076, %broadcast_in_dim3A_1078 : vector<16xi1>, vector<16xf32>
    %add3A_1084 = arith.addf %add3A_1081, %select_n3A_1083 : vector<16xf32>
    %gt3A_1085 = arith.cmpf ogt, %get3A_1071, %get3A_1062 : vector<16xf32>
    %select_n3A_1086 = arith.select %gt3A_1085, %broadcast_in_dim3A_1076, %broadcast_in_dim3A_1078 : vector<16xi1>, vector<16xf32>
    %add3A_1087 = arith.addf %add3A_1084, %select_n3A_1086 : vector<16xf32>
    %lt3A_1088 = arith.constant 2.000000e+00 : f32
    %lt3A_1089 = vector.broadcast %lt3A_1088 : f32 to vector<16xf32>
    %lt3A_1090 = arith.cmpf olt, %add3A_1087, %lt3A_1089 : vector<16xf32>
    %select_n3A_1091 = arith.select %lt3A_1090, %broadcast_in_dim3A_1076, %broadcast_in_dim3A_1078 : vector<16xi1>, vector<16xf32>
    %sub3A_1092 = arith.subf %get3A_1062, %max3A_1074 : vector<16xf32>
    %exp3A_1093 = math.exp %sub3A_1092 : vector<16xf32>
    %mul3A_1094 = arith.mulf %select_n3A_1091, %exp3A_1093 : vector<16xf32>
    %ge3A_1095 = arith.cmpf oge, %get3A_1062, %get3A_1065 : vector<16xf32>
    %select_n3A_1096 = arith.select %ge3A_1095, %broadcast_in_dim3A_1076, %broadcast_in_dim3A_1078 : vector<16xi1>, vector<16xf32>
    %add3A_1097 = arith.addf %broadcast_in_dim3A_1078, %select_n3A_1096 : vector<16xf32>
    %gt3A_1098 = arith.cmpf ogt, %get3A_1068, %get3A_1065 : vector<16xf32>
    %select_n3A_1099 = arith.select %gt3A_1098, %broadcast_in_dim3A_1076, %broadcast_in_dim3A_1078 : vector<16xi1>, vector<16xf32>
    %add3A_1100 = arith.addf %add3A_1097, %select_n3A_1099 : vector<16xf32>
    %gt3A_1101 = arith.cmpf ogt, %get3A_1071, %get3A_1065 : vector<16xf32>
    %select_n3A_1102 = arith.select %gt3A_1101, %broadcast_in_dim3A_1076, %broadcast_in_dim3A_1078 : vector<16xi1>, vector<16xf32>
    %add3A_1103 = arith.addf %add3A_1100, %select_n3A_1102 : vector<16xf32>
    %lt3A_1104 = arith.constant 2.000000e+00 : f32
    %lt3A_1105 = vector.broadcast %lt3A_1104 : f32 to vector<16xf32>
    %lt3A_1106 = arith.cmpf olt, %add3A_1103, %lt3A_1105 : vector<16xf32>
    %select_n3A_1107 = arith.select %lt3A_1106, %broadcast_in_dim3A_1076, %broadcast_in_dim3A_1078 : vector<16xi1>, vector<16xf32>
    %sub3A_1108 = arith.subf %get3A_1065, %max3A_1074 : vector<16xf32>
    %exp3A_1109 = math.exp %sub3A_1108 : vector<16xf32>
    %mul3A_1110 = arith.mulf %select_n3A_1107, %exp3A_1109 : vector<16xf32>
    %ge3A_1111 = arith.cmpf oge, %get3A_1062, %get3A_1068 : vector<16xf32>
    %select_n3A_1112 = arith.select %ge3A_1111, %broadcast_in_dim3A_1076, %broadcast_in_dim3A_1078 : vector<16xi1>, vector<16xf32>
    %add3A_1113 = arith.addf %broadcast_in_dim3A_1078, %select_n3A_1112 : vector<16xf32>
    %ge3A_1114 = arith.cmpf oge, %get3A_1065, %get3A_1068 : vector<16xf32>
    %select_n3A_1115 = arith.select %ge3A_1114, %broadcast_in_dim3A_1076, %broadcast_in_dim3A_1078 : vector<16xi1>, vector<16xf32>
    %add3A_1116 = arith.addf %add3A_1113, %select_n3A_1115 : vector<16xf32>
    %gt3A_1117 = arith.cmpf ogt, %get3A_1071, %get3A_1068 : vector<16xf32>
    %select_n3A_1118 = arith.select %gt3A_1117, %broadcast_in_dim3A_1076, %broadcast_in_dim3A_1078 : vector<16xi1>, vector<16xf32>
    %add3A_1119 = arith.addf %add3A_1116, %select_n3A_1118 : vector<16xf32>
    %lt3A_1120 = arith.constant 2.000000e+00 : f32
    %lt3A_1121 = vector.broadcast %lt3A_1120 : f32 to vector<16xf32>
    %lt3A_1122 = arith.cmpf olt, %add3A_1119, %lt3A_1121 : vector<16xf32>
    %select_n3A_1123 = arith.select %lt3A_1122, %broadcast_in_dim3A_1076, %broadcast_in_dim3A_1078 : vector<16xi1>, vector<16xf32>
    %sub3A_1124 = arith.subf %get3A_1068, %max3A_1074 : vector<16xf32>
    %exp3A_1125 = math.exp %sub3A_1124 : vector<16xf32>
    %mul3A_1126 = arith.mulf %select_n3A_1123, %exp3A_1125 : vector<16xf32>
    %ge3A_1127 = arith.cmpf oge, %get3A_1062, %get3A_1071 : vector<16xf32>
    %select_n3A_1128 = arith.select %ge3A_1127, %broadcast_in_dim3A_1076, %broadcast_in_dim3A_1078 : vector<16xi1>, vector<16xf32>
    %add3A_1129 = arith.addf %broadcast_in_dim3A_1078, %select_n3A_1128 : vector<16xf32>
    %ge3A_1130 = arith.cmpf oge, %get3A_1065, %get3A_1071 : vector<16xf32>
    %select_n3A_1131 = arith.select %ge3A_1130, %broadcast_in_dim3A_1076, %broadcast_in_dim3A_1078 : vector<16xi1>, vector<16xf32>
    %add3A_1132 = arith.addf %add3A_1129, %select_n3A_1131 : vector<16xf32>
    %ge3A_1133 = arith.cmpf oge, %get3A_1068, %get3A_1071 : vector<16xf32>
    %select_n3A_1134 = arith.select %ge3A_1133, %broadcast_in_dim3A_1076, %broadcast_in_dim3A_1078 : vector<16xi1>, vector<16xf32>
    %add3A_1135 = arith.addf %add3A_1132, %select_n3A_1134 : vector<16xf32>
    %lt3A_1136 = arith.constant 2.000000e+00 : f32
    %lt3A_1137 = vector.broadcast %lt3A_1136 : f32 to vector<16xf32>
    %lt3A_1138 = arith.cmpf olt, %add3A_1135, %lt3A_1137 : vector<16xf32>
    %select_n3A_1139 = arith.select %lt3A_1138, %broadcast_in_dim3A_1076, %broadcast_in_dim3A_1078 : vector<16xi1>, vector<16xf32>
    %sub3A_1140 = arith.subf %get3A_1071, %max3A_1074 : vector<16xf32>
    %exp3A_1141 = math.exp %sub3A_1140 : vector<16xf32>
    %mul3A_1142 = arith.mulf %select_n3A_1139, %exp3A_1141 : vector<16xf32>
    %add3A_1143 = arith.addf %mul3A_1094, %mul3A_1110 : vector<16xf32>
    %add3A_1144 = arith.addf %add3A_1143, %mul3A_1126 : vector<16xf32>
    %add3A_1145 = arith.addf %add3A_1144, %mul3A_1142 : vector<16xf32>
    %div3A_1146 = arith.divf %mul3A_1094, %add3A_1145 : vector<16xf32>
    %swap3A_1147 = arith.constant 160 : index
    %swap3A_1148 = tpu.vector_load %arg8[%swap3A_1147] {strides = array<i32>} : memref<240xf32, #tpu.memory_space<vmem>>, vector<16xf32>,
    %swap3A_1149 = vector.shape_cast %swap3A_1148 : vector<16xf32> to vector<16xf32>
    %swap3A_1150 = vector.shape_cast %div3A_1146 : vector<16xf32> to vector<16xf32>
    tpu.vector_store %arg8[%swap3A_1147], %swap3A_1150 {strides = array<i32>} : memref<240xf32, #tpu.memory_space<vmem>>, vector<16xf32>,
    %div3A_1151 = arith.divf %mul3A_1110, %add3A_1145 : vector<16xf32>
    %swap3A_1152 = arith.constant 160 : index
    %swap3A_1153 = tpu.vector_load %arg9[%swap3A_1152] {strides = array<i32>} : memref<240xf32, #tpu.memory_space<vmem>>, vector<16xf32>,
    %swap3A_1154 = vector.shape_cast %swap3A_1153 : vector<16xf32> to vector<16xf32>
    %swap3A_1155 = vector.shape_cast %div3A_1151 : vector<16xf32> to vector<16xf32>
    tpu.vector_store %arg9[%swap3A_1152], %swap3A_1155 {strides = array<i32>} : memref<240xf32, #tpu.memory_space<vmem>>, vector<16xf32>,
    %div3A_1156 = arith.divf %mul3A_1126, %add3A_1145 : vector<16xf32>
    %swap3A_1157 = arith.constant 160 : index
    %swap3A_1158 = tpu.vector_load %arg10[%swap3A_1157] {strides = array<i32>} : memref<240xf32, #tpu.memory_space<vmem>>, vector<16xf32>,
    %swap3A_1159 = vector.shape_cast %swap3A_1158 : vector<16xf32> to vector<16xf32>
    %swap3A_1160 = vector.shape_cast %div3A_1156 : vector<16xf32> to vector<16xf32>
    tpu.vector_store %arg10[%swap3A_1157], %swap3A_1160 {strides = array<i32>} : memref<240xf32, #tpu.memory_space<vmem>>, vector<16xf32>,
    %div3A_1161 = arith.divf %mul3A_1142, %add3A_1145 : vector<16xf32>
    %swap3A_1162 = arith.constant 160 : index
    %swap3A_1163 = tpu.vector_load %arg11[%swap3A_1162] {strides = array<i32>} : memref<240xf32, #tpu.memory_space<vmem>>, vector<16xf32>,
    %swap3A_1164 = vector.shape_cast %swap3A_1163 : vector<16xf32> to vector<16xf32>
    %swap3A_1165 = vector.shape_cast %div3A_1161 : vector<16xf32> to vector<16xf32>
    tpu.vector_store %arg11[%swap3A_1162], %swap3A_1165 {strides = array<i32>} : memref<240xf32, #tpu.memory_space<vmem>>, vector<16xf32>,
    %get3A_1166 = arith.constant 176 : index
    %get3A_1167 = tpu.vector_load %arg4[%get3A_1166] {strides = array<i32>} : memref<240xf32, #tpu.memory_space<vmem>>, vector<16xf32>,
    %get3A_1168 = vector.shape_cast %get3A_1167 : vector<16xf32> to vector<16xf32>
    %get3A_1169 = arith.constant 176 : index
    %get3A_1170 = tpu.vector_load %arg5[%get3A_1169] {strides = array<i32>} : memref<240xf32, #tpu.memory_space<vmem>>, vector<16xf32>,
    %get3A_1171 = vector.shape_cast %get3A_1170 : vector<16xf32> to vector<16xf32>
    %get3A_1172 = arith.constant 176 : index
    %get3A_1173 = tpu.vector_load %arg6[%get3A_1172] {strides = array<i32>} : memref<240xf32, #tpu.memory_space<vmem>>, vector<16xf32>,
    %get3A_1174 = vector.shape_cast %get3A_1173 : vector<16xf32> to vector<16xf32>
    %get3A_1175 = arith.constant 176 : index
    %get3A_1176 = tpu.vector_load %arg7[%get3A_1175] {strides = array<i32>} : memref<240xf32, #tpu.memory_space<vmem>>, vector<16xf32>,
    %get3A_1177 = vector.shape_cast %get3A_1176 : vector<16xf32> to vector<16xf32>
    %max3A_1178 = arith.maximumf %get3A_1168, %get3A_1171 : vector<16xf32>
    %max3A_1179 = arith.maximumf %get3A_1174, %get3A_1177 : vector<16xf32>
    %max3A_1180 = arith.maximumf %max3A_1178, %max3A_1179 : vector<16xf32>
    %broadcast_in_dim3A_1181 = arith.constant 1.000000e+00 : f32
    %broadcast_in_dim3A_1182 = vector.broadcast %broadcast_in_dim3A_1181 : f32 to vector<16xf32>
    %broadcast_in_dim3A_1183 = arith.constant 0.000000e+00 : f32
    %broadcast_in_dim3A_1184 = vector.broadcast %broadcast_in_dim3A_1183 : f32 to vector<16xf32>
    %gt3A_1185 = arith.cmpf ogt, %get3A_1171, %get3A_1168 : vector<16xf32>
    %select_n3A_1186 = arith.select %gt3A_1185, %broadcast_in_dim3A_1182, %broadcast_in_dim3A_1184 : vector<16xi1>, vector<16xf32>
    %add3A_1187 = arith.addf %broadcast_in_dim3A_1184, %select_n3A_1186 : vector<16xf32>
    %gt3A_1188 = arith.cmpf ogt, %get3A_1174, %get3A_1168 : vector<16xf32>
    %select_n3A_1189 = arith.select %gt3A_1188, %broadcast_in_dim3A_1182, %broadcast_in_dim3A_1184 : vector<16xi1>, vector<16xf32>
    %add3A_1190 = arith.addf %add3A_1187, %select_n3A_1189 : vector<16xf32>
    %gt3A_1191 = arith.cmpf ogt, %get3A_1177, %get3A_1168 : vector<16xf32>
    %select_n3A_1192 = arith.select %gt3A_1191, %broadcast_in_dim3A_1182, %broadcast_in_dim3A_1184 : vector<16xi1>, vector<16xf32>
    %add3A_1193 = arith.addf %add3A_1190, %select_n3A_1192 : vector<16xf32>
    %lt3A_1194 = arith.constant 2.000000e+00 : f32
    %lt3A_1195 = vector.broadcast %lt3A_1194 : f32 to vector<16xf32>
    %lt3A_1196 = arith.cmpf olt, %add3A_1193, %lt3A_1195 : vector<16xf32>
    %select_n3A_1197 = arith.select %lt3A_1196, %broadcast_in_dim3A_1182, %broadcast_in_dim3A_1184 : vector<16xi1>, vector<16xf32>
    %sub3A_1198 = arith.subf %get3A_1168, %max3A_1180 : vector<16xf32>
    %exp3A_1199 = math.exp %sub3A_1198 : vector<16xf32>
    %mul3A_1200 = arith.mulf %select_n3A_1197, %exp3A_1199 : vector<16xf32>
    %ge3A_1201 = arith.cmpf oge, %get3A_1168, %get3A_1171 : vector<16xf32>
    %select_n3A_1202 = arith.select %ge3A_1201, %broadcast_in_dim3A_1182, %broadcast_in_dim3A_1184 : vector<16xi1>, vector<16xf32>
    %add3A_1203 = arith.addf %broadcast_in_dim3A_1184, %select_n3A_1202 : vector<16xf32>
    %gt3A_1204 = arith.cmpf ogt, %get3A_1174, %get3A_1171 : vector<16xf32>
    %select_n3A_1205 = arith.select %gt3A_1204, %broadcast_in_dim3A_1182, %broadcast_in_dim3A_1184 : vector<16xi1>, vector<16xf32>
    %add3A_1206 = arith.addf %add3A_1203, %select_n3A_1205 : vector<16xf32>
    %gt3A_1207 = arith.cmpf ogt, %get3A_1177, %get3A_1171 : vector<16xf32>
    %select_n3A_1208 = arith.select %gt3A_1207, %broadcast_in_dim3A_1182, %broadcast_in_dim3A_1184 : vector<16xi1>, vector<16xf32>
    %add3A_1209 = arith.addf %add3A_1206, %select_n3A_1208 : vector<16xf32>
    %lt3A_1210 = arith.constant 2.000000e+00 : f32
    %lt3A_1211 = vector.broadcast %lt3A_1210 : f32 to vector<16xf32>
    %lt3A_1212 = arith.cmpf olt, %add3A_1209, %lt3A_1211 : vector<16xf32>
    %select_n3A_1213 = arith.select %lt3A_1212, %broadcast_in_dim3A_1182, %broadcast_in_dim3A_1184 : vector<16xi1>, vector<16xf32>
    %sub3A_1214 = arith.subf %get3A_1171, %max3A_1180 : vector<16xf32>
    %exp3A_1215 = math.exp %sub3A_1214 : vector<16xf32>
    %mul3A_1216 = arith.mulf %select_n3A_1213, %exp3A_1215 : vector<16xf32>
    %ge3A_1217 = arith.cmpf oge, %get3A_1168, %get3A_1174 : vector<16xf32>
    %select_n3A_1218 = arith.select %ge3A_1217, %broadcast_in_dim3A_1182, %broadcast_in_dim3A_1184 : vector<16xi1>, vector<16xf32>
    %add3A_1219 = arith.addf %broadcast_in_dim3A_1184, %select_n3A_1218 : vector<16xf32>
    %ge3A_1220 = arith.cmpf oge, %get3A_1171, %get3A_1174 : vector<16xf32>
    %select_n3A_1221 = arith.select %ge3A_1220, %broadcast_in_dim3A_1182, %broadcast_in_dim3A_1184 : vector<16xi1>, vector<16xf32>
    %add3A_1222 = arith.addf %add3A_1219, %select_n3A_1221 : vector<16xf32>
    %gt3A_1223 = arith.cmpf ogt, %get3A_1177, %get3A_1174 : vector<16xf32>
    %select_n3A_1224 = arith.select %gt3A_1223, %broadcast_in_dim3A_1182, %broadcast_in_dim3A_1184 : vector<16xi1>, vector<16xf32>
    %add3A_1225 = arith.addf %add3A_1222, %select_n3A_1224 : vector<16xf32>
    %lt3A_1226 = arith.constant 2.000000e+00 : f32
    %lt3A_1227 = vector.broadcast %lt3A_1226 : f32 to vector<16xf32>
    %lt3A_1228 = arith.cmpf olt, %add3A_1225, %lt3A_1227 : vector<16xf32>
    %select_n3A_1229 = arith.select %lt3A_1228, %broadcast_in_dim3A_1182, %broadcast_in_dim3A_1184 : vector<16xi1>, vector<16xf32>
    %sub3A_1230 = arith.subf %get3A_1174, %max3A_1180 : vector<16xf32>
    %exp3A_1231 = math.exp %sub3A_1230 : vector<16xf32>
    %mul3A_1232 = arith.mulf %select_n3A_1229, %exp3A_1231 : vector<16xf32>
    %ge3A_1233 = arith.cmpf oge, %get3A_1168, %get3A_1177 : vector<16xf32>
    %select_n3A_1234 = arith.select %ge3A_1233, %broadcast_in_dim3A_1182, %broadcast_in_dim3A_1184 : vector<16xi1>, vector<16xf32>
    %add3A_1235 = arith.addf %broadcast_in_dim3A_1184, %select_n3A_1234 : vector<16xf32>
    %ge3A_1236 = arith.cmpf oge, %get3A_1171, %get3A_1177 : vector<16xf32>
    %select_n3A_1237 = arith.select %ge3A_1236, %broadcast_in_dim3A_1182, %broadcast_in_dim3A_1184 : vector<16xi1>, vector<16xf32>
    %add3A_1238 = arith.addf %add3A_1235, %select_n3A_1237 : vector<16xf32>
    %ge3A_1239 = arith.cmpf oge, %get3A_1174, %get3A_1177 : vector<16xf32>
    %select_n3A_1240 = arith.select %ge3A_1239, %broadcast_in_dim3A_1182, %broadcast_in_dim3A_1184 : vector<16xi1>, vector<16xf32>
    %add3A_1241 = arith.addf %add3A_1238, %select_n3A_1240 : vector<16xf32>
    %lt3A_1242 = arith.constant 2.000000e+00 : f32
    %lt3A_1243 = vector.broadcast %lt3A_1242 : f32 to vector<16xf32>
    %lt3A_1244 = arith.cmpf olt, %add3A_1241, %lt3A_1243 : vector<16xf32>
    %select_n3A_1245 = arith.select %lt3A_1244, %broadcast_in_dim3A_1182, %broadcast_in_dim3A_1184 : vector<16xi1>, vector<16xf32>
    %sub3A_1246 = arith.subf %get3A_1177, %max3A_1180 : vector<16xf32>
    %exp3A_1247 = math.exp %sub3A_1246 : vector<16xf32>
    %mul3A_1248 = arith.mulf %select_n3A_1245, %exp3A_1247 : vector<16xf32>
    %add3A_1249 = arith.addf %mul3A_1200, %mul3A_1216 : vector<16xf32>
    %add3A_1250 = arith.addf %add3A_1249, %mul3A_1232 : vector<16xf32>
    %add3A_1251 = arith.addf %add3A_1250, %mul3A_1248 : vector<16xf32>
    %div3A_1252 = arith.divf %mul3A_1200, %add3A_1251 : vector<16xf32>
    %swap3A_1253 = arith.constant 176 : index
    %swap3A_1254 = tpu.vector_load %arg8[%swap3A_1253] {strides = array<i32>} : memref<240xf32, #tpu.memory_space<vmem>>, vector<16xf32>,
    %swap3A_1255 = vector.shape_cast %swap3A_1254 : vector<16xf32> to vector<16xf32>
    %swap3A_1256 = vector.shape_cast %div3A_1252 : vector<16xf32> to vector<16xf32>
    tpu.vector_store %arg8[%swap3A_1253], %swap3A_1256 {strides = array<i32>} : memref<240xf32, #tpu.memory_space<vmem>>, vector<16xf32>,
    %div3A_1257 = arith.divf %mul3A_1216, %add3A_1251 : vector<16xf32>
    %swap3A_1258 = arith.constant 176 : index
    %swap3A_1259 = tpu.vector_load %arg9[%swap3A_1258] {strides = array<i32>} : memref<240xf32, #tpu.memory_space<vmem>>, vector<16xf32>,
    %swap3A_1260 = vector.shape_cast %swap3A_1259 : vector<16xf32> to vector<16xf32>
    %swap3A_1261 = vector.shape_cast %div3A_1257 : vector<16xf32> to vector<16xf32>
    tpu.vector_store %arg9[%swap3A_1258], %swap3A_1261 {strides = array<i32>} : memref<240xf32, #tpu.memory_space<vmem>>, vector<16xf32>,
    %div3A_1262 = arith.divf %mul3A_1232, %add3A_1251 : vector<16xf32>
    %swap3A_1263 = arith.constant 176 : index
    %swap3A_1264 = tpu.vector_load %arg10[%swap3A_1263] {strides = array<i32>} : memref<240xf32, #tpu.memory_space<vmem>>, vector<16xf32>,
    %swap3A_1265 = vector.shape_cast %swap3A_1264 : vector<16xf32> to vector<16xf32>
    %swap3A_1266 = vector.shape_cast %div3A_1262 : vector<16xf32> to vector<16xf32>
    tpu.vector_store %arg10[%swap3A_1263], %swap3A_1266 {strides = array<i32>} : memref<240xf32, #tpu.memory_space<vmem>>, vector<16xf32>,
    %div3A_1267 = arith.divf %mul3A_1248, %add3A_1251 : vector<16xf32>
    %swap3A_1268 = arith.constant 176 : index
    %swap3A_1269 = tpu.vector_load %arg11[%swap3A_1268] {strides = array<i32>} : memref<240xf32, #tpu.memory_space<vmem>>, vector<16xf32>,
    %swap3A_1270 = vector.shape_cast %swap3A_1269 : vector<16xf32> to vector<16xf32>
    %swap3A_1271 = vector.shape_cast %div3A_1267 : vector<16xf32> to vector<16xf32>
    tpu.vector_store %arg11[%swap3A_1268], %swap3A_1271 {strides = array<i32>} : memref<240xf32, #tpu.memory_space<vmem>>, vector<16xf32>,
    %get3A_1272 = arith.constant 192 : index
    %get3A_1273 = tpu.vector_load %arg4[%get3A_1272] {strides = array<i32>} : memref<240xf32, #tpu.memory_space<vmem>>, vector<16xf32>,
    %get3A_1274 = vector.shape_cast %get3A_1273 : vector<16xf32> to vector<16xf32>
    %get3A_1275 = arith.constant 192 : index
    %get3A_1276 = tpu.vector_load %arg5[%get3A_1275] {strides = array<i32>} : memref<240xf32, #tpu.memory_space<vmem>>, vector<16xf32>,
    %get3A_1277 = vector.shape_cast %get3A_1276 : vector<16xf32> to vector<16xf32>
    %get3A_1278 = arith.constant 192 : index
    %get3A_1279 = tpu.vector_load %arg6[%get3A_1278] {strides = array<i32>} : memref<240xf32, #tpu.memory_space<vmem>>, vector<16xf32>,
    %get3A_1280 = vector.shape_cast %get3A_1279 : vector<16xf32> to vector<16xf32>
    %get3A_1281 = arith.constant 192 : index
    %get3A_1282 = tpu.vector_load %arg7[%get3A_1281] {strides = array<i32>} : memref<240xf32, #tpu.memory_space<vmem>>, vector<16xf32>,
    %get3A_1283 = vector.shape_cast %get3A_1282 : vector<16xf32> to vector<16xf32>
    %max3A_1284 = arith.maximumf %get3A_1274, %get3A_1277 : vector<16xf32>
    %max3A_1285 = arith.maximumf %get3A_1280, %get3A_1283 : vector<16xf32>
    %max3A_1286 = arith.maximumf %max3A_1284, %max3A_1285 : vector<16xf32>
    %broadcast_in_dim3A_1287 = arith.constant 1.000000e+00 : f32
    %broadcast_in_dim3A_1288 = vector.broadcast %broadcast_in_dim3A_1287 : f32 to vector<16xf32>
    %broadcast_in_dim3A_1289 = arith.constant 0.000000e+00 : f32
    %broadcast_in_dim3A_1290 = vector.broadcast %broadcast_in_dim3A_1289 : f32 to vector<16xf32>
    %gt3A_1291 = arith.cmpf ogt, %get3A_1277, %get3A_1274 : vector<16xf32>
    %select_n3A_1292 = arith.select %gt3A_1291, %broadcast_in_dim3A_1288, %broadcast_in_dim3A_1290 : vector<16xi1>, vector<16xf32>
    %add3A_1293 = arith.addf %broadcast_in_dim3A_1290, %select_n3A_1292 : vector<16xf32>
    %gt3A_1294 = arith.cmpf ogt, %get3A_1280, %get3A_1274 : vector<16xf32>
    %select_n3A_1295 = arith.select %gt3A_1294, %broadcast_in_dim3A_1288, %broadcast_in_dim3A_1290 : vector<16xi1>, vector<16xf32>
    %add3A_1296 = arith.addf %add3A_1293, %select_n3A_1295 : vector<16xf32>
    %gt3A_1297 = arith.cmpf ogt, %get3A_1283, %get3A_1274 : vector<16xf32>
    %select_n3A_1298 = arith.select %gt3A_1297, %broadcast_in_dim3A_1288, %broadcast_in_dim3A_1290 : vector<16xi1>, vector<16xf32>
    %add3A_1299 = arith.addf %add3A_1296, %select_n3A_1298 : vector<16xf32>
    %lt3A_1300 = arith.constant 2.000000e+00 : f32
    %lt3A_1301 = vector.broadcast %lt3A_1300 : f32 to vector<16xf32>
    %lt3A_1302 = arith.cmpf olt, %add3A_1299, %lt3A_1301 : vector<16xf32>
    %select_n3A_1303 = arith.select %lt3A_1302, %broadcast_in_dim3A_1288, %broadcast_in_dim3A_1290 : vector<16xi1>, vector<16xf32>
    %sub3A_1304 = arith.subf %get3A_1274, %max3A_1286 : vector<16xf32>
    %exp3A_1305 = math.exp %sub3A_1304 : vector<16xf32>
    %mul3A_1306 = arith.mulf %select_n3A_1303, %exp3A_1305 : vector<16xf32>
    %ge3A_1307 = arith.cmpf oge, %get3A_1274, %get3A_1277 : vector<16xf32>
    %select_n3A_1308 = arith.select %ge3A_1307, %broadcast_in_dim3A_1288, %broadcast_in_dim3A_1290 : vector<16xi1>, vector<16xf32>
    %add3A_1309 = arith.addf %broadcast_in_dim3A_1290, %select_n3A_1308 : vector<16xf32>
    %gt3A_1310 = arith.cmpf ogt, %get3A_1280, %get3A_1277 : vector<16xf32>
    %select_n3A_1311 = arith.select %gt3A_1310, %broadcast_in_dim3A_1288, %broadcast_in_dim3A_1290 : vector<16xi1>, vector<16xf32>
    %add3A_1312 = arith.addf %add3A_1309, %select_n3A_1311 : vector<16xf32>
    %gt3A_1313 = arith.cmpf ogt, %get3A_1283, %get3A_1277 : vector<16xf32>
    %select_n3A_1314 = arith.select %gt3A_1313, %broadcast_in_dim3A_1288, %broadcast_in_dim3A_1290 : vector<16xi1>, vector<16xf32>
    %add3A_1315 = arith.addf %add3A_1312, %select_n3A_1314 : vector<16xf32>
    %lt3A_1316 = arith.constant 2.000000e+00 : f32
    %lt3A_1317 = vector.broadcast %lt3A_1316 : f32 to vector<16xf32>
    %lt3A_1318 = arith.cmpf olt, %add3A_1315, %lt3A_1317 : vector<16xf32>
    %select_n3A_1319 = arith.select %lt3A_1318, %broadcast_in_dim3A_1288, %broadcast_in_dim3A_1290 : vector<16xi1>, vector<16xf32>
    %sub3A_1320 = arith.subf %get3A_1277, %max3A_1286 : vector<16xf32>
    %exp3A_1321 = math.exp %sub3A_1320 : vector<16xf32>
    %mul3A_1322 = arith.mulf %select_n3A_1319, %exp3A_1321 : vector<16xf32>
    %ge3A_1323 = arith.cmpf oge, %get3A_1274, %get3A_1280 : vector<16xf32>
    %select_n3A_1324 = arith.select %ge3A_1323, %broadcast_in_dim3A_1288, %broadcast_in_dim3A_1290 : vector<16xi1>, vector<16xf32>
    %add3A_1325 = arith.addf %broadcast_in_dim3A_1290, %select_n3A_1324 : vector<16xf32>
    %ge3A_1326 = arith.cmpf oge, %get3A_1277, %get3A_1280 : vector<16xf32>
    %select_n3A_1327 = arith.select %ge3A_1326, %broadcast_in_dim3A_1288, %broadcast_in_dim3A_1290 : vector<16xi1>, vector<16xf32>
    %add3A_1328 = arith.addf %add3A_1325, %select_n3A_1327 : vector<16xf32>
    %gt3A_1329 = arith.cmpf ogt, %get3A_1283, %get3A_1280 : vector<16xf32>
    %select_n3A_1330 = arith.select %gt3A_1329, %broadcast_in_dim3A_1288, %broadcast_in_dim3A_1290 : vector<16xi1>, vector<16xf32>
    %add3A_1331 = arith.addf %add3A_1328, %select_n3A_1330 : vector<16xf32>
    %lt3A_1332 = arith.constant 2.000000e+00 : f32
    %lt3A_1333 = vector.broadcast %lt3A_1332 : f32 to vector<16xf32>
    %lt3A_1334 = arith.cmpf olt, %add3A_1331, %lt3A_1333 : vector<16xf32>
    %select_n3A_1335 = arith.select %lt3A_1334, %broadcast_in_dim3A_1288, %broadcast_in_dim3A_1290 : vector<16xi1>, vector<16xf32>
    %sub3A_1336 = arith.subf %get3A_1280, %max3A_1286 : vector<16xf32>
    %exp3A_1337 = math.exp %sub3A_1336 : vector<16xf32>
    %mul3A_1338 = arith.mulf %select_n3A_1335, %exp3A_1337 : vector<16xf32>
    %ge3A_1339 = arith.cmpf oge, %get3A_1274, %get3A_1283 : vector<16xf32>
    %select_n3A_1340 = arith.select %ge3A_1339, %broadcast_in_dim3A_1288, %broadcast_in_dim3A_1290 : vector<16xi1>, vector<16xf32>
    %add3A_1341 = arith.addf %broadcast_in_dim3A_1290, %select_n3A_1340 : vector<16xf32>
    %ge3A_1342 = arith.cmpf oge, %get3A_1277, %get3A_1283 : vector<16xf32>
    %select_n3A_1343 = arith.select %ge3A_1342, %broadcast_in_dim3A_1288, %broadcast_in_dim3A_1290 : vector<16xi1>, vector<16xf32>
    %add3A_1344 = arith.addf %add3A_1341, %select_n3A_1343 : vector<16xf32>
    %ge3A_1345 = arith.cmpf oge, %get3A_1280, %get3A_1283 : vector<16xf32>
    %select_n3A_1346 = arith.select %ge3A_1345, %broadcast_in_dim3A_1288, %broadcast_in_dim3A_1290 : vector<16xi1>, vector<16xf32>
    %add3A_1347 = arith.addf %add3A_1344, %select_n3A_1346 : vector<16xf32>
    %lt3A_1348 = arith.constant 2.000000e+00 : f32
    %lt3A_1349 = vector.broadcast %lt3A_1348 : f32 to vector<16xf32>
    %lt3A_1350 = arith.cmpf olt, %add3A_1347, %lt3A_1349 : vector<16xf32>
    %select_n3A_1351 = arith.select %lt3A_1350, %broadcast_in_dim3A_1288, %broadcast_in_dim3A_1290 : vector<16xi1>, vector<16xf32>
    %sub3A_1352 = arith.subf %get3A_1283, %max3A_1286 : vector<16xf32>
    %exp3A_1353 = math.exp %sub3A_1352 : vector<16xf32>
    %mul3A_1354 = arith.mulf %select_n3A_1351, %exp3A_1353 : vector<16xf32>
    %add3A_1355 = arith.addf %mul3A_1306, %mul3A_1322 : vector<16xf32>
    %add3A_1356 = arith.addf %add3A_1355, %mul3A_1338 : vector<16xf32>
    %add3A_1357 = arith.addf %add3A_1356, %mul3A_1354 : vector<16xf32>
    %div3A_1358 = arith.divf %mul3A_1306, %add3A_1357 : vector<16xf32>
    %swap3A_1359 = arith.constant 192 : index
    %swap3A_1360 = tpu.vector_load %arg8[%swap3A_1359] {strides = array<i32>} : memref<240xf32, #tpu.memory_space<vmem>>, vector<16xf32>,
    %swap3A_1361 = vector.shape_cast %swap3A_1360 : vector<16xf32> to vector<16xf32>
    %swap3A_1362 = vector.shape_cast %div3A_1358 : vector<16xf32> to vector<16xf32>
    tpu.vector_store %arg8[%swap3A_1359], %swap3A_1362 {strides = array<i32>} : memref<240xf32, #tpu.memory_space<vmem>>, vector<16xf32>,
    %div3A_1363 = arith.divf %mul3A_1322, %add3A_1357 : vector<16xf32>
    %swap3A_1364 = arith.constant 192 : index
    %swap3A_1365 = tpu.vector_load %arg9[%swap3A_1364] {strides = array<i32>} : memref<240xf32, #tpu.memory_space<vmem>>, vector<16xf32>,
    %swap3A_1366 = vector.shape_cast %swap3A_1365 : vector<16xf32> to vector<16xf32>
    %swap3A_1367 = vector.shape_cast %div3A_1363 : vector<16xf32> to vector<16xf32>
    tpu.vector_store %arg9[%swap3A_1364], %swap3A_1367 {strides = array<i32>} : memref<240xf32, #tpu.memory_space<vmem>>, vector<16xf32>,
    %div3A_1368 = arith.divf %mul3A_1338, %add3A_1357 : vector<16xf32>
    %swap3A_1369 = arith.constant 192 : index
    %swap3A_1370 = tpu.vector_load %arg10[%swap3A_1369] {strides = array<i32>} : memref<240xf32, #tpu.memory_space<vmem>>, vector<16xf32>,
    %swap3A_1371 = vector.shape_cast %swap3A_1370 : vector<16xf32> to vector<16xf32>
    %swap3A_1372 = vector.shape_cast %div3A_1368 : vector<16xf32> to vector<16xf32>
    tpu.vector_store %arg10[%swap3A_1369], %swap3A_1372 {strides = array<i32>} : memref<240xf32, #tpu.memory_space<vmem>>, vector<16xf32>,
    %div3A_1373 = arith.divf %mul3A_1354, %add3A_1357 : vector<16xf32>
    %swap3A_1374 = arith.constant 192 : index
    %swap3A_1375 = tpu.vector_load %arg11[%swap3A_1374] {strides = array<i32>} : memref<240xf32, #tpu.memory_space<vmem>>, vector<16xf32>,
    %swap3A_1376 = vector.shape_cast %swap3A_1375 : vector<16xf32> to vector<16xf32>
    %swap3A_1377 = vector.shape_cast %div3A_1373 : vector<16xf32> to vector<16xf32>
    tpu.vector_store %arg11[%swap3A_1374], %swap3A_1377 {strides = array<i32>} : memref<240xf32, #tpu.memory_space<vmem>>, vector<16xf32>,
    %get3A_1378 = arith.constant 208 : index
    %get3A_1379 = tpu.vector_load %arg4[%get3A_1378] {strides = array<i32>} : memref<240xf32, #tpu.memory_space<vmem>>, vector<16xf32>,
    %get3A_1380 = vector.shape_cast %get3A_1379 : vector<16xf32> to vector<16xf32>
    %get3A_1381 = arith.constant 208 : index
    %get3A_1382 = tpu.vector_load %arg5[%get3A_1381] {strides = array<i32>} : memref<240xf32, #tpu.memory_space<vmem>>, vector<16xf32>,
    %get3A_1383 = vector.shape_cast %get3A_1382 : vector<16xf32> to vector<16xf32>
    %get3A_1384 = arith.constant 208 : index
    %get3A_1385 = tpu.vector_load %arg6[%get3A_1384] {strides = array<i32>} : memref<240xf32, #tpu.memory_space<vmem>>, vector<16xf32>,
    %get3A_1386 = vector.shape_cast %get3A_1385 : vector<16xf32> to vector<16xf32>
    %get3A_1387 = arith.constant 208 : index
    %get3A_1388 = tpu.vector_load %arg7[%get3A_1387] {strides = array<i32>} : memref<240xf32, #tpu.memory_space<vmem>>, vector<16xf32>,
    %get3A_1389 = vector.shape_cast %get3A_1388 : vector<16xf32> to vector<16xf32>
    %max3A_1390 = arith.maximumf %get3A_1380, %get3A_1383 : vector<16xf32>
    %max3A_1391 = arith.maximumf %get3A_1386, %get3A_1389 : vector<16xf32>
    %max3A_1392 = arith.maximumf %max3A_1390, %max3A_1391 : vector<16xf32>
    %broadcast_in_dim3A_1393 = arith.constant 1.000000e+00 : f32
    %broadcast_in_dim3A_1394 = vector.broadcast %broadcast_in_dim3A_1393 : f32 to vector<16xf32>
    %broadcast_in_dim3A_1395 = arith.constant 0.000000e+00 : f32
    %broadcast_in_dim3A_1396 = vector.broadcast %broadcast_in_dim3A_1395 : f32 to vector<16xf32>
    %gt3A_1397 = arith.cmpf ogt, %get3A_1383, %get3A_1380 : vector<16xf32>
    %select_n3A_1398 = arith.select %gt3A_1397, %broadcast_in_dim3A_1394, %broadcast_in_dim3A_1396 : vector<16xi1>, vector<16xf32>
    %add3A_1399 = arith.addf %broadcast_in_dim3A_1396, %select_n3A_1398 : vector<16xf32>
    %gt3A_1400 = arith.cmpf ogt, %get3A_1386, %get3A_1380 : vector<16xf32>
    %select_n3A_1401 = arith.select %gt3A_1400, %broadcast_in_dim3A_1394, %broadcast_in_dim3A_1396 : vector<16xi1>, vector<16xf32>
    %add3A_1402 = arith.addf %add3A_1399, %select_n3A_1401 : vector<16xf32>
    %gt3A_1403 = arith.cmpf ogt, %get3A_1389, %get3A_1380 : vector<16xf32>
    %select_n3A_1404 = arith.select %gt3A_1403, %broadcast_in_dim3A_1394, %broadcast_in_dim3A_1396 : vector<16xi1>, vector<16xf32>
    %add3A_1405 = arith.addf %add3A_1402, %select_n3A_1404 : vector<16xf32>
    %lt3A_1406 = arith.constant 2.000000e+00 : f32
    %lt3A_1407 = vector.broadcast %lt3A_1406 : f32 to vector<16xf32>
    %lt3A_1408 = arith.cmpf olt, %add3A_1405, %lt3A_1407 : vector<16xf32>
    %select_n3A_1409 = arith.select %lt3A_1408, %broadcast_in_dim3A_1394, %broadcast_in_dim3A_1396 : vector<16xi1>, vector<16xf32>
    %sub3A_1410 = arith.subf %get3A_1380, %max3A_1392 : vector<16xf32>
    %exp3A_1411 = math.exp %sub3A_1410 : vector<16xf32>
    %mul3A_1412 = arith.mulf %select_n3A_1409, %exp3A_1411 : vector<16xf32>
    %ge3A_1413 = arith.cmpf oge, %get3A_1380, %get3A_1383 : vector<16xf32>
    %select_n3A_1414 = arith.select %ge3A_1413, %broadcast_in_dim3A_1394, %broadcast_in_dim3A_1396 : vector<16xi1>, vector<16xf32>
    %add3A_1415 = arith.addf %broadcast_in_dim3A_1396, %select_n3A_1414 : vector<16xf32>
    %gt3A_1416 = arith.cmpf ogt, %get3A_1386, %get3A_1383 : vector<16xf32>
    %select_n3A_1417 = arith.select %gt3A_1416, %broadcast_in_dim3A_1394, %broadcast_in_dim3A_1396 : vector<16xi1>, vector<16xf32>
    %add3A_1418 = arith.addf %add3A_1415, %select_n3A_1417 : vector<16xf32>
    %gt3A_1419 = arith.cmpf ogt, %get3A_1389, %get3A_1383 : vector<16xf32>
    %select_n3A_1420 = arith.select %gt3A_1419, %broadcast_in_dim3A_1394, %broadcast_in_dim3A_1396 : vector<16xi1>, vector<16xf32>
    %add3A_1421 = arith.addf %add3A_1418, %select_n3A_1420 : vector<16xf32>
    %lt3A_1422 = arith.constant 2.000000e+00 : f32
    %lt3A_1423 = vector.broadcast %lt3A_1422 : f32 to vector<16xf32>
    %lt3A_1424 = arith.cmpf olt, %add3A_1421, %lt3A_1423 : vector<16xf32>
    %select_n3A_1425 = arith.select %lt3A_1424, %broadcast_in_dim3A_1394, %broadcast_in_dim3A_1396 : vector<16xi1>, vector<16xf32>
    %sub3A_1426 = arith.subf %get3A_1383, %max3A_1392 : vector<16xf32>
    %exp3A_1427 = math.exp %sub3A_1426 : vector<16xf32>
    %mul3A_1428 = arith.mulf %select_n3A_1425, %exp3A_1427 : vector<16xf32>
    %ge3A_1429 = arith.cmpf oge, %get3A_1380, %get3A_1386 : vector<16xf32>
    %select_n3A_1430 = arith.select %ge3A_1429, %broadcast_in_dim3A_1394, %broadcast_in_dim3A_1396 : vector<16xi1>, vector<16xf32>
    %add3A_1431 = arith.addf %broadcast_in_dim3A_1396, %select_n3A_1430 : vector<16xf32>
    %ge3A_1432 = arith.cmpf oge, %get3A_1383, %get3A_1386 : vector<16xf32>
    %select_n3A_1433 = arith.select %ge3A_1432, %broadcast_in_dim3A_1394, %broadcast_in_dim3A_1396 : vector<16xi1>, vector<16xf32>
    %add3A_1434 = arith.addf %add3A_1431, %select_n3A_1433 : vector<16xf32>
    %gt3A_1435 = arith.cmpf ogt, %get3A_1389, %get3A_1386 : vector<16xf32>
    %select_n3A_1436 = arith.select %gt3A_1435, %broadcast_in_dim3A_1394, %broadcast_in_dim3A_1396 : vector<16xi1>, vector<16xf32>
    %add3A_1437 = arith.addf %add3A_1434, %select_n3A_1436 : vector<16xf32>
    %lt3A_1438 = arith.constant 2.000000e+00 : f32
    %lt3A_1439 = vector.broadcast %lt3A_1438 : f32 to vector<16xf32>
    %lt3A_1440 = arith.cmpf olt, %add3A_1437, %lt3A_1439 : vector<16xf32>
    %select_n3A_1441 = arith.select %lt3A_1440, %broadcast_in_dim3A_1394, %broadcast_in_dim3A_1396 : vector<16xi1>, vector<16xf32>
    %sub3A_1442 = arith.subf %get3A_1386, %max3A_1392 : vector<16xf32>
    %exp3A_1443 = math.exp %sub3A_1442 : vector<16xf32>
    %mul3A_1444 = arith.mulf %select_n3A_1441, %exp3A_1443 : vector<16xf32>
    %ge3A_1445 = arith.cmpf oge, %get3A_1380, %get3A_1389 : vector<16xf32>
    %select_n3A_1446 = arith.select %ge3A_1445, %broadcast_in_dim3A_1394, %broadcast_in_dim3A_1396 : vector<16xi1>, vector<16xf32>
    %add3A_1447 = arith.addf %broadcast_in_dim3A_1396, %select_n3A_1446 : vector<16xf32>
    %ge3A_1448 = arith.cmpf oge, %get3A_1383, %get3A_1389 : vector<16xf32>
    %select_n3A_1449 = arith.select %ge3A_1448, %broadcast_in_dim3A_1394, %broadcast_in_dim3A_1396 : vector<16xi1>, vector<16xf32>
    %add3A_1450 = arith.addf %add3A_1447, %select_n3A_1449 : vector<16xf32>
    %ge3A_1451 = arith.cmpf oge, %get3A_1386, %get3A_1389 : vector<16xf32>
    %select_n3A_1452 = arith.select %ge3A_1451, %broadcast_in_dim3A_1394, %broadcast_in_dim3A_1396 : vector<16xi1>, vector<16xf32>
    %add3A_1453 = arith.addf %add3A_1450, %select_n3A_1452 : vector<16xf32>
    %lt3A_1454 = arith.constant 2.000000e+00 : f32
    %lt3A_1455 = vector.broadcast %lt3A_1454 : f32 to vector<16xf32>
    %lt3A_1456 = arith.cmpf olt, %add3A_1453, %lt3A_1455 : vector<16xf32>
    %select_n3A_1457 = arith.select %lt3A_1456, %broadcast_in_dim3A_1394, %broadcast_in_dim3A_1396 : vector<16xi1>, vector<16xf32>
    %sub3A_1458 = arith.subf %get3A_1389, %max3A_1392 : vector<16xf32>
    %exp3A_1459 = math.exp %sub3A_1458 : vector<16xf32>
    %mul3A_1460 = arith.mulf %select_n3A_1457, %exp3A_1459 : vector<16xf32>
    %add3A_1461 = arith.addf %mul3A_1412, %mul3A_1428 : vector<16xf32>
    %add3A_1462 = arith.addf %add3A_1461, %mul3A_1444 : vector<16xf32>
    %add3A_1463 = arith.addf %add3A_1462, %mul3A_1460 : vector<16xf32>
    %div3A_1464 = arith.divf %mul3A_1412, %add3A_1463 : vector<16xf32>
    %swap3A_1465 = arith.constant 208 : index
    %swap3A_1466 = tpu.vector_load %arg8[%swap3A_1465] {strides = array<i32>} : memref<240xf32, #tpu.memory_space<vmem>>, vector<16xf32>,
    %swap3A_1467 = vector.shape_cast %swap3A_1466 : vector<16xf32> to vector<16xf32>
    %swap3A_1468 = vector.shape_cast %div3A_1464 : vector<16xf32> to vector<16xf32>
    tpu.vector_store %arg8[%swap3A_1465], %swap3A_1468 {strides = array<i32>} : memref<240xf32, #tpu.memory_space<vmem>>, vector<16xf32>,
    %div3A_1469 = arith.divf %mul3A_1428, %add3A_1463 : vector<16xf32>
    %swap3A_1470 = arith.constant 208 : index
    %swap3A_1471 = tpu.vector_load %arg9[%swap3A_1470] {strides = array<i32>} : memref<240xf32, #tpu.memory_space<vmem>>, vector<16xf32>,
    %swap3A_1472 = vector.shape_cast %swap3A_1471 : vector<16xf32> to vector<16xf32>
    %swap3A_1473 = vector.shape_cast %div3A_1469 : vector<16xf32> to vector<16xf32>
    tpu.vector_store %arg9[%swap3A_1470], %swap3A_1473 {strides = array<i32>} : memref<240xf32, #tpu.memory_space<vmem>>, vector<16xf32>,
    %div3A_1474 = arith.divf %mul3A_1444, %add3A_1463 : vector<16xf32>
    %swap3A_1475 = arith.constant 208 : index
    %swap3A_1476 = tpu.vector_load %arg10[%swap3A_1475] {strides = array<i32>} : memref<240xf32, #tpu.memory_space<vmem>>, vector<16xf32>,
    %swap3A_1477 = vector.shape_cast %swap3A_1476 : vector<16xf32> to vector<16xf32>
    %swap3A_1478 = vector.shape_cast %div3A_1474 : vector<16xf32> to vector<16xf32>
    tpu.vector_store %arg10[%swap3A_1475], %swap3A_1478 {strides = array<i32>} : memref<240xf32, #tpu.memory_space<vmem>>, vector<16xf32>,
    %div3A_1479 = arith.divf %mul3A_1460, %add3A_1463 : vector<16xf32>
    %swap3A_1480 = arith.constant 208 : index
    %swap3A_1481 = tpu.vector_load %arg11[%swap3A_1480] {strides = array<i32>} : memref<240xf32, #tpu.memory_space<vmem>>, vector<16xf32>,
    %swap3A_1482 = vector.shape_cast %swap3A_1481 : vector<16xf32> to vector<16xf32>
    %swap3A_1483 = vector.shape_cast %div3A_1479 : vector<16xf32> to vector<16xf32>
    tpu.vector_store %arg11[%swap3A_1480], %swap3A_1483 {strides = array<i32>} : memref<240xf32, #tpu.memory_space<vmem>>, vector<16xf32>,
    %get3A_1484 = arith.constant 224 : index
    %get3A_1485 = tpu.vector_load %arg4[%get3A_1484] {strides = array<i32>} : memref<240xf32, #tpu.memory_space<vmem>>, vector<16xf32>,
    %get3A_1486 = vector.shape_cast %get3A_1485 : vector<16xf32> to vector<16xf32>
    %get3A_1487 = arith.constant 224 : index
    %get3A_1488 = tpu.vector_load %arg5[%get3A_1487] {strides = array<i32>} : memref<240xf32, #tpu.memory_space<vmem>>, vector<16xf32>,
    %get3A_1489 = vector.shape_cast %get3A_1488 : vector<16xf32> to vector<16xf32>
    %get3A_1490 = arith.constant 224 : index
    %get3A_1491 = tpu.vector_load %arg6[%get3A_1490] {strides = array<i32>} : memref<240xf32, #tpu.memory_space<vmem>>, vector<16xf32>,
    %get3A_1492 = vector.shape_cast %get3A_1491 : vector<16xf32> to vector<16xf32>
    %get3A_1493 = arith.constant 224 : index
    %get3A_1494 = tpu.vector_load %arg7[%get3A_1493] {strides = array<i32>} : memref<240xf32, #tpu.memory_space<vmem>>, vector<16xf32>,
    %get3A_1495 = vector.shape_cast %get3A_1494 : vector<16xf32> to vector<16xf32>
    %max3A_1496 = arith.maximumf %get3A_1486, %get3A_1489 : vector<16xf32>
    %max3A_1497 = arith.maximumf %get3A_1492, %get3A_1495 : vector<16xf32>
    %max3A_1498 = arith.maximumf %max3A_1496, %max3A_1497 : vector<16xf32>
    %broadcast_in_dim3A_1499 = arith.constant 1.000000e+00 : f32
    %broadcast_in_dim3A_1500 = vector.broadcast %broadcast_in_dim3A_1499 : f32 to vector<16xf32>
    %broadcast_in_dim3A_1501 = arith.constant 0.000000e+00 : f32
    %broadcast_in_dim3A_1502 = vector.broadcast %broadcast_in_dim3A_1501 : f32 to vector<16xf32>
    %gt3A_1503 = arith.cmpf ogt, %get3A_1489, %get3A_1486 : vector<16xf32>
    %select_n3A_1504 = arith.select %gt3A_1503, %broadcast_in_dim3A_1500, %broadcast_in_dim3A_1502 : vector<16xi1>, vector<16xf32>
    %add3A_1505 = arith.addf %broadcast_in_dim3A_1502, %select_n3A_1504 : vector<16xf32>
    %gt3A_1506 = arith.cmpf ogt, %get3A_1492, %get3A_1486 : vector<16xf32>
    %select_n3A_1507 = arith.select %gt3A_1506, %broadcast_in_dim3A_1500, %broadcast_in_dim3A_1502 : vector<16xi1>, vector<16xf32>
    %add3A_1508 = arith.addf %add3A_1505, %select_n3A_1507 : vector<16xf32>
    %gt3A_1509 = arith.cmpf ogt, %get3A_1495, %get3A_1486 : vector<16xf32>
    %select_n3A_1510 = arith.select %gt3A_1509, %broadcast_in_dim3A_1500, %broadcast_in_dim3A_1502 : vector<16xi1>, vector<16xf32>
    %add3A_1511 = arith.addf %add3A_1508, %select_n3A_1510 : vector<16xf32>
    %lt3A_1512 = arith.constant 2.000000e+00 : f32
    %lt3A_1513 = vector.broadcast %lt3A_1512 : f32 to vector<16xf32>
    %lt3A_1514 = arith.cmpf olt, %add3A_1511, %lt3A_1513 : vector<16xf32>
    %select_n3A_1515 = arith.select %lt3A_1514, %broadcast_in_dim3A_1500, %broadcast_in_dim3A_1502 : vector<16xi1>, vector<16xf32>
    %sub3A_1516 = arith.subf %get3A_1486, %max3A_1498 : vector<16xf32>
    %exp3A_1517 = math.exp %sub3A_1516 : vector<16xf32>
    %mul3A_1518 = arith.mulf %select_n3A_1515, %exp3A_1517 : vector<16xf32>
    %ge3A_1519 = arith.cmpf oge, %get3A_1486, %get3A_1489 : vector<16xf32>
    %select_n3A_1520 = arith.select %ge3A_1519, %broadcast_in_dim3A_1500, %broadcast_in_dim3A_1502 : vector<16xi1>, vector<16xf32>
    %add3A_1521 = arith.addf %broadcast_in_dim3A_1502, %select_n3A_1520 : vector<16xf32>
    %gt3A_1522 = arith.cmpf ogt, %get3A_1492, %get3A_1489 : vector<16xf32>
    %select_n3A_1523 = arith.select %gt3A_1522, %broadcast_in_dim3A_1500, %broadcast_in_dim3A_1502 : vector<16xi1>, vector<16xf32>
    %add3A_1524 = arith.addf %add3A_1521, %select_n3A_1523 : vector<16xf32>
    %gt3A_1525 = arith.cmpf ogt, %get3A_1495, %get3A_1489 : vector<16xf32>
    %select_n3A_1526 = arith.select %gt3A_1525, %broadcast_in_dim3A_1500, %broadcast_in_dim3A_1502 : vector<16xi1>, vector<16xf32>
    %add3A_1527 = arith.addf %add3A_1524, %select_n3A_1526 : vector<16xf32>
    %lt3A_1528 = arith.constant 2.000000e+00 : f32
    %lt3A_1529 = vector.broadcast %lt3A_1528 : f32 to vector<16xf32>
    %lt3A_1530 = arith.cmpf olt, %add3A_1527, %lt3A_1529 : vector<16xf32>
    %select_n3A_1531 = arith.select %lt3A_1530, %broadcast_in_dim3A_1500, %broadcast_in_dim3A_1502 : vector<16xi1>, vector<16xf32>
    %sub3A_1532 = arith.subf %get3A_1489, %max3A_1498 : vector<16xf32>
    %exp3A_1533 = math.exp %sub3A_1532 : vector<16xf32>
    %mul3A_1534 = arith.mulf %select_n3A_1531, %exp3A_1533 : vector<16xf32>
    %ge3A_1535 = arith.cmpf oge, %get3A_1486, %get3A_1492 : vector<16xf32>
    %select_n3A_1536 = arith.select %ge3A_1535, %broadcast_in_dim3A_1500, %broadcast_in_dim3A_1502 : vector<16xi1>, vector<16xf32>
    %add3A_1537 = arith.addf %broadcast_in_dim3A_1502, %select_n3A_1536 : vector<16xf32>
    %ge3A_1538 = arith.cmpf oge, %get3A_1489, %get3A_1492 : vector<16xf32>
    %select_n3A_1539 = arith.select %ge3A_1538, %broadcast_in_dim3A_1500, %broadcast_in_dim3A_1502 : vector<16xi1>, vector<16xf32>
    %add3A_1540 = arith.addf %add3A_1537, %select_n3A_1539 : vector<16xf32>
    %gt3A_1541 = arith.cmpf ogt, %get3A_1495, %get3A_1492 : vector<16xf32>
    %select_n3A_1542 = arith.select %gt3A_1541, %broadcast_in_dim3A_1500, %broadcast_in_dim3A_1502 : vector<16xi1>, vector<16xf32>
    %add3A_1543 = arith.addf %add3A_1540, %select_n3A_1542 : vector<16xf32>
    %lt3A_1544 = arith.constant 2.000000e+00 : f32
    %lt3A_1545 = vector.broadcast %lt3A_1544 : f32 to vector<16xf32>
    %lt3A_1546 = arith.cmpf olt, %add3A_1543, %lt3A_1545 : vector<16xf32>
    %select_n3A_1547 = arith.select %lt3A_1546, %broadcast_in_dim3A_1500, %broadcast_in_dim3A_1502 : vector<16xi1>, vector<16xf32>
    %sub3A_1548 = arith.subf %get3A_1492, %max3A_1498 : vector<16xf32>
    %exp3A_1549 = math.exp %sub3A_1548 : vector<16xf32>
    %mul3A_1550 = arith.mulf %select_n3A_1547, %exp3A_1549 : vector<16xf32>
    %ge3A_1551 = arith.cmpf oge, %get3A_1486, %get3A_1495 : vector<16xf32>
    %select_n3A_1552 = arith.select %ge3A_1551, %broadcast_in_dim3A_1500, %broadcast_in_dim3A_1502 : vector<16xi1>, vector<16xf32>
    %add3A_1553 = arith.addf %broadcast_in_dim3A_1502, %select_n3A_1552 : vector<16xf32>
    %ge3A_1554 = arith.cmpf oge, %get3A_1489, %get3A_1495 : vector<16xf32>
    %select_n3A_1555 = arith.select %ge3A_1554, %broadcast_in_dim3A_1500, %broadcast_in_dim3A_1502 : vector<16xi1>, vector<16xf32>
    %add3A_1556 = arith.addf %add3A_1553, %select_n3A_1555 : vector<16xf32>
    %ge3A_1557 = arith.cmpf oge, %get3A_1492, %get3A_1495 : vector<16xf32>
    %select_n3A_1558 = arith.select %ge3A_1557, %broadcast_in_dim3A_1500, %broadcast_in_dim3A_1502 : vector<16xi1>, vector<16xf32>
    %add3A_1559 = arith.addf %add3A_1556, %select_n3A_1558 : vector<16xf32>
    %lt3A_1560 = arith.constant 2.000000e+00 : f32
    %lt3A_1561 = vector.broadcast %lt3A_1560 : f32 to vector<16xf32>
    %lt3A_1562 = arith.cmpf olt, %add3A_1559, %lt3A_1561 : vector<16xf32>
    %select_n3A_1563 = arith.select %lt3A_1562, %broadcast_in_dim3A_1500, %broadcast_in_dim3A_1502 : vector<16xi1>, vector<16xf32>
    %sub3A_1564 = arith.subf %get3A_1495, %max3A_1498 : vector<16xf32>
    %exp3A_1565 = math.exp %sub3A_1564 : vector<16xf32>
    %mul3A_1566 = arith.mulf %select_n3A_1563, %exp3A_1565 : vector<16xf32>
    %add3A_1567 = arith.addf %mul3A_1518, %mul3A_1534 : vector<16xf32>
    %add3A_1568 = arith.addf %add3A_1567, %mul3A_1550 : vector<16xf32>
    %add3A_1569 = arith.addf %add3A_1568, %mul3A_1566 : vector<16xf32>
    %div3A_1570 = arith.divf %mul3A_1518, %add3A_1569 : vector<16xf32>
    %swap3A_1571 = arith.constant 224 : index
    %swap3A_1572 = tpu.vector_load %arg8[%swap3A_1571] {strides = array<i32>} : memref<240xf32, #tpu.memory_space<vmem>>, vector<16xf32>,
    %swap3A_1573 = vector.shape_cast %swap3A_1572 : vector<16xf32> to vector<16xf32>
    %swap3A_1574 = vector.shape_cast %div3A_1570 : vector<16xf32> to vector<16xf32>
    tpu.vector_store %arg8[%swap3A_1571], %swap3A_1574 {strides = array<i32>} : memref<240xf32, #tpu.memory_space<vmem>>, vector<16xf32>,
    %div3A_1575 = arith.divf %mul3A_1534, %add3A_1569 : vector<16xf32>
    %swap3A_1576 = arith.constant 224 : index
    %swap3A_1577 = tpu.vector_load %arg9[%swap3A_1576] {strides = array<i32>} : memref<240xf32, #tpu.memory_space<vmem>>, vector<16xf32>,
    %swap3A_1578 = vector.shape_cast %swap3A_1577 : vector<16xf32> to vector<16xf32>
    %swap3A_1579 = vector.shape_cast %div3A_1575 : vector<16xf32> to vector<16xf32>
    tpu.vector_store %arg9[%swap3A_1576], %swap3A_1579 {strides = array<i32>} : memref<240xf32, #tpu.memory_space<vmem>>, vector<16xf32>,
    %div3A_1580 = arith.divf %mul3A_1550, %add3A_1569 : vector<16xf32>
    %swap3A_1581 = arith.constant 224 : index
    %swap3A_1582 = tpu.vector_load %arg10[%swap3A_1581] {strides = array<i32>} : memref<240xf32, #tpu.memory_space<vmem>>, vector<16xf32>,
    %swap3A_1583 = vector.shape_cast %swap3A_1582 : vector<16xf32> to vector<16xf32>
    %swap3A_1584 = vector.shape_cast %div3A_1580 : vector<16xf32> to vector<16xf32>
    tpu.vector_store %arg10[%swap3A_1581], %swap3A_1584 {strides = array<i32>} : memref<240xf32, #tpu.memory_space<vmem>>, vector<16xf32>,
    %div3A_1585 = arith.divf %mul3A_1566, %add3A_1569 : vector<16xf32>
    %swap3A_1586 = arith.constant 224 : index
    %swap3A_1587 = tpu.vector_load %arg11[%swap3A_1586] {strides = array<i32>} : memref<240xf32, #tpu.memory_space<vmem>>, vector<16xf32>,
    %swap3A_1588 = vector.shape_cast %swap3A_1587 : vector<16xf32> to vector<16xf32>
    %swap3A_1589 = vector.shape_cast %div3A_1585 : vector<16xf32> to vector<16xf32>
    tpu.vector_store %arg11[%swap3A_1586], %swap3A_1589 {strides = array<i32>} : memref<240xf32, #tpu.memory_space<vmem>>, vector<16xf32>,
    %add3A_1590 = arith.constant 0 : i32
    %add3A_1591 = arith.addi %add3A_1590, %mul3A_2 : i32
    "tpu.region"() ({
      %run_scoped3A = tpu.sem_alloc : memref<!tpu.dma_semaphore, #tpu.memory_space<semaphore_mem>>
      %dma_start3A = tpu.memref_slice %arg3[%add3A_1591] : memref<30720xf32, #tpu.memory_space<hbm>> -> memref<240xf32, #tpu.memory_space<hbm>>
      %dma_start3A_1598 = tpu.memref_slice %arg3[%add3A_1591] : memref<30720xf32, #tpu.memory_space<hbm>> -> memref<240xf32, #tpu.memory_space<hbm>>
      tpu.enqueue_dma source(%arg8 : memref<240xf32, #tpu.memory_space<vmem>>) target(%dma_start3A_1598 : memref<240xf32, #tpu.memory_space<hbm>>) target_semaphore(%run_scoped3A : memref<!tpu.dma_semaphore, #tpu.memory_space<semaphore_mem>>)
      %dma_wait3A = tpu.memref_slice %arg3[%add3A_1591] : memref<30720xf32, #tpu.memory_space<hbm>> -> memref<240xf32, #tpu.memory_space<hbm>>
      %dma_wait3A_1599 = tpu.memref_slice %arg3[%add3A_1591] : memref<30720xf32, #tpu.memory_space<hbm>> -> memref<240xf32, #tpu.memory_space<hbm>>
      tpu.wait_dma2 semaphore(%run_scoped3A : memref<!tpu.dma_semaphore, #tpu.memory_space<semaphore_mem>>) src(%arg8 : memref<240xf32, #tpu.memory_space<vmem>>) dst(%dma_wait3A_1599 : memref<240xf32, #tpu.memory_space<hbm>>)
      tpu.yield
    }) : () -> ()
    %add3A_1592 = arith.constant 7680 : i32
    %add3A_1593 = arith.addi %add3A_1592, %mul3A_2 : i32
    "tpu.region"() ({
      %run_scoped3A = tpu.sem_alloc : memref<!tpu.dma_semaphore, #tpu.memory_space<semaphore_mem>>
      %dma_start3A = tpu.memref_slice %arg3[%add3A_1593] : memref<30720xf32, #tpu.memory_space<hbm>> -> memref<240xf32, #tpu.memory_space<hbm>>
      %dma_start3A_1598 = tpu.memref_slice %arg3[%add3A_1593] : memref<30720xf32, #tpu.memory_space<hbm>> -> memref<240xf32, #tpu.memory_space<hbm>>
      tpu.enqueue_dma source(%arg9 : memref<240xf32, #tpu.memory_space<vmem>>) target(%dma_start3A_1598 : memref<240xf32, #tpu.memory_space<hbm>>) target_semaphore(%run_scoped3A : memref<!tpu.dma_semaphore, #tpu.memory_space<semaphore_mem>>)
      %dma_wait3A = tpu.memref_slice %arg3[%add3A_1593] : memref<30720xf32, #tpu.memory_space<hbm>> -> memref<240xf32, #tpu.memory_space<hbm>>
      %dma_wait3A_1599 = tpu.memref_slice %arg3[%add3A_1593] : memref<30720xf32, #tpu.memory_space<hbm>> -> memref<240xf32, #tpu.memory_space<hbm>>
      tpu.wait_dma2 semaphore(%run_scoped3A : memref<!tpu.dma_semaphore, #tpu.memory_space<semaphore_mem>>) src(%arg9 : memref<240xf32, #tpu.memory_space<vmem>>) dst(%dma_wait3A_1599 : memref<240xf32, #tpu.memory_space<hbm>>)
      tpu.yield
    }) : () -> ()
    %add3A_1594 = arith.constant 15360 : i32
    %add3A_1595 = arith.addi %add3A_1594, %mul3A_2 : i32
    "tpu.region"() ({
      %run_scoped3A = tpu.sem_alloc : memref<!tpu.dma_semaphore, #tpu.memory_space<semaphore_mem>>
      %dma_start3A = tpu.memref_slice %arg3[%add3A_1595] : memref<30720xf32, #tpu.memory_space<hbm>> -> memref<240xf32, #tpu.memory_space<hbm>>
      %dma_start3A_1598 = tpu.memref_slice %arg3[%add3A_1595] : memref<30720xf32, #tpu.memory_space<hbm>> -> memref<240xf32, #tpu.memory_space<hbm>>
      tpu.enqueue_dma source(%arg10 : memref<240xf32, #tpu.memory_space<vmem>>) target(%dma_start3A_1598 : memref<240xf32, #tpu.memory_space<hbm>>) target_semaphore(%run_scoped3A : memref<!tpu.dma_semaphore, #tpu.memory_space<semaphore_mem>>)
      %dma_wait3A = tpu.memref_slice %arg3[%add3A_1595] : memref<30720xf32, #tpu.memory_space<hbm>> -> memref<240xf32, #tpu.memory_space<hbm>>
      %dma_wait3A_1599 = tpu.memref_slice %arg3[%add3A_1595] : memref<30720xf32, #tpu.memory_space<hbm>> -> memref<240xf32, #tpu.memory_space<hbm>>
      tpu.wait_dma2 semaphore(%run_scoped3A : memref<!tpu.dma_semaphore, #tpu.memory_space<semaphore_mem>>) src(%arg10 : memref<240xf32, #tpu.memory_space<vmem>>) dst(%dma_wait3A_1599 : memref<240xf32, #tpu.memory_space<hbm>>)
      tpu.yield
    }) : () -> ()
    %add3A_1596 = arith.constant 23040 : i32
    %add3A_1597 = arith.addi %add3A_1596, %mul3A_2 : i32
    "tpu.region"() ({
      %run_scoped3A = tpu.sem_alloc : memref<!tpu.dma_semaphore, #tpu.memory_space<semaphore_mem>>
      %dma_start3A = tpu.memref_slice %arg3[%add3A_1597] : memref<30720xf32, #tpu.memory_space<hbm>> -> memref<240xf32, #tpu.memory_space<hbm>>
      %dma_start3A_1598 = tpu.memref_slice %arg3[%add3A_1597] : memref<30720xf32, #tpu.memory_space<hbm>> -> memref<240xf32, #tpu.memory_space<hbm>>
      tpu.enqueue_dma source(%arg11 : memref<240xf32, #tpu.memory_space<vmem>>) target(%dma_start3A_1598 : memref<240xf32, #tpu.memory_space<hbm>>) target_semaphore(%run_scoped3A : memref<!tpu.dma_semaphore, #tpu.memory_space<semaphore_mem>>)
      %dma_wait3A = tpu.memref_slice %arg3[%add3A_1597] : memref<30720xf32, #tpu.memory_space<hbm>> -> memref<240xf32, #tpu.memory_space<hbm>>
      %dma_wait3A_1599 = tpu.memref_slice %arg3[%add3A_1597] : memref<30720xf32, #tpu.memory_space<hbm>> -> memref<240xf32, #tpu.memory_space<hbm>>
      tpu.wait_dma2 semaphore(%run_scoped3A : memref<!tpu.dma_semaphore, #tpu.memory_space<semaphore_mem>>) src(%arg11 : memref<240xf32, #tpu.memory_space<vmem>>) dst(%dma_wait3A_1599 : memref<240xf32, #tpu.memory_space<hbm>>)
      tpu.yield
    }) : () -> ()
    return
  }
}

module attributes {stable_mosaic.version = 14 : i64} {
  func.func @_p1_body(%arg0: i32, %arg1: memref<136x1160xf32, #tpu.memory_space<vmem>>, %arg2: memref<1160x640xf32, #tpu.memory_space<vmem>>, %arg3: memref<1160x640xf32, #tpu.memory_space<vmem>>, %arg4: memref<136x640xf32, #tpu.memory_space<vmem>>, %arg5: memref<136x640xf32, #tpu.memory_space<vmem>>) attributes {dimension_semantics = [#tpu.dimension_semantics<arbitrary>], iteration_bounds = array<i64: 8>, scalar_prefetch = 0 : i64, scratch_operands = 0 : i64, tpu.core_type = #tpu.core_type<tc>, window_params = [{transform_indices = @transform_0, window_bounds = array<i64: 136, 1160>}, {pipeline_mode = #tpu.pipeline_mode<synchronous>, transform_indices = @transform_1, window_bounds = array<i64: 1160, 640>}, {pipeline_mode = #tpu.pipeline_mode<synchronous>, transform_indices = @transform_2, window_bounds = array<i64: 1160, 640>}, {transform_indices = @transform_3, window_bounds = array<i64: 136, 640>}, {transform_indices = @transform_4, window_bounds = array<i64: 136, 640>}]} {
    %get3A = arith.constant 0 : index
    %get3A_0 = arith.constant 0 : index
    %get3A_1 = vector.load %arg1[%get3A, %get3A_0] : memref<136x1160xf32, #tpu.memory_space<vmem>>, vector<136x1160xf32>
    %get3A_2 = arith.constant 0 : index
    %get3A_3 = arith.constant 0 : index
    %get3A_4 = vector.load %arg2[%get3A_2, %get3A_3] : memref<1160x640xf32, #tpu.memory_space<vmem>>, vector<1160x640xf32>
    %dot_general3A = arith.constant dense<0.000000e+00> : vector<136x640xf32>
    %dot_general3A_5 = tpu.matmul %get3A_1, %get3A_4, %dot_general3A {dimension_numbers = #tpu.dot_dimension_numbers<[1], [0], [0], [1], [0, 0, 1, 1], [], []>, precision = #tpu.contract_precision<fp32>, transpose_lhs_hint = false} : vector<136x1160xf32>, vector<1160x640xf32>, vector<136x640xf32> -> vector<136x640xf32>
    %swap3A = arith.constant 0 : index
    %swap3A_6 = arith.constant 0 : index
    %swap3A_7 = vector.load %arg4[%swap3A, %swap3A_6] : memref<136x640xf32, #tpu.memory_space<vmem>>, vector<136x640xf32>
    tpu.vector_store %arg4[%swap3A, %swap3A_6], %dot_general3A_5 {strides = array<i32>} : memref<136x640xf32, #tpu.memory_space<vmem>>, vector<136x640xf32>,
    %get3A_8 = arith.constant 0 : index
    %get3A_9 = arith.constant 0 : index
    %get3A_10 = vector.load %arg3[%get3A_8, %get3A_9] : memref<1160x640xf32, #tpu.memory_space<vmem>>, vector<1160x640xf32>
    %dot_general3A_11 = arith.constant dense<0.000000e+00> : vector<136x640xf32>
    %dot_general3A_12 = tpu.matmul %get3A_1, %get3A_10, %dot_general3A_11 {dimension_numbers = #tpu.dot_dimension_numbers<[1], [0], [0], [1], [0, 0, 1, 1], [], []>, precision = #tpu.contract_precision<fp32>, transpose_lhs_hint = false} : vector<136x1160xf32>, vector<1160x640xf32>, vector<136x640xf32> -> vector<136x640xf32>
    %swap3A_13 = arith.constant 0 : index
    %swap3A_14 = arith.constant 0 : index
    %swap3A_15 = vector.load %arg5[%swap3A_13, %swap3A_14] : memref<136x640xf32, #tpu.memory_space<vmem>>, vector<136x640xf32>
    tpu.vector_store %arg5[%swap3A_13, %swap3A_14], %dot_general3A_12 {strides = array<i32>} : memref<136x640xf32, #tpu.memory_space<vmem>>, vector<136x640xf32>,
    return
  }
  func.func @transform_0(%arg0: i32) -> (i32, i32) {
    %c0_i32 = arith.constant 0 : i32
    %c0_i32_0 = arith.constant 0 : i32
    return %arg0, %c0_i32 : i32, i32
  }
  func.func @transform_1(%arg0: i32) -> (i32, i32) {
    %c0_i32 = arith.constant 0 : i32
    %c0_i32_0 = arith.constant 0 : i32
    %c0_i32_1 = arith.constant 0 : i32
    return %c0_i32, %c0_i32_0 : i32, i32
  }
  func.func @transform_2(%arg0: i32) -> (i32, i32) {
    %c0_i32 = arith.constant 0 : i32
    %c0_i32_0 = arith.constant 0 : i32
    %c0_i32_1 = arith.constant 0 : i32
    return %c0_i32, %c0_i32_0 : i32, i32
  }
  func.func @transform_3(%arg0: i32) -> (i32, i32) {
    %c0_i32 = arith.constant 0 : i32
    %c0_i32_0 = arith.constant 0 : i32
    return %arg0, %c0_i32 : i32, i32
  }
  func.func @transform_4(%arg0: i32) -> (i32, i32) {
    %c0_i32 = arith.constant 0 : i32
    %c0_i32_0 = arith.constant 0 : i32
    return %arg0, %c0_i32 : i32, i32
  }
}

module attributes {stable_mosaic.version = 14 : i64} {
  func.func @_p2_body(%arg0: i32, %arg1: memref<2048x17xf32, #tpu.memory_space<vmem>>, %arg2: memref<2048x17xf32, #tpu.memory_space<vmem>>, %arg3: memref<17x640xf32, #tpu.memory_space<vmem>>, %arg4: memref<17x640xf32, #tpu.memory_space<vmem>>, %arg5: memref<1x640xf32, #tpu.memory_space<vmem>>, %arg6: memref<4x5x128x128xf32, #tpu.memory_space<vmem>>, %arg7: memref<4x640xf32, #tpu.memory_space<vmem>>, %arg8: memref<5x128x64xf32, #tpu.memory_space<vmem>>, %arg9: memref<5x128x64xf32, #tpu.memory_space<vmem>>, %arg10: memref<1x320xf32, #tpu.memory_space<vmem>>, %arg11: memref<1x320xf32, #tpu.memory_space<vmem>>, %arg12: memref<2048x320xf32, #tpu.memory_space<vmem>>, %arg13: memref<2048x320xf32, #tpu.memory_space<vmem>>) attributes {dimension_semantics = [#tpu.dimension_semantics<arbitrary>], iteration_bounds = array<i64: 20>, scalar_prefetch = 0 : i64, scratch_operands = 0 : i64, tpu.core_type = #tpu.core_type<tc>, window_params = [{transform_indices = @transform_0, window_bounds = array<i64: 2048, 17>}, {transform_indices = @transform_1, window_bounds = array<i64: 2048, 17>}, {pipeline_mode = #tpu.pipeline_mode<synchronous>, transform_indices = @transform_2, window_bounds = array<i64: 17, 640>}, {pipeline_mode = #tpu.pipeline_mode<synchronous>, transform_indices = @transform_3, window_bounds = array<i64: 17, 640>}, {pipeline_mode = #tpu.pipeline_mode<synchronous>, transform_indices = @transform_4, window_bounds = array<i64: 1, 640>}, {pipeline_mode = #tpu.pipeline_mode<synchronous>, transform_indices = @transform_5, window_bounds = array<i64: 4, 5, 128, 128>}, {pipeline_mode = #tpu.pipeline_mode<synchronous>, transform_indices = @transform_6, window_bounds = array<i64: 4, 640>}, {pipeline_mode = #tpu.pipeline_mode<synchronous>, transform_indices = @transform_7, window_bounds = array<i64: 5, 128, 64>}, {pipeline_mode = #tpu.pipeline_mode<synchronous>, transform_indices = @transform_8, window_bounds = array<i64: 5, 128, 64>}, {pipeline_mode = #tpu.pipeline_mode<synchronous>, transform_indices = @transform_9, window_bounds = array<i64: 1, 320>}, {pipeline_mode = #tpu.pipeline_mode<synchronous>, transform_indices = @transform_10, window_bounds = array<i64: 1, 320>}, {transform_indices = @transform_11, window_bounds = array<i64: 2048, 320>}, {transform_indices = @transform_12, window_bounds = array<i64: 2048, 320>}]} {
    %get3A = arith.constant 0 : index
    %get3A_0 = arith.constant 0 : index
    %get3A_1 = vector.load %arg1[%get3A, %get3A_0] : memref<2048x17xf32, #tpu.memory_space<vmem>>, vector<2048x17xf32>
    %get3A_2 = arith.constant 0 : index
    %get3A_3 = arith.constant 0 : index
    %get3A_4 = vector.load %arg2[%get3A_2, %get3A_3] : memref<2048x17xf32, #tpu.memory_space<vmem>>, vector<2048x17xf32>
    %get3A_5 = arith.constant 0 : index
    %get3A_6 = arith.constant 0 : index
    %get3A_7 = vector.load %arg3[%get3A_5, %get3A_6] : memref<17x640xf32, #tpu.memory_space<vmem>>, vector<17x640xf32>
    %get3A_8 = arith.constant 0 : index
    %get3A_9 = arith.constant 0 : index
    %get3A_10 = vector.load %arg4[%get3A_8, %get3A_9] : memref<17x640xf32, #tpu.memory_space<vmem>>, vector<17x640xf32>
    %get3A_11 = arith.constant 0 : index
    %get3A_12 = arith.constant 0 : index
    %get3A_13 = vector.load %arg5[%get3A_11, %get3A_12] : memref<1x640xf32, #tpu.memory_space<vmem>>, vector<1x640xf32>
    %get3A_14 = arith.constant 0 : index
    %get3A_15 = arith.constant 0 : index
    %get3A_16 = vector.load %arg7[%get3A_14, %get3A_15] : memref<4x640xf32, #tpu.memory_space<vmem>>, vector<4x640xf32>
    %slice3A = vector.extract_strided_slice %get3A_7 {offsets = [0, 0], sizes = [17, 128], strides = [1, 1]} : vector<17x640xf32> to vector<17x128xf32>
    %dot_general3A = arith.constant dense<0.000000e+00> : vector<2048x128xf32>
    %dot_general3A_17 = tpu.matmul %get3A_1, %slice3A, %dot_general3A {dimension_numbers = #tpu.dot_dimension_numbers<[1], [0], [0], [1], [0, 0, 1, 1], [], []>, precision = #tpu.contract_precision<fp32>, transpose_lhs_hint = false} : vector<2048x17xf32>, vector<17x128xf32>, vector<2048x128xf32> -> vector<2048x128xf32>
    %slice3A_18 = vector.extract_strided_slice %get3A_10 {offsets = [0, 0], sizes = [17, 128], strides = [1, 1]} : vector<17x640xf32> to vector<17x128xf32>
    %dot_general3A_19 = arith.constant dense<0.000000e+00> : vector<2048x128xf32>
    %dot_general3A_20 = tpu.matmul %get3A_4, %slice3A_18, %dot_general3A_19 {dimension_numbers = #tpu.dot_dimension_numbers<[1], [0], [0], [1], [0, 0, 1, 1], [], []>, precision = #tpu.contract_precision<fp32>, transpose_lhs_hint = false} : vector<2048x17xf32>, vector<17x128xf32>, vector<2048x128xf32> -> vector<2048x128xf32>
    %add3A = arith.addf %dot_general3A_17, %dot_general3A_20 : vector<2048x128xf32>
    %slice3A_21 = vector.extract_strided_slice %get3A_13 {offsets = [0, 0], sizes = [1, 128], strides = [1, 1]} : vector<1x640xf32> to vector<1x128xf32>
    %mul3A = vector.broadcast %slice3A_21 : vector<1x128xf32> to vector<2048x128xf32>
    %mul3A_22 = arith.mulf %add3A, %mul3A : vector<2048x128xf32>
    %get3A_23 = arith.constant 0 : index
    %get3A_24 = arith.constant 0 : index
    %get3A_25 = arith.constant 0 : index
    %get3A_26 = arith.constant 0 : index
    %get3A_27 = vector.load %arg6[%get3A_23, %get3A_24, %get3A_25, %get3A_26] : memref<4x5x128x128xf32, #tpu.memory_space<vmem>>, vector<1x1x128x128xf32>
    %get3A_28 = vector.shape_cast %get3A_27 : vector<1x1x128x128xf32> to vector<128x128xf32>
    %dot_general3A_29 = arith.constant dense<0.000000e+00> : vector<2048x128xf32>
    %dot_general3A_30 = tpu.matmul %mul3A_22, %get3A_28, %dot_general3A_29 {dimension_numbers = #tpu.dot_dimension_numbers<[1], [0], [0], [1], [0, 0, 1, 1], [], []>, transpose_lhs_hint = false} : vector<2048x128xf32>, vector<128x128xf32>, vector<2048x128xf32> -> vector<2048x128xf32>
    %slice3A_31 = vector.extract_strided_slice %get3A_16 {offsets = [0, 0], sizes = [1, 128], strides = [1, 1]} : vector<4x640xf32> to vector<1x128xf32>
    %add3A_32 = vector.broadcast %slice3A_31 : vector<1x128xf32> to vector<2048x128xf32>
    %add3A_33 = arith.addf %dot_general3A_30, %add3A_32 : vector<2048x128xf32>
    %sub3A = arith.constant 0.00999999977 : f32
    %sub3A_34 = vector.broadcast %sub3A : f32 to vector<2048x128xf32>
    %sub3A_35 = arith.subf %add3A_33, %sub3A_34 : vector<2048x128xf32>
    %max3A = arith.constant 0.000000e+00 : f32
    %max3A_36 = vector.broadcast %max3A : f32 to vector<2048x128xf32>
    %max3A_37 = arith.maximumf %sub3A_35, %max3A_36 : vector<2048x128xf32>
    %get3A_38 = arith.constant 1 : index
    %get3A_39 = arith.constant 0 : index
    %get3A_40 = arith.constant 0 : index
    %get3A_41 = arith.constant 0 : index
    %get3A_42 = vector.load %arg6[%get3A_38, %get3A_39, %get3A_40, %get3A_41] : memref<4x5x128x128xf32, #tpu.memory_space<vmem>>, vector<1x1x128x128xf32>
    %get3A_43 = vector.shape_cast %get3A_42 : vector<1x1x128x128xf32> to vector<128x128xf32>
    %dot_general3A_44 = arith.constant dense<0.000000e+00> : vector<2048x128xf32>
    %dot_general3A_45 = tpu.matmul %max3A_37, %get3A_43, %dot_general3A_44 {dimension_numbers = #tpu.dot_dimension_numbers<[1], [0], [0], [1], [0, 0, 1, 1], [], []>, transpose_lhs_hint = false} : vector<2048x128xf32>, vector<128x128xf32>, vector<2048x128xf32> -> vector<2048x128xf32>
    %slice3A_46 = vector.extract_strided_slice %get3A_16 {offsets = [1, 0], sizes = [1, 128], strides = [1, 1]} : vector<4x640xf32> to vector<1x128xf32>
    %add3A_47 = vector.broadcast %slice3A_46 : vector<1x128xf32> to vector<2048x128xf32>
    %add3A_48 = arith.addf %dot_general3A_45, %add3A_47 : vector<2048x128xf32>
    %sub3A_49 = arith.constant 0.00999999977 : f32
    %sub3A_50 = vector.broadcast %sub3A_49 : f32 to vector<2048x128xf32>
    %sub3A_51 = arith.subf %add3A_48, %sub3A_50 : vector<2048x128xf32>
    %max3A_52 = arith.constant 0.000000e+00 : f32
    %max3A_53 = vector.broadcast %max3A_52 : f32 to vector<2048x128xf32>
    %max3A_54 = arith.maximumf %sub3A_51, %max3A_53 : vector<2048x128xf32>
    %get3A_55 = arith.constant 2 : index
    %get3A_56 = arith.constant 0 : index
    %get3A_57 = arith.constant 0 : index
    %get3A_58 = arith.constant 0 : index
    %get3A_59 = vector.load %arg6[%get3A_55, %get3A_56, %get3A_57, %get3A_58] : memref<4x5x128x128xf32, #tpu.memory_space<vmem>>, vector<1x1x128x128xf32>
    %get3A_60 = vector.shape_cast %get3A_59 : vector<1x1x128x128xf32> to vector<128x128xf32>
    %dot_general3A_61 = arith.constant dense<0.000000e+00> : vector<2048x128xf32>
    %dot_general3A_62 = tpu.matmul %max3A_54, %get3A_60, %dot_general3A_61 {dimension_numbers = #tpu.dot_dimension_numbers<[1], [0], [0], [1], [0, 0, 1, 1], [], []>, transpose_lhs_hint = false} : vector<2048x128xf32>, vector<128x128xf32>, vector<2048x128xf32> -> vector<2048x128xf32>
    %slice3A_63 = vector.extract_strided_slice %get3A_16 {offsets = [2, 0], sizes = [1, 128], strides = [1, 1]} : vector<4x640xf32> to vector<1x128xf32>
    %add3A_64 = vector.broadcast %slice3A_63 : vector<1x128xf32> to vector<2048x128xf32>
    %add3A_65 = arith.addf %dot_general3A_62, %add3A_64 : vector<2048x128xf32>
    %sub3A_66 = arith.constant 0.00999999977 : f32
    %sub3A_67 = vector.broadcast %sub3A_66 : f32 to vector<2048x128xf32>
    %sub3A_68 = arith.subf %add3A_65, %sub3A_67 : vector<2048x128xf32>
    %max3A_69 = arith.constant 0.000000e+00 : f32
    %max3A_70 = vector.broadcast %max3A_69 : f32 to vector<2048x128xf32>
    %max3A_71 = arith.maximumf %sub3A_68, %max3A_70 : vector<2048x128xf32>
    %get3A_72 = arith.constant 3 : index
    %get3A_73 = arith.constant 0 : index
    %get3A_74 = arith.constant 0 : index
    %get3A_75 = arith.constant 0 : index
    %get3A_76 = vector.load %arg6[%get3A_72, %get3A_73, %get3A_74, %get3A_75] : memref<4x5x128x128xf32, #tpu.memory_space<vmem>>, vector<1x1x128x128xf32>
    %get3A_77 = vector.shape_cast %get3A_76 : vector<1x1x128x128xf32> to vector<128x128xf32>
    %dot_general3A_78 = arith.constant dense<0.000000e+00> : vector<2048x128xf32>
    %dot_general3A_79 = tpu.matmul %max3A_71, %get3A_77, %dot_general3A_78 {dimension_numbers = #tpu.dot_dimension_numbers<[1], [0], [0], [1], [0, 0, 1, 1], [], []>, transpose_lhs_hint = false} : vector<2048x128xf32>, vector<128x128xf32>, vector<2048x128xf32> -> vector<2048x128xf32>
    %slice3A_80 = vector.extract_strided_slice %get3A_16 {offsets = [3, 0], sizes = [1, 128], strides = [1, 1]} : vector<4x640xf32> to vector<1x128xf32>
    %add3A_81 = vector.broadcast %slice3A_80 : vector<1x128xf32> to vector<2048x128xf32>
    %add3A_82 = arith.addf %dot_general3A_79, %add3A_81 : vector<2048x128xf32>
    %sub3A_83 = arith.constant 0.00999999977 : f32
    %sub3A_84 = vector.broadcast %sub3A_83 : f32 to vector<2048x128xf32>
    %sub3A_85 = arith.subf %add3A_82, %sub3A_84 : vector<2048x128xf32>
    %max3A_86 = arith.constant 0.000000e+00 : f32
    %max3A_87 = vector.broadcast %max3A_86 : f32 to vector<2048x128xf32>
    %max3A_88 = arith.maximumf %sub3A_85, %max3A_87 : vector<2048x128xf32>
    %get3A_89 = arith.constant 0 : index
    %get3A_90 = arith.constant 0 : index
    %get3A_91 = arith.constant 0 : index
    %get3A_92 = vector.load %arg8[%get3A_89, %get3A_90, %get3A_91] : memref<5x128x64xf32, #tpu.memory_space<vmem>>, vector<1x128x64xf32>
    %get3A_93 = vector.shape_cast %get3A_92 : vector<1x128x64xf32> to vector<128x64xf32>
    %dot_general3A_94 = arith.constant dense<0.000000e+00> : vector<2048x64xf32>
    %dot_general3A_95 = tpu.matmul %max3A_88, %get3A_93, %dot_general3A_94 {dimension_numbers = #tpu.dot_dimension_numbers<[1], [0], [0], [1], [0, 0, 1, 1], [], []>, transpose_lhs_hint = false} : vector<2048x128xf32>, vector<128x64xf32>, vector<2048x64xf32> -> vector<2048x64xf32>
    %get3A_96 = arith.constant 0 : index
    %get3A_97 = arith.constant 0 : index
    %get3A_98 = vector.load %arg10[%get3A_96, %get3A_97] : memref<1x320xf32, #tpu.memory_space<vmem>>, vector<1x64xf32>
    %add3A_99 = vector.broadcast %get3A_98 : vector<1x64xf32> to vector<2048x64xf32>
    %add3A_100 = arith.addf %dot_general3A_95, %add3A_99 : vector<2048x64xf32>
    %sub3A_101 = arith.constant 0.00999999977 : f32
    %sub3A_102 = vector.broadcast %sub3A_101 : f32 to vector<2048x64xf32>
    %sub3A_103 = arith.subf %add3A_100, %sub3A_102 : vector<2048x64xf32>
    %max3A_104 = arith.constant 0.000000e+00 : f32
    %max3A_105 = vector.broadcast %max3A_104 : f32 to vector<2048x64xf32>
    %max3A_106 = arith.maximumf %sub3A_103, %max3A_105 : vector<2048x64xf32>
    %swap3A = arith.constant 0 : index
    %swap3A_107 = arith.constant 0 : index
    %swap3A_108 = vector.load %arg12[%swap3A, %swap3A_107] : memref<2048x320xf32, #tpu.memory_space<vmem>>, vector<2048x64xf32>
    tpu.vector_store %arg12[%swap3A, %swap3A_107], %max3A_106 {strides = array<i32>} : memref<2048x320xf32, #tpu.memory_space<vmem>>, vector<2048x64xf32>,
    %get3A_109 = arith.constant 0 : index
    %get3A_110 = arith.constant 0 : index
    %get3A_111 = arith.constant 0 : index
    %get3A_112 = vector.load %arg9[%get3A_109, %get3A_110, %get3A_111] : memref<5x128x64xf32, #tpu.memory_space<vmem>>, vector<1x128x64xf32>
    %get3A_113 = vector.shape_cast %get3A_112 : vector<1x128x64xf32> to vector<128x64xf32>
    %dot_general3A_114 = arith.constant dense<0.000000e+00> : vector<2048x64xf32>
    %dot_general3A_115 = tpu.matmul %max3A_88, %get3A_113, %dot_general3A_114 {dimension_numbers = #tpu.dot_dimension_numbers<[1], [0], [0], [1], [0, 0, 1, 1], [], []>, transpose_lhs_hint = false} : vector<2048x128xf32>, vector<128x64xf32>, vector<2048x64xf32> -> vector<2048x64xf32>
    %get3A_116 = arith.constant 0 : index
    %get3A_117 = arith.constant 0 : index
    %get3A_118 = vector.load %arg11[%get3A_116, %get3A_117] : memref<1x320xf32, #tpu.memory_space<vmem>>, vector<1x64xf32>
    %add3A_119 = vector.broadcast %get3A_118 : vector<1x64xf32> to vector<2048x64xf32>
    %add3A_120 = arith.addf %dot_general3A_115, %add3A_119 : vector<2048x64xf32>
    %sub3A_121 = arith.constant 0.00999999977 : f32
    %sub3A_122 = vector.broadcast %sub3A_121 : f32 to vector<2048x64xf32>
    %sub3A_123 = arith.subf %add3A_120, %sub3A_122 : vector<2048x64xf32>
    %max3A_124 = arith.constant 0.000000e+00 : f32
    %max3A_125 = vector.broadcast %max3A_124 : f32 to vector<2048x64xf32>
    %max3A_126 = arith.maximumf %sub3A_123, %max3A_125 : vector<2048x64xf32>
    %swap3A_127 = arith.constant 0 : index
    %swap3A_128 = arith.constant 0 : index
    %swap3A_129 = vector.load %arg13[%swap3A_127, %swap3A_128] : memref<2048x320xf32, #tpu.memory_space<vmem>>, vector<2048x64xf32>
    tpu.vector_store %arg13[%swap3A_127, %swap3A_128], %max3A_126 {strides = array<i32>} : memref<2048x320xf32, #tpu.memory_space<vmem>>, vector<2048x64xf32>,
    %slice3A_130 = vector.extract_strided_slice %get3A_7 {offsets = [0, 128], sizes = [17, 128], strides = [1, 1]} : vector<17x640xf32> to vector<17x128xf32>
    %dot_general3A_131 = arith.constant dense<0.000000e+00> : vector<2048x128xf32>
    %dot_general3A_132 = tpu.matmul %get3A_1, %slice3A_130, %dot_general3A_131 {dimension_numbers = #tpu.dot_dimension_numbers<[1], [0], [0], [1], [0, 0, 1, 1], [], []>, precision = #tpu.contract_precision<fp32>, transpose_lhs_hint = false} : vector<2048x17xf32>, vector<17x128xf32>, vector<2048x128xf32> -> vector<2048x128xf32>
    %slice3A_133 = vector.extract_strided_slice %get3A_10 {offsets = [0, 128], sizes = [17, 128], strides = [1, 1]} : vector<17x640xf32> to vector<17x128xf32>
    %dot_general3A_134 = arith.constant dense<0.000000e+00> : vector<2048x128xf32>
    %dot_general3A_135 = tpu.matmul %get3A_4, %slice3A_133, %dot_general3A_134 {dimension_numbers = #tpu.dot_dimension_numbers<[1], [0], [0], [1], [0, 0, 1, 1], [], []>, precision = #tpu.contract_precision<fp32>, transpose_lhs_hint = false} : vector<2048x17xf32>, vector<17x128xf32>, vector<2048x128xf32> -> vector<2048x128xf32>
    %add3A_136 = arith.addf %dot_general3A_132, %dot_general3A_135 : vector<2048x128xf32>
    %slice3A_137 = vector.extract_strided_slice %get3A_13 {offsets = [0, 128], sizes = [1, 128], strides = [1, 1]} : vector<1x640xf32> to vector<1x128xf32>
    %mul3A_138 = vector.broadcast %slice3A_137 : vector<1x128xf32> to vector<2048x128xf32>
    %mul3A_139 = arith.mulf %add3A_136, %mul3A_138 : vector<2048x128xf32>
    %get3A_140 = arith.constant 0 : index
    %get3A_141 = arith.constant 1 : index
    %get3A_142 = arith.constant 0 : index
    %get3A_143 = arith.constant 0 : index
    %get3A_144 = vector.load %arg6[%get3A_140, %get3A_141, %get3A_142, %get3A_143] : memref<4x5x128x128xf32, #tpu.memory_space<vmem>>, vector<1x1x128x128xf32>
    %get3A_145 = vector.shape_cast %get3A_144 : vector<1x1x128x128xf32> to vector<128x128xf32>
    %dot_general3A_146 = arith.constant dense<0.000000e+00> : vector<2048x128xf32>
    %dot_general3A_147 = tpu.matmul %mul3A_139, %get3A_145, %dot_general3A_146 {dimension_numbers = #tpu.dot_dimension_numbers<[1], [0], [0], [1], [0, 0, 1, 1], [], []>, transpose_lhs_hint = false} : vector<2048x128xf32>, vector<128x128xf32>, vector<2048x128xf32> -> vector<2048x128xf32>
    %slice3A_148 = vector.extract_strided_slice %get3A_16 {offsets = [0, 128], sizes = [1, 128], strides = [1, 1]} : vector<4x640xf32> to vector<1x128xf32>
    %add3A_149 = vector.broadcast %slice3A_148 : vector<1x128xf32> to vector<2048x128xf32>
    %add3A_150 = arith.addf %dot_general3A_147, %add3A_149 : vector<2048x128xf32>
    %sub3A_151 = arith.constant 0.00999999977 : f32
    %sub3A_152 = vector.broadcast %sub3A_151 : f32 to vector<2048x128xf32>
    %sub3A_153 = arith.subf %add3A_150, %sub3A_152 : vector<2048x128xf32>
    %max3A_154 = arith.constant 0.000000e+00 : f32
    %max3A_155 = vector.broadcast %max3A_154 : f32 to vector<2048x128xf32>
    %max3A_156 = arith.maximumf %sub3A_153, %max3A_155 : vector<2048x128xf32>
    %get3A_157 = arith.constant 1 : index
    %get3A_158 = arith.constant 1 : index
    %get3A_159 = arith.constant 0 : index
    %get3A_160 = arith.constant 0 : index
    %get3A_161 = vector.load %arg6[%get3A_157, %get3A_158, %get3A_159, %get3A_160] : memref<4x5x128x128xf32, #tpu.memory_space<vmem>>, vector<1x1x128x128xf32>
    %get3A_162 = vector.shape_cast %get3A_161 : vector<1x1x128x128xf32> to vector<128x128xf32>
    %dot_general3A_163 = arith.constant dense<0.000000e+00> : vector<2048x128xf32>
    %dot_general3A_164 = tpu.matmul %max3A_156, %get3A_162, %dot_general3A_163 {dimension_numbers = #tpu.dot_dimension_numbers<[1], [0], [0], [1], [0, 0, 1, 1], [], []>, transpose_lhs_hint = false} : vector<2048x128xf32>, vector<128x128xf32>, vector<2048x128xf32> -> vector<2048x128xf32>
    %slice3A_165 = vector.extract_strided_slice %get3A_16 {offsets = [1, 128], sizes = [1, 128], strides = [1, 1]} : vector<4x640xf32> to vector<1x128xf32>
    %add3A_166 = vector.broadcast %slice3A_165 : vector<1x128xf32> to vector<2048x128xf32>
    %add3A_167 = arith.addf %dot_general3A_164, %add3A_166 : vector<2048x128xf32>
    %sub3A_168 = arith.constant 0.00999999977 : f32
    %sub3A_169 = vector.broadcast %sub3A_168 : f32 to vector<2048x128xf32>
    %sub3A_170 = arith.subf %add3A_167, %sub3A_169 : vector<2048x128xf32>
    %max3A_171 = arith.constant 0.000000e+00 : f32
    %max3A_172 = vector.broadcast %max3A_171 : f32 to vector<2048x128xf32>
    %max3A_173 = arith.maximumf %sub3A_170, %max3A_172 : vector<2048x128xf32>
    %get3A_174 = arith.constant 2 : index
    %get3A_175 = arith.constant 1 : index
    %get3A_176 = arith.constant 0 : index
    %get3A_177 = arith.constant 0 : index
    %get3A_178 = vector.load %arg6[%get3A_174, %get3A_175, %get3A_176, %get3A_177] : memref<4x5x128x128xf32, #tpu.memory_space<vmem>>, vector<1x1x128x128xf32>
    %get3A_179 = vector.shape_cast %get3A_178 : vector<1x1x128x128xf32> to vector<128x128xf32>
    %dot_general3A_180 = arith.constant dense<0.000000e+00> : vector<2048x128xf32>
    %dot_general3A_181 = tpu.matmul %max3A_173, %get3A_179, %dot_general3A_180 {dimension_numbers = #tpu.dot_dimension_numbers<[1], [0], [0], [1], [0, 0, 1, 1], [], []>, transpose_lhs_hint = false} : vector<2048x128xf32>, vector<128x128xf32>, vector<2048x128xf32> -> vector<2048x128xf32>
    %slice3A_182 = vector.extract_strided_slice %get3A_16 {offsets = [2, 128], sizes = [1, 128], strides = [1, 1]} : vector<4x640xf32> to vector<1x128xf32>
    %add3A_183 = vector.broadcast %slice3A_182 : vector<1x128xf32> to vector<2048x128xf32>
    %add3A_184 = arith.addf %dot_general3A_181, %add3A_183 : vector<2048x128xf32>
    %sub3A_185 = arith.constant 0.00999999977 : f32
    %sub3A_186 = vector.broadcast %sub3A_185 : f32 to vector<2048x128xf32>
    %sub3A_187 = arith.subf %add3A_184, %sub3A_186 : vector<2048x128xf32>
    %max3A_188 = arith.constant 0.000000e+00 : f32
    %max3A_189 = vector.broadcast %max3A_188 : f32 to vector<2048x128xf32>
    %max3A_190 = arith.maximumf %sub3A_187, %max3A_189 : vector<2048x128xf32>
    %get3A_191 = arith.constant 3 : index
    %get3A_192 = arith.constant 1 : index
    %get3A_193 = arith.constant 0 : index
    %get3A_194 = arith.constant 0 : index
    %get3A_195 = vector.load %arg6[%get3A_191, %get3A_192, %get3A_193, %get3A_194] : memref<4x5x128x128xf32, #tpu.memory_space<vmem>>, vector<1x1x128x128xf32>
    %get3A_196 = vector.shape_cast %get3A_195 : vector<1x1x128x128xf32> to vector<128x128xf32>
    %dot_general3A_197 = arith.constant dense<0.000000e+00> : vector<2048x128xf32>
    %dot_general3A_198 = tpu.matmul %max3A_190, %get3A_196, %dot_general3A_197 {dimension_numbers = #tpu.dot_dimension_numbers<[1], [0], [0], [1], [0, 0, 1, 1], [], []>, transpose_lhs_hint = false} : vector<2048x128xf32>, vector<128x128xf32>, vector<2048x128xf32> -> vector<2048x128xf32>
    %slice3A_199 = vector.extract_strided_slice %get3A_16 {offsets = [3, 128], sizes = [1, 128], strides = [1, 1]} : vector<4x640xf32> to vector<1x128xf32>
    %add3A_200 = vector.broadcast %slice3A_199 : vector<1x128xf32> to vector<2048x128xf32>
    %add3A_201 = arith.addf %dot_general3A_198, %add3A_200 : vector<2048x128xf32>
    %sub3A_202 = arith.constant 0.00999999977 : f32
    %sub3A_203 = vector.broadcast %sub3A_202 : f32 to vector<2048x128xf32>
    %sub3A_204 = arith.subf %add3A_201, %sub3A_203 : vector<2048x128xf32>
    %max3A_205 = arith.constant 0.000000e+00 : f32
    %max3A_206 = vector.broadcast %max3A_205 : f32 to vector<2048x128xf32>
    %max3A_207 = arith.maximumf %sub3A_204, %max3A_206 : vector<2048x128xf32>
    %get3A_208 = arith.constant 1 : index
    %get3A_209 = arith.constant 0 : index
    %get3A_210 = arith.constant 0 : index
    %get3A_211 = vector.load %arg8[%get3A_208, %get3A_209, %get3A_210] : memref<5x128x64xf32, #tpu.memory_space<vmem>>, vector<1x128x64xf32>
    %get3A_212 = vector.shape_cast %get3A_211 : vector<1x128x64xf32> to vector<128x64xf32>
    %dot_general3A_213 = arith.constant dense<0.000000e+00> : vector<2048x64xf32>
    %dot_general3A_214 = tpu.matmul %max3A_207, %get3A_212, %dot_general3A_213 {dimension_numbers = #tpu.dot_dimension_numbers<[1], [0], [0], [1], [0, 0, 1, 1], [], []>, transpose_lhs_hint = false} : vector<2048x128xf32>, vector<128x64xf32>, vector<2048x64xf32> -> vector<2048x64xf32>
    %get3A_215 = arith.constant 0 : index
    %get3A_216 = arith.constant 64 : index
    %get3A_217 = vector.load %arg10[%get3A_215, %get3A_216] : memref<1x320xf32, #tpu.memory_space<vmem>>, vector<1x64xf32>
    %add3A_218 = vector.broadcast %get3A_217 : vector<1x64xf32> to vector<2048x64xf32>
    %add3A_219 = arith.addf %dot_general3A_214, %add3A_218 : vector<2048x64xf32>
    %sub3A_220 = arith.constant 0.00999999977 : f32
    %sub3A_221 = vector.broadcast %sub3A_220 : f32 to vector<2048x64xf32>
    %sub3A_222 = arith.subf %add3A_219, %sub3A_221 : vector<2048x64xf32>
    %max3A_223 = arith.constant 0.000000e+00 : f32
    %max3A_224 = vector.broadcast %max3A_223 : f32 to vector<2048x64xf32>
    %max3A_225 = arith.maximumf %sub3A_222, %max3A_224 : vector<2048x64xf32>
    %swap3A_226 = arith.constant 0 : index
    %swap3A_227 = arith.constant 64 : index
    %swap3A_228 = vector.load %arg12[%swap3A_226, %swap3A_227] : memref<2048x320xf32, #tpu.memory_space<vmem>>, vector<2048x64xf32>
    tpu.vector_store %arg12[%swap3A_226, %swap3A_227], %max3A_225 {strides = array<i32>} : memref<2048x320xf32, #tpu.memory_space<vmem>>, vector<2048x64xf32>,
    %get3A_229 = arith.constant 1 : index
    %get3A_230 = arith.constant 0 : index
    %get3A_231 = arith.constant 0 : index
    %get3A_232 = vector.load %arg9[%get3A_229, %get3A_230, %get3A_231] : memref<5x128x64xf32, #tpu.memory_space<vmem>>, vector<1x128x64xf32>
    %get3A_233 = vector.shape_cast %get3A_232 : vector<1x128x64xf32> to vector<128x64xf32>
    %dot_general3A_234 = arith.constant dense<0.000000e+00> : vector<2048x64xf32>
    %dot_general3A_235 = tpu.matmul %max3A_207, %get3A_233, %dot_general3A_234 {dimension_numbers = #tpu.dot_dimension_numbers<[1], [0], [0], [1], [0, 0, 1, 1], [], []>, transpose_lhs_hint = false} : vector<2048x128xf32>, vector<128x64xf32>, vector<2048x64xf32> -> vector<2048x64xf32>
    %get3A_236 = arith.constant 0 : index
    %get3A_237 = arith.constant 64 : index
    %get3A_238 = vector.load %arg11[%get3A_236, %get3A_237] : memref<1x320xf32, #tpu.memory_space<vmem>>, vector<1x64xf32>
    %add3A_239 = vector.broadcast %get3A_238 : vector<1x64xf32> to vector<2048x64xf32>
    %add3A_240 = arith.addf %dot_general3A_235, %add3A_239 : vector<2048x64xf32>
    %sub3A_241 = arith.constant 0.00999999977 : f32
    %sub3A_242 = vector.broadcast %sub3A_241 : f32 to vector<2048x64xf32>
    %sub3A_243 = arith.subf %add3A_240, %sub3A_242 : vector<2048x64xf32>
    %max3A_244 = arith.constant 0.000000e+00 : f32
    %max3A_245 = vector.broadcast %max3A_244 : f32 to vector<2048x64xf32>
    %max3A_246 = arith.maximumf %sub3A_243, %max3A_245 : vector<2048x64xf32>
    %swap3A_247 = arith.constant 0 : index
    %swap3A_248 = arith.constant 64 : index
    %swap3A_249 = vector.load %arg13[%swap3A_247, %swap3A_248] : memref<2048x320xf32, #tpu.memory_space<vmem>>, vector<2048x64xf32>
    tpu.vector_store %arg13[%swap3A_247, %swap3A_248], %max3A_246 {strides = array<i32>} : memref<2048x320xf32, #tpu.memory_space<vmem>>, vector<2048x64xf32>,
    %slice3A_250 = vector.extract_strided_slice %get3A_7 {offsets = [0, 256], sizes = [17, 128], strides = [1, 1]} : vector<17x640xf32> to vector<17x128xf32>
    %dot_general3A_251 = arith.constant dense<0.000000e+00> : vector<2048x128xf32>
    %dot_general3A_252 = tpu.matmul %get3A_1, %slice3A_250, %dot_general3A_251 {dimension_numbers = #tpu.dot_dimension_numbers<[1], [0], [0], [1], [0, 0, 1, 1], [], []>, precision = #tpu.contract_precision<fp32>, transpose_lhs_hint = false} : vector<2048x17xf32>, vector<17x128xf32>, vector<2048x128xf32> -> vector<2048x128xf32>
    %slice3A_253 = vector.extract_strided_slice %get3A_10 {offsets = [0, 256], sizes = [17, 128], strides = [1, 1]} : vector<17x640xf32> to vector<17x128xf32>
    %dot_general3A_254 = arith.constant dense<0.000000e+00> : vector<2048x128xf32>
    %dot_general3A_255 = tpu.matmul %get3A_4, %slice3A_253, %dot_general3A_254 {dimension_numbers = #tpu.dot_dimension_numbers<[1], [0], [0], [1], [0, 0, 1, 1], [], []>, precision = #tpu.contract_precision<fp32>, transpose_lhs_hint = false} : vector<2048x17xf32>, vector<17x128xf32>, vector<2048x128xf32> -> vector<2048x128xf32>
    %add3A_256 = arith.addf %dot_general3A_252, %dot_general3A_255 : vector<2048x128xf32>
    %slice3A_257 = vector.extract_strided_slice %get3A_13 {offsets = [0, 256], sizes = [1, 128], strides = [1, 1]} : vector<1x640xf32> to vector<1x128xf32>
    %mul3A_258 = vector.broadcast %slice3A_257 : vector<1x128xf32> to vector<2048x128xf32>
    %mul3A_259 = arith.mulf %add3A_256, %mul3A_258 : vector<2048x128xf32>
    %get3A_260 = arith.constant 0 : index
    %get3A_261 = arith.constant 2 : index
    %get3A_262 = arith.constant 0 : index
    %get3A_263 = arith.constant 0 : index
    %get3A_264 = vector.load %arg6[%get3A_260, %get3A_261, %get3A_262, %get3A_263] : memref<4x5x128x128xf32, #tpu.memory_space<vmem>>, vector<1x1x128x128xf32>
    %get3A_265 = vector.shape_cast %get3A_264 : vector<1x1x128x128xf32> to vector<128x128xf32>
    %dot_general3A_266 = arith.constant dense<0.000000e+00> : vector<2048x128xf32>
    %dot_general3A_267 = tpu.matmul %mul3A_259, %get3A_265, %dot_general3A_266 {dimension_numbers = #tpu.dot_dimension_numbers<[1], [0], [0], [1], [0, 0, 1, 1], [], []>, transpose_lhs_hint = false} : vector<2048x128xf32>, vector<128x128xf32>, vector<2048x128xf32> -> vector<2048x128xf32>
    %slice3A_268 = vector.extract_strided_slice %get3A_16 {offsets = [0, 256], sizes = [1, 128], strides = [1, 1]} : vector<4x640xf32> to vector<1x128xf32>
    %add3A_269 = vector.broadcast %slice3A_268 : vector<1x128xf32> to vector<2048x128xf32>
    %add3A_270 = arith.addf %dot_general3A_267, %add3A_269 : vector<2048x128xf32>
    %sub3A_271 = arith.constant 0.00999999977 : f32
    %sub3A_272 = vector.broadcast %sub3A_271 : f32 to vector<2048x128xf32>
    %sub3A_273 = arith.subf %add3A_270, %sub3A_272 : vector<2048x128xf32>
    %max3A_274 = arith.constant 0.000000e+00 : f32
    %max3A_275 = vector.broadcast %max3A_274 : f32 to vector<2048x128xf32>
    %max3A_276 = arith.maximumf %sub3A_273, %max3A_275 : vector<2048x128xf32>
    %get3A_277 = arith.constant 1 : index
    %get3A_278 = arith.constant 2 : index
    %get3A_279 = arith.constant 0 : index
    %get3A_280 = arith.constant 0 : index
    %get3A_281 = vector.load %arg6[%get3A_277, %get3A_278, %get3A_279, %get3A_280] : memref<4x5x128x128xf32, #tpu.memory_space<vmem>>, vector<1x1x128x128xf32>
    %get3A_282 = vector.shape_cast %get3A_281 : vector<1x1x128x128xf32> to vector<128x128xf32>
    %dot_general3A_283 = arith.constant dense<0.000000e+00> : vector<2048x128xf32>
    %dot_general3A_284 = tpu.matmul %max3A_276, %get3A_282, %dot_general3A_283 {dimension_numbers = #tpu.dot_dimension_numbers<[1], [0], [0], [1], [0, 0, 1, 1], [], []>, transpose_lhs_hint = false} : vector<2048x128xf32>, vector<128x128xf32>, vector<2048x128xf32> -> vector<2048x128xf32>
    %slice3A_285 = vector.extract_strided_slice %get3A_16 {offsets = [1, 256], sizes = [1, 128], strides = [1, 1]} : vector<4x640xf32> to vector<1x128xf32>
    %add3A_286 = vector.broadcast %slice3A_285 : vector<1x128xf32> to vector<2048x128xf32>
    %add3A_287 = arith.addf %dot_general3A_284, %add3A_286 : vector<2048x128xf32>
    %sub3A_288 = arith.constant 0.00999999977 : f32
    %sub3A_289 = vector.broadcast %sub3A_288 : f32 to vector<2048x128xf32>
    %sub3A_290 = arith.subf %add3A_287, %sub3A_289 : vector<2048x128xf32>
    %max3A_291 = arith.constant 0.000000e+00 : f32
    %max3A_292 = vector.broadcast %max3A_291 : f32 to vector<2048x128xf32>
    %max3A_293 = arith.maximumf %sub3A_290, %max3A_292 : vector<2048x128xf32>
    %get3A_294 = arith.constant 2 : index
    %get3A_295 = arith.constant 2 : index
    %get3A_296 = arith.constant 0 : index
    %get3A_297 = arith.constant 0 : index
    %get3A_298 = vector.load %arg6[%get3A_294, %get3A_295, %get3A_296, %get3A_297] : memref<4x5x128x128xf32, #tpu.memory_space<vmem>>, vector<1x1x128x128xf32>
    %get3A_299 = vector.shape_cast %get3A_298 : vector<1x1x128x128xf32> to vector<128x128xf32>
    %dot_general3A_300 = arith.constant dense<0.000000e+00> : vector<2048x128xf32>
    %dot_general3A_301 = tpu.matmul %max3A_293, %get3A_299, %dot_general3A_300 {dimension_numbers = #tpu.dot_dimension_numbers<[1], [0], [0], [1], [0, 0, 1, 1], [], []>, transpose_lhs_hint = false} : vector<2048x128xf32>, vector<128x128xf32>, vector<2048x128xf32> -> vector<2048x128xf32>
    %slice3A_302 = vector.extract_strided_slice %get3A_16 {offsets = [2, 256], sizes = [1, 128], strides = [1, 1]} : vector<4x640xf32> to vector<1x128xf32>
    %add3A_303 = vector.broadcast %slice3A_302 : vector<1x128xf32> to vector<2048x128xf32>
    %add3A_304 = arith.addf %dot_general3A_301, %add3A_303 : vector<2048x128xf32>
    %sub3A_305 = arith.constant 0.00999999977 : f32
    %sub3A_306 = vector.broadcast %sub3A_305 : f32 to vector<2048x128xf32>
    %sub3A_307 = arith.subf %add3A_304, %sub3A_306 : vector<2048x128xf32>
    %max3A_308 = arith.constant 0.000000e+00 : f32
    %max3A_309 = vector.broadcast %max3A_308 : f32 to vector<2048x128xf32>
    %max3A_310 = arith.maximumf %sub3A_307, %max3A_309 : vector<2048x128xf32>
    %get3A_311 = arith.constant 3 : index
    %get3A_312 = arith.constant 2 : index
    %get3A_313 = arith.constant 0 : index
    %get3A_314 = arith.constant 0 : index
    %get3A_315 = vector.load %arg6[%get3A_311, %get3A_312, %get3A_313, %get3A_314] : memref<4x5x128x128xf32, #tpu.memory_space<vmem>>, vector<1x1x128x128xf32>
    %get3A_316 = vector.shape_cast %get3A_315 : vector<1x1x128x128xf32> to vector<128x128xf32>
    %dot_general3A_317 = arith.constant dense<0.000000e+00> : vector<2048x128xf32>
    %dot_general3A_318 = tpu.matmul %max3A_310, %get3A_316, %dot_general3A_317 {dimension_numbers = #tpu.dot_dimension_numbers<[1], [0], [0], [1], [0, 0, 1, 1], [], []>, transpose_lhs_hint = false} : vector<2048x128xf32>, vector<128x128xf32>, vector<2048x128xf32> -> vector<2048x128xf32>
    %slice3A_319 = vector.extract_strided_slice %get3A_16 {offsets = [3, 256], sizes = [1, 128], strides = [1, 1]} : vector<4x640xf32> to vector<1x128xf32>
    %add3A_320 = vector.broadcast %slice3A_319 : vector<1x128xf32> to vector<2048x128xf32>
    %add3A_321 = arith.addf %dot_general3A_318, %add3A_320 : vector<2048x128xf32>
    %sub3A_322 = arith.constant 0.00999999977 : f32
    %sub3A_323 = vector.broadcast %sub3A_322 : f32 to vector<2048x128xf32>
    %sub3A_324 = arith.subf %add3A_321, %sub3A_323 : vector<2048x128xf32>
    %max3A_325 = arith.constant 0.000000e+00 : f32
    %max3A_326 = vector.broadcast %max3A_325 : f32 to vector<2048x128xf32>
    %max3A_327 = arith.maximumf %sub3A_324, %max3A_326 : vector<2048x128xf32>
    %get3A_328 = arith.constant 2 : index
    %get3A_329 = arith.constant 0 : index
    %get3A_330 = arith.constant 0 : index
    %get3A_331 = vector.load %arg8[%get3A_328, %get3A_329, %get3A_330] : memref<5x128x64xf32, #tpu.memory_space<vmem>>, vector<1x128x64xf32>
    %get3A_332 = vector.shape_cast %get3A_331 : vector<1x128x64xf32> to vector<128x64xf32>
    %dot_general3A_333 = arith.constant dense<0.000000e+00> : vector<2048x64xf32>
    %dot_general3A_334 = tpu.matmul %max3A_327, %get3A_332, %dot_general3A_333 {dimension_numbers = #tpu.dot_dimension_numbers<[1], [0], [0], [1], [0, 0, 1, 1], [], []>, transpose_lhs_hint = false} : vector<2048x128xf32>, vector<128x64xf32>, vector<2048x64xf32> -> vector<2048x64xf32>
    %get3A_335 = arith.constant 0 : index
    %get3A_336 = arith.constant 128 : index
    %get3A_337 = vector.load %arg10[%get3A_335, %get3A_336] : memref<1x320xf32, #tpu.memory_space<vmem>>, vector<1x64xf32>
    %add3A_338 = vector.broadcast %get3A_337 : vector<1x64xf32> to vector<2048x64xf32>
    %add3A_339 = arith.addf %dot_general3A_334, %add3A_338 : vector<2048x64xf32>
    %sub3A_340 = arith.constant 0.00999999977 : f32
    %sub3A_341 = vector.broadcast %sub3A_340 : f32 to vector<2048x64xf32>
    %sub3A_342 = arith.subf %add3A_339, %sub3A_341 : vector<2048x64xf32>
    %max3A_343 = arith.constant 0.000000e+00 : f32
    %max3A_344 = vector.broadcast %max3A_343 : f32 to vector<2048x64xf32>
    %max3A_345 = arith.maximumf %sub3A_342, %max3A_344 : vector<2048x64xf32>
    %swap3A_346 = arith.constant 0 : index
    %swap3A_347 = arith.constant 128 : index
    %swap3A_348 = vector.load %arg12[%swap3A_346, %swap3A_347] : memref<2048x320xf32, #tpu.memory_space<vmem>>, vector<2048x64xf32>
    tpu.vector_store %arg12[%swap3A_346, %swap3A_347], %max3A_345 {strides = array<i32>} : memref<2048x320xf32, #tpu.memory_space<vmem>>, vector<2048x64xf32>,
    %get3A_349 = arith.constant 2 : index
    %get3A_350 = arith.constant 0 : index
    %get3A_351 = arith.constant 0 : index
    %get3A_352 = vector.load %arg9[%get3A_349, %get3A_350, %get3A_351] : memref<5x128x64xf32, #tpu.memory_space<vmem>>, vector<1x128x64xf32>
    %get3A_353 = vector.shape_cast %get3A_352 : vector<1x128x64xf32> to vector<128x64xf32>
    %dot_general3A_354 = arith.constant dense<0.000000e+00> : vector<2048x64xf32>
    %dot_general3A_355 = tpu.matmul %max3A_327, %get3A_353, %dot_general3A_354 {dimension_numbers = #tpu.dot_dimension_numbers<[1], [0], [0], [1], [0, 0, 1, 1], [], []>, transpose_lhs_hint = false} : vector<2048x128xf32>, vector<128x64xf32>, vector<2048x64xf32> -> vector<2048x64xf32>
    %get3A_356 = arith.constant 0 : index
    %get3A_357 = arith.constant 128 : index
    %get3A_358 = vector.load %arg11[%get3A_356, %get3A_357] : memref<1x320xf32, #tpu.memory_space<vmem>>, vector<1x64xf32>
    %add3A_359 = vector.broadcast %get3A_358 : vector<1x64xf32> to vector<2048x64xf32>
    %add3A_360 = arith.addf %dot_general3A_355, %add3A_359 : vector<2048x64xf32>
    %sub3A_361 = arith.constant 0.00999999977 : f32
    %sub3A_362 = vector.broadcast %sub3A_361 : f32 to vector<2048x64xf32>
    %sub3A_363 = arith.subf %add3A_360, %sub3A_362 : vector<2048x64xf32>
    %max3A_364 = arith.constant 0.000000e+00 : f32
    %max3A_365 = vector.broadcast %max3A_364 : f32 to vector<2048x64xf32>
    %max3A_366 = arith.maximumf %sub3A_363, %max3A_365 : vector<2048x64xf32>
    %swap3A_367 = arith.constant 0 : index
    %swap3A_368 = arith.constant 128 : index
    %swap3A_369 = vector.load %arg13[%swap3A_367, %swap3A_368] : memref<2048x320xf32, #tpu.memory_space<vmem>>, vector<2048x64xf32>
    tpu.vector_store %arg13[%swap3A_367, %swap3A_368], %max3A_366 {strides = array<i32>} : memref<2048x320xf32, #tpu.memory_space<vmem>>, vector<2048x64xf32>,
    %slice3A_370 = vector.extract_strided_slice %get3A_7 {offsets = [0, 384], sizes = [17, 128], strides = [1, 1]} : vector<17x640xf32> to vector<17x128xf32>
    %dot_general3A_371 = arith.constant dense<0.000000e+00> : vector<2048x128xf32>
    %dot_general3A_372 = tpu.matmul %get3A_1, %slice3A_370, %dot_general3A_371 {dimension_numbers = #tpu.dot_dimension_numbers<[1], [0], [0], [1], [0, 0, 1, 1], [], []>, precision = #tpu.contract_precision<fp32>, transpose_lhs_hint = false} : vector<2048x17xf32>, vector<17x128xf32>, vector<2048x128xf32> -> vector<2048x128xf32>
    %slice3A_373 = vector.extract_strided_slice %get3A_10 {offsets = [0, 384], sizes = [17, 128], strides = [1, 1]} : vector<17x640xf32> to vector<17x128xf32>
    %dot_general3A_374 = arith.constant dense<0.000000e+00> : vector<2048x128xf32>
    %dot_general3A_375 = tpu.matmul %get3A_4, %slice3A_373, %dot_general3A_374 {dimension_numbers = #tpu.dot_dimension_numbers<[1], [0], [0], [1], [0, 0, 1, 1], [], []>, precision = #tpu.contract_precision<fp32>, transpose_lhs_hint = false} : vector<2048x17xf32>, vector<17x128xf32>, vector<2048x128xf32> -> vector<2048x128xf32>
    %add3A_376 = arith.addf %dot_general3A_372, %dot_general3A_375 : vector<2048x128xf32>
    %slice3A_377 = vector.extract_strided_slice %get3A_13 {offsets = [0, 384], sizes = [1, 128], strides = [1, 1]} : vector<1x640xf32> to vector<1x128xf32>
    %mul3A_378 = vector.broadcast %slice3A_377 : vector<1x128xf32> to vector<2048x128xf32>
    %mul3A_379 = arith.mulf %add3A_376, %mul3A_378 : vector<2048x128xf32>
    %get3A_380 = arith.constant 0 : index
    %get3A_381 = arith.constant 3 : index
    %get3A_382 = arith.constant 0 : index
    %get3A_383 = arith.constant 0 : index
    %get3A_384 = vector.load %arg6[%get3A_380, %get3A_381, %get3A_382, %get3A_383] : memref<4x5x128x128xf32, #tpu.memory_space<vmem>>, vector<1x1x128x128xf32>
    %get3A_385 = vector.shape_cast %get3A_384 : vector<1x1x128x128xf32> to vector<128x128xf32>
    %dot_general3A_386 = arith.constant dense<0.000000e+00> : vector<2048x128xf32>
    %dot_general3A_387 = tpu.matmul %mul3A_379, %get3A_385, %dot_general3A_386 {dimension_numbers = #tpu.dot_dimension_numbers<[1], [0], [0], [1], [0, 0, 1, 1], [], []>, transpose_lhs_hint = false} : vector<2048x128xf32>, vector<128x128xf32>, vector<2048x128xf32> -> vector<2048x128xf32>
    %slice3A_388 = vector.extract_strided_slice %get3A_16 {offsets = [0, 384], sizes = [1, 128], strides = [1, 1]} : vector<4x640xf32> to vector<1x128xf32>
    %add3A_389 = vector.broadcast %slice3A_388 : vector<1x128xf32> to vector<2048x128xf32>
    %add3A_390 = arith.addf %dot_general3A_387, %add3A_389 : vector<2048x128xf32>
    %sub3A_391 = arith.constant 0.00999999977 : f32
    %sub3A_392 = vector.broadcast %sub3A_391 : f32 to vector<2048x128xf32>
    %sub3A_393 = arith.subf %add3A_390, %sub3A_392 : vector<2048x128xf32>
    %max3A_394 = arith.constant 0.000000e+00 : f32
    %max3A_395 = vector.broadcast %max3A_394 : f32 to vector<2048x128xf32>
    %max3A_396 = arith.maximumf %sub3A_393, %max3A_395 : vector<2048x128xf32>
    %get3A_397 = arith.constant 1 : index
    %get3A_398 = arith.constant 3 : index
    %get3A_399 = arith.constant 0 : index
    %get3A_400 = arith.constant 0 : index
    %get3A_401 = vector.load %arg6[%get3A_397, %get3A_398, %get3A_399, %get3A_400] : memref<4x5x128x128xf32, #tpu.memory_space<vmem>>, vector<1x1x128x128xf32>
    %get3A_402 = vector.shape_cast %get3A_401 : vector<1x1x128x128xf32> to vector<128x128xf32>
    %dot_general3A_403 = arith.constant dense<0.000000e+00> : vector<2048x128xf32>
    %dot_general3A_404 = tpu.matmul %max3A_396, %get3A_402, %dot_general3A_403 {dimension_numbers = #tpu.dot_dimension_numbers<[1], [0], [0], [1], [0, 0, 1, 1], [], []>, transpose_lhs_hint = false} : vector<2048x128xf32>, vector<128x128xf32>, vector<2048x128xf32> -> vector<2048x128xf32>
    %slice3A_405 = vector.extract_strided_slice %get3A_16 {offsets = [1, 384], sizes = [1, 128], strides = [1, 1]} : vector<4x640xf32> to vector<1x128xf32>
    %add3A_406 = vector.broadcast %slice3A_405 : vector<1x128xf32> to vector<2048x128xf32>
    %add3A_407 = arith.addf %dot_general3A_404, %add3A_406 : vector<2048x128xf32>
    %sub3A_408 = arith.constant 0.00999999977 : f32
    %sub3A_409 = vector.broadcast %sub3A_408 : f32 to vector<2048x128xf32>
    %sub3A_410 = arith.subf %add3A_407, %sub3A_409 : vector<2048x128xf32>
    %max3A_411 = arith.constant 0.000000e+00 : f32
    %max3A_412 = vector.broadcast %max3A_411 : f32 to vector<2048x128xf32>
    %max3A_413 = arith.maximumf %sub3A_410, %max3A_412 : vector<2048x128xf32>
    %get3A_414 = arith.constant 2 : index
    %get3A_415 = arith.constant 3 : index
    %get3A_416 = arith.constant 0 : index
    %get3A_417 = arith.constant 0 : index
    %get3A_418 = vector.load %arg6[%get3A_414, %get3A_415, %get3A_416, %get3A_417] : memref<4x5x128x128xf32, #tpu.memory_space<vmem>>, vector<1x1x128x128xf32>
    %get3A_419 = vector.shape_cast %get3A_418 : vector<1x1x128x128xf32> to vector<128x128xf32>
    %dot_general3A_420 = arith.constant dense<0.000000e+00> : vector<2048x128xf32>
    %dot_general3A_421 = tpu.matmul %max3A_413, %get3A_419, %dot_general3A_420 {dimension_numbers = #tpu.dot_dimension_numbers<[1], [0], [0], [1], [0, 0, 1, 1], [], []>, transpose_lhs_hint = false} : vector<2048x128xf32>, vector<128x128xf32>, vector<2048x128xf32> -> vector<2048x128xf32>
    %slice3A_422 = vector.extract_strided_slice %get3A_16 {offsets = [2, 384], sizes = [1, 128], strides = [1, 1]} : vector<4x640xf32> to vector<1x128xf32>
    %add3A_423 = vector.broadcast %slice3A_422 : vector<1x128xf32> to vector<2048x128xf32>
    %add3A_424 = arith.addf %dot_general3A_421, %add3A_423 : vector<2048x128xf32>
    %sub3A_425 = arith.constant 0.00999999977 : f32
    %sub3A_426 = vector.broadcast %sub3A_425 : f32 to vector<2048x128xf32>
    %sub3A_427 = arith.subf %add3A_424, %sub3A_426 : vector<2048x128xf32>
    %max3A_428 = arith.constant 0.000000e+00 : f32
    %max3A_429 = vector.broadcast %max3A_428 : f32 to vector<2048x128xf32>
    %max3A_430 = arith.maximumf %sub3A_427, %max3A_429 : vector<2048x128xf32>
    %get3A_431 = arith.constant 3 : index
    %get3A_432 = arith.constant 3 : index
    %get3A_433 = arith.constant 0 : index
    %get3A_434 = arith.constant 0 : index
    %get3A_435 = vector.load %arg6[%get3A_431, %get3A_432, %get3A_433, %get3A_434] : memref<4x5x128x128xf32, #tpu.memory_space<vmem>>, vector<1x1x128x128xf32>
    %get3A_436 = vector.shape_cast %get3A_435 : vector<1x1x128x128xf32> to vector<128x128xf32>
    %dot_general3A_437 = arith.constant dense<0.000000e+00> : vector<2048x128xf32>
    %dot_general3A_438 = tpu.matmul %max3A_430, %get3A_436, %dot_general3A_437 {dimension_numbers = #tpu.dot_dimension_numbers<[1], [0], [0], [1], [0, 0, 1, 1], [], []>, transpose_lhs_hint = false} : vector<2048x128xf32>, vector<128x128xf32>, vector<2048x128xf32> -> vector<2048x128xf32>
    %slice3A_439 = vector.extract_strided_slice %get3A_16 {offsets = [3, 384], sizes = [1, 128], strides = [1, 1]} : vector<4x640xf32> to vector<1x128xf32>
    %add3A_440 = vector.broadcast %slice3A_439 : vector<1x128xf32> to vector<2048x128xf32>
    %add3A_441 = arith.addf %dot_general3A_438, %add3A_440 : vector<2048x128xf32>
    %sub3A_442 = arith.constant 0.00999999977 : f32
    %sub3A_443 = vector.broadcast %sub3A_442 : f32 to vector<2048x128xf32>
    %sub3A_444 = arith.subf %add3A_441, %sub3A_443 : vector<2048x128xf32>
    %max3A_445 = arith.constant 0.000000e+00 : f32
    %max3A_446 = vector.broadcast %max3A_445 : f32 to vector<2048x128xf32>
    %max3A_447 = arith.maximumf %sub3A_444, %max3A_446 : vector<2048x128xf32>
    %get3A_448 = arith.constant 3 : index
    %get3A_449 = arith.constant 0 : index
    %get3A_450 = arith.constant 0 : index
    %get3A_451 = vector.load %arg8[%get3A_448, %get3A_449, %get3A_450] : memref<5x128x64xf32, #tpu.memory_space<vmem>>, vector<1x128x64xf32>
    %get3A_452 = vector.shape_cast %get3A_451 : vector<1x128x64xf32> to vector<128x64xf32>
    %dot_general3A_453 = arith.constant dense<0.000000e+00> : vector<2048x64xf32>
    %dot_general3A_454 = tpu.matmul %max3A_447, %get3A_452, %dot_general3A_453 {dimension_numbers = #tpu.dot_dimension_numbers<[1], [0], [0], [1], [0, 0, 1, 1], [], []>, transpose_lhs_hint = false} : vector<2048x128xf32>, vector<128x64xf32>, vector<2048x64xf32> -> vector<2048x64xf32>
    %get3A_455 = arith.constant 0 : index
    %get3A_456 = arith.constant 192 : index
    %get3A_457 = vector.load %arg10[%get3A_455, %get3A_456] : memref<1x320xf32, #tpu.memory_space<vmem>>, vector<1x64xf32>
    %add3A_458 = vector.broadcast %get3A_457 : vector<1x64xf32> to vector<2048x64xf32>
    %add3A_459 = arith.addf %dot_general3A_454, %add3A_458 : vector<2048x64xf32>
    %sub3A_460 = arith.constant 0.00999999977 : f32
    %sub3A_461 = vector.broadcast %sub3A_460 : f32 to vector<2048x64xf32>
    %sub3A_462 = arith.subf %add3A_459, %sub3A_461 : vector<2048x64xf32>
    %max3A_463 = arith.constant 0.000000e+00 : f32
    %max3A_464 = vector.broadcast %max3A_463 : f32 to vector<2048x64xf32>
    %max3A_465 = arith.maximumf %sub3A_462, %max3A_464 : vector<2048x64xf32>
    %swap3A_466 = arith.constant 0 : index
    %swap3A_467 = arith.constant 192 : index
    %swap3A_468 = vector.load %arg12[%swap3A_466, %swap3A_467] : memref<2048x320xf32, #tpu.memory_space<vmem>>, vector<2048x64xf32>
    tpu.vector_store %arg12[%swap3A_466, %swap3A_467], %max3A_465 {strides = array<i32>} : memref<2048x320xf32, #tpu.memory_space<vmem>>, vector<2048x64xf32>,
    %get3A_469 = arith.constant 3 : index
    %get3A_470 = arith.constant 0 : index
    %get3A_471 = arith.constant 0 : index
    %get3A_472 = vector.load %arg9[%get3A_469, %get3A_470, %get3A_471] : memref<5x128x64xf32, #tpu.memory_space<vmem>>, vector<1x128x64xf32>
    %get3A_473 = vector.shape_cast %get3A_472 : vector<1x128x64xf32> to vector<128x64xf32>
    %dot_general3A_474 = arith.constant dense<0.000000e+00> : vector<2048x64xf32>
    %dot_general3A_475 = tpu.matmul %max3A_447, %get3A_473, %dot_general3A_474 {dimension_numbers = #tpu.dot_dimension_numbers<[1], [0], [0], [1], [0, 0, 1, 1], [], []>, transpose_lhs_hint = false} : vector<2048x128xf32>, vector<128x64xf32>, vector<2048x64xf32> -> vector<2048x64xf32>
    %get3A_476 = arith.constant 0 : index
    %get3A_477 = arith.constant 192 : index
    %get3A_478 = vector.load %arg11[%get3A_476, %get3A_477] : memref<1x320xf32, #tpu.memory_space<vmem>>, vector<1x64xf32>
    %add3A_479 = vector.broadcast %get3A_478 : vector<1x64xf32> to vector<2048x64xf32>
    %add3A_480 = arith.addf %dot_general3A_475, %add3A_479 : vector<2048x64xf32>
    %sub3A_481 = arith.constant 0.00999999977 : f32
    %sub3A_482 = vector.broadcast %sub3A_481 : f32 to vector<2048x64xf32>
    %sub3A_483 = arith.subf %add3A_480, %sub3A_482 : vector<2048x64xf32>
    %max3A_484 = arith.constant 0.000000e+00 : f32
    %max3A_485 = vector.broadcast %max3A_484 : f32 to vector<2048x64xf32>
    %max3A_486 = arith.maximumf %sub3A_483, %max3A_485 : vector<2048x64xf32>
    %swap3A_487 = arith.constant 0 : index
    %swap3A_488 = arith.constant 192 : index
    %swap3A_489 = vector.load %arg13[%swap3A_487, %swap3A_488] : memref<2048x320xf32, #tpu.memory_space<vmem>>, vector<2048x64xf32>
    tpu.vector_store %arg13[%swap3A_487, %swap3A_488], %max3A_486 {strides = array<i32>} : memref<2048x320xf32, #tpu.memory_space<vmem>>, vector<2048x64xf32>,
    %slice3A_490 = vector.extract_strided_slice %get3A_7 {offsets = [0, 512], sizes = [17, 128], strides = [1, 1]} : vector<17x640xf32> to vector<17x128xf32>
    %dot_general3A_491 = arith.constant dense<0.000000e+00> : vector<2048x128xf32>
    %dot_general3A_492 = tpu.matmul %get3A_1, %slice3A_490, %dot_general3A_491 {dimension_numbers = #tpu.dot_dimension_numbers<[1], [0], [0], [1], [0, 0, 1, 1], [], []>, precision = #tpu.contract_precision<fp32>, transpose_lhs_hint = false} : vector<2048x17xf32>, vector<17x128xf32>, vector<2048x128xf32> -> vector<2048x128xf32>
    %slice3A_493 = vector.extract_strided_slice %get3A_10 {offsets = [0, 512], sizes = [17, 128], strides = [1, 1]} : vector<17x640xf32> to vector<17x128xf32>
    %dot_general3A_494 = arith.constant dense<0.000000e+00> : vector<2048x128xf32>
    %dot_general3A_495 = tpu.matmul %get3A_4, %slice3A_493, %dot_general3A_494 {dimension_numbers = #tpu.dot_dimension_numbers<[1], [0], [0], [1], [0, 0, 1, 1], [], []>, precision = #tpu.contract_precision<fp32>, transpose_lhs_hint = false} : vector<2048x17xf32>, vector<17x128xf32>, vector<2048x128xf32> -> vector<2048x128xf32>
    %add3A_496 = arith.addf %dot_general3A_492, %dot_general3A_495 : vector<2048x128xf32>
    %slice3A_497 = vector.extract_strided_slice %get3A_13 {offsets = [0, 512], sizes = [1, 128], strides = [1, 1]} : vector<1x640xf32> to vector<1x128xf32>
    %mul3A_498 = vector.broadcast %slice3A_497 : vector<1x128xf32> to vector<2048x128xf32>
    %mul3A_499 = arith.mulf %add3A_496, %mul3A_498 : vector<2048x128xf32>
    %get3A_500 = arith.constant 0 : index
    %get3A_501 = arith.constant 4 : index
    %get3A_502 = arith.constant 0 : index
    %get3A_503 = arith.constant 0 : index
    %get3A_504 = vector.load %arg6[%get3A_500, %get3A_501, %get3A_502, %get3A_503] : memref<4x5x128x128xf32, #tpu.memory_space<vmem>>, vector<1x1x128x128xf32>
    %get3A_505 = vector.shape_cast %get3A_504 : vector<1x1x128x128xf32> to vector<128x128xf32>
    %dot_general3A_506 = arith.constant dense<0.000000e+00> : vector<2048x128xf32>
    %dot_general3A_507 = tpu.matmul %mul3A_499, %get3A_505, %dot_general3A_506 {dimension_numbers = #tpu.dot_dimension_numbers<[1], [0], [0], [1], [0, 0, 1, 1], [], []>, transpose_lhs_hint = false} : vector<2048x128xf32>, vector<128x128xf32>, vector<2048x128xf32> -> vector<2048x128xf32>
    %slice3A_508 = vector.extract_strided_slice %get3A_16 {offsets = [0, 512], sizes = [1, 128], strides = [1, 1]} : vector<4x640xf32> to vector<1x128xf32>
    %add3A_509 = vector.broadcast %slice3A_508 : vector<1x128xf32> to vector<2048x128xf32>
    %add3A_510 = arith.addf %dot_general3A_507, %add3A_509 : vector<2048x128xf32>
    %sub3A_511 = arith.constant 0.00999999977 : f32
    %sub3A_512 = vector.broadcast %sub3A_511 : f32 to vector<2048x128xf32>
    %sub3A_513 = arith.subf %add3A_510, %sub3A_512 : vector<2048x128xf32>
    %max3A_514 = arith.constant 0.000000e+00 : f32
    %max3A_515 = vector.broadcast %max3A_514 : f32 to vector<2048x128xf32>
    %max3A_516 = arith.maximumf %sub3A_513, %max3A_515 : vector<2048x128xf32>
    %get3A_517 = arith.constant 1 : index
    %get3A_518 = arith.constant 4 : index
    %get3A_519 = arith.constant 0 : index
    %get3A_520 = arith.constant 0 : index
    %get3A_521 = vector.load %arg6[%get3A_517, %get3A_518, %get3A_519, %get3A_520] : memref<4x5x128x128xf32, #tpu.memory_space<vmem>>, vector<1x1x128x128xf32>
    %get3A_522 = vector.shape_cast %get3A_521 : vector<1x1x128x128xf32> to vector<128x128xf32>
    %dot_general3A_523 = arith.constant dense<0.000000e+00> : vector<2048x128xf32>
    %dot_general3A_524 = tpu.matmul %max3A_516, %get3A_522, %dot_general3A_523 {dimension_numbers = #tpu.dot_dimension_numbers<[1], [0], [0], [1], [0, 0, 1, 1], [], []>, transpose_lhs_hint = false} : vector<2048x128xf32>, vector<128x128xf32>, vector<2048x128xf32> -> vector<2048x128xf32>
    %slice3A_525 = vector.extract_strided_slice %get3A_16 {offsets = [1, 512], sizes = [1, 128], strides = [1, 1]} : vector<4x640xf32> to vector<1x128xf32>
    %add3A_526 = vector.broadcast %slice3A_525 : vector<1x128xf32> to vector<2048x128xf32>
    %add3A_527 = arith.addf %dot_general3A_524, %add3A_526 : vector<2048x128xf32>
    %sub3A_528 = arith.constant 0.00999999977 : f32
    %sub3A_529 = vector.broadcast %sub3A_528 : f32 to vector<2048x128xf32>
    %sub3A_530 = arith.subf %add3A_527, %sub3A_529 : vector<2048x128xf32>
    %max3A_531 = arith.constant 0.000000e+00 : f32
    %max3A_532 = vector.broadcast %max3A_531 : f32 to vector<2048x128xf32>
    %max3A_533 = arith.maximumf %sub3A_530, %max3A_532 : vector<2048x128xf32>
    %get3A_534 = arith.constant 2 : index
    %get3A_535 = arith.constant 4 : index
    %get3A_536 = arith.constant 0 : index
    %get3A_537 = arith.constant 0 : index
    %get3A_538 = vector.load %arg6[%get3A_534, %get3A_535, %get3A_536, %get3A_537] : memref<4x5x128x128xf32, #tpu.memory_space<vmem>>, vector<1x1x128x128xf32>
    %get3A_539 = vector.shape_cast %get3A_538 : vector<1x1x128x128xf32> to vector<128x128xf32>
    %dot_general3A_540 = arith.constant dense<0.000000e+00> : vector<2048x128xf32>
    %dot_general3A_541 = tpu.matmul %max3A_533, %get3A_539, %dot_general3A_540 {dimension_numbers = #tpu.dot_dimension_numbers<[1], [0], [0], [1], [0, 0, 1, 1], [], []>, transpose_lhs_hint = false} : vector<2048x128xf32>, vector<128x128xf32>, vector<2048x128xf32> -> vector<2048x128xf32>
    %slice3A_542 = vector.extract_strided_slice %get3A_16 {offsets = [2, 512], sizes = [1, 128], strides = [1, 1]} : vector<4x640xf32> to vector<1x128xf32>
    %add3A_543 = vector.broadcast %slice3A_542 : vector<1x128xf32> to vector<2048x128xf32>
    %add3A_544 = arith.addf %dot_general3A_541, %add3A_543 : vector<2048x128xf32>
    %sub3A_545 = arith.constant 0.00999999977 : f32
    %sub3A_546 = vector.broadcast %sub3A_545 : f32 to vector<2048x128xf32>
    %sub3A_547 = arith.subf %add3A_544, %sub3A_546 : vector<2048x128xf32>
    %max3A_548 = arith.constant 0.000000e+00 : f32
    %max3A_549 = vector.broadcast %max3A_548 : f32 to vector<2048x128xf32>
    %max3A_550 = arith.maximumf %sub3A_547, %max3A_549 : vector<2048x128xf32>
    %get3A_551 = arith.constant 3 : index
    %get3A_552 = arith.constant 4 : index
    %get3A_553 = arith.constant 0 : index
    %get3A_554 = arith.constant 0 : index
    %get3A_555 = vector.load %arg6[%get3A_551, %get3A_552, %get3A_553, %get3A_554] : memref<4x5x128x128xf32, #tpu.memory_space<vmem>>, vector<1x1x128x128xf32>
    %get3A_556 = vector.shape_cast %get3A_555 : vector<1x1x128x128xf32> to vector<128x128xf32>
    %dot_general3A_557 = arith.constant dense<0.000000e+00> : vector<2048x128xf32>
    %dot_general3A_558 = tpu.matmul %max3A_550, %get3A_556, %dot_general3A_557 {dimension_numbers = #tpu.dot_dimension_numbers<[1], [0], [0], [1], [0, 0, 1, 1], [], []>, transpose_lhs_hint = false} : vector<2048x128xf32>, vector<128x128xf32>, vector<2048x128xf32> -> vector<2048x128xf32>
    %slice3A_559 = vector.extract_strided_slice %get3A_16 {offsets = [3, 512], sizes = [1, 128], strides = [1, 1]} : vector<4x640xf32> to vector<1x128xf32>
    %add3A_560 = vector.broadcast %slice3A_559 : vector<1x128xf32> to vector<2048x128xf32>
    %add3A_561 = arith.addf %dot_general3A_558, %add3A_560 : vector<2048x128xf32>
    %sub3A_562 = arith.constant 0.00999999977 : f32
    %sub3A_563 = vector.broadcast %sub3A_562 : f32 to vector<2048x128xf32>
    %sub3A_564 = arith.subf %add3A_561, %sub3A_563 : vector<2048x128xf32>
    %max3A_565 = arith.constant 0.000000e+00 : f32
    %max3A_566 = vector.broadcast %max3A_565 : f32 to vector<2048x128xf32>
    %max3A_567 = arith.maximumf %sub3A_564, %max3A_566 : vector<2048x128xf32>
    %get3A_568 = arith.constant 4 : index
    %get3A_569 = arith.constant 0 : index
    %get3A_570 = arith.constant 0 : index
    %get3A_571 = vector.load %arg8[%get3A_568, %get3A_569, %get3A_570] : memref<5x128x64xf32, #tpu.memory_space<vmem>>, vector<1x128x64xf32>
    %get3A_572 = vector.shape_cast %get3A_571 : vector<1x128x64xf32> to vector<128x64xf32>
    %dot_general3A_573 = arith.constant dense<0.000000e+00> : vector<2048x64xf32>
    %dot_general3A_574 = tpu.matmul %max3A_567, %get3A_572, %dot_general3A_573 {dimension_numbers = #tpu.dot_dimension_numbers<[1], [0], [0], [1], [0, 0, 1, 1], [], []>, transpose_lhs_hint = false} : vector<2048x128xf32>, vector<128x64xf32>, vector<2048x64xf32> -> vector<2048x64xf32>
    %get3A_575 = arith.constant 0 : index
    %get3A_576 = arith.constant 256 : index
    %get3A_577 = vector.load %arg10[%get3A_575, %get3A_576] : memref<1x320xf32, #tpu.memory_space<vmem>>, vector<1x64xf32>
    %add3A_578 = vector.broadcast %get3A_577 : vector<1x64xf32> to vector<2048x64xf32>
    %add3A_579 = arith.addf %dot_general3A_574, %add3A_578 : vector<2048x64xf32>
    %sub3A_580 = arith.constant 0.00999999977 : f32
    %sub3A_581 = vector.broadcast %sub3A_580 : f32 to vector<2048x64xf32>
    %sub3A_582 = arith.subf %add3A_579, %sub3A_581 : vector<2048x64xf32>
    %max3A_583 = arith.constant 0.000000e+00 : f32
    %max3A_584 = vector.broadcast %max3A_583 : f32 to vector<2048x64xf32>
    %max3A_585 = arith.maximumf %sub3A_582, %max3A_584 : vector<2048x64xf32>
    %swap3A_586 = arith.constant 0 : index
    %swap3A_587 = arith.constant 256 : index
    %swap3A_588 = vector.load %arg12[%swap3A_586, %swap3A_587] : memref<2048x320xf32, #tpu.memory_space<vmem>>, vector<2048x64xf32>
    tpu.vector_store %arg12[%swap3A_586, %swap3A_587], %max3A_585 {strides = array<i32>} : memref<2048x320xf32, #tpu.memory_space<vmem>>, vector<2048x64xf32>,
    %get3A_589 = arith.constant 4 : index
    %get3A_590 = arith.constant 0 : index
    %get3A_591 = arith.constant 0 : index
    %get3A_592 = vector.load %arg9[%get3A_589, %get3A_590, %get3A_591] : memref<5x128x64xf32, #tpu.memory_space<vmem>>, vector<1x128x64xf32>
    %get3A_593 = vector.shape_cast %get3A_592 : vector<1x128x64xf32> to vector<128x64xf32>
    %dot_general3A_594 = arith.constant dense<0.000000e+00> : vector<2048x64xf32>
    %dot_general3A_595 = tpu.matmul %max3A_567, %get3A_593, %dot_general3A_594 {dimension_numbers = #tpu.dot_dimension_numbers<[1], [0], [0], [1], [0, 0, 1, 1], [], []>, transpose_lhs_hint = false} : vector<2048x128xf32>, vector<128x64xf32>, vector<2048x64xf32> -> vector<2048x64xf32>
    %get3A_596 = arith.constant 0 : index
    %get3A_597 = arith.constant 256 : index
    %get3A_598 = vector.load %arg11[%get3A_596, %get3A_597] : memref<1x320xf32, #tpu.memory_space<vmem>>, vector<1x64xf32>
    %add3A_599 = vector.broadcast %get3A_598 : vector<1x64xf32> to vector<2048x64xf32>
    %add3A_600 = arith.addf %dot_general3A_595, %add3A_599 : vector<2048x64xf32>
    %sub3A_601 = arith.constant 0.00999999977 : f32
    %sub3A_602 = vector.broadcast %sub3A_601 : f32 to vector<2048x64xf32>
    %sub3A_603 = arith.subf %add3A_600, %sub3A_602 : vector<2048x64xf32>
    %max3A_604 = arith.constant 0.000000e+00 : f32
    %max3A_605 = vector.broadcast %max3A_604 : f32 to vector<2048x64xf32>
    %max3A_606 = arith.maximumf %sub3A_603, %max3A_605 : vector<2048x64xf32>
    %swap3A_607 = arith.constant 0 : index
    %swap3A_608 = arith.constant 256 : index
    %swap3A_609 = vector.load %arg13[%swap3A_607, %swap3A_608] : memref<2048x320xf32, #tpu.memory_space<vmem>>, vector<2048x64xf32>
    tpu.vector_store %arg13[%swap3A_607, %swap3A_608], %max3A_606 {strides = array<i32>} : memref<2048x320xf32, #tpu.memory_space<vmem>>, vector<2048x64xf32>,
    return
  }
  func.func @transform_0(%arg0: i32) -> (i32, i32) {
    %c0_i32 = arith.constant 0 : i32
    %c0_i32_0 = arith.constant 0 : i32
    return %arg0, %c0_i32 : i32, i32
  }
  func.func @transform_1(%arg0: i32) -> (i32, i32) {
    %c0_i32 = arith.constant 0 : i32
    %c0_i32_0 = arith.constant 0 : i32
    return %arg0, %c0_i32 : i32, i32
  }
  func.func @transform_2(%arg0: i32) -> (i32, i32) {
    %c0_i32 = arith.constant 0 : i32
    %c0_i32_0 = arith.constant 0 : i32
    %c0_i32_1 = arith.constant 0 : i32
    return %c0_i32, %c0_i32_0 : i32, i32
  }
  func.func @transform_3(%arg0: i32) -> (i32, i32) {
    %c0_i32 = arith.constant 0 : i32
    %c0_i32_0 = arith.constant 0 : i32
    %c0_i32_1 = arith.constant 0 : i32
    return %c0_i32, %c0_i32_0 : i32, i32
  }
  func.func @transform_4(%arg0: i32) -> (i32, i32) {
    %c0_i32 = arith.constant 0 : i32
    %c0_i32_0 = arith.constant 0 : i32
    %c0_i32_1 = arith.constant 0 : i32
    return %c0_i32, %c0_i32_0 : i32, i32
  }
  func.func @transform_5(%arg0: i32) -> (i32, i32, i32, i32) {
    %c0_i32 = arith.constant 0 : i32
    %c0_i32_0 = arith.constant 0 : i32
    %c0_i32_1 = arith.constant 0 : i32
    %c0_i32_2 = arith.constant 0 : i32
    %c0_i32_3 = arith.constant 0 : i32
    return %c0_i32, %c0_i32_0, %c0_i32_1, %c0_i32_2 : i32, i32, i32, i32
  }
  func.func @transform_6(%arg0: i32) -> (i32, i32) {
    %c0_i32 = arith.constant 0 : i32
    %c0_i32_0 = arith.constant 0 : i32
    %c0_i32_1 = arith.constant 0 : i32
    return %c0_i32, %c0_i32_0 : i32, i32
  }
  func.func @transform_7(%arg0: i32) -> (i32, i32, i32) {
    %c0_i32 = arith.constant 0 : i32
    %c0_i32_0 = arith.constant 0 : i32
    %c0_i32_1 = arith.constant 0 : i32
    %c0_i32_2 = arith.constant 0 : i32
    return %c0_i32, %c0_i32_0, %c0_i32_1 : i32, i32, i32
  }
  func.func @transform_8(%arg0: i32) -> (i32, i32, i32) {
    %c0_i32 = arith.constant 0 : i32
    %c0_i32_0 = arith.constant 0 : i32
    %c0_i32_1 = arith.constant 0 : i32
    %c0_i32_2 = arith.constant 0 : i32
    return %c0_i32, %c0_i32_0, %c0_i32_1 : i32, i32, i32
  }
  func.func @transform_9(%arg0: i32) -> (i32, i32) {
    %c0_i32 = arith.constant 0 : i32
    %c0_i32_0 = arith.constant 0 : i32
    %c0_i32_1 = arith.constant 0 : i32
    return %c0_i32, %c0_i32_0 : i32, i32
  }
  func.func @transform_10(%arg0: i32) -> (i32, i32) {
    %c0_i32 = arith.constant 0 : i32
    %c0_i32_0 = arith.constant 0 : i32
    %c0_i32_1 = arith.constant 0 : i32
    return %c0_i32, %c0_i32_0 : i32, i32
  }
  func.func @transform_11(%arg0: i32) -> (i32, i32) {
    %c0_i32 = arith.constant 0 : i32
    %c0_i32_0 = arith.constant 0 : i32
    return %arg0, %c0_i32 : i32, i32
  }
  func.func @transform_12(%arg0: i32) -> (i32, i32) {
    %c0_i32 = arith.constant 0 : i32
    %c0_i32_0 = arith.constant 0 : i32
    return %arg0, %c0_i32 : i32, i32
  }
}

module attributes {stable_mosaic.version = 14 : i64} {
  func.func @_p3_body(%arg0: i32, %arg1: memref<1x640x320xf32, #tpu.memory_space<vmem>>, %arg2: memref<1x640x320xf32, #tpu.memory_space<vmem>>, %arg3: memref<581x584xf32, #tpu.memory_space<vmem>>, %arg4: memref<581x584xf32, #tpu.memory_space<vmem>>, %arg5: memref<320x32xf32, #tpu.memory_space<vmem>>, %arg6: memref<1x581x32xf32, #tpu.memory_space<vmem>>, %arg7: memref<1x581x32xf32, #tpu.memory_space<vmem>>) attributes {dimension_semantics = [#tpu.dimension_semantics<arbitrary>], iteration_bounds = array<i64: 64>, scalar_prefetch = 0 : i64, scratch_operands = 0 : i64, tpu.core_type = #tpu.core_type<tc>, window_params = [{transform_indices = @transform_0, window_bounds = array<i64: 1, 640, 320>}, {transform_indices = @transform_1, window_bounds = array<i64: 1, 640, 320>}, {pipeline_mode = #tpu.pipeline_mode<synchronous>, transform_indices = @transform_2, window_bounds = array<i64: 581, 584>}, {pipeline_mode = #tpu.pipeline_mode<synchronous>, transform_indices = @transform_3, window_bounds = array<i64: 581, 584>}, {pipeline_mode = #tpu.pipeline_mode<synchronous>, transform_indices = @transform_4, window_bounds = array<i64: 320, 32>}, {transform_indices = @transform_5, window_bounds = array<i64: 1, 581, 32>}, {transform_indices = @transform_6, window_bounds = array<i64: 1, 581, 32>}]} {
    %get3A = arith.constant 0 : index
    %get3A_0 = arith.constant 0 : index
    %get3A_1 = vector.load %arg3[%get3A, %get3A_0] : memref<581x584xf32, #tpu.memory_space<vmem>>, vector<581x584xf32>
    %get3A_2 = arith.constant 0 : index
    %get3A_3 = arith.constant 0 : index
    %get3A_4 = arith.constant 0 : index
    %get3A_5 = vector.load %arg1[%get3A_2, %get3A_3, %get3A_4] : memref<1x640x320xf32, #tpu.memory_space<vmem>>, vector<1x640x320xf32>
    %get3A_6 = vector.shape_cast %get3A_5 : vector<1x640x320xf32> to vector<640x320xf32>
    %slice3A = vector.extract_strided_slice %get3A_6 {offsets = [0, 0], sizes = [584, 320], strides = [1, 1]} : vector<640x320xf32> to vector<584x320xf32>
    %dot_general3A = arith.constant dense<0.000000e+00> : vector<581x320xf32>
    %dot_general3A_7 = tpu.matmul %get3A_1, %slice3A, %dot_general3A {dimension_numbers = #tpu.dot_dimension_numbers<[1], [0], [0], [1], [0, 0, 1, 1], [], []>, precision = #tpu.contract_precision<fp32>, transpose_lhs_hint = false} : vector<581x584xf32>, vector<584x320xf32>, vector<581x320xf32> -> vector<581x320xf32>
    %get3A_8 = arith.constant 0 : index
    %get3A_9 = arith.constant 0 : index
    %get3A_10 = vector.load %arg4[%get3A_8, %get3A_9] : memref<581x584xf32, #tpu.memory_space<vmem>>, vector<581x584xf32>
    %get3A_11 = arith.constant 0 : index
    %get3A_12 = arith.constant 0 : index
    %get3A_13 = arith.constant 0 : index
    %get3A_14 = vector.load %arg2[%get3A_11, %get3A_12, %get3A_13] : memref<1x640x320xf32, #tpu.memory_space<vmem>>, vector<1x640x320xf32>
    %get3A_15 = vector.shape_cast %get3A_14 : vector<1x640x320xf32> to vector<640x320xf32>
    %slice3A_16 = vector.extract_strided_slice %get3A_15 {offsets = [0, 0], sizes = [584, 320], strides = [1, 1]} : vector<640x320xf32> to vector<584x320xf32>
    %dot_general3A_17 = arith.constant dense<0.000000e+00> : vector<581x320xf32>
    %dot_general3A_18 = tpu.matmul %get3A_10, %slice3A_16, %dot_general3A_17 {dimension_numbers = #tpu.dot_dimension_numbers<[1], [0], [0], [1], [0, 0, 1, 1], [], []>, precision = #tpu.contract_precision<fp32>, transpose_lhs_hint = false} : vector<581x584xf32>, vector<584x320xf32>, vector<581x320xf32> -> vector<581x320xf32>
    %get3A_19 = arith.constant 0 : index
    %get3A_20 = arith.constant 0 : index
    %get3A_21 = vector.load %arg5[%get3A_19, %get3A_20] : memref<320x32xf32, #tpu.memory_space<vmem>>, vector<320x32xf32>
    %add3A = arith.addf %dot_general3A_7, %dot_general3A_18 : vector<581x320xf32>
    %dot_general3A_22 = arith.constant dense<0.000000e+00> : vector<581x32xf32>
    %dot_general3A_23 = tpu.matmul %add3A, %get3A_21, %dot_general3A_22 {dimension_numbers = #tpu.dot_dimension_numbers<[1], [0], [0], [1], [0, 0, 1, 1], [], []>, transpose_lhs_hint = false} : vector<581x320xf32>, vector<320x32xf32>, vector<581x32xf32> -> vector<581x32xf32>
    %swap3A = arith.constant 0 : index
    %swap3A_24 = arith.constant 0 : index
    %swap3A_25 = arith.constant 0 : index
    %swap3A_26 = vector.load %arg6[%swap3A, %swap3A_24, %swap3A_25] : memref<1x581x32xf32, #tpu.memory_space<vmem>>, vector<1x581x32xf32>
    %swap3A_27 = vector.shape_cast %swap3A_26 : vector<1x581x32xf32> to vector<581x32xf32>
    %swap3A_28 = vector.shape_cast %dot_general3A_23 : vector<581x32xf32> to vector<1x581x32xf32>
    tpu.vector_store %arg6[%swap3A, %swap3A_24, %swap3A_25], %swap3A_28 {strides = array<i32>} : memref<1x581x32xf32, #tpu.memory_space<vmem>>, vector<1x581x32xf32>,
    %sub3A = arith.subf %dot_general3A_7, %dot_general3A_18 : vector<581x320xf32>
    %dot_general3A_29 = arith.constant dense<0.000000e+00> : vector<581x32xf32>
    %dot_general3A_30 = tpu.matmul %sub3A, %get3A_21, %dot_general3A_29 {dimension_numbers = #tpu.dot_dimension_numbers<[1], [0], [0], [1], [0, 0, 1, 1], [], []>, transpose_lhs_hint = false} : vector<581x320xf32>, vector<320x32xf32>, vector<581x32xf32> -> vector<581x32xf32>
    %swap3A_31 = arith.constant 0 : index
    %swap3A_32 = arith.constant 0 : index
    %swap3A_33 = arith.constant 0 : index
    %swap3A_34 = vector.load %arg7[%swap3A_31, %swap3A_32, %swap3A_33] : memref<1x581x32xf32, #tpu.memory_space<vmem>>, vector<1x581x32xf32>
    %swap3A_35 = vector.shape_cast %swap3A_34 : vector<1x581x32xf32> to vector<581x32xf32>
    %swap3A_36 = vector.shape_cast %dot_general3A_30 : vector<581x32xf32> to vector<1x581x32xf32>
    tpu.vector_store %arg7[%swap3A_31, %swap3A_32, %swap3A_33], %swap3A_36 {strides = array<i32>} : memref<1x581x32xf32, #tpu.memory_space<vmem>>, vector<1x581x32xf32>,
    return
  }
  func.func @transform_0(%arg0: i32) -> (i32, i32, i32) {
    %c0_i32 = arith.constant 0 : i32
    %c0_i32_0 = arith.constant 0 : i32
    %c0_i32_1 = arith.constant 0 : i32
    return %arg0, %c0_i32, %c0_i32_0 : i32, i32, i32
  }
  func.func @transform_1(%arg0: i32) -> (i32, i32, i32) {
    %c0_i32 = arith.constant 0 : i32
    %c0_i32_0 = arith.constant 0 : i32
    %c0_i32_1 = arith.constant 0 : i32
    return %arg0, %c0_i32, %c0_i32_0 : i32, i32, i32
  }
  func.func @transform_2(%arg0: i32) -> (i32, i32) {
    %c0_i32 = arith.constant 0 : i32
    %c0_i32_0 = arith.constant 0 : i32
    %c0_i32_1 = arith.constant 0 : i32
    return %c0_i32, %c0_i32_0 : i32, i32
  }
  func.func @transform_3(%arg0: i32) -> (i32, i32) {
    %c0_i32 = arith.constant 0 : i32
    %c0_i32_0 = arith.constant 0 : i32
    %c0_i32_1 = arith.constant 0 : i32
    return %c0_i32, %c0_i32_0 : i32, i32
  }
  func.func @transform_4(%arg0: i32) -> (i32, i32) {
    %c0_i32 = arith.constant 0 : i32
    %c0_i32_0 = arith.constant 0 : i32
    %c0_i32_1 = arith.constant 0 : i32
    return %c0_i32, %c0_i32_0 : i32, i32
  }
  func.func @transform_5(%arg0: i32) -> (i32, i32, i32) {
    %c0_i32 = arith.constant 0 : i32
    %c0_i32_0 = arith.constant 0 : i32
    %c0_i32_1 = arith.constant 0 : i32
    return %arg0, %c0_i32, %c0_i32_0 : i32, i32, i32
  }
  func.func @transform_6(%arg0: i32) -> (i32, i32, i32) {
    %c0_i32 = arith.constant 0 : i32
    %c0_i32_0 = arith.constant 0 : i32
    %c0_i32_1 = arith.constant 0 : i32
    return %arg0, %c0_i32, %c0_i32_0 : i32, i32, i32
  }
}

module attributes {stable_mosaic.version = 14 : i64} {
  func.func @_p4a_body(%arg0: i32, %arg1: memref<7424x170xf32, #tpu.memory_space<vmem>>, %arg2: memref<1x170xf32, #tpu.memory_space<vmem>>, %arg3: memref<1x170xf32, #tpu.memory_space<vmem>>, %arg4: memref<1x170xf32, #tpu.memory_space<vmem>>, %arg5: memref<170x4xf32, #tpu.memory_space<vmem>>, %arg6: memref<1x4xf32, #tpu.memory_space<vmem>>, %arg7: memref<7424x4xf32, #tpu.memory_space<vmem>>) attributes {dimension_semantics = [#tpu.dimension_semantics<arbitrary>], iteration_bounds = array<i64: 1>, scalar_prefetch = 0 : i64, scratch_operands = 0 : i64, tpu.core_type = #tpu.core_type<tc>, window_params = [{pipeline_mode = #tpu.pipeline_mode<synchronous>, transform_indices = @transform_0, window_bounds = array<i64: 7424, 170>}, {pipeline_mode = #tpu.pipeline_mode<synchronous>, transform_indices = @transform_1, window_bounds = array<i64: 1, 170>}, {pipeline_mode = #tpu.pipeline_mode<synchronous>, transform_indices = @transform_2, window_bounds = array<i64: 1, 170>}, {pipeline_mode = #tpu.pipeline_mode<synchronous>, transform_indices = @transform_3, window_bounds = array<i64: 1, 170>}, {pipeline_mode = #tpu.pipeline_mode<synchronous>, transform_indices = @transform_4, window_bounds = array<i64: 170, 4>}, {pipeline_mode = #tpu.pipeline_mode<synchronous>, transform_indices = @transform_5, window_bounds = array<i64: 1, 4>}, {pipeline_mode = #tpu.pipeline_mode<synchronous>, transform_indices = @transform_6, window_bounds = array<i64: 7424, 4>}]} {
    %get3A = arith.constant 0 : index
    %get3A_0 = arith.constant 0 : index
    %get3A_1 = vector.load %arg1[%get3A, %get3A_0] : memref<7424x170xf32, #tpu.memory_space<vmem>>, vector<7424x170xf32>
    %get3A_2 = arith.constant 0 : index
    %get3A_3 = arith.constant 0 : index
    %get3A_4 = vector.load %arg2[%get3A_2, %get3A_3] : memref<1x170xf32, #tpu.memory_space<vmem>>, vector<1x170xf32>
    %mul3A = vector.broadcast %get3A_4 : vector<1x170xf32> to vector<7424x170xf32>
    %mul3A_5 = arith.mulf %get3A_1, %mul3A : vector<7424x170xf32>
    %reduce_sum3A = arith.constant dense<0.000000e+00> : vector<7424xf32>
    %reduce_sum3A_6 = vector.multi_reduction <add>, %mul3A_5, %reduce_sum3A [1] : vector<7424x170xf32> to vector<7424xf32>
    %broadcast_in_dim3A = vector.shape_cast %reduce_sum3A_6 : vector<7424xf32> to vector<7424x1xf32>
    %div3A = arith.constant 1.700000e+02 : f32
    %div3A_7 = vector.broadcast %div3A : f32 to vector<7424x1xf32>
    %div3A_8 = arith.divf %broadcast_in_dim3A, %div3A_7 : vector<7424x1xf32>
    %sub3A = vector.broadcast %div3A_8 : vector<7424x1xf32> to vector<7424x170xf32>
    %sub3A_9 = arith.subf %mul3A_5, %sub3A : vector<7424x170xf32>
    %integer_pow3A = arith.mulf %sub3A_9, %sub3A_9 : vector<7424x170xf32>
    %reduce_sum3A_10 = arith.constant dense<0.000000e+00> : vector<7424xf32>
    %reduce_sum3A_11 = vector.multi_reduction <add>, %integer_pow3A, %reduce_sum3A_10 [1] : vector<7424x170xf32> to vector<7424xf32>
    %broadcast_in_dim3A_12 = vector.shape_cast %reduce_sum3A_11 : vector<7424xf32> to vector<7424x1xf32>
    %div3A_13 = arith.constant 1.700000e+02 : f32
    %div3A_14 = vector.broadcast %div3A_13 : f32 to vector<7424x1xf32>
    %div3A_15 = arith.divf %broadcast_in_dim3A_12, %div3A_14 : vector<7424x1xf32>
    %sub3A_16 = vector.broadcast %div3A_8 : vector<7424x1xf32> to vector<7424x170xf32>
    %sub3A_17 = arith.subf %mul3A_5, %sub3A_16 : vector<7424x170xf32>
    %add3A = arith.constant 9.99999974E-6 : f32
    %add3A_18 = vector.broadcast %add3A : f32 to vector<7424x1xf32>
    %add3A_19 = arith.addf %div3A_15, %add3A_18 : vector<7424x1xf32>
    %sqrt3A = math.sqrt %add3A_19 : vector<7424x1xf32>
    %div3A_20 = vector.broadcast %sqrt3A : vector<7424x1xf32> to vector<7424x170xf32>
    %div3A_21 = arith.divf %sub3A_17, %div3A_20 : vector<7424x170xf32>
    %get3A_22 = arith.constant 0 : index
    %get3A_23 = arith.constant 0 : index
    %get3A_24 = vector.load %arg3[%get3A_22, %get3A_23] : memref<1x170xf32, #tpu.memory_space<vmem>>, vector<1x170xf32>
    %mul3A_25 = vector.broadcast %get3A_24 : vector<1x170xf32> to vector<7424x170xf32>
    %mul3A_26 = arith.mulf %div3A_21, %mul3A_25 : vector<7424x170xf32>
    %get3A_27 = arith.constant 0 : index
    %get3A_28 = arith.constant 0 : index
    %get3A_29 = vector.load %arg4[%get3A_27, %get3A_28] : memref<1x170xf32, #tpu.memory_space<vmem>>, vector<1x170xf32>
    %add3A_30 = vector.broadcast %get3A_29 : vector<1x170xf32> to vector<7424x170xf32>
    %add3A_31 = arith.addf %mul3A_26, %add3A_30 : vector<7424x170xf32>
    %get3A_32 = arith.constant 0 : index
    %get3A_33 = arith.constant 0 : index
    %get3A_34 = vector.load %arg5[%get3A_32, %get3A_33] : memref<170x4xf32, #tpu.memory_space<vmem>>, vector<170x4xf32>
    %dot_general3A = arith.constant dense<0.000000e+00> : vector<7424x4xf32>
    %dot_general3A_35 = tpu.matmul %add3A_31, %get3A_34, %dot_general3A {dimension_numbers = #tpu.dot_dimension_numbers<[1], [0], [0], [1], [0, 0, 1, 1], [], []>, transpose_lhs_hint = false} : vector<7424x170xf32>, vector<170x4xf32>, vector<7424x4xf32> -> vector<7424x4xf32>
    %get3A_36 = arith.constant 0 : index
    %get3A_37 = arith.constant 0 : index
    %get3A_38 = vector.load %arg6[%get3A_36, %get3A_37] : memref<1x4xf32, #tpu.memory_space<vmem>>, vector<1x4xf32>
    %add3A_39 = vector.broadcast %get3A_38 : vector<1x4xf32> to vector<7424x4xf32>
    %add3A_40 = arith.addf %dot_general3A_35, %add3A_39 : vector<7424x4xf32>
    %swap3A = arith.constant 0 : index
    %swap3A_41 = arith.constant 0 : index
    %swap3A_42 = vector.load %arg7[%swap3A, %swap3A_41] : memref<7424x4xf32, #tpu.memory_space<vmem>>, vector<7424x4xf32>
    tpu.vector_store %arg7[%swap3A, %swap3A_41], %add3A_40 {strides = array<i32>} : memref<7424x4xf32, #tpu.memory_space<vmem>>, vector<7424x4xf32>,
    return
  }
  func.func @transform_0(%arg0: i32) -> (i32, i32) {
    %c0_i32 = arith.constant 0 : i32
    %c0_i32_0 = arith.constant 0 : i32
    %c0_i32_1 = arith.constant 0 : i32
    return %c0_i32, %c0_i32_0 : i32, i32
  }
  func.func @transform_1(%arg0: i32) -> (i32, i32) {
    %c0_i32 = arith.constant 0 : i32
    %c0_i32_0 = arith.constant 0 : i32
    %c0_i32_1 = arith.constant 0 : i32
    return %c0_i32, %c0_i32_0 : i32, i32
  }
  func.func @transform_2(%arg0: i32) -> (i32, i32) {
    %c0_i32 = arith.constant 0 : i32
    %c0_i32_0 = arith.constant 0 : i32
    %c0_i32_1 = arith.constant 0 : i32
    return %c0_i32, %c0_i32_0 : i32, i32
  }
  func.func @transform_3(%arg0: i32) -> (i32, i32) {
    %c0_i32 = arith.constant 0 : i32
    %c0_i32_0 = arith.constant 0 : i32
    %c0_i32_1 = arith.constant 0 : i32
    return %c0_i32, %c0_i32_0 : i32, i32
  }
  func.func @transform_4(%arg0: i32) -> (i32, i32) {
    %c0_i32 = arith.constant 0 : i32
    %c0_i32_0 = arith.constant 0 : i32
    %c0_i32_1 = arith.constant 0 : i32
    return %c0_i32, %c0_i32_0 : i32, i32
  }
  func.func @transform_5(%arg0: i32) -> (i32, i32) {
    %c0_i32 = arith.constant 0 : i32
    %c0_i32_0 = arith.constant 0 : i32
    %c0_i32_1 = arith.constant 0 : i32
    return %c0_i32, %c0_i32_0 : i32, i32
  }
  func.func @transform_6(%arg0: i32) -> (i32, i32) {
    %c0_i32 = arith.constant 0 : i32
    %c0_i32_0 = arith.constant 0 : i32
    %c0_i32_1 = arith.constant 0 : i32
    return %c0_i32, %c0_i32_0 : i32, i32
  }
}

module attributes {stable_mosaic.version = 14 : i64} {
  func.func @_p4b_body(%arg0: i32, %arg1: memref<1x116x170xf32, #tpu.memory_space<vmem>>, %arg2: memref<1x116x116xf32, #tpu.memory_space<vmem>>, %arg3: memref<1x170xf32, #tpu.memory_space<vmem>>, %arg4: memref<170x680xf32, #tpu.memory_space<vmem>>, %arg5: memref<1x116x4xf32, #tpu.memory_space<vmem>>, %arg6: memref<1x116x170xf32, #tpu.memory_space<vmem>>) attributes {dimension_semantics = [#tpu.dimension_semantics<arbitrary>], iteration_bounds = array<i64: 64>, scalar_prefetch = 0 : i64, scratch_operands = 0 : i64, tpu.core_type = #tpu.core_type<tc>, window_params = [{transform_indices = @transform_0, window_bounds = array<i64: 1, 116, 170>}, {transform_indices = @transform_1, window_bounds = array<i64: 1, 116, 116>}, {pipeline_mode = #tpu.pipeline_mode<synchronous>, transform_indices = @transform_2, window_bounds = array<i64: 1, 170>}, {pipeline_mode = #tpu.pipeline_mode<synchronous>, transform_indices = @transform_3, window_bounds = array<i64: 170, 680>}, {transform_indices = @transform_4, window_bounds = array<i64: 1, 116, 4>}, {transform_indices = @transform_5, window_bounds = array<i64: 1, 116, 170>}]} {
    %get3A = arith.constant 0 : index
    %get3A_0 = arith.constant 0 : index
    %get3A_1 = arith.constant 0 : index
    %get3A_2 = vector.load %arg1[%get3A, %get3A_0, %get3A_1] : memref<1x116x170xf32, #tpu.memory_space<vmem>>, vector<1x116x170xf32>
    %get3A_3 = vector.shape_cast %get3A_2 : vector<1x116x170xf32> to vector<116x170xf32>
    %get3A_4 = arith.constant 0 : index
    %get3A_5 = arith.constant 0 : index
    %get3A_6 = vector.load %arg3[%get3A_4, %get3A_5] : memref<1x170xf32, #tpu.memory_space<vmem>>, vector<1x170xf32>
    %mul3A = vector.broadcast %get3A_6 : vector<1x170xf32> to vector<116x170xf32>
    %mul3A_7 = arith.mulf %get3A_3, %mul3A : vector<116x170xf32>
    %get3A_8 = arith.constant 0 : index
    %get3A_9 = arith.constant 0 : index
    %get3A_10 = arith.constant 0 : index
    %get3A_11 = vector.load %arg5[%get3A_8, %get3A_9, %get3A_10] : memref<1x116x4xf32, #tpu.memory_space<vmem>>, vector<1x116x4xf32>
    %get3A_12 = vector.shape_cast %get3A_11 : vector<1x116x4xf32> to vector<116x4xf32>
    %get3A_13 = arith.constant 0 : index
    %get3A_14 = arith.constant 0 : index
    %get3A_15 = vector.load %arg4[%get3A_13, %get3A_14] : memref<170x680xf32, #tpu.memory_space<vmem>>, vector<170x680xf32>
    %dot_general3A = arith.constant dense<0.000000e+00> : vector<116x680xf32>
    %dot_general3A_16 = tpu.matmul %mul3A_7, %get3A_15, %dot_general3A {dimension_numbers = #tpu.dot_dimension_numbers<[1], [0], [0], [1], [0, 0, 1, 1], [], []>, transpose_lhs_hint = false} : vector<116x170xf32>, vector<170x680xf32>, vector<116x680xf32> -> vector<116x680xf32>
    %get3A_17 = arith.constant 0 : index
    %get3A_18 = arith.constant 0 : index
    %get3A_19 = arith.constant 0 : index
    %get3A_20 = vector.load %arg2[%get3A_17, %get3A_18, %get3A_19] : memref<1x116x116xf32, #tpu.memory_space<vmem>>, vector<1x116x116xf32>
    %get3A_21 = vector.shape_cast %get3A_20 : vector<1x116x116xf32> to vector<116x116xf32>
    %dot_general3A_22 = arith.constant dense<0.000000e+00> : vector<116x680xf32>
    %dot_general3A_23 = tpu.matmul %get3A_21, %dot_general3A_16, %dot_general3A_22 {dimension_numbers = #tpu.dot_dimension_numbers<[1], [0], [0], [1], [0, 0, 1, 1], [], []>, transpose_lhs_hint = false} : vector<116x116xf32>, vector<116x680xf32>, vector<116x680xf32> -> vector<116x680xf32>
    %max3A = arith.constant 0.000000e+00 : f32
    %max3A_24 = vector.broadcast %max3A : f32 to vector<116x680xf32>
    %max3A_25 = arith.maximumf %dot_general3A_23, %max3A_24 : vector<116x680xf32>
    %broadcast_in_dim3A = arith.constant 0.000000e+00 : f32
    %broadcast_in_dim3A_26 = vector.broadcast %broadcast_in_dim3A : f32 to vector<116x170xf32>
    %slice3A = vector.extract_strided_slice %get3A_12 {offsets = [0, 0], sizes = [116, 1], strides = [1, 1]} : vector<116x4xf32> to vector<116x1xf32>
    %slice3A_27 = vector.extract_strided_slice %max3A_25 {offsets = [0, 0], sizes = [116, 170], strides = [1, 1]} : vector<116x680xf32> to vector<116x170xf32>
    %mul3A_28 = vector.broadcast %slice3A : vector<116x1xf32> to vector<116x170xf32>
    %mul3A_29 = arith.mulf %mul3A_28, %slice3A_27 : vector<116x170xf32>
    %add3A = arith.addf %broadcast_in_dim3A_26, %mul3A_29 : vector<116x170xf32>
    %slice3A_30 = vector.extract_strided_slice %get3A_12 {offsets = [0, 1], sizes = [116, 1], strides = [1, 1]} : vector<116x4xf32> to vector<116x1xf32>
    %slice3A_31 = vector.extract_strided_slice %max3A_25 {offsets = [0, 170], sizes = [116, 170], strides = [1, 1]} : vector<116x680xf32> to vector<116x170xf32>
    %mul3A_32 = vector.broadcast %slice3A_30 : vector<116x1xf32> to vector<116x170xf32>
    %mul3A_33 = arith.mulf %mul3A_32, %slice3A_31 : vector<116x170xf32>
    %add3A_34 = arith.addf %add3A, %mul3A_33 : vector<116x170xf32>
    %slice3A_35 = vector.extract_strided_slice %get3A_12 {offsets = [0, 2], sizes = [116, 1], strides = [1, 1]} : vector<116x4xf32> to vector<116x1xf32>
    %slice3A_36 = vector.extract_strided_slice %max3A_25 {offsets = [0, 340], sizes = [116, 170], strides = [1, 1]} : vector<116x680xf32> to vector<116x170xf32>
    %mul3A_37 = vector.broadcast %slice3A_35 : vector<116x1xf32> to vector<116x170xf32>
    %mul3A_38 = arith.mulf %mul3A_37, %slice3A_36 : vector<116x170xf32>
    %add3A_39 = arith.addf %add3A_34, %mul3A_38 : vector<116x170xf32>
    %slice3A_40 = vector.extract_strided_slice %get3A_12 {offsets = [0, 3], sizes = [116, 1], strides = [1, 1]} : vector<116x4xf32> to vector<116x1xf32>
    %slice3A_41 = vector.extract_strided_slice %max3A_25 {offsets = [0, 510], sizes = [116, 170], strides = [1, 1]} : vector<116x680xf32> to vector<116x170xf32>
    %mul3A_42 = vector.broadcast %slice3A_40 : vector<116x1xf32> to vector<116x170xf32>
    %mul3A_43 = arith.mulf %mul3A_42, %slice3A_41 : vector<116x170xf32>
    %add3A_44 = arith.addf %add3A_39, %mul3A_43 : vector<116x170xf32>
    %add3A_45 = arith.addf %mul3A_7, %add3A_44 : vector<116x170xf32>
    %swap3A = arith.constant 0 : index
    %swap3A_46 = arith.constant 0 : index
    %swap3A_47 = arith.constant 0 : index
    %swap3A_48 = vector.load %arg6[%swap3A, %swap3A_46, %swap3A_47] : memref<1x116x170xf32, #tpu.memory_space<vmem>>, vector<1x116x170xf32>
    %swap3A_49 = vector.shape_cast %swap3A_48 : vector<1x116x170xf32> to vector<116x170xf32>
    %swap3A_50 = vector.shape_cast %add3A_45 : vector<116x170xf32> to vector<1x116x170xf32>
    tpu.vector_store %arg6[%swap3A, %swap3A_46, %swap3A_47], %swap3A_50 {strides = array<i32>} : memref<1x116x170xf32, #tpu.memory_space<vmem>>, vector<1x116x170xf32>,
    return
  }
  func.func @transform_0(%arg0: i32) -> (i32, i32, i32) {
    %c0_i32 = arith.constant 0 : i32
    %c0_i32_0 = arith.constant 0 : i32
    %c0_i32_1 = arith.constant 0 : i32
    return %arg0, %c0_i32, %c0_i32_0 : i32, i32, i32
  }
  func.func @transform_1(%arg0: i32) -> (i32, i32, i32) {
    %c0_i32 = arith.constant 0 : i32
    %c0_i32_0 = arith.constant 0 : i32
    %c0_i32_1 = arith.constant 0 : i32
    return %arg0, %c0_i32, %c0_i32_0 : i32, i32, i32
  }
  func.func @transform_2(%arg0: i32) -> (i32, i32) {
    %c0_i32 = arith.constant 0 : i32
    %c0_i32_0 = arith.constant 0 : i32
    %c0_i32_1 = arith.constant 0 : i32
    return %c0_i32, %c0_i32_0 : i32, i32
  }
  func.func @transform_3(%arg0: i32) -> (i32, i32) {
    %c0_i32 = arith.constant 0 : i32
    %c0_i32_0 = arith.constant 0 : i32
    %c0_i32_1 = arith.constant 0 : i32
    return %c0_i32, %c0_i32_0 : i32, i32
  }
  func.func @transform_4(%arg0: i32) -> (i32, i32, i32) {
    %c0_i32 = arith.constant 0 : i32
    %c0_i32_0 = arith.constant 0 : i32
    %c0_i32_1 = arith.constant 0 : i32
    return %arg0, %c0_i32, %c0_i32_0 : i32, i32, i32
  }
  func.func @transform_5(%arg0: i32) -> (i32, i32, i32) {
    %c0_i32 = arith.constant 0 : i32
    %c0_i32_0 = arith.constant 0 : i32
    %c0_i32_1 = arith.constant 0 : i32
    return %arg0, %c0_i32, %c0_i32_0 : i32, i32, i32
  }
}

module attributes {stable_mosaic.version = 14 : i64} {
  func.func @_p5_body(%arg0: i32, %arg1: memref<64x19720xf32, #tpu.memory_space<vmem>>, %arg2: memref<19720x128xf32, #tpu.memory_space<vmem>>, %arg3: memref<1x128xf32, #tpu.memory_space<vmem>>, %arg4: memref<64x128xf32, #tpu.memory_space<vmem>>) attributes {dimension_semantics = [#tpu.dimension_semantics<arbitrary>], iteration_bounds = array<i64: 4>, scalar_prefetch = 0 : i64, scratch_operands = 0 : i64, tpu.core_type = #tpu.core_type<tc>, window_params = [{pipeline_mode = #tpu.pipeline_mode<synchronous>, transform_indices = @transform_0, window_bounds = array<i64: 64, 19720>}, {transform_indices = @transform_1, window_bounds = array<i64: 19720, 128>}, {transform_indices = @transform_2, window_bounds = array<i64: 1, 128>}, {transform_indices = @transform_3, window_bounds = array<i64: 64, 128>}]} {
    %get3A = arith.constant 0 : index
    %get3A_0 = arith.constant 0 : index
    %get3A_1 = vector.load %arg1[%get3A, %get3A_0] : memref<64x19720xf32, #tpu.memory_space<vmem>>, vector<64x19720xf32>
    %get3A_2 = arith.constant 0 : index
    %get3A_3 = arith.constant 0 : index
    %get3A_4 = vector.load %arg2[%get3A_2, %get3A_3] : memref<19720x128xf32, #tpu.memory_space<vmem>>, vector<19720x128xf32>
    %dot_general3A = arith.constant dense<0.000000e+00> : vector<64x128xf32>
    %dot_general3A_5 = tpu.matmul %get3A_1, %get3A_4, %dot_general3A {dimension_numbers = #tpu.dot_dimension_numbers<[1], [0], [0], [1], [0, 0, 1, 1], [], []>, transpose_lhs_hint = false} : vector<64x19720xf32>, vector<19720x128xf32>, vector<64x128xf32> -> vector<64x128xf32>
    %get3A_6 = arith.constant 0 : index
    %get3A_7 = arith.constant 0 : index
    %get3A_8 = vector.load %arg3[%get3A_6, %get3A_7] : memref<1x128xf32, #tpu.memory_space<vmem>>, vector<1x128xf32>
    %add3A = vector.broadcast %get3A_8 : vector<1x128xf32> to vector<64x128xf32>
    %add3A_9 = arith.addf %dot_general3A_5, %add3A : vector<64x128xf32>
    %max3A = arith.constant 0.000000e+00 : f32
    %max3A_10 = vector.broadcast %max3A : f32 to vector<64x128xf32>
    %max3A_11 = arith.maximumf %add3A_9, %max3A_10 : vector<64x128xf32>
    %mul3A = arith.constant 0.999994993 : f32
    %mul3A_12 = vector.broadcast %mul3A : f32 to vector<64x128xf32>
    %mul3A_13 = arith.mulf %max3A_11, %mul3A_12 : vector<64x128xf32>
    %swap3A = arith.constant 0 : index
    %swap3A_14 = arith.constant 0 : index
    %swap3A_15 = vector.load %arg4[%swap3A, %swap3A_14] : memref<64x128xf32, #tpu.memory_space<vmem>>, vector<64x128xf32>
    tpu.vector_store %arg4[%swap3A, %swap3A_14], %mul3A_13 {strides = array<i32>} : memref<64x128xf32, #tpu.memory_space<vmem>>, vector<64x128xf32>,
    return
  }
  func.func @transform_0(%arg0: i32) -> (i32, i32) {
    %c0_i32 = arith.constant 0 : i32
    %c0_i32_0 = arith.constant 0 : i32
    %c0_i32_1 = arith.constant 0 : i32
    return %c0_i32, %c0_i32_0 : i32, i32
  }
  func.func @transform_1(%arg0: i32) -> (i32, i32) {
    %c0_i32 = arith.constant 0 : i32
    %c0_i32_0 = arith.constant 0 : i32
    return %c0_i32, %arg0 : i32, i32
  }
  func.func @transform_2(%arg0: i32) -> (i32, i32) {
    %c0_i32 = arith.constant 0 : i32
    %c0_i32_0 = arith.constant 0 : i32
    return %c0_i32, %arg0 : i32, i32
  }
  func.func @transform_3(%arg0: i32) -> (i32, i32) {
    %c0_i32 = arith.constant 0 : i32
    %c0_i32_0 = arith.constant 0 : i32
    return %c0_i32, %arg0 : i32, i32
  }
}

module attributes {stable_mosaic.version = 14 : i64} {
  func.func @_p6_body(%arg0: i32, %arg1: memref<64x512xf32, #tpu.memory_space<vmem>>, %arg2: memref<512x256xf32, #tpu.memory_space<vmem>>, %arg3: memref<1x256xf32, #tpu.memory_space<vmem>>, %arg4: memref<256x128xf32, #tpu.memory_space<vmem>>, %arg5: memref<1x128xf32, #tpu.memory_space<vmem>>, %arg6: memref<128x2xf32, #tpu.memory_space<vmem>>, %arg7: memref<1x2xf32, #tpu.memory_space<vmem>>, %arg8: memref<64x2xf32, #tpu.memory_space<vmem>>) attributes {dimension_semantics = [#tpu.dimension_semantics<arbitrary>], iteration_bounds = array<i64: 1>, scalar_prefetch = 0 : i64, scratch_operands = 0 : i64, tpu.core_type = #tpu.core_type<tc>, window_params = [{pipeline_mode = #tpu.pipeline_mode<synchronous>, transform_indices = @transform_0, window_bounds = array<i64: 64, 512>}, {pipeline_mode = #tpu.pipeline_mode<synchronous>, transform_indices = @transform_1, window_bounds = array<i64: 512, 256>}, {pipeline_mode = #tpu.pipeline_mode<synchronous>, transform_indices = @transform_2, window_bounds = array<i64: 1, 256>}, {pipeline_mode = #tpu.pipeline_mode<synchronous>, transform_indices = @transform_3, window_bounds = array<i64: 256, 128>}, {pipeline_mode = #tpu.pipeline_mode<synchronous>, transform_indices = @transform_4, window_bounds = array<i64: 1, 128>}, {pipeline_mode = #tpu.pipeline_mode<synchronous>, transform_indices = @transform_5, window_bounds = array<i64: 128, 2>}, {pipeline_mode = #tpu.pipeline_mode<synchronous>, transform_indices = @transform_6, window_bounds = array<i64: 1, 2>}, {pipeline_mode = #tpu.pipeline_mode<synchronous>, transform_indices = @transform_7, window_bounds = array<i64: 64, 2>}]} {
    %get3A = arith.constant 0 : index
    %get3A_0 = arith.constant 0 : index
    %get3A_1 = vector.load %arg1[%get3A, %get3A_0] : memref<64x512xf32, #tpu.memory_space<vmem>>, vector<64x512xf32>
    %get3A_2 = arith.constant 0 : index
    %get3A_3 = arith.constant 0 : index
    %get3A_4 = vector.load %arg2[%get3A_2, %get3A_3] : memref<512x256xf32, #tpu.memory_space<vmem>>, vector<512x256xf32>
    %dot_general3A = arith.constant dense<0.000000e+00> : vector<64x256xf32>
    %dot_general3A_5 = tpu.matmul %get3A_1, %get3A_4, %dot_general3A {dimension_numbers = #tpu.dot_dimension_numbers<[1], [0], [0], [1], [0, 0, 1, 1], [], []>, transpose_lhs_hint = false} : vector<64x512xf32>, vector<512x256xf32>, vector<64x256xf32> -> vector<64x256xf32>
    %get3A_6 = arith.constant 0 : index
    %get3A_7 = arith.constant 0 : index
    %get3A_8 = vector.load %arg3[%get3A_6, %get3A_7] : memref<1x256xf32, #tpu.memory_space<vmem>>, vector<1x256xf32>
    %add3A = vector.broadcast %get3A_8 : vector<1x256xf32> to vector<64x256xf32>
    %add3A_9 = arith.addf %dot_general3A_5, %add3A : vector<64x256xf32>
    %max3A = arith.constant 0.000000e+00 : f32
    %max3A_10 = vector.broadcast %max3A : f32 to vector<64x256xf32>
    %max3A_11 = arith.maximumf %add3A_9, %max3A_10 : vector<64x256xf32>
    %mul3A = arith.constant 0.999994993 : f32
    %mul3A_12 = vector.broadcast %mul3A : f32 to vector<64x256xf32>
    %mul3A_13 = arith.mulf %max3A_11, %mul3A_12 : vector<64x256xf32>
    %get3A_14 = arith.constant 0 : index
    %get3A_15 = arith.constant 0 : index
    %get3A_16 = vector.load %arg4[%get3A_14, %get3A_15] : memref<256x128xf32, #tpu.memory_space<vmem>>, vector<256x128xf32>
    %dot_general3A_17 = arith.constant dense<0.000000e+00> : vector<64x128xf32>
    %dot_general3A_18 = tpu.matmul %mul3A_13, %get3A_16, %dot_general3A_17 {dimension_numbers = #tpu.dot_dimension_numbers<[1], [0], [0], [1], [0, 0, 1, 1], [], []>, transpose_lhs_hint = false} : vector<64x256xf32>, vector<256x128xf32>, vector<64x128xf32> -> vector<64x128xf32>
    %get3A_19 = arith.constant 0 : index
    %get3A_20 = arith.constant 0 : index
    %get3A_21 = vector.load %arg5[%get3A_19, %get3A_20] : memref<1x128xf32, #tpu.memory_space<vmem>>, vector<1x128xf32>
    %add3A_22 = vector.broadcast %get3A_21 : vector<1x128xf32> to vector<64x128xf32>
    %add3A_23 = arith.addf %dot_general3A_18, %add3A_22 : vector<64x128xf32>
    %max3A_24 = arith.constant 0.000000e+00 : f32
    %max3A_25 = vector.broadcast %max3A_24 : f32 to vector<64x128xf32>
    %max3A_26 = arith.maximumf %add3A_23, %max3A_25 : vector<64x128xf32>
    %mul3A_27 = arith.constant 0.999994993 : f32
    %mul3A_28 = vector.broadcast %mul3A_27 : f32 to vector<64x128xf32>
    %mul3A_29 = arith.mulf %max3A_26, %mul3A_28 : vector<64x128xf32>
    %get3A_30 = arith.constant 0 : index
    %get3A_31 = arith.constant 0 : index
    %get3A_32 = vector.load %arg6[%get3A_30, %get3A_31] : memref<128x2xf32, #tpu.memory_space<vmem>>, vector<128x2xf32>
    %dot_general3A_33 = arith.constant dense<0.000000e+00> : vector<64x2xf32>
    %dot_general3A_34 = tpu.matmul %mul3A_29, %get3A_32, %dot_general3A_33 {dimension_numbers = #tpu.dot_dimension_numbers<[1], [0], [0], [1], [0, 0, 1, 1], [], []>, transpose_lhs_hint = false} : vector<64x128xf32>, vector<128x2xf32>, vector<64x2xf32> -> vector<64x2xf32>
    %get3A_35 = arith.constant 0 : index
    %get3A_36 = arith.constant 0 : index
    %get3A_37 = vector.load %arg7[%get3A_35, %get3A_36] : memref<1x2xf32, #tpu.memory_space<vmem>>, vector<1x2xf32>
    %add3A_38 = vector.broadcast %get3A_37 : vector<1x2xf32> to vector<64x2xf32>
    %add3A_39 = arith.addf %dot_general3A_34, %add3A_38 : vector<64x2xf32>
    %swap3A = arith.constant 0 : index
    %swap3A_40 = arith.constant 0 : index
    %swap3A_41 = vector.load %arg8[%swap3A, %swap3A_40] : memref<64x2xf32, #tpu.memory_space<vmem>>, vector<64x2xf32>
    tpu.vector_store %arg8[%swap3A, %swap3A_40], %add3A_39 {strides = array<i32>} : memref<64x2xf32, #tpu.memory_space<vmem>>, vector<64x2xf32>,
    return
  }
  func.func @transform_0(%arg0: i32) -> (i32, i32) {
    %c0_i32 = arith.constant 0 : i32
    %c0_i32_0 = arith.constant 0 : i32
    %c0_i32_1 = arith.constant 0 : i32
    return %c0_i32, %c0_i32_0 : i32, i32
  }
  func.func @transform_1(%arg0: i32) -> (i32, i32) {
    %c0_i32 = arith.constant 0 : i32
    %c0_i32_0 = arith.constant 0 : i32
    %c0_i32_1 = arith.constant 0 : i32
    return %c0_i32, %c0_i32_0 : i32, i32
  }
  func.func @transform_2(%arg0: i32) -> (i32, i32) {
    %c0_i32 = arith.constant 0 : i32
    %c0_i32_0 = arith.constant 0 : i32
    %c0_i32_1 = arith.constant 0 : i32
    return %c0_i32, %c0_i32_0 : i32, i32
  }
  func.func @transform_3(%arg0: i32) -> (i32, i32) {
    %c0_i32 = arith.constant 0 : i32
    %c0_i32_0 = arith.constant 0 : i32
    %c0_i32_1 = arith.constant 0 : i32
    return %c0_i32, %c0_i32_0 : i32, i32
  }
  func.func @transform_4(%arg0: i32) -> (i32, i32) {
    %c0_i32 = arith.constant 0 : i32
    %c0_i32_0 = arith.constant 0 : i32
    %c0_i32_1 = arith.constant 0 : i32
    return %c0_i32, %c0_i32_0 : i32, i32
  }
  func.func @transform_5(%arg0: i32) -> (i32, i32) {
    %c0_i32 = arith.constant 0 : i32
    %c0_i32_0 = arith.constant 0 : i32
    %c0_i32_1 = arith.constant 0 : i32
    return %c0_i32, %c0_i32_0 : i32, i32
  }
  func.func @transform_6(%arg0: i32) -> (i32, i32) {
    %c0_i32 = arith.constant 0 : i32
    %c0_i32_0 = arith.constant 0 : i32
    %c0_i32_1 = arith.constant 0 : i32
    return %c0_i32, %c0_i32_0 : i32, i32
  }
  func.func @transform_7(%arg0: i32) -> (i32, i32) {
    %c0_i32 = arith.constant 0 : i32
    %c0_i32_0 = arith.constant 0 : i32
    %c0_i32_1 = arith.constant 0 : i32
    return %c0_i32, %c0_i32_0 : i32, i32
  }
}

</mosaic_0001>

<sc_bundles>
// kernel: kernel.10.cloned.1.call-start
scs
__scs_entry_jumppad:
0x0: {  	(pc) =	sbr.rel $0x88, $3  }
0x1: {  	(tag) =	ssettag $0x0;
	lr =	simm.s32 $0x1  }
0x2: {  	[smem:$0x3F8D] =	sst lr;
	_ =	strace $0xD0000000  }
0x3: {  	_ = 	snop  }
0x4: {  	_ = 	snop  }
0x5: {  	_ = 	snop  }
0x6: {  	_ = 	snop  }
0x7: {  	_ = 	snop  }
__scs_overlays_trampoline_lowered:
0x8: {  	[smem:$0x3F9C] =	sst s0  }
0x9: {  	[smem:$0x3F9D] =	sst s1  }
0xa: {  	[smem:$0x3F9E] =	sst s2  }
0xb: {  	[smem:$0x3F9F] =	sst s3  }
0xc: {  	[smem:$0x3FA0] =	sst s4  }
0xd: {  	[smem:$0x3FA1] =	sst s5  }
0xe: {  	[smem:$0x3FA2] =	sst s6  }
0xf: {  	[smem:$0x3FA3] =	sst s7  }
0x10: {  	[smem:$0x3FA4] =	sst s8  }
0x11: {  	[smem:$0x3FA5] =	sst s9;
	s0 =	simm.s32 @!p0 $0x0  }
0x12: {  	s1 =	sld [smem:$0x3F8B];
	s0 =	simm.s32 @p0 $0x1  }
0x13: {  	[smem:$0x3FA6] =	sst s0;
	s0 =	simm.s32 @!p1 $0x0  }
0x14: {  	s2 =	sld [smem:$0x3F8A];
	s0 =	simm.s32 @p1 $0x1  }
0x15: {  	[smem:$0x3FA7] =	sst s0;
	s0 =	simm.s32 @!p2 $0x0  }
0x16: {  	s3 =	sld [smem:$0x3FDB];
	s0 =	simm.s32 @p2 $0x1  }
0x17: {  	s4 =	simm.s32 $0x1BF5;
	[smem:$0x3FA9] =	sst s0  }
0x18: {  	s0 =	sld [smem:$0x3F8C];
	_ =	swait.ge [sflag:s4], $0x0  }
0x19: {  	s7 =	sld [smem:$0x3F8D]  }
0x1a: {  	s8 =	sadd.s32 $0xFFFFE003, lr  }
0x1b: {  	s9 =	sadd.s32 $0xFFFFFEF7, lr;
	s5 =	simm.s32 $0xFFFFFFFF;
	p2 =	slt.u32 s8, $0xFFFFF086  }
0x1c: {  	p1 =	slt.u32 s9, $0xF7A;
	s5 =	simm.s32 @!p2 $0x0  }
0x1d: {  	s5 =	simm.s32 @p1 $0x1;
	p0 =	seq.s32 s7, s2  }
0x1e: {  	s7 =	smul.u32 @!p0 $0xF7A, s2;
	p2 =	seq.s32 @!p0 s5, $0x0  }
0x1f: {  	s9 =	smul.u32 $0xF7A, s1;
	s8 =	simm.s32 @!p0 $0x1BF5;
	p2 =	por !p2, p0  }
0x20: {  	[sflag:s8] =	ssyncset.s32 @!p0 $0xFFFFF086;
	s6 =	sadd.s32 @!p0 s3, s7;
	s7 =	simm.s32 @!p0 $0x108  }
0x21: {  	s3 =	sadd.s32 s3, s9;
	s6 =	sadd.s32 @!p0 $0x88, s6;
	s7 =	simm.s32 @p2 $0x1082  }
0x22: {  	[simem:s7], [sflag:s8] =	dma.local @!p0 [hbm:s6], $0xF7A  }
0x23: {  	s9 =	sor.u32 $0xD0000000, s2;
	s6 =	simm.s32 $0x108;
	_ =	swait.ge @!p0 [sflag:s8], $0x0  }
0x24: {  	s3 =	sadd.s32 $0x88, s3;
	s6 =	simm.s32 @!p1 $0x1082;
	[sflag:s4] =	ssyncset.s32 $0xFFFFF086  }
0x25: {  	[simem:s6], [sflag:s4] =	dma.local [hbm:s3], $0xF7A  }
0x26: {  	[smem:$0x3F8D] =	sst s1;
	(tag) =	ssettag s2;
	_ =	strace s9  }
0x27: {  	s1 =	sld [smem:$0x3F9D]  }
0x28: {  	s2 =	sld [smem:$0x3F9E]  }
0x29: {  	s4 =	sld [smem:$0x3FA0]  }
0x2a: {  	p0 =	seq.s32 s5, $0x0;
	s5 =	sld [smem:$0x3FA1]  }
0x2b: {  	s6 =	sld [smem:$0x3FA2]  }
0x2c: {  	s7 =	sld [smem:$0x3FA3]  }
0x2d: {  	s3 =	simm.s32 $0x108;
	s8 =	sld [smem:$0x3FA4]  }
0x2e: {  	s3 =	simm.s32 @!p0 $0x1082;
	s9 =	sld [smem:$0x3FA5]  }
0x2f: {  	lr =	sadd.s32 s0, s3;
	s0 =	sld [smem:$0x3F9C]  }
0x30: {  	s3 =	sld [smem:$0x3F9F]  }
0x31: {  	[smem:$0x3FA8] =	sst s10  }
0x32: {  	s10 =	sld [smem:$0x3FA6];
	_ =	sdelay $0x3  }
0x33: {  	p0 =	seq.s32 s10, $0x1;
	s10 =	sld [smem:$0x3FA8];
	_ =	sdelay $0x3  }
0x34: {  	[smem:$0x3FA8] =	sst s10  }
0x35: {  	s10 =	sld [smem:$0x3FA7];
	_ =	sdelay $0x3  }
0x36: {  	p1 =	seq.s32 s10, $0x1;
	s10 =	sld [smem:$0x3FA8];
	_ =	sdelay $0x3  }
0x37: {  	[smem:$0x3FA8] =	sst s10  }
0x38: {  	s10 =	sld [smem:$0x3FA9]  }
0x39: {  	_ = 	snop;
	(pc) =	sbr.ind lr, $3  }
0x3a: {  	_ = 	snop  }
0x3b: {  	_ = 	snop  }
0x3c: {  	p2 =	seq.s32 s10, $0x1;
	s10 =	sld [smem:$0x3FA8]  }
0x3d: {  	_ =	shalt  }
0x3e: {  	_ =	shalt  }
0x3f: {  	_ =	shalt  }
0x40: {  	_ =	shalt  }
0x41: {  	_ =	shalt  }
0x42: {  	_ =	shalt  }
0x43: {  	_ =	shalt  }
0x44: {  	_ =	shalt  }
0x45: {  	_ =	shalt  }
0x46: {  	_ =	shalt  }
0x47: {  	_ =	shalt  }
0x48: {  	_ =	shalt  }
0x49: {  	_ =	shalt  }
0x4a: {  	_ =	shalt  }
0x4b: {  	_ =	shalt  }
0x4c: {  	_ =	shalt  }
0x4d: {  	_ =	shalt  }
0x4e: {  	_ =	shalt  }
0x4f: {  	_ =	shalt  }
0x50: {  	_ =	shalt  }
0x51: {  	_ =	shalt  }
0x52: {  	_ =	shalt  }
0x53: {  	_ =	shalt  }
0x54: {  	_ =	shalt  }
0x55: {  	_ =	shalt  }
0x56: {  	_ =	shalt  }
0x57: {  	_ =	shalt  }
0x58: {  	_ =	shalt  }
0x59: {  	_ =	shalt  }
0x5a: {  	_ =	shalt  }
0x5b: {  	_ =	shalt  }
0x5c: {  	_ =	shalt  }
0x5d: {  	_ =	shalt  }
0x5e: {  	_ =	shalt  }
0x5f: {  	_ =	shalt  }
0x60: {  	_ =	shalt  }
0x61: {  	_ =	shalt  }
0x62: {  	_ =	shalt  }
0x63: {  	_ =	shalt  }
0x64: {  	_ =	shalt  }
0x65: {  	_ =	shalt  }
0x66: {  	_ =	shalt  }
0x67: {  	_ =	shalt  }
0x68: {  	_ =	shalt  }
0x69: {  	_ =	shalt  }
0x6a: {  	_ =	shalt  }
0x6b: {  	_ =	shalt  }
0x6c: {  	_ =	shalt  }
0x6d: {  	_ =	shalt  }
0x6e: {  	_ =	shalt  }
0x6f: {  	_ =	shalt  }
0x70: {  	_ =	shalt  }
0x71: {  	_ =	shalt  }
0x72: {  	_ =	shalt  }
0x73: {  	_ =	shalt  }
0x74: {  	_ =	shalt  }
0x75: {  	_ =	shalt  }
0x76: {  	_ =	shalt  }
0x77: {  	_ =	shalt  }
0x78: {  	_ =	shalt  }
0x79: {  	_ =	shalt  }
0x7a: {  	_ =	shalt  }
0x7b: {  	_ =	shalt  }
0x7c: {  	_ =	shalt  }
0x7d: {  	_ =	shalt  }
0x7e: {  	_ =	shalt  }
0x7f: {  	_ =	shalt  }
0x80: {  	_ =	shalt  }
0x81: {  	_ =	shalt  }
0x82: {  	_ =	shalt  }
0x83: {  	_ =	shalt  }
0x84: {  	_ =	shalt  }
0x85: {  	_ =	shalt  }
0x86: {  	_ =	shalt  }
0x87: {  	_ =	shalt  }
.Lfunc_end0:
.L_simem_size_0:
called_computation_lowered:
.L_overlay_start_0:
0x88: {  	s2 =	sld [smem:$0x3FD9]  }
0x89: {  	s3 =	sld [smem:$0x3FFE];
	_ =	sdelay $0x1  }
0x8a: {  	s1 =	srdreg.scid  }
0x8b: {  	s0 =	sand.u32 $0x1, s1  }
0x8c: {  	s16 =	sshll.u32 s0, $0xA;
	s2 =	sadd.s32 s3, s2  }
0x8d: {  	s2 =	sadd.s32 s2, s16  }
0x8e: {  	[smem:$0x3FB4] =	sst s2  }
0x8f: {  	_ = 	snop  }
0x90: {  	(tm) =	ssettm $0x1  }
0x91: {  	s17 =	sld [smem:$0x3FFB];
	_ =	sdelay $0x3  }
0x92: {  	_ =	strace s17  }
0x93: {  	s2 =	sld [smem:$0x3FFC];
	_ =	sdelay $0x3  }
0x94: {  	_ =	strace s2  }
0x95: {  	s2 =	sld [smem:$0x3FFD];
	_ =	sdelay $0x3  }
0x96: {  	_ =	strace s2  }
0x97: {  	_ =	strace $0x8FFFFFFF  }
0x98: {  	s18 =	sld [smem:$0x3FDB];
	_ =	sdelay $0x1  }
0x99: {  	s19 =	simm.s32 $_scs_section_size  }
0x9a: {  	s4 =	simm.s32 $_size__tile_overlayer_lowered;
	s5 =	simm.s32 $_tile_overlayer_lowered  }
0x9b: {  	s22 =	simm.s32 $0x1BFF;
	s21 =	sshll.u32 s5, $0x1;
	s2 =	sadd.s32 s19, s18  }
0x9c: {  	s6 =	simm.s32 $0x0;
	s20 =	sshll.u32 s4, $0x1;
	s4 =	sadd.s32 s21, s2  }
0x9d: {  	[timem:s6], [sflag:s22] =	dma.local [hbm:s4], s20  }
0x9e: {  	_ =	swait.ge [sflag:s22], s20  }
0x9f: {  	s3 =	ssub.s32 $0x0, s20;
	[sflag:s22] =	ssyncset.done $0x0  }
0xa0: {  	[sflag:s22] =	ssyncadd.s32 s3;
	_ =	sdelay $0x1  }
0xa1: {  	s23 =	simm.s32 $0x1B8B  }
0xa2: {  	_ =	swait.ge [sflag:s23], $0x1  }
0xa3: {  	[sflag:s23] =	ssyncset.done $0x0  }
0xa4: {  	s25 =	simm.s32 $0x1B8E;
	s24 =	sld [smem:$0x3FFE];
	[sflag:s23] =	ssyncadd.s32 $0xFFFFFFFF  }
0xa5: {  	s26 =	simm.s32 $execute0_lowered;
	[smem:$0x3FD2] =	sst s25  }
0xa6: {  	s4 =	sshll.u32 s26, $0x1;
	_ =	strace $0x80000046;
	[dreg:$0x1] =	wrdreg $0xFFFFFFFF  }
0xa7: {  	s28 =	simm.s32 $_size_execute0_lowered;
	s2 =	sadd.s32 s2, s4;
	[dreg:$0x0] =	wrdreg $0x0  }
0xa8: {  	s4 =	sshll.u32 s28, $0x1;
	[dreg:$0x2] =	wrdreg s2  }
0xa9: {  	[dreg:$0x3] =	wrdreg s4  }
0xaa: {  	[dreg:$0x4] =	wrdreg $0xC0  }
0xab: {  	_ =	task [dreg:s6], $0x5FFFF  }
0xac: {  	[dreg:$0x1] =	wrdreg $0xFFFFFFFF  }
0xad: {  	[dreg:$0x0] =	wrdreg $0x60  }
0xae: {  	[dreg:$0x2] =	wrdreg s24  }
0xaf: {  	[dreg:$0x3] =	wrdreg $0x9  }
0xb0: {  	_ =	task.clear_ibuf [dreg:s6], $0x4FFFF;
	_ =	strace $0x90000046  }
0xb1: {  	s29 =	simm.s32 $0x9;
	_ =	strace $0x80000048  }
0xb2: {  	_ =	swait.ge [sflag:s29], $0x1  }
0xb3: {  	[sflag:s29] =	ssyncadd.s32 $0xFFFFFFFF  }
0xb4: {  	_ =	strace $0x90000048  }
0xb5: {  	_ =	sfence  }
0xb6: {  	s30 =	sld [smem:$0x0];
	_ =	sdelay $0x2  }
0xb7: {  	s31 =	sshll.u32 s1, $0xD;
	s1 =	sshrl.u32 s1, $0x2  }
0xb8: {  	s3 =	sand.u32 $0x4000, s31;
	s1 =	sadd.s32 s1, s30  }
0xb9: {  	s0 =	sor.u32 s3, s0;
	s1 =	sshll.u32 s1, $0x11  }
0xba: {  	s0 =	sor.u32 s1, s0  }
0xbb: {  	s0 =	sadd.s32 $0x8F2B, s0  }
0xbc: {  	[sflag:s0] =	ssyncadd.remote.s32 $0x1  }
0xbd: {  	_ =	sfence.sel $0xFFFF  }
0xbe: {  	[dreg:$0x0] =	wrdreg $0xFFFFFFFF;
	(pc) =	sbr.abs _section_cstart, $3  }
0xbf: {  	[dreg:$0x1] =	wrdreg $0xFFFFFFFF  }
0xc0: {  	_ =	task.clear_ibuf [dreg:s6], $0x2FFFF;
	_ =	strace $0x9FFFFFFF  }
0xc1: {  	(tm) =	ssettm $0x7FFFFFFF  }
tec
execute0_lowered:
.L_overlay_start_1:
0x0: {  	(tag) =	ssettag $0x1  }
0x1: {  	s1 =	srdreg.scid  }
0x2: {  	s0 =	stileid.u32;
	s3 =	rddreg [dreg:$0x0];
	s2 =	simm.s32 $0x0  }
0x3: {  	s13 =	simm.s32 $0x100;
	s14 =	simm.s32 $0x200;
	s15 =	simm.s32 $0x300  }
0x4: {  	s16 =	simm.s32 $0x400;
	s17 =	simm.s32 $0x500;
	s18 =	simm.s32 $0x600  }
0x5: {  	s19 =	simm.s32 $0x700;
	s4 =	sand.u32 $0x1, s1;
	s5 =	sshll.u32 s0, $0x1  }
0x6: {  	s1 =	rddreg [dreg:$0x1];
	s5 =	sor.u32 s4, s5;
	s4 =	ssub.s32 $0x2, s4  }
0x7: {  	[smem:$0x7FF] =	sst s2;
	s5 =	smul.u32 $0xF0, s5;
	s31 =	sshrl.u32 s4, $0x1  }
0x8: {  	s6 =	sadd.s32 $0x3200, s3;
	s10 =	sadd.s32 $0x4200, s3;
	s11 =	ssub.s32 s4, s31  }
0x9: {  	_ =	strace $0x80000047;
	s7 =	sshrl.u32 s5, $0x3;
	s11 =	smax.u32 s11, $0x1  }
0xa: {  	s3 =	sadd.s32 s6, s7;
	s8 =	sadd.s32 $0x3C0, s7;
	s9 =	sadd.s32 $0x780, s7  }
0xb: {  	s12 =	sadd.s32 $0xB40, s7;
	s7 =	sadd.s32 s10, s7;
	s4 =	sadd.s32 s6, s8  }
0xc: {  	s5 =	sadd.s32 s6, s9;
	s6 =	sadd.s32 s6, s12;
	s8 =	sadd.s32 s10, s8  }
0xd: {  	s9 =	sadd.s32 s10, s9;
	s10 =	sadd.s32 s10, s12;
	s12 =	simm.s32 $0x1  }
.LBB2_1:
0xe: {  	[tilespmem:s2], [sflag:$0x1] =	stream.linear.gather [hbm4b:s3+s2], $0xF0, $0x38;
	[tilespmem:$0x800] =	vst v63  }
0xf: {  	_ =	swait.ge [sflag:s12], $0xF0  }
0x10: {  	[sflag:s12] =	ssyncset.done $0x0  }
0x11: {  	[sflag:s12] =	ssyncadd.s32 $0xFFFFFF10  }
0x12: {  	[tilespmem:s13], [sflag:$0x1] =	stream.linear.gather [hbm4b:s4+s2], $0xF0, $0x38;
	[tilespmem:$0x800] =	vst v63  }
0x13: {  	_ =	swait.ge [sflag:s12], $0xF0  }
0x14: {  	[sflag:s12] =	ssyncset.done $0x0  }
0x15: {  	[sflag:s12] =	ssyncadd.s32 $0xFFFFFF10  }
0x16: {  	[tilespmem:s14], [sflag:$0x1] =	stream.linear.gather [hbm4b:s5+s2], $0xF0, $0x38;
	[tilespmem:$0x800] =	vst v63  }
0x17: {  	_ =	swait.ge [sflag:s12], $0xF0  }
0x18: {  	[sflag:s12] =	ssyncset.done $0x0  }
0x19: {  	[sflag:s12] =	ssyncadd.s32 $0xFFFFFF10  }
0x1a: {  	[tilespmem:s15], [sflag:$0x1] =	stream.linear.gather [hbm4b:s6+s2], $0xF0, $0x38;
	[tilespmem:$0x800] =	vst v63  }
0x1b: {  	_ =	swait.ge [sflag:s12], $0xF0  }
0x1c: {  	[sflag:s12] =	ssyncset.done $0x0  }
0x1d: {  	[sflag:s12] =	ssyncadd.s32 $0xFFFFFF10  }
0x1e: {  	v1 =	vld [tilespmem:$0x0]  }
0x1f: {  	v2 =	vld [tilespmem:$0x100]  }
0x20: {  	v3 =	vld [tilespmem:$0x200]  }
0x21: {  	v4 =	vld [tilespmem:$0x300];
	_ =	sdelay $0x4  }
0x22: {  	v0 =	vimm.f32 $0.0e+00;
	v5 =	vmax.f32 v1, v2;
	v6 =	vmax.f32 v3, v4  }
0x23: {  	v55 =	vld [tilespmem:$0x10];
	vm0 =	vgt.f32 v2, v1;
	vm1 =	vgt.f32 v3, v1;
	vm12 =	vgt.f32 v4, v1  }
0x24: {  	v56 =	vld [tilespmem:$0x110];
	vm13 =	vge.f32 v1, v2;
	vm14 =	vgt.f32 v3, v2;
	vm4 =	vgt.f32 v4, v2  }
0x25: {  	v59 =	vld [tilespmem:$0x210];
	vm5 =	vge.f32 v1, v3;
	vm2 =	vge.f32 v2, v3;
	vm7 =	vgt.f32 v4, v3  }
0x26: {  	v61 =	vld [tilespmem:$0x310];
	vm8 =	vge.f32 v1, v4;
	vm3 =	vge.f32 v2, v4;
	vm9 =	vge.f32 v3, v4  }
0x27: {  	v5 =	vmax.f32 v5, v6;
	v36 =	vsel vm0, $0x3F800000, v0;
	v7 =	vsel vm1, $0x3F800000, v0  }
0x28: {  	v8 =	vsel vm12, $0x3F800000, v0;
	v40 =	vsel vm13, $0x3F800000, v0;
	v10 =	vsel vm14, $0x3F800000, v0  }
0x29: {  	v43 =	vsel vm4, $0x3F800000, v0;
	v44 =	vsel vm5, $0x3F800000, v0;
	v45 =	vsel vm2, $0x3F800000, v0  }
0x2a: {  	v48 =	vsel vm7, $0x3F800000, v0;
	v49 =	vsel vm8, $0x3F800000, v0;
	v50 =	vsel vm3, $0x3F800000, v0  }
0x2b: {  	vm12 =	vgt.f32 v56, v55;
	vm13 =	vgt.f32 v59, v55;
	vm14 =	vgt.f32 v61, v55  }
0x2c: {  	vm4 =	vgt.f32 v59, v56;
	v6 =	vadd.f32 v7, v36;
	v37 =	vsub.f32 v1, v5  }
0x2d: {  	vm7 =	vge.f32 v55, v59;
	v9 =	vsub.f32 v2, v5;
	v39 =	vsub.f32 v3, v5  }
0x2e: {  	vm8 =	vge.f32 v56, v59;
	v5 =	vsub.f32 v4, v5;
	v42 =	vadd.f32 v10, v40  }
0x2f: {  	v47 =	vadd.f32 v45, v44;
	v4 =	vsel vm9, $0x3F800000, v0;
	v1 =	vmax.f32 v55, v56  }
0x30: {  	v12 =	vsel vm13, $0x3F800000, v0;
	v17 =	vsel vm14, $0x3F800000, v0;
	v14 =	vsel vm4, $0x3F800000, v0  }
0x31: {  	v25 =	vsel vm7, $0x3F800000, v0;
	v26 =	vsel vm8, $0x3F800000, v0;
	vm13 =	vge.f32 v59, v61  }
0x32: {  	v28 =	vadd.f32 v26, v25;
	v6 =	vadd.f32 v8, v6;
	v7 =	vmul.f32 $1.442695020e+00, v37  }
0x33: {  	v10 =	vsel vm13, $0x3F800000, v0;
	v38 =	vmul.f32 $1.442695020e+00, v9;
	v41 =	vmul.f32 $1.442695020e+00, v39  }
0x34: {  	v35 =	vld [tilespmem:$0x20];
	v5 =	vmul.f32 $1.442695020e+00, v5;
	(erf) = vpow2.f32 v7;
	vm15 =	vlt.f32 v6, $2.000000000e+00  }
0x35: {  	v15 =	vld [tilespmem:$0x320];
	v6 =	vadd.f32 v43, v42;
	v7 =	vadd.f32 v50, v49;
	(erf) = vpow2.f32 v38  }
0x36: {  	v46 =	vsel vm15, $0x3F800000, v0;
	vm15 =	vge.f32 v55, v56;
	(erf) = vpow2.f32 v41  }
0x37: {  	vm6 =	vlt.f32 v6, $2.000000000e+00;
	v6 =	vadd.f32 v48, v47;
	(erf) = vpow2.f32 v5  }
0x38: {  	v38 =	vld [tilespmem:$0x120];
	v4 =	vadd.f32 v7, v4;
	v21 =	vsel vm15, $0x3F800000, v0;
	v53 =	vsel vm6, $0x3F800000, v0  }
0x39: {  	v40 =	vld [tilespmem:$0x220];
	v23 =	vadd.f32 v14, v21;
	vm6 =	vgt.f32 v61, v56;
	vm10 =	vlt.f32 v6, $2.000000000e+00  }
0x3a: {  	vm11 =	vlt.f32 v4, $2.000000000e+00;
	v24 =	vsel vm6, $0x3F800000, v0;
	vm6 =	vgt.f32 v15, v35  }
0x3b: {  	v57 =	vsel vm10, $0x3F800000, v0;
	v4 =	vsel vm11, $0x3F800000, v0;
	vm10 =	vgt.f32 v61, v59  }
0x3c: {  	vm11 =	vge.f32 v55, v61;
	v48 =	vsel vm6, $0x3F800000, v0;
	v29 =	vsel vm10, $0x3F800000, v0  }
0x3d: {  	v30 =	vsel vm11, $0x3F800000, v0;
	v45 =	vmax.f32 v35, v38;
	vm4 =	vgt.f32 v38, v35;
	v51 =	vpop (erf)  }
0x3e: {  	vm7 =	vge.f32 v35, v38;
	vm8 =	vgt.f32 v40, v38;
	vm10 =	vgt.f32 v15, v38;
	v54 =	vpop (erf)  }
0x3f: {  	vm11 =	vge.f32 v35, v40;
	v52 =	vmul.f32 v51, v46;
	v2 =	vmul.f32 v54, v53;
	v58 =	vpop (erf)  }
0x40: {  	vm6 =	vge.f32 v38, v15;
	v46 =	vsel vm4, $0x3F800000, v0;
	v11 =	vmul.f32 v58, v57;
	v62 =	vpop (erf)  }
0x41: {  	[tilespmem:$0x1FF00] =	vst v2;
	v60 =	vadd.f32 v2, v52;
	v63 =	vmul.f32 v4, v62;
	v2 =	vmax.f32 v59, v61  }
0x42: {  	v3 =	vmovc v52;
	v4 =	vsel vm12, $0x3F800000, v0;
	vm12 =	vge.f32 v56, v61;
	v52 =	vsel vm7, $0x3F800000, v0  }
0x43: {  	vm7 =	vge.f32 v40, v15;
	v9 =	vmax.f32 v1, v2;
	v7 =	vadd.f32 v60, v11  }
0x44: {  	[tilespmem:$0x1FF10] =	vst v11;
	v31 =	vsel vm12, $0x3F800000, v0;
	v11 =	vadd.f32 v12, v4;
	v16 =	vsub.f32 v55, v9  }
0x45: {  	vm12 =	vge.f32 v38, v40;
	v13 =	vsub.f32 v56, v9;
	v20 =	vsub.f32 v59, v9  }
0x46: {  	v9 =	vsub.f32 v61, v9;
	v55 =	vsel vm10, $0x3F800000, v0;
	v7 =	vadd.f32 v7, v63  }
0x47: {  	v56 =	vsel vm11, $0x3F800000, v0;
	v57 =	vsel vm12, $0x3F800000, v0;
	v18 =	vmul.f32 $1.442695020e+00, v16  }
0x48: {  	v61 =	vsel vm6, $0x3F800000, v0;
	v19 =	vmul.f32 $1.442695020e+00, v13;
	(erf) = vrcp.f32 v7  }
0x49: {  	v59 =	vadd.f32 v57, v56;
	v22 =	vmul.f32 $1.442695020e+00, v20;
	(erf) = vpow2.f32 v18  }
0x4a: {  	v9 =	vmul.f32 $1.442695020e+00, v9;
	v16 =	vmax.f32 v40, v15;
	(erf) = vpow2.f32 v19  }
0x4b: {  	v14 =	vmax.f32 v45, v16;
	v7 =	vadd.f32 v17, v11;
	v11 =	vadd.f32 v31, v30  }
0x4c: {  	v47 =	vsub.f32 v35, v14;
	v51 =	vsub.f32 v40, v14;
	(erf) = vpow2.f32 v22  }
0x4d: {  	v18 =	vsub.f32 v38, v14;
	v14 =	vsub.f32 v15, v14;
	vm5 =	vlt.f32 v7, $2.000000000e+00  }
0x4e: {  	v7 =	vadd.f32 v24, v23;
	v37 =	vadd.f32 v11, v10;
	(erf) = vpow2.f32 v9  }
0x4f: {  	v49 =	vmul.f32 $1.442695020e+00, v47;
	v19 =	vsel vm8, $0x3F800000, v0;
	v53 =	vmul.f32 $1.442695020e+00, v51  }
0x50: {  	v27 =	vsel vm5, $0x3F800000, v0;
	vm9 =	vlt.f32 v7, $2.000000000e+00;
	v7 =	vadd.f32 v29, v28  }
0x51: {  	vm5 =	vgt.f32 v40, v35;
	v50 =	vmul.f32 $1.442695020e+00, v18;
	v54 =	vadd.f32 v19, v52;
	v4 =	vpop (erf)  }
0x52: {  	vm15 =	vlt.f32 v37, $2.000000000e+00;
	v33 =	vsel vm9, $0x3F800000, v0;
	vm14 =	vlt.f32 v7, $2.000000000e+00;
	v32 =	vpop (erf)  }
0x53: {  	v5 =	vld [tilespmem:$0x30];
	v8 =	vsel vm15, $0x3F800000, v0;
	vm15 =	vge.f32 v35, v15;
	v7 =	vsel vm14, $0x3F800000, v0;
	v34 =	vpop (erf)  }
0x54: {  	v29 =	vld [tilespmem:$0x230];
	vm14 =	vgt.f32 v15, v40;
	v9 =	vmul.f32 v32, v27;
	v36 =	vmul.f32 v34, v33  }
0x55: {  	v25 =	vld [tilespmem:$0x340];
	v17 =	vsel vm5, $0x3F800000, v0;
	v12 =	vsel vm15, $0x3F800000, v0;
	v60 =	vsel vm14, $0x3F800000, v0;
	v39 =	vpop (erf)  }
0x56: {  	[tilespmem:$0x1FF20] =	vst v63;
	v63 =	vadd.f32 v60, v59;
	v59 =	vld [tilespmem:$0x240];
	v41 =	vmul.f32 v39, v7;
	v42 =	vadd.f32 v36, v9  }
0x57: {  	v14 =	vmul.f32 $1.442695020e+00, v14;
	v16 =	vadd.f32 v17, v46;
	v12 =	vadd.f32 v61, v12;
	v32 =	vld [tilespmem:$0x330];
	v43 =	vpop (erf)  }
0x58: {  	v15 =	vsel vm7, $0x3F800000, v0;
	v44 =	vmul.f32 v8, v43;
	v11 =	vadd.f32 v42, v41  }
0x59: {  	v6 =	vadd.f32 v12, v15;
	vm11 =	vgt.f32 v29, v5;
	vm5 =	vge.f32 v5, v29  }
0x5a: {  	v22 =	vsel vm11, $0x3F800000, v0;
	vm8 =	vlt.f32 v63, $2.000000000e+00;
	v7 =	vld [tilespmem:$0x130];
	v11 =	vadd.f32 v11, v44  }
0x5b: {  	v45 =	vsel vm5, $0x3F800000, v0;
	v27 =	vsel vm8, $0x3F800000, v0;
	v26 =	vmax.f32 v59, v25  }
0x5c: {  	v21 =	vmax.f32 v29, v32;
	vm12 =	vgt.f32 v32, v5;
	(erf) = vrcp.f32 v11  }
0x5d: {  	vm8 =	vgt.f32 v32, v29;
	vm11 =	vge.f32 v29, v32;
	(erf) = vpow2.f32 v49  }
0x5e: {  	v56 =	vld [tilespmem:$0x140];
	v37 =	vsel vm12, $0x3F800000, v0;
	v19 =	vsel vm11, $0x3F800000, v0;
	(erf) = vpow2.f32 v50  }
0x5f: {  	v34 =	vmax.f32 v5, v7;
	vm10 =	vgt.f32 v7, v5;
	vm14 =	vgt.f32 v29, v7  }
0x60: {  	vm4 =	vgt.f32 v32, v7;
	vm6 =	vge.f32 v7, v29;
	(erf) = vpow2.f32 v53  }
0x61: {  	[tilespmem:$0x1FF40] =	vst v44;
	v35 =	vsel vm10, $0x3F800000, v0;
	v24 =	vsel vm14, $0x3F800000, v0;
	v44 =	vsel vm4, $0x3F800000, v0  }
0x62: {  	v46 =	vsel vm6, $0x3F800000, v0;
	v11 =	vadd.f32 v48, v16;
	(erf) = vpow2.f32 v14  }
0x63: {  	vm10 =	vge.f32 v7, v32;
	vm6 =	vgt.f32 v59, v56;
	v48 =	vsel vm8, $0x3F800000, v0  }
0x64: {  	vm8 =	vgt.f32 v25, v56;
	vm9 =	vlt.f32 v11, $2.000000000e+00;
	v11 =	vadd.f32 v55, v54;
	v54 =	vld [tilespmem:$0x40]  }
0x65: {  	v49 =	vsel vm10, $0x3F800000, v0;
	v58 =	vsel vm9, $0x3F800000, v0;
	vm9 =	vlt.f32 v6, $2.000000000e+00;
	v14 =	vpop (erf)  }
0x66: {  	vm10 =	vge.f32 v56, v59;
	vm13 =	vlt.f32 v11, $2.000000000e+00;
	v13 =	vsel vm9, $0x3F800000, v0;
	v62 =	vpop (erf)  }
0x67: {  	vm9 =	vge.f32 v5, v32;
	v1 =	vsel vm13, $0x3F800000, v0;
	vm13 =	vge.f32 v5, v7;
	v2 =	vpop (erf)  }
0x68: {  	v8 =	vmovc v41;
	v41 =	vsel vm13, $0x3F800000, v0;
	v10 =	vmul.f32 v62, v58;
	v11 =	vmul.f32 v2, v1  }
0x69: {  	v16 =	vsel vm9, $0x3F800000, v0;
	v43 =	vadd.f32 v24, v41;
	v6 =	vmax.f32 v54, v56;
	v28 =	vpop (erf)  }
0x6a: {  	v24 =	vmax.f32 v6, v26;
	v30 =	vmul.f32 v28, v27;
	v31 =	vadd.f32 v11, v10  }
0x6b: {  	vm14 =	vgt.f32 v56, v54;
	vm4 =	vgt.f32 v25, v54;
	v12 =	vsub.f32 v54, v24;
	v20 =	vpop (erf)  }
0x6c: {  	v33 =	vmul.f32 v13, v20;
	v20 =	vmax.f32 v34, v21;
	v17 =	vadd.f32 v31, v30  }
0x6d: {  	[tilespmem:$0x1FF30] =	vst v36;
	vm5 =	vge.f32 v54, v56;
	v18 =	vsub.f32 v59, v24;
	v36 =	vsub.f32 v5, v20  }
0x6e: {  	vm9 =	vge.f32 v54, v59;
	v23 =	vsub.f32 v7, v20;
	v17 =	vadd.f32 v17, v33  }
0x6f: {  	v15 =	vmul.f32 $1.442695020e+00, v12;
	v28 =	vsub.f32 v56, v24;
	v38 =	vmul.f32 $1.442695020e+00, v36  }
0x70: {  	v40 =	vsub.f32 v29, v20;
	v39 =	vmul.f32 $1.442695020e+00, v23;
	(erf) = vrcp.f32 v17  }
0x71: {  	v24 =	vsub.f32 v25, v24;
	v21 =	vadd.f32 v22, v35;
	(erf) = vpow2.f32 v38  }
0x72: {  	v20 =	vsub.f32 v32, v20;
	v42 =	vmul.f32 $1.442695020e+00, v40;
	(erf) = vpow2.f32 v39  }
0x73: {  	v22 =	vadd.f32 v49, v16;
	v13 =	vsel vm4, $0x3F800000, v0;
	v17 =	vadd.f32 v37, v21  }
0x74: {  	v34 =	vsel vm8, $0x3F800000, v0;
	v20 =	vmul.f32 $1.442695020e+00, v20;
	(erf) = vpow2.f32 v42  }
0x75: {  	v35 =	vsel vm9, $0x3F800000, v0;
	vm15 =	vlt.f32 v17, $2.000000000e+00;
	v17 =	vadd.f32 v44, v43  }
0x76: {  	v7 =	vsel vm14, $0x3F800000, v0;
	v16 =	vmul.f32 $1.442695020e+00, v28;
	(erf) = vpow2.f32 v20  }
0x77: {  	v29 =	vsel vm6, $0x3F800000, v0;
	v32 =	vmul.f32 $1.442695020e+00, v18;
	v19 =	vadd.f32 v22, v19  }
0x78: {  	v24 =	vmul.f32 $1.442695020e+00, v24;
	vm14 =	vge.f32 v56, v25;
	v21 =	vadd.f32 v46, v45  }
0x79: {  	v41 =	vsel vm14, $0x3F800000, v0;
	vm13 =	vlt.f32 v19, $2.000000000e+00;
	vm7 =	vlt.f32 v17, $2.000000000e+00;
	v17 =	vpop (erf)  }
0x7a: {  	v36 =	vsel vm10, $0x3F800000, v0;
	v19 =	vsel vm13, $0x3F800000, v0;
	v21 =	vadd.f32 v48, v21;
	v50 =	vpop (erf)  }
0x7b: {  	v49 =	vld [tilespmem:$0x150];
	vm13 =	vge.f32 v54, v25;
	v47 =	vsel vm15, $0x3F800000, v0;
	v52 =	vsel vm7, $0x3F800000, v0;
	v53 =	vpop (erf)  }
0x7c: {  	v46 =	vld [tilespmem:$0x50];
	vm12 =	vlt.f32 v21, $2.000000000e+00;
	v51 =	vmul.f32 v50, v47;
	v55 =	vmul.f32 v53, v52  }
0x7d: {  	v40 =	vsel vm13, $0x3F800000, v0;
	vm15 =	vgt.f32 v59, v54;
	v54 =	vld [tilespmem:$0x350];
	v57 =	vsel vm12, $0x3F800000, v0;
	v58 =	vpop (erf)  }
0x7e: {  	v27 =	vsel vm15, $0x3F800000, v0;
	v60 =	vmul.f32 v58, v57;
	v61 =	vadd.f32 v55, v51  }
0x7f: {  	v38 =	vadd.f32 v36, v35;
	vm15 =	vge.f32 v59, v25;
	v26 =	vadd.f32 v27, v7;
	v62 =	vpop (erf)  }
0x80: {  	vm12 =	vgt.f32 v25, v59;
	v63 =	vmul.f32 v19, v62;
	v22 =	vadd.f32 v61, v60  }
0x81: {  	v25 =	vsel vm15, $0x3F800000, v0;
	v56 =	vmax.f32 v46, v49;
	vm6 =	vgt.f32 v49, v46  }
0x82: {  	vm9 =	vge.f32 v46, v49;
	vm8 =	vgt.f32 v54, v46;
	[tilespmem:$0x1FF70] =	vst v51;
	v51 =	vld [tilespmem:$0x250];
	v22 =	vadd.f32 v22, v63  }
0x83: {  	v39 =	vsel vm12, $0x3F800000, v0;
	vm12 =	vgt.f32 v54, v49;
	v59 =	vsel vm8, $0x3F800000, v0  }
0x84: {  	v5 =	vsel vm12, $0x3F800000, v0;
	vm8 =	vge.f32 v49, v54;
	(erf) = vrcp.f32 v22  }
0x85: {  	[tilespmem:$0x1FF60] =	vst v33;
	v57 =	vsel vm6, $0x3F800000, v0;
	v19 =	vsel vm5, $0x3F800000, v0;
	(erf) = vpow2.f32 v15  }
0x86: {  	v33 =	vadd.f32 v29, v19;
	[tilespmem:$0x1FFA0] =	vst v63;
	v63 =	vsel vm9, $0x3F800000, v0;
	(erf) = vpow2.f32 v16  }
0x87: {  	v31 =	vmax.f32 v51, v54;
	vm10 =	vgt.f32 v51, v49;
	(erf) = vpow2.f32 v32  }
0x88: {  	vm13 =	vge.f32 v46, v51;
	vm14 =	vge.f32 v49, v51;
	(erf) = vpow2.f32 v24  }
0x89: {  	vm6 =	vgt.f32 v54, v51;
	vm9 =	vge.f32 v51, v54;
	v22 =	vadd.f32 v13, v26  }
0x8a: {  	v26 =	vadd.f32 v41, v40;
	v6 =	vsel vm13, $0x3F800000, v0;
	v7 =	vsel vm14, $0x3F800000, v0  }
0x8b: {  	v15 =	vsel vm8, $0x3F800000, v0;
	vm7 =	vlt.f32 v22, $2.000000000e+00;
	v22 =	vadd.f32 v34, v33  }
0x8c: {  	v48 =	vadd.f32 v26, v25;
	v34 =	vsel vm10, $0x3F800000, v0;
	v37 =	vsel vm7, $0x3F800000, v0  }
0x8d: {  	vm7 =	vgt.f32 v51, v46;
	v2 =	vadd.f32 v34, v63;
	vm11 =	vlt.f32 v22, $2.000000000e+00;
	v24 =	vpop (erf)  }
0x8e: {  	v22 =	vadd.f32 v39, v38;
	v32 =	vsel vm7, $0x3F800000, v0;
	vm7 =	vge.f32 v46, v54;
	v42 =	vpop (erf)  }
0x8f: {  	vm5 =	vlt.f32 v48, $2.000000000e+00;
	v44 =	vsel vm11, $0x3F800000, v0;
	v27 =	vsel vm7, $0x3F800000, v0;
	v45 =	vpop (erf)  }
0x90: {  	vm4 =	vlt.f32 v22, $2.000000000e+00;
	v43 =	vmul.f32 v42, v37;
	v47 =	vmul.f32 v45, v44;
	v50 =	vpop (erf)  }
0x91: {  	[tilespmem:$0x1FF50] =	vst v30;
	v48 =	vld [tilespmem:$0x360];
	v23 =	vsel vm5, $0x3F800000, v0;
	v18 =	vadd.f32 v15, v27;
	v22 =	vsel vm4, $0x3F800000, v0;
	v30 =	vpop (erf)  }
0x92: {  	[tilespmem:$0x1FF80] =	vst v55;
	v53 =	vadd.f32 v47, v43;
	v55 =	vmul.f32 v23, v30;
	v30 =	vmax.f32 v56, v31;
	v23 =	vld [tilespmem:$0x60]  }
0x93: {  	[tilespmem:$0x1FFB0] =	vst v43;
	v52 =	vmul.f32 v50, v22;
	v31 =	vadd.f32 v32, v57;
	v43 =	vld [tilespmem:$0x160];
	v58 =	vsub.f32 v46, v30  }
0x94: {  	v13 =	vsel vm6, $0x3F800000, v0;
	v33 =	vsub.f32 v49, v30;
	v62 =	vsub.f32 v51, v30  }
0x95: {  	v22 =	vsel vm9, $0x3F800000, v0;
	v30 =	vsub.f32 v54, v30;
	v46 =	vld [tilespmem:$0x260];
	v26 =	vadd.f32 v53, v52  }
0x96: {  	[tilespmem:$0x1FF90] =	vst v60;
	v42 =	vadd.f32 v18, v22;
	v60 =	vmul.f32 $1.442695020e+00, v58;
	v61 =	vmul.f32 $1.442695020e+00, v33  }
0x97: {  	v1 =	vmul.f32 $1.442695020e+00, v62;
	v30 =	vmul.f32 $1.442695020e+00, v30;
	v26 =	vadd.f32 v26, v55  }
0x98: {  	v40 =	vld [tilespmem:$0x370];
	v49 =	vmax.f32 v23, v43;
	vm12 =	vgt.f32 v43, v23;
	vm14 =	vgt.f32 v48, v23  }
0x99: {  	v15 =	vld [tilespmem:$0x70];
	vm6 =	vgt.f32 v48, v43;
	(erf) = vrcp.f32 v26;
	v26 =	vadd.f32 v59, v31  }
0x9a: {  	v31 =	vadd.f32 v7, v6;
	v36 =	vmax.f32 v46, v48;
	vm13 =	vgt.f32 v46, v23  }
0x9b: {  	[tilespmem:$0x1FFD0] =	vst v52;
	v50 =	vsel vm12, $0x3F800000, v0;
	v52 =	vsel vm14, $0x3F800000, v0;
	(erf) = vpow2.f32 v60  }
0x9c: {  	vm4 =	vgt.f32 v46, v43;
	v59 =	vsel vm6, $0x3F800000, v0;
	(erf) = vpow2.f32 v61  }
0x9d: {  	vm7 =	vge.f32 v23, v46;
	vm8 =	vge.f32 v43, v46;
	vm12 =	vge.f32 v43, v48  }
0x9e: {  	vm6 =	vgt.f32 v40, v15;
	v37 =	vsel vm13, $0x3F800000, v0;
	(erf) = vpow2.f32 v1  }
0x9f: {  	vm11 =	vlt.f32 v26, $2.000000000e+00;
	v26 =	vadd.f32 v5, v2;
	(erf) = vpow2.f32 v30  }
0xa0: {  	v39 =	vsel vm4, $0x3F800000, v0;
	v60 =	vsel vm7, $0x3F800000, v0;
	vm13 =	vge.f32 v46, v48  }
0xa1: {  	v25 =	vadd.f32 v13, v31;
	v61 =	vsel vm8, $0x3F800000, v0;
	v5 =	vsel vm12, $0x3F800000, v0  }
0xa2: {  	v34 =	vsel vm13, $0x3F800000, v0;
	v12 =	vsel vm11, $0x3F800000, v0;
	vm11 =	vlt.f32 v42, $2.000000000e+00  }
0xa3: {  	v63 =	vadd.f32 v61, v60;
	vm15 =	vlt.f32 v26, $2.000000000e+00;
	vm10 =	vlt.f32 v25, $2.000000000e+00;
	v26 =	vpop (erf)  }
0xa4: {  	v25 =	vsel vm11, $0x3F800000, v0;
	vm11 =	vge.f32 v23, v48;
	v20 =	vsel vm15, $0x3F800000, v0;
	v16 =	vpop (erf)  }
0xa5: {  	v44 =	vsel vm10, $0x3F800000, v0;
	vm15 =	vge.f32 v23, v43;
	vm10 =	vgt.f32 v48, v46;
	v21 =	vpop (erf)  }
0xa6: {  	v56 =	vsel vm15, $0x3F800000, v0;
	v19 =	vmul.f32 v16, v12;
	v27 =	vmul.f32 v21, v20  }
0xa7: {  	v2 =	vsel vm11, $0x3F800000, v0;
	v1 =	vsel vm10, $0x3F800000, v0;
	v58 =	vadd.f32 v39, v56;
	v16 =	vld [tilespmem:$0x170];
	v45 =	vpop (erf)  }
0xa8: {  	[tilespmem:$0x1FFC0] =	vst v47;
	v7 =	vadd.f32 v1, v63;
	v29 =	vmul.f32 v45, v44;
	v35 =	vpop (erf);
	v47 =	vadd.f32 v27, v19  }
0xa9: {  	v25 =	vmul.f32 v25, v35;
	v35 =	vmax.f32 v49, v36;
	v36 =	vadd.f32 v37, v50  }
0xaa: {  	vm14 =	vlt.f32 v7, $2.000000000e+00;
	v51 =	vsub.f32 v23, v35;
	v38 =	vsub.f32 v43, v35  }
0xab: {  	[tilespmem:$0x1FFE0] =	vst v55;
	v18 =	vsel vm14, $0x3F800000, v0;
	v20 =	vld [tilespmem:$0x270];
	v55 =	vsub.f32 v46, v35;
	v31 =	vadd.f32 v47, v29  }
0xac: {  	v35 =	vsub.f32 v48, v35;
	v46 =	vsel vm6, $0x3F800000, v0;
	v23 =	vmax.f32 v15, v16  }
0xad: {  	vm4 =	vgt.f32 v16, v15;
	vm7 =	vge.f32 v15, v16;
	v31 =	vadd.f32 v31, v25  }
0xae: {  	vm10 =	vgt.f32 v40, v16;
	v53 =	vmul.f32 $1.442695020e+00, v51;
	v54 =	vmul.f32 $1.442695020e+00, v38  }
0xaf: {  	vm6 =	vge.f32 v16, v40;
	v57 =	vmul.f32 $1.442695020e+00, v55;
	(erf) = vrcp.f32 v31  }
0xb0: {  	v35 =	vmul.f32 $1.442695020e+00, v35;
	v41 =	vmax.f32 v20, v40;
	(erf) = vpow2.f32 v53  }
0xb1: {  	v28 =	vsel vm4, $0x3F800000, v0;
	vm8 =	vgt.f32 v20, v16;
	(erf) = vpow2.f32 v54  }
0xb2: {  	v50 =	vsel vm7, $0x3F800000, v0;
	vm11 =	vge.f32 v15, v20;
	vm12 =	vge.f32 v16, v20  }
0xb3: {  	vm14 =	vgt.f32 v40, v20;
	v60 =	vsel vm6, $0x3F800000, v0;
	(erf) = vpow2.f32 v57  }
0xb4: {  	vm7 =	vge.f32 v20, v40;
	v39 =	vmax.f32 v23, v41;
	v44 =	vsel vm8, $0x3F800000, v0  }
0xb5: {  	v45 =	vsub.f32 v15, v39;
	v31 =	vadd.f32 v52, v36;
	(erf) = vpow2.f32 v35  }
0xb6: {  	v55 =	vsel vm12, $0x3F800000, v0;
	v43 =	vsub.f32 v16, v39;
	v49 =	vsub.f32 v20, v39  }
0xb7: {  	v39 =	vsub.f32 v40, v39;
	vm5 =	vlt.f32 v31, $2.000000000e+00;
	v31 =	vadd.f32 v59, v58  }
0xb8: {  	v36 =	vadd.f32 v5, v2;
	v52 =	vadd.f32 v44, v50;
	v47 =	vmul.f32 $1.442695020e+00, v45;
	v30 =	vpop (erf)  }
0xb9: {  	v48 =	vmul.f32 $1.442695020e+00, v43;
	v51 =	vmul.f32 $1.442695020e+00, v49;
	vm9 =	vlt.f32 v31, $2.000000000e+00;
	v6 =	vpop (erf)  }
0xba: {  	v53 =	vsel vm10, $0x3F800000, v0;
	v62 =	vsel vm5, $0x3F800000, v0;
	v12 =	vsel vm9, $0x3F800000, v0;
	v13 =	vpop (erf)  }
0xbb: {  	v1 =	vld [tilespmem:$0x80];
	v34 =	vadd.f32 v36, v34;
	v31 =	vmul.f32 v6, v62;
	v32 =	vmul.f32 v13, v12  }
0xbc: {  	[tilespmem:$0x1FFF0] =	vst v19;
	v5 =	vld [tilespmem:$0x180];
	v54 =	vsel vm11, $0x3F800000, v0;
	v58 =	vsel vm14, $0x3F800000, v0;
	vm5 =	vgt.f32 v20, v15;
	v19 =	vpop (erf)  }
0xbd: {  	vm15 =	vlt.f32 v34, $2.000000000e+00;
	v33 =	vmul.f32 v19, v18;
	v21 =	vadd.f32 v32, v31  }
0xbe: {  	v57 =	vadd.f32 v55, v54;
	v34 =	vsel vm15, $0x3F800000, v0;
	vm15 =	vge.f32 v15, v40;
	v15 =	vld [tilespmem:$0x380];
	v22 =	vpop (erf)  }
0xbf: {  	v42 =	vsel vm5, $0x3F800000, v0;
	v34 =	vmul.f32 v34, v22;
	v37 =	vadd.f32 v21, v33  }
0xc0: {  	v39 =	vmul.f32 $1.442695020e+00, v39;
	v41 =	vadd.f32 v42, v28;
	v35 =	vadd.f32 v58, v57  }
0xc1: {  	v40 =	vsel vm7, $0x3F800000, v0;
	v16 =	vmax.f32 v1, v5;
	v12 =	vld [tilespmem:$0x280];
	v37 =	vadd.f32 v37, v34  }
0xc2: {  	vm10 =	vgt.f32 v5, v1;
	v59 =	vsel vm15, $0x3F800000, v0;
	vm8 =	vlt.f32 v35, $2.000000000e+00  }
0xc3: {  	vm12 =	vgt.f32 v15, v1;
	vm4 =	vgt.f32 v15, v5;
	(erf) = vrcp.f32 v37  }
0xc4: {  	v6 =	vsel vm8, $0x3F800000, v0;
	v20 =	vsel vm12, $0x3F800000, v0;
	(erf) = vpow2.f32 v47  }
0xc5: {  	v18 =	vsel vm10, $0x3F800000, v0;
	vm10 =	vge.f32 v5, v15;
	(erf) = vpow2.f32 v48  }
0xc6: {  	vm11 =	vgt.f32 v12, v1;
	vm14 =	vgt.f32 v12, v5;
	vm5 =	vge.f32 v1, v12  }
0xc7: {  	vm6 =	vge.f32 v5, v12;
	vm8 =	vgt.f32 v15, v12;
	(erf) = vpow2.f32 v51  }
0xc8: {  	v49 =	vsel vm14, $0x3F800000, v0;
	v37 =	vadd.f32 v46, v41;
	(erf) = vpow2.f32 v39  }
0xc9: {  	v54 =	vsel vm6, $0x3F800000, v0;
	v57 =	vsel vm8, $0x3F800000, v0;
	v41 =	vadd.f32 v60, v59  }
0xca: {  	v46 =	vmax.f32 v12, v15;
	vm9 =	vlt.f32 v37, $2.000000000e+00;
	v37 =	vadd.f32 v53, v52  }
0xcb: {  	v59 =	vsel vm10, $0x3F800000, v0;
	v47 =	vsel vm11, $0x3F800000, v0;
	vm11 =	vge.f32 v12, v15  }
0xcc: {  	v2 =	vadd.f32 v41, v40;
	v52 =	vsel vm4, $0x3F800000, v0;
	vm13 =	vlt.f32 v37, $2.000000000e+00;
	v39 =	vpop (erf)  }
0xcd: {  	v53 =	vsel vm5, $0x3F800000, v0;
	v62 =	vsel vm13, $0x3F800000, v0;
	vm13 =	vge.f32 v1, v5;
	v61 =	vpop (erf)  }
0xce: {  	v56 =	vsel vm9, $0x3F800000, v0;
	vm9 =	vlt.f32 v2, $2.000000000e+00;
	v28 =	vsel vm13, $0x3F800000, v0;
	v63 =	vpop (erf)  }
0xcf: {  	v36 =	vmul.f32 v61, v56;
	v56 =	vadd.f32 v54, v53;
	v37 =	vmul.f32 v63, v62  }
0xd0: {  	v44 =	vsel vm11, $0x3F800000, v0;
	v35 =	vsel vm9, $0x3F800000, v0;
	v51 =	vadd.f32 v49, v28;
	v7 =	vpop (erf)  }
0xd1: {  	v38 =	vmul.f32 v7, v6;
	v45 =	vpop (erf);
	v61 =	vadd.f32 v57, v56;
	v13 =	vadd.f32 v37, v36  }
0xd2: {  	v2 =	vld [tilespmem:$0x190];
	v35 =	vmul.f32 v35, v45;
	v45 =	vmax.f32 v16, v46;
	v46 =	vadd.f32 v47, v18  }
0xd3: {  	vm9 =	vge.f32 v1, v15;
	v7 =	vld [tilespmem:$0x290];
	v19 =	vsub.f32 v1, v45;
	v41 =	vadd.f32 v13, v38  }
0xd4: {  	v58 =	vsel vm9, $0x3F800000, v0;
	v48 =	vsub.f32 v5, v45;
	v23 =	vsub.f32 v12, v45  }
0xd5: {  	v45 =	vsub.f32 v15, v45;
	v1 =	vld [tilespmem:$0x90];
	v21 =	vmul.f32 $1.442695020e+00, v19;
	v41 =	vadd.f32 v41, v35  }
0xd6: {  	vm12 =	vlt.f32 v61, $2.000000000e+00;
	v22 =	vmul.f32 $1.442695020e+00, v48;
	v50 =	vmul.f32 $1.442695020e+00, v23  }
0xd7: {  	v5 =	vsel vm12, $0x3F800000, v0;
	v45 =	vmul.f32 $1.442695020e+00, v45;
	(erf) = vrcp.f32 v41  }
0xd8: {  	v13 =	vld [tilespmem:$0x390];
	vm6 =	vgt.f32 v7, v2;
	vm10 =	vge.f32 v2, v7;
	(erf) = vpow2.f32 v21  }
0xd9: {  	v54 =	vsel vm6, $0x3F800000, v0;
	v41 =	vadd.f32 v20, v46;
	(erf) = vpow2.f32 v22  }
0xda: {  	v46 =	vadd.f32 v59, v58;
	v15 =	vmax.f32 v1, v2;
	(erf) = vpow2.f32 v50  }
0xdb: {  	vm14 =	vgt.f32 v2, v1;
	vm5 =	vge.f32 v1, v2;
	(erf) = vpow2.f32 v45  }
0xdc: {  	vm9 =	vge.f32 v1, v7;
	v59 =	vsel vm10, $0x3F800000, v0;
	v16 =	vsel vm14, $0x3F800000, v0  }
0xdd: {  	vm4 =	vgt.f32 v13, v1;
	v23 =	vsel vm5, $0x3F800000, v0;
	vm8 =	vgt.f32 v13, v2  }
0xde: {  	v58 =	vsel vm9, $0x3F800000, v0;
	vm12 =	vgt.f32 v13, v7;
	vm14 =	vge.f32 v2, v13  }
0xdf: {  	vm15 =	vlt.f32 v41, $2.000000000e+00;
	v41 =	vadd.f32 v52, v51;
	v44 =	vadd.f32 v46, v44  }
0xe0: {  	v51 =	vmax.f32 v7, v13;
	v19 =	vsel vm4, $0x3F800000, v0;
	v56 =	vadd.f32 v54, v23;
	v40 =	vpop (erf)  }
0xe1: {  	v57 =	vsel vm8, $0x3F800000, v0;
	v61 =	vadd.f32 v59, v58;
	vm7 =	vlt.f32 v41, $2.000000000e+00;
	v60 =	vpop (erf)  }
0xe2: {  	v55 =	vsel vm15, $0x3F800000, v0;
	vm15 =	vgt.f32 v7, v1;
	v62 =	vsel vm7, $0x3F800000, v0;
	v63 =	vpop (erf)  }
0xe3: {  	vm13 =	vlt.f32 v44, $2.000000000e+00;
	v41 =	vmul.f32 v60, v55;
	v42 =	vmul.f32 v63, v62;
	v6 =	vpop (erf)  }
0xe4: {  	v52 =	vsel vm15, $0x3F800000, v0;
	v44 =	vsel vm13, $0x3F800000, v0;
	v43 =	vmul.f32 v6, v5;
	v50 =	vpop (erf)  }
0xe5: {  	v12 =	vadd.f32 v42, v41;
	v44 =	vmul.f32 v44, v50;
	v50 =	vmax.f32 v15, v51  }
0xe6: {  	vm15 =	vge.f32 v7, v13;
	vm13 =	vge.f32 v1, v13;
	v18 =	vsub.f32 v1, v50  }
0xe7: {  	v54 =	vld [tilespmem:$0x3A0];
	v49 =	vsel vm15, $0x3F800000, v0;
	v53 =	vsub.f32 v2, v50;
	v47 =	vadd.f32 v12, v43  }
0xe8: {  	v62 =	vsel vm12, $0x3F800000, v0;
	v22 =	vsub.f32 v7, v50;
	v50 =	vsub.f32 v13, v50;
	v13 =	vld [tilespmem:$0x1A0]  }
0xe9: {  	v63 =	vsel vm13, $0x3F800000, v0;
	v5 =	vadd.f32 v62, v61;
	v12 =	vld [tilespmem:$0xA0];
	v47 =	vadd.f32 v47, v44  }
0xea: {  	v51 =	vadd.f32 v52, v16;
	v1 =	vsel vm14, $0x3F800000, v0;
	v20 =	vmul.f32 $1.442695020e+00, v18  }
0xeb: {  	vm4 =	vlt.f32 v5, $2.000000000e+00;
	v21 =	vmul.f32 $1.442695020e+00, v53;
	(erf) = vrcp.f32 v47  }
0xec: {  	v15 =	vsel vm4, $0x3F800000, v0;
	v28 =	vmul.f32 $1.442695020e+00, v22;
	v53 =	vld [tilespmem:$0x2A0];
	(erf) = vpow2.f32 v20  }
0xed: {  	v50 =	vmul.f32 $1.442695020e+00, v50;
	v47 =	vadd.f32 v19, v51;
	(erf) = vpow2.f32 v21  }
0xee: {  	v51 =	vadd.f32 v1, v63;
	vm12 =	vgt.f32 v54, v13;
	v19 =	vmax.f32 v12, v13  }
0xef: {  	vm6 =	vgt.f32 v13, v12;
	vm8 =	vgt.f32 v54, v12;
	(erf) = vpow2.f32 v28  }
0xf0: {  	vm9 =	vge.f32 v12, v13;
	vm7 =	vlt.f32 v47, $2.000000000e+00;
	(erf) = vpow2.f32 v50  }
0xf1: {  	v47 =	vadd.f32 v57, v56;
	v49 =	vadd.f32 v51, v49;
	v56 =	vmax.f32 v53, v54  }
0xf2: {  	v20 =	vsel vm6, $0x3F800000, v0;
	v22 =	vsel vm8, $0x3F800000, v0;
	vm10 =	vgt.f32 v53, v13  }
0xf3: {  	v61 =	vsel vm9, $0x3F800000, v0;
	vm13 =	vge.f32 v12, v53;
	vm14 =	vge.f32 v13, v53  }
0xf4: {  	vm6 =	vgt.f32 v54, v53;
	vm8 =	vge.f32 v13, v54;
	v60 =	vsel vm7, $0x3F800000, v0;
	v45 =	vpop (erf)  }
0xf5: {  	vm7 =	vgt.f32 v53, v12;
	v59 =	vsel vm10, $0x3F800000, v0;
	vm11 =	vlt.f32 v47, $2.000000000e+00;
	v2 =	vpop (erf)  }
0xf6: {  	v5 =	vsel vm14, $0x3F800000, v0;
	vm5 =	vlt.f32 v49, $2.000000000e+00;
	v6 =	vsel vm11, $0x3F800000, v0;
	v7 =	vpop (erf)  }
0xf7: {  	v57 =	vsel vm7, $0x3F800000, v0;
	v46 =	vmul.f32 v2, v60;
	v47 =	vmul.f32 v7, v6  }
0xf8: {  	v63 =	vadd.f32 v59, v61;
	v49 =	vsel vm5, $0x3F800000, v0;
	v2 =	vsel vm13, $0x3F800000, v0;
	v16 =	vpop (erf)  }
0xf9: {  	v7 =	vadd.f32 v5, v2;
	v48 =	vmul.f32 v16, v15;
	v55 =	vpop (erf);
	v18 =	vadd.f32 v47, v46  }
0xfa: {  	v49 =	vmul.f32 v49, v55;
	v55 =	vmax.f32 v19, v56;
	v56 =	vadd.f32 v57, v20  }
0xfb: {  	vm9 =	vge.f32 v53, v54;
	v21 =	vsub.f32 v12, v55;
	v52 =	vadd.f32 v18, v48  }
0xfc: {  	vm7 =	vge.f32 v12, v54;
	v58 =	vsub.f32 v13, v55;
	v60 =	vsub.f32 v53, v55  }
0xfd: {  	v15 =	vsel vm8, $0x3F800000, v0;
	v55 =	vsub.f32 v54, v55;
	v52 =	vadd.f32 v52, v49  }
0xfe: {  	v12 =	vsel vm6, $0x3F800000, v0;
	v23 =	vmul.f32 $1.442695020e+00, v21;
	v28 =	vmul.f32 $1.442695020e+00, v58  }
0xff: {  	v59 =	vld [tilespmem:$0x3B0];
	v13 =	vsel vm7, $0x3F800000, v0;
	v62 =	vmul.f32 $1.442695020e+00, v60;
	(erf) = vrcp.f32 v52  }
0x100: {  	v58 =	vld [tilespmem:$0x2B0];
	v52 =	vadd.f32 v22, v56;
	v56 =	vadd.f32 v15, v13;
	(erf) = vpow2.f32 v23  }
0x101: {  	v54 =	vsel vm9, $0x3F800000, v0;
	v55 =	vmul.f32 $1.442695020e+00, v55;
	(erf) = vpow2.f32 v28  }
0x102: {  	v18 =	vadd.f32 v12, v7;
	v54 =	vadd.f32 v56, v54;
	v56 =	vld [tilespmem:$0x1B0];
	(erf) = vpow2.f32 v62  }
0x103: {  	v1 =	vsel vm12, $0x3F800000, v0;
	(erf) = vpow2.f32 v55;
	v55 =	vld [tilespmem:$0xB0]  }
0x104: {  	vm10 =	vlt.f32 v18, $2.000000000e+00;
	vm11 =	vlt.f32 v52, $2.000000000e+00;
	v52 =	vadd.f32 v1, v63  }
0x105: {  	v21 =	vsel vm10, $0x3F800000, v0;
	v61 =	vmax.f32 v58, v59;
	vm10 =	vgt.f32 v59, v58  }
0x106: {  	v6 =	vsel vm11, $0x3F800000, v0;
	vm15 =	vlt.f32 v52, $2.000000000e+00;
	vm11 =	vlt.f32 v54, $2.000000000e+00  }
0x107: {  	v19 =	vsel vm15, $0x3F800000, v0;
	v54 =	vsel vm11, $0x3F800000, v0;
	vm4 =	vgt.f32 v58, v56  }
0x108: {  	vm6 =	vgt.f32 v59, v56;
	vm8 =	vge.f32 v56, v58;
	v50 =	vpop (erf);
	v28 =	vmax.f32 v55, v56  }
0x109: {  	vm12 =	vgt.f32 v56, v55;
	vm13 =	vgt.f32 v58, v55;
	vm14 =	vgt.f32 v59, v55;
	v16 =	vpop (erf)  }
0x10a: {  	vm15 =	vge.f32 v55, v56;
	vm7 =	vge.f32 v55, v58;
	vm11 =	vge.f32 v55, v59;
	v20 =	vpop (erf)  }
0x10b: {  	v1 =	vsel vm12, $0x3F800000, v0;
	v52 =	vmul.f32 v16, v6;
	v51 =	vmul.f32 v20, v19  }
0x10c: {  	v62 =	vsel vm13, $0x3F800000, v0;
	v12 =	vsel vm14, $0x3F800000, v0;
	vm12 =	vge.f32 v56, v59;
	v22 =	vpop (erf)  }
0x10d: {  	v6 =	vimm.f32 $0.0e+00;
	v53 =	vmul.f32 v22, v21;
	v23 =	vadd.f32 v51, v52  }
0x10e: {  	vm13 =	vge.f32 v58, v59;
	v18 =	vsel vm15, $0x3F800000, v6;
	v19 =	vsel vm4, $0x3F800000, v6;
	v60 =	vpop (erf)  }
0x10f: {  	v54 =	vmul.f32 v54, v60;
	v60 =	vmax.f32 v28, v61;
	v57 =	vadd.f32 v23, v53  }
0x110: {  	v21 =	vsel vm6, $0x3F800000, v6;
	v61 =	vadd.f32 v62, v1;
	v2 =	vsub.f32 v55, v60  }
0x111: {  	v22 =	vsel vm7, $0x3F800000, v6;
	v63 =	vsub.f32 v56, v60;
	v57 =	vadd.f32 v57, v54  }
0x112: {  	v1 =	vadd.f32 v19, v18;
	v16 =	vsub.f32 v58, v60;
	v13 =	vmul.f32 $1.442695020e+00, v2  }
0x113: {  	v60 =	vsub.f32 v59, v60;
	v15 =	vmul.f32 $1.442695020e+00, v63;
	(erf) = vrcp.f32 v57  }
0x114: {  	v1 =	vadd.f32 v21, v1;
	v20 =	vmul.f32 $1.442695020e+00, v16;
	(erf) = vpow2.f32 v13  }
0x115: {  	v62 =	vld [tilespmem:$0x2C0];
	v23 =	vsel vm8, $0x3F800000, v6;
	v60 =	vmul.f32 $1.442695020e+00, v60;
	(erf) = vpow2.f32 v15  }
0x116: {  	v63 =	vld [tilespmem:$0x3C0];
	v57 =	vadd.f32 v12, v61;
	v12 =	vsel vm11, $0x3F800000, v6;
	v13 =	vsel vm12, $0x3F800000, v6  }
0x117: {  	v5 =	vadd.f32 v23, v22;
	v61 =	vadd.f32 v13, v12;
	v12 =	vld [tilespmem:$0x1FF10];
	(erf) = vpow2.f32 v20  }
0x118: {  	v7 =	vsel vm10, $0x3F800000, v6;
	v59 =	vsel vm13, $0x3F800000, v6;
	(erf) = vpow2.f32 v60;
	v60 =	vld [tilespmem:$0xC0]  }
0x119: {  	vm9 =	vlt.f32 v1, $2.000000000e+00;
	v1 =	vadd.f32 v7, v5;
	v19 =	vadd.f32 v61, v59;
	v61 =	vld [tilespmem:$0x1C0];
	_ =	sdelay $0x1  }
0x11a: {  	v16 =	vsel vm9, $0x3F800000, v6;
	vm14 =	vlt.f32 v1, $2.000000000e+00;
	vm5 =	vlt.f32 v57, $2.000000000e+00  }
0x11b: {  	v28 =	vsel vm5, $0x3F800000, v6;
	v20 =	vsel vm14, $0x3F800000, v6;
	vm15 =	vlt.f32 v19, $2.000000000e+00;
	v55 =	vpop (erf)  }
0x11c: {  	vm14 =	vgt.f32 v63, v62;
	v23 =	vsel vm15, $0x3F800000, v6;
	v19 =	vmul.f32 v4, v12;
	v15 =	vpop (erf)  }
0x11d: {  	v13 =	vmax.f32 v60, v61;
	vm4 =	vgt.f32 v61, v60;
	vm5 =	vgt.f32 v62, v60;
	v18 =	vpop (erf)  }
0x11e: {  	v5 =	vld [tilespmem:$0x1FF00];
	vm6 =	vgt.f32 v63, v60;
	v56 =	vmul.f32 v15, v28;
	v57 =	vmul.f32 v18, v16  }
0x11f: {  	vm7 =	vge.f32 v60, v61;
	vm8 =	vgt.f32 v62, v61;
	vm9 =	vgt.f32 v63, v61;
	v21 =	vpop (erf)  }
0x120: {  	vm12 =	vge.f32 v60, v62;
	v58 =	vmul.f32 v21, v20;
	v28 =	vpop (erf);
	v20 =	vld [tilespmem:$0x1FF20];
	v22 =	vadd.f32 v57, v56  }
0x121: {  	vm13 =	vge.f32 v61, v62;
	v15 =	vmul.f32 v4, v3;
	v59 =	vmul.f32 v23, v28  }
0x122: {  	v23 =	vsel vm5, $0x3F800000, v6;
	v1 =	vadd.f32 v22, v58;
	v22 =	vsel vm4, $0x3F800000, v6  }
0x123: {  	v18 =	vmul.f32 v4, v5;
	v16 =	vmax.f32 v62, v63;
	v12 =	vadd.f32 v23, v22  }
0x124: {  	v22 =	vsel vm7, $0x3F800000, v6;
	v7 =	vadd.f32 v1, v59;
	v1 =	vmax.f32 v13, v16  }
0x125: {  	v23 =	vsel vm8, $0x3F800000, v6;
	v20 =	vmul.f32 v4, v20;
	v4 =	vld [tilespmem:$0x1FF30];
	v21 =	vsub.f32 v60, v1  }
0x126: {  	vm15 =	vge.f32 v60, v63;
	v5 =	vadd.f32 v23, v22;
	v22 =	vld [tilespmem:$0x1FF40];
	v28 =	vsub.f32 v61, v1  }
0x127: {  	v23 =	vsel vm12, $0x3F800000, v6;
	(erf) = vrcp.f32 v7;
	v13 =	vmul.f32 $1.442695020e+00, v21  }
0x128: {  	v16 =	vmul.f32 $1.442695020e+00, v28;
	v21 =	vsel vm6, $0x3F800000, v6;
	v28 =	vsub.f32 v62, v1  }
0x129: {  	v7 =	vadd.f32 v21, v12;
	v12 =	vmul.f32 v14, v9;
	v21 =	vmul.f32 v14, v8  }
0x12a: {  	v9 =	vsub.f32 v63, v1;
	(erf) = vpow2.f32 v13;
	v13 =	vmul.f32 v14, v4  }
0x12b: {  	vm6 =	vge.f32 v61, v63;
	v3 =	vmul.f32 $1.442695020e+00, v28;
	v14 =	vmul.f32 v14, v22  }
0x12c: {  	(erf) = vpow2.f32 v16;
	v16 =	vsel vm9, $0x3F800000, v6;
	v2 =	vmul.f32 $1.442695020e+00, v9  }
0x12d: {  	v28 =	vsel vm13, $0x3F800000, v6;
	v1 =	vadd.f32 v16, v5;
	(erf) = vpow2.f32 v3  }
0x12e: {  	v0 =	vld [tilespmem:$0x2D0];
	v22 =	vsel vm6, $0x3F800000, v6;
	(erf) = vpow2.f32 v2;
	v2 =	vadd.f32 v28, v23  }
0x12f: {  	v61 =	vld [tilespmem:$0x1D0];
	v16 =	vsel vm15, $0x3F800000, v6;
	vm11 =	vlt.f32 v1, $2.000000000e+00;
	v1 =	vsel vm14, $0x3F800000, v6  }
0x130: {  	vm7 =	vge.f32 v62, v63;
	v63 =	vld [tilespmem:$0x3D0];
	v23 =	vadd.f32 v22, v16;
	v2 =	vadd.f32 v1, v2  }
0x131: {  	v16 =	vsel vm7, $0x3F800000, v6;
	v22 =	vld [tilespmem:$0x1FF50]  }
0x132: {  	vm8 =	vlt.f32 v2, $2.000000000e+00;
	v2 =	vadd.f32 v23, v16;
	v23 =	vld [tilespmem:$0x1FF60]  }
0x133: {  	vm10 =	vlt.f32 v7, $2.000000000e+00;
	v7 =	vld [tilespmem:$0xD0];
	v8 =	vpop (erf)  }
0x134: {  	v3 =	vsel vm10, $0x3F800000, v6;
	v9 =	vpop (erf)  }
0x135: {  	v62 =	vmul.f32 v17, v10;
	v5 =	vsel vm11, $0x3F800000, v6;
	v28 =	vmul.f32 v9, v3;
	v9 =	vpop (erf)  }
0x136: {  	v60 =	vmul.f32 v9, v5;
	v5 =	vmul.f32 v17, v11  }
0x137: {  	v4 =	vsel vm8, $0x3F800000, v6;
	v9 =	vmul.f32 v17, v22;
	v11 =	vpop (erf);
	v10 =	vmul.f32 v17, v23  }
0x138: {  	v22 =	vmul.f32 v11, v4;
	v11 =	vmax.f32 v7, v61;
	v23 =	vmax.f32 v0, v63  }
0x139: {  	v1 =	vmax.f32 v11, v23;
	v11 =	vld [tilespmem:$0x1FF70]  }
0x13a: {  	v23 =	vld [tilespmem:$0x1FF90];
	_ =	sdelay $0x1  }
0x13b: {  	vm6 =	vgt.f32 v0, v61;
	vm9 =	vlt.f32 v2, $2.000000000e+00;
	v16 =	vadd.f32 v60, v28  }
0x13c: {  	vm7 =	vgt.f32 v63, v61;
	vm14 =	vgt.f32 v63, v0;
	v4 =	vsel vm9, $0x3F800000, v6;
	v17 =	vpop (erf)  }
0x13d: {  	vm15 =	vge.f32 v0, v63;
	v17 =	vmul.f32 v4, v17;
	v2 =	vadd.f32 v16, v22;
	v16 =	vld [tilespmem:$0x1FF80]  }
0x13e: {  	vm10 =	vgt.f32 v61, v7;
	v4 =	vmul.f32 v24, v11;
	v11 =	vmul.f32 v24, v23;
	v23 =	vld [tilespmem:$0x1FFA0]  }
0x13f: {  	vm11 =	vgt.f32 v0, v7;
	vm12 =	vgt.f32 v63, v7;
	vm13 =	vge.f32 v7, v61  }
0x140: {  	vm4 =	vge.f32 v7, v0;
	vm5 =	vge.f32 v7, v63;
	v2 =	vadd.f32 v2, v17  }
0x141: {  	vm8 =	vge.f32 v61, v0;
	vm9 =	vge.f32 v61, v63;
	v3 =	vsub.f32 v7, v1  }
0x142: {  	v0 =	vsub.f32 v0, v1;
	(erf) = vrcp.f32 v2;
	v2 =	vsel vm10, $0x3F800000, v6  }
0x143: {  	v16 =	vmul.f32 v24, v16;
	v24 =	vmul.f32 v24, v23;
	v23 =	vsel vm11, $0x3F800000, v6  }
0x144: {  	v3 =	vmul.f32 $1.442695020e+00, v3;
	v2 =	vadd.f32 v23, v2;
	v23 =	vsub.f32 v61, v1  }
0x145: {  	[tilespmem:$0x400] =	vst v15;
	v1 =	vsub.f32 v63, v1;
	v61 =	vsel vm13, $0x3F800000, v6;
	v63 =	vsel vm6, $0x3F800000, v6  }
0x146: {  	[tilespmem:$0x510] =	vst v13;
	v13 =	vmul.f32 v30, v27;
	v7 =	vadd.f32 v63, v61;
	v61 =	vld [tilespmem:$0x1FFC0]  }
0x147: {  	[tilespmem:$0x500] =	vst v18;
	(erf) = vpow2.f32 v3;
	v3 =	vmul.f32 $1.442695020e+00, v23;
	v23 =	vld [tilespmem:$0x1FFB0]  }
0x148: {  	[tilespmem:$0x700] =	vst v20;
	v15 =	vsel vm7, $0x3F800000, v6;
	v18 =	vsel vm8, $0x3F800000, v6;
	v0 =	vmul.f32 $1.442695020e+00, v0  }
0x149: {  	[tilespmem:$0x710] =	vst v14;
	v20 =	vsel vm9, $0x3F800000, v6;
	v1 =	vmul.f32 $1.442695020e+00, v1;
	(erf) = vpow2.f32 v3  }
0x14a: {  	v14 =	vld [tilespmem:$0xE0];
	[tilespmem:$0x520] =	vst v5;
	v5 =	vmul.f32 v30, v25;
	v3 =	vsel vm12, $0x3F800000, v6;
	(erf) = vpow2.f32 v0  }
0x14b: {  	[tilespmem:$0x430] =	vst v4;
	v4 =	vmul.f32 v39, v31;
	v63 =	vld [tilespmem:$0x1FFE0];
	v2 =	vadd.f32 v3, v2;
	(erf) = vpow2.f32 v1  }
0x14c: {  	[tilespmem:$0x600] =	vst v19;
	v1 =	vsel vm5, $0x3F800000, v6;
	v19 =	vmul.f32 v26, v23;
	v23 =	vmul.f32 v26, v61;
	v61 =	vld [tilespmem:$0x1FFD0]  }
0x14d: {  	v0 =	vsel vm4, $0x3F800000, v6;
	v3 =	vadd.f32 v15, v7;
	v1 =	vadd.f32 v20, v1;
	v20 =	vld [tilespmem:$0x1FFF0]  }
0x14e: {  	[tilespmem:$0x630] =	vst v11;
	v0 =	vadd.f32 v18, v0;
	v18 =	vsel vm15, $0x3F800000, v6;
	vm8 =	vlt.f32 v2, $2.000000000e+00;
	v2 =	vld [tilespmem:$0x1E0]  }
0x14f: {  	v11 =	vmul.f32 v39, v34;
	[tilespmem:$0x530] =	vst v16;
	v16 =	vmul.f32 v39, v33;
	v1 =	vadd.f32 v1, v18  }
0x150: {  	v15 =	vmul.f32 v30, v29;
	vm9 =	vlt.f32 v3, $2.000000000e+00;
	v3 =	vmul.f32 v39, v32;
	v18 =	vld [tilespmem:$0x2E0]  }
0x151: {  	v29 =	vsel vm9, $0x3F800000, v6;
	vm11 =	vlt.f32 v1, $2.000000000e+00;
	v61 =	vmul.f32 v26, v61  }
0x152: {  	[tilespmem:$0x410] =	vst v12;
	v26 =	vmul.f32 v26, v63;
	v12 =	vmul.f32 v30, v20;
	v63 =	vsel vm14, $0x3F800000, v6  }
0x153: {  	[tilespmem:$0x720] =	vst v10;
	v27 =	vpop (erf);
	v20 =	vsel vm8, $0x3F800000, v6;
	v10 =	vsel vm11, $0x3F800000, v6;
	vm12 =	vgt.f32 v2, v14  }
0x154: {  	[tilespmem:$0x610] =	vst v21;
	v21 =	vpop (erf);
	v33 =	vmax.f32 v14, v2;
	vm15 =	vge.f32 v14, v2;
	v0 =	vadd.f32 v63, v0  }
0x155: {  	[tilespmem:$0x420] =	vst v62;
	v7 =	vmul.f32 v21, v20;
	v62 =	vpop (erf);
	v20 =	vld [tilespmem:$0x3E0];
	v30 =	vsel vm12, $0x3F800000, v6;
	vm13 =	vgt.f32 v18, v14  }
0x156: {  	[tilespmem:$0x620] =	vst v9;
	v9 =	vpop (erf);
	vm4 =	vgt.f32 v18, v2;
	vm8 =	vge.f32 v14, v18;
	vm9 =	vge.f32 v2, v18  }
0x157: {  	[tilespmem:$0x550] =	vst v13;
	vm10 =	vlt.f32 v0, $2.000000000e+00;
	v0 =	vmul.f32 v62, v29;
	v25 =	vpop (erf);
	v31 =	vsel vm13, $0x3F800000, v6  }
0x158: {  	[tilespmem:$0x750] =	vst v5;
	v62 =	vsel vm15, $0x3F800000, v6;
	v63 =	vsel vm10, $0x3F800000, v6;
	v10 =	vmul.f32 v10, v25  }
0x159: {  	[tilespmem:$0x460] =	vst v4;
	v32 =	vadd.f32 v31, v30;
	v9 =	vmul.f32 v9, v63;
	v29 =	vadd.f32 v0, v7  }
0x15a: {  	[tilespmem:$0x760] =	vst v11;
	v63 =	vsel vm4, $0x3F800000, v6;
	vm14 =	vgt.f32 v20, v14;
	v34 =	vmax.f32 v18, v20  }
0x15b: {  	[tilespmem:$0x450] =	vst v12;
	v12 =	vadd.f32 v63, v62;
	vm5 =	vgt.f32 v20, v2;
	vm10 =	vgt.f32 v20, v18  }
0x15c: {  	[tilespmem:$0x640] =	vst v61;
	v62 =	vmul.f32 v40, v35;
	v1 =	vadd.f32 v29, v9;
	v61 =	vmax.f32 v33, v34  }
0x15d: {  	[tilespmem:$0x540] =	vst v23;
	vm11 =	vge.f32 v14, v20;
	vm12 =	vge.f32 v2, v20;
	v23 =	vsub.f32 v14, v61  }
0x15e: {  	[tilespmem:$0x660] =	vst v16;
	v35 =	vmul.f32 v50, v47;
	v21 =	vsub.f32 v2, v61;
	v1 =	vadd.f32 v1, v10  }
0x15f: {  	[tilespmem:$0x740] =	vst v26;
	vm13 =	vge.f32 v18, v20;
	v47 =	vmul.f32 v55, v53;
	v26 =	vmul.f32 $1.442695020e+00, v23  }
0x160: {  	[tilespmem:$0x730] =	vst v24;
	v34 =	vsub.f32 v18, v61;
	v30 =	vmul.f32 $1.442695020e+00, v21;
	(erf) = vrcp.f32 v1  }
0x161: {  	[tilespmem:$0x650] =	vst v15;
	v53 =	vmul.f32 v27, v28;
	v39 =	vsel vm14, $0x3F800000, v6;
	(erf) = vpow2.f32 v26  }
0x162: {  	[tilespmem:$0x440] =	vst v19;
	v13 =	vmul.f32 $1.442695020e+00, v34;
	v1 =	vsub.f32 v20, v61;
	(erf) = vpow2.f32 v30  }
0x163: {  	[tilespmem:$0x560] =	vst v3;
	v29 =	vsel vm5, $0x3F800000, v6;
	v33 =	vmul.f32 v40, v37;
	v63 =	vsel vm10, $0x3F800000, v6  }
0x164: {  	v19 =	vadd.f32 v39, v32;
	[tilespmem:$0x770] =	vst v62;
	v1 =	vmul.f32 $1.442695020e+00, v1;
	(erf) = vpow2.f32 v13  }
0x165: {  	v31 =	vadd.f32 v29, v12;
	v32 =	vmul.f32 v40, v36;
	v36 =	vmul.f32 v40, v38;
	[tilespmem:$0x590] =	vst v35  }
0x166: {  	v39 =	vsel vm8, $0x3F800000, v6;
	v14 =	vsel vm11, $0x3F800000, v6;
	[tilespmem:$0x6A0] =	vst v47;
	(erf) = vpow2.f32 v1  }
0x167: {  	v29 =	vsel vm12, $0x3F800000, v6;
	v40 =	vmul.f32 v55, v52;
	[tilespmem:$0x4C0] =	vst v53;
	v61 =	vsel vm9, $0x3F800000, v6  }
0x168: {  	v52 =	vmul.f32 v8, v59;
	[tilespmem:$0x570] =	vst v33;
	v33 =	vmul.f32 v50, v46;
	v25 =	vadd.f32 v61, v39  }
0x169: {  	vm6 =	vlt.f32 v19, $2.000000000e+00;
	vm7 =	vlt.f32 v31, $2.000000000e+00;
	[tilespmem:$0x470] =	vst v32;
	v32 =	vadd.f32 v29, v14;
	v21 =	vpop (erf)  }
0x16a: {  	[tilespmem:$0x670] =	vst v36;
	v36 =	vsel vm13, $0x3F800000, v6;
	v38 =	vsel vm7, $0x3F800000, v6;
	v3 =	vadd.f32 v63, v25;
	v24 =	vpop (erf)  }
0x16b: {  	v19 =	vmul.f32 v45, v41;
	[tilespmem:$0x4A0] =	vst v40;
	v37 =	vsel vm6, $0x3F800000, v6;
	v11 =	vadd.f32 v32, v36;
	v31 =	vpop (erf)  }
0x16c: {  	[tilespmem:$0x7B0] =	vst v52;
	vm14 =	vlt.f32 v3, $2.000000000e+00;
	v2 =	vmul.f32 v24, v37;
	v34 =	vmul.f32 v31, v38  }
0x16d: {  	v23 =	vmul.f32 v45, v42;
	[tilespmem:$0x490] =	vst v33;
	v26 =	vmul.f32 v45, v43;
	v41 =	vsel vm14, $0x3F800000, v6;
	v38 =	vpop (erf)  }
0x16e: {  	[tilespmem:$0x480] =	vst v19;
	vm15 =	vlt.f32 v11, $2.000000000e+00;
	v42 =	vmul.f32 v38, v41;
	v43 =	vadd.f32 v34, v2  }
0x16f: {  	[tilespmem:$0x580] =	vst v23;
	v39 =	vmul.f32 v50, v49;
	v30 =	vmul.f32 v45, v44;
	v45 =	vsel vm15, $0x3F800000, v6;
	v46 =	vpop (erf)  }
0x170: {  	v49 =	vmul.f32 v8, v56;
	[tilespmem:$0x680] =	vst v26;
	v12 =	vmul.f32 v45, v46;
	v11 =	vadd.f32 v43, v42  }
0x171: {  	v56 =	vmul.f32 v27, v17;
	[tilespmem:$0x790] =	vst v39  }
0x172: {  	[tilespmem:$0x4B0] =	vst v49;
	v11 =	vadd.f32 v11, v12  }
0x173: {  	v44 =	vmul.f32 v55, v51;
	[tilespmem:$0x7C0] =	vst v56  }
0x174: {  	v51 =	vmul.f32 v8, v58;
	[tilespmem:$0x780] =	vst v30;
	(erf) = vrcp.f32 v11  }
0x175: {  	[tilespmem:$0x5A0] =	vst v44;
	v0 =	vmul.f32 v21, v0  }
0x176: {  	[tilespmem:$0x6B0] =	vst v51;
	v58 =	vmul.f32 v21, v9  }
0x177: {  	v59 =	vmul.f32 v21, v10;
	[tilespmem:$0x5D0] =	vst v0  }
0x178: {  	v37 =	vmul.f32 v50, v48;
	[tilespmem:$0x6D0] =	vst v58  }
0x179: {  	v48 =	vmul.f32 v55, v54;
	[tilespmem:$0x7D0] =	vst v59  }
0x17a: {  	v50 =	vmul.f32 v8, v57;
	[tilespmem:$0x690] =	vst v37  }
0x17b: {  	v54 =	vmul.f32 v27, v60;
	[tilespmem:$0x7A0] =	vst v48  }
0x17c: {  	v55 =	vmul.f32 v27, v22;
	[tilespmem:$0x5B0] =	vst v50  }
0x17d: {  	v57 =	vmul.f32 v21, v7;
	[tilespmem:$0x5C0] =	vst v54;
	v60 =	vpop (erf)  }
0x17e: {  	[tilespmem:$0x6C0] =	vst v55;
	v2 =	vmul.f32 v60, v2  }
0x17f: {  	[tilespmem:$0x4D0] =	vst v57;
	v61 =	vmul.f32 v60, v34  }
0x180: {  	v62 =	vmul.f32 v60, v42;
	[tilespmem:$0x4E0] =	vst v2  }
0x181: {  	v63 =	vmul.f32 v60, v12;
	[tilespmem:$0x5E0] =	vst v61  }
0x182: {  	[tilespmem:$0x6E0] =	vst v62  }
0x183: {  	[tilespmem:$0x7E0] =	vst v63  }
0x184: {  	[hbm4b:s7+s2] =	stream.linear.scatter [tilespmem:s16], [sflag:$0x1], $0xF0, $0x38;
	[tilespmem:$0x800] =	vst v63  }
0x185: {  	_ =	swait.ge [sflag:s12], $0xF0  }
0x186: {  	[sflag:s12] =	ssyncset.done $0x0  }
0x187: {  	[sflag:s12] =	ssyncadd.s32 $0xFFFFFF10  }
0x188: {  	[hbm4b:s8+s2] =	stream.linear.scatter [tilespmem:s17], [sflag:$0x1], $0xF0, $0x38;
	[tilespmem:$0x800] =	vst v63  }
0x189: {  	_ =	swait.ge [sflag:s12], $0xF0  }
0x18a: {  	[sflag:s12] =	ssyncset.done $0x0  }
0x18b: {  	[sflag:s12] =	ssyncadd.s32 $0xFFFFFF10  }
0x18c: {  	[hbm4b:s9+s2] =	stream.linear.scatter [tilespmem:s18], [sflag:$0x1], $0xF0, $0x38;
	[tilespmem:$0x800] =	vst v63  }
0x18d: {  	_ =	swait.ge [sflag:s12], $0xF0  }
0x18e: {  	p0 =	sne.s32 s11, $0x1;
	[sflag:s12] =	ssyncset.done $0x0  }
.Ltmp0:
0x18f: {  	[sflag:s12] =	ssyncadd.s32 $0xFFFFFF10;
	(pc) =	sbr.rel @p0 .LBB2_1-.Ltmp0, $4  }
0x190: {  	[hbm4b:s10+s2] =	stream.linear.scatter [tilespmem:s19], [sflag:$0x1], $0xF0, $0x38;
	[tilespmem:$0x800] =	vst v63  }
0x191: {  	_ =	swait.ge [sflag:s12], $0xF0  }
0x192: {  	[sflag:s12] =	ssyncset.done $0x0  }
0x193: {  	s11 =	sadd.s32 $0xFFFFFFFF, s11;
	[sflag:s12] =	ssyncadd.s32 $0xFFFFFF10  }
0x194: {  	_ =	sfence.sel $0x180000  }
0x195: {  	[bflag:$0x0] =	sbarrier.arrive $0xFFFF  }
0x196: {  	p0 =	sne.s32 s0, $0x0;
	_ =	strace $0x90000047  }
0x197: {  	s0 =	sadd.s32 @!p0 $0x100000, s1;
	[bflag:$0x2] =	sbarrier.arrive $0xFFFF  }
0x198: {  	[sflag:s0] =	ssyncadd.tile.s32 @!p0 $0x1;
	_ =	shalt  }
.Lfunc_end2:
_tile_overlayer_lowered:
.L_overlay_start_2:
0x199: {  	(tag) =	ssettag $0x2  }
0x19a: {  	s0 =	rddreg [dreg:$0x0];
	s2 =	stileid.u32  }
0x19b: {  	s1 =	rddreg [dreg:$0x1];
	p0 =	sne.s32 s2, $0x0  }
0x19c: {  	s3 =	rddreg [dreg:$0x2];
	[bflag:$0x3] =	sbarrier.arrive $0xFFFF;
	s2 =	simm.s32 @!p0 $0x1C01  }
0x19d: {  	[timem:s3], [sflag:s2] =	dma.local @!p0 [hbm:s0], s1  }
0x19e: {  	s0 =	simm.s32 @!p0 $0x1  }
0x19f: {  	_ =	swait.ge @!p0 [sflag:s0], s1  }
0x1a0: {  	s1 =	ssub.s32 @!p0 $0x0, s1;
	[sflag:s0] =	ssyncset.done @!p0 $0x0  }
0x1a1: {  	[sflag:s0] =	ssyncadd.s32 @!p0 s1  }
0x1a2: {  	[bflag:$0x3] =	sbarrier.arrive $0xFFFF  }
0x1a3: {  	_ =	shalt  }

</sc_bundles>
